<compile_context>
chip_gen: v7x
topology: tpu7x:2x2x1
jax: 0.10.2.dev20260603
libtpu: 0.0.44.dev20260713+nightly
codegen_flags: <defaults>
</compile_context>

<pallas_src>
import functools

import jax
import jax.numpy as jnp
from jax import lax
from jax.experimental import pallas as pl
from jax.experimental.pallas import tpu as pltpu
from jax.experimental.pallas import tpu_sc as plsc

DIM = 64
EPS = 1e-12
B, S = 4096, 200
NC, NS = 2, 16
NW = NC * NS
CHUNK_SEQ = 2
CT = CHUNK_SEQ * S
NCHUNK = B // CHUNK_SEQ
CPW = NCHUNK // NW
NP = CPW // 2
NIDX = 4
IDXW = CT // NIDX
LANES = 16
NV = DIM // LANES
GPC = CT // LANES


def _rsqrt(v):
    vi = lax.bitcast_convert_type(v, jnp.int32)
    yi = jnp.int32(0x5F3759DF) - lax.shift_right_arithmetic(vi, 1)
    y = lax.bitcast_convert_type(yi, jnp.float32)
    h = v * 0.5
    for _ in range(3):
        y = y * (1.5 - h * y * y)
    return y


def kernel(x, W, P, gamma, beta):
    x = x.astype(jnp.int32).reshape(NCHUNK, NIDX, IDXW)
    mesh = plsc.VectorSubcoreMesh(core_axis_name="c", subcore_axis_name="s")

    @functools.partial(
        pl.kernel,
        out_type=jax.ShapeDtypeStruct((NCHUNK, S, 2 * DIM), jnp.float32),
        mesh=mesh,
        scratch_types=[
            pltpu.VMEM((NIDX, IDXW), jnp.int32),
            pltpu.VMEM((NIDX, IDXW), jnp.int32),
            pltpu.VMEM((CT, DIM), jnp.float32),
            pltpu.VMEM((S, 2 * DIM), jnp.float32),
            pltpu.VMEM((S, 2 * DIM), jnp.float32),
            pltpu.VMEM((S, DIM), jnp.float32),
            pltpu.VMEM((DIM,), jnp.float32),
            pltpu.VMEM((DIM,), jnp.float32),
            pltpu.VMEM((CT * 17,), jnp.float32),
            pltpu.VMEM((CT * 17,), jnp.float32),
            pltpu.SemaphoreType.DMA,
            pltpu.SemaphoreType.DMA,
            pltpu.SemaphoreType.DMA,
            pltpu.SemaphoreType.DMA,
            pltpu.SemaphoreType.DMA,
        ],
        compiler_params=pltpu.CompilerParams(needs_layout_passes=False,
                                             use_tc_tiling_on_sc=False),
    )
    def sc_fn(x_hbm, w_hbm, p_hbm, g_hbm, b_hbm, out_hbm,
              idx0, idx1, gbuf, wbuf0, wbuf1, p_v, g_v, b_v,
              sbuf, qbuf, gsem, osem0, osem1, isem0, isem1):
        wid = lax.axis_index("s") * NC + lax.axis_index("c")
        base = wid * CPW
        pltpu.sync_copy(p_hbm, p_v)
        pltpu.sync_copy(g_hbm, g_v)
        pltpu.sync_copy(b_hbm, b_v)
        g_regs = [g_v[pl.ds(c * LANES, LANES)] for c in range(NV)]
        b_regs = [b_v[pl.ds(c * LANES, LANES)] for c in range(NV)]

        def fire_gather(idx_b):
            for j in range(NIDX):
                pltpu.async_copy(w_hbm.at[idx_b.at[j]],
                                 gbuf.at[pl.ds(j * IDXW, IDXW)], gsem)

        def drain_gather(idx_b):
            for j in range(NIDX):
                pltpu.make_async_copy(w_hbm.at[idx_b.at[j]],
                                      gbuf.at[pl.ds(j * IDXW, IDXW)],
                                      gsem).wait()

        def fire_idx(cg, idx_b, isem):
            pltpu.async_copy(x_hbm.at[cg], idx_b, isem)

        def drain_idx(cg, idx_b, isem):
            pltpu.make_async_copy(x_hbm.at[cg], idx_b, isem).wait()

        iota17 = lax.iota(jnp.int32, LANES) * 17

        def pass1(wbuf):
            @plsc.parallel_loop(0, S, unroll=4)
            def body(si):
                p = [p_v[si, pl.ds(c * LANES, LANES)] for c in range(NV)]
                row = lax.shift_right_logical(si, 1)
                col = (si & 1) * DIM
                for r2 in range(CHUNK_SEQ):
                    t = r2 * S + si
                    e = [gbuf[t, pl.ds(c * LANES, LANES)] + p[c]
                         for c in range(NV)]
                    for c in range(NV):
                        wbuf[r2 * (S // 2) + row,
                             pl.ds(col + c * LANES, LANES)] = e[c]
                    s4 = (e[0] + e[1]) + (e[2] + e[3])
                    q4 = (e[0] * e[0] + e[1] * e[1]) + (e[2] * e[2] + e[3] * e[3])
                    sbuf[pl.ds(t * 17, LANES)] = s4
                    qbuf[pl.ds(t * 17, LANES)] = q4

        def pass2(wbuf):
            @plsc.parallel_loop(0, GPC, unroll=2)
            def body(k):
                bvec = iota17 + k * (LANES * 17)
                stot = plsc.load_gather(sbuf, [bvec])
                qtot = plsc.load_gather(qbuf, [bvec])
                for j in range(1, LANES):
                    stot = stot + plsc.load_gather(sbuf, [bvec + j])
                    qtot = qtot + plsc.load_gather(qbuf, [bvec + j])
                mean = stot * (1.0 / DIM)
                var = qtot * (1.0 / DIM) - mean * mean
                rstd = _rsqrt(var + EPS)
                row0 = k * (LANES // 2)
                for j in range(LANES):
                    mv = jnp.full((LANES,), mean[j], jnp.float32)
                    rv = jnp.full((LANES,), rstd[j], jnp.float32)
                    col = (j & 1) * DIM
                    for c in range(NV):
                        e = wbuf[row0 + j // 2, pl.ds(col + c * LANES, LANES)]
                        wbuf[row0 + j // 2, pl.ds(col + c * LANES, LANES)] = (
                            (e - mv) * rv * g_regs[c] + b_regs[c])

        pltpu.sync_copy(x_hbm.at[base], idx0)
        fire_gather(idx0)
        fire_idx(base + 1, idx1, isem1)

        def pair_body(p, carry):
            gA = 2 * p
            cA = base + gA
            cB = cA + 1
            drain_gather(idx0)

            @pl.when(p < NP - 1)
            def _():
                fire_idx(cA + 2, idx0, isem0)

            @pl.when(p > 0)
            def _():
                pltpu.make_async_copy(wbuf0, out_hbm.at[cA - 2], osem0).wait()

            pass1(wbuf0)
            drain_idx(cB, idx1, isem1)
            fire_gather(idx1)
            pass2(wbuf0)
            pltpu.async_copy(wbuf0, out_hbm.at[cA], osem0)

            drain_gather(idx1)

            @pl.when(p < NP - 1)
            def _():
                fire_idx(cB + 2, idx1, isem1)

            @pl.when(p > 0)
            def _():
                pltpu.make_async_copy(wbuf1, out_hbm.at[cB - 2], osem1).wait()

            pass1(wbuf1)

            @pl.when(p < NP - 1)
            def _():
                drain_idx(cA + 2, idx0, isem0)
                fire_gather(idx0)

            pass2(wbuf1)
            pltpu.async_copy(wbuf1, out_hbm.at[cB], osem1)
            return carry

        lax.fori_loop(0, NP, pair_body, 0)
        pltpu.make_async_copy(wbuf0, out_hbm.at[base + CPW - 2], osem0).wait()
        pltpu.make_async_copy(wbuf1, out_hbm.at[base + CPW - 1], osem1).wait()

    out = sc_fn(x, W, P, gamma, beta)
    return out.reshape(B, S, DIM)

# --- scband reference (transcript-rebuilt; emitter-appended) ---
"""Pipeline reference for scband-decoder-embeddings-3693671874719 (READ-ONLY COPY).

The authoritative reference and input builder live on the scoring server;
editing this copy changes nothing except your own understanding.
"""

import jax, jax.numpy as jnp
import numpy as np

VOCAB = 100000
DIM = 64
PAD = 0
MAX_POS = 200
EPS = 1e-12


def setup_inputs(seed: int = 0) -> dict:
    key = jax.random.key(seed)
    k1, k2, k3 = jax.random.split(key, 3)
    x = jax.random.randint(k1, (4096, 200), 0, VOCAB, dtype=jnp.int64) if jax.config.jax_enable_x64 else jax.random.randint(k1, (4096, 200), 0, VOCAB, dtype=jnp.int32)
    W = jax.random.normal(k2, (VOCAB, DIM), dtype=jnp.float32) * 0.02
    W = W.at[PAD].set(0.0)
    P = jax.random.normal(k3, (MAX_POS, DIM), dtype=jnp.float32) * 0.02
    gamma = jnp.ones((DIM,), dtype=jnp.float32)
    beta = jnp.zeros((DIM,), dtype=jnp.float32)
    return {"x": x, "W": W, "P": P, "gamma": gamma, "beta": beta}


def reference(x, W, P, gamma, beta):
    B, S = x.shape
    position_ids = jnp.arange(S)
    input_embeds = jnp.take(W, x, axis=0)
    # enforce padding_idx semantics (row is zero; grads masked in bwd variant)
    input_embeds = input_embeds * (x != PAD)[:, :, None].astype(input_embeds.dtype)
    position_embeds = jnp.take(P, position_ids, axis=0)[None, :, :]
    embeddings = input_embeds + position_embeds
    mean = jnp.mean(embeddings, axis=-1, keepdims=True)
    var = jnp.var(embeddings, axis=-1, keepdims=True)
    normed = (embeddings - mean) / jnp.sqrt(var + EPS)
    out = normed * gamma + beta
    # dropout is identity in eval mode
    return out

if __name__ == "__main__":
    import jax
    _d = setup_inputs()
    print(jax.jit(kernel)(*tuple(_d.values())))

</pallas_src>

<mosaic_0001>
#map = affine_map<(d0, d1) -> (0, 0, 0)>
#map1 = affine_map<(d0, d1) -> (0, 0)>
#map2 = affine_map<(d0, d1) -> (0)>
module attributes {stable_mosaic.version = 14 : i64} {
  func.func @sc_fn(%arg0: i32, %arg1: i32, %arg2: memref<2048x4x100xi32, #tpu.memory_space<hbm>>, %arg3: memref<100000x64xf32, #tpu.memory_space<hbm>>, %arg4: memref<200x64xf32, #tpu.memory_space<hbm>>, %arg5: memref<64xf32, #tpu.memory_space<hbm>>, %arg6: memref<64xf32, #tpu.memory_space<hbm>>, %arg7: memref<2048x200x128xf32, #tpu.memory_space<hbm>>, %arg8: memref<4x100xi32, #tpu.memory_space<vmem>>, %arg9: memref<4x100xi32, #tpu.memory_space<vmem>>, %arg10: memref<400x64xf32, #tpu.memory_space<vmem>>, %arg11: memref<200x128xf32, #tpu.memory_space<vmem>>, %arg12: memref<200x128xf32, #tpu.memory_space<vmem>>, %arg13: memref<200x64xf32, #tpu.memory_space<vmem>>, %arg14: memref<64xf32, #tpu.memory_space<vmem>>, %arg15: memref<64xf32, #tpu.memory_space<vmem>>, %arg16: memref<6800xf32, #tpu.memory_space<vmem>>, %arg17: memref<6800xf32, #tpu.memory_space<vmem>>, %arg18: memref<!tpu.dma_semaphore, #tpu.memory_space<semaphore_mem>>, %arg19: memref<!tpu.dma_semaphore, #tpu.memory_space<semaphore_mem>>, %arg20: memref<!tpu.dma_semaphore, #tpu.memory_space<semaphore_mem>>, %arg21: memref<!tpu.dma_semaphore, #tpu.memory_space<semaphore_mem>>, %arg22: memref<!tpu.dma_semaphore, #tpu.memory_space<semaphore_mem>>) attributes {dimension_semantics = [#tpu.dimension_semantics<core_parallel>, #tpu.dimension_semantics<subcore_parallel>], iteration_bounds = array<i64: 2, 16>, scalar_prefetch = 0 : i64, scratch_operands = 15 : i64, tpu.core_type = #tpu.core_type<sc_vector_subcore>, window_params = [{transform_indices = #map}, {transform_indices = #map1}, {transform_indices = #map1}, {transform_indices = #map2}, {transform_indices = #map2}, {transform_indices = #map}]} {
    %mul3A = arith.constant 2 : i32
    %mul3A_0 = arith.muli %arg1, %mul3A : i32
    %add3A = arith.addi %mul3A_0, %arg0 : i32
    %mul3A_1 = arith.constant 64 : i32
    %mul3A_2 = arith.muli %add3A, %mul3A_1 : i32
    "tpu.region"() ({
      %run_scoped3A = tpu.sem_alloc : memref<!tpu.dma_semaphore, #tpu.memory_space<semaphore_mem>>
      tpu.enqueue_dma source(%arg4 : memref<200x64xf32, #tpu.memory_space<hbm>>) target(%arg13 : memref<200x64xf32, #tpu.memory_space<vmem>>) target_semaphore(%run_scoped3A : memref<!tpu.dma_semaphore, #tpu.memory_space<semaphore_mem>>)
      tpu.wait_dma2 semaphore(%run_scoped3A : memref<!tpu.dma_semaphore, #tpu.memory_space<semaphore_mem>>) src(%arg4 : memref<200x64xf32, #tpu.memory_space<hbm>>) dst(%arg13 : memref<200x64xf32, #tpu.memory_space<vmem>>)
      tpu.yield
    }) : () -> ()
    "tpu.region"() ({
      %run_scoped3A = tpu.sem_alloc : memref<!tpu.dma_semaphore, #tpu.memory_space<semaphore_mem>>
      tpu.enqueue_dma source(%arg5 : memref<64xf32, #tpu.memory_space<hbm>>) target(%arg14 : memref<64xf32, #tpu.memory_space<vmem>>) target_semaphore(%run_scoped3A : memref<!tpu.dma_semaphore, #tpu.memory_space<semaphore_mem>>)
      tpu.wait_dma2 semaphore(%run_scoped3A : memref<!tpu.dma_semaphore, #tpu.memory_space<semaphore_mem>>) src(%arg5 : memref<64xf32, #tpu.memory_space<hbm>>) dst(%arg14 : memref<64xf32, #tpu.memory_space<vmem>>)
      tpu.yield
    }) : () -> ()
    "tpu.region"() ({
      %run_scoped3A = tpu.sem_alloc : memref<!tpu.dma_semaphore, #tpu.memory_space<semaphore_mem>>
      tpu.enqueue_dma source(%arg6 : memref<64xf32, #tpu.memory_space<hbm>>) target(%arg15 : memref<64xf32, #tpu.memory_space<vmem>>) target_semaphore(%run_scoped3A : memref<!tpu.dma_semaphore, #tpu.memory_space<semaphore_mem>>)
      tpu.wait_dma2 semaphore(%run_scoped3A : memref<!tpu.dma_semaphore, #tpu.memory_space<semaphore_mem>>) src(%arg6 : memref<64xf32, #tpu.memory_space<hbm>>) dst(%arg15 : memref<64xf32, #tpu.memory_space<vmem>>)
      tpu.yield
    }) : () -> ()
    %get3A = arith.constant 0 : index
    %get3A_3 = tpu.vector_load %arg14[%get3A] {strides = array<i32>} : memref<64xf32, #tpu.memory_space<vmem>>, vector<16xf32>,
    %get3A_4 = arith.constant 16 : index
    %get3A_5 = tpu.vector_load %arg14[%get3A_4] {strides = array<i32>} : memref<64xf32, #tpu.memory_space<vmem>>, vector<16xf32>,
    %get3A_6 = arith.constant 32 : index
    %get3A_7 = tpu.vector_load %arg14[%get3A_6] {strides = array<i32>} : memref<64xf32, #tpu.memory_space<vmem>>, vector<16xf32>,
    %get3A_8 = arith.constant 48 : index
    %get3A_9 = tpu.vector_load %arg14[%get3A_8] {strides = array<i32>} : memref<64xf32, #tpu.memory_space<vmem>>, vector<16xf32>,
    %get3A_10 = arith.constant 0 : index
    %get3A_11 = tpu.vector_load %arg15[%get3A_10] {strides = array<i32>} : memref<64xf32, #tpu.memory_space<vmem>>, vector<16xf32>,
    %get3A_12 = arith.constant 16 : index
    %get3A_13 = tpu.vector_load %arg15[%get3A_12] {strides = array<i32>} : memref<64xf32, #tpu.memory_space<vmem>>, vector<16xf32>,
    %get3A_14 = arith.constant 32 : index
    %get3A_15 = tpu.vector_load %arg15[%get3A_14] {strides = array<i32>} : memref<64xf32, #tpu.memory_space<vmem>>, vector<16xf32>,
    %get3A_16 = arith.constant 48 : index
    %get3A_17 = tpu.vector_load %arg15[%get3A_16] {strides = array<i32>} : memref<64xf32, #tpu.memory_space<vmem>>, vector<16xf32>,
    %iota3A = tpu.iota {dimensions = array<i32: 0>} : vector<16xi32>
    %mul3A_18 = arith.constant 17 : i32
    %mul3A_19 = vector.broadcast %mul3A_18 : i32 to vector<16xi32>
    %mul3A_20 = arith.muli %iota3A, %mul3A_19 : vector<16xi32>
    "tpu.region"() ({
      %run_scoped3A = tpu.sem_alloc : memref<!tpu.dma_semaphore, #tpu.memory_space<semaphore_mem>>
      %dma_start3A_97 = arith.constant 0 : i32
      %dma_start3A_98 = arith.constant 0 : i32
      %dma_start3A_99 = tpu.memref_slice %arg2[%mul3A_2, %dma_start3A_97, %dma_start3A_98] : memref<2048x4x100xi32, #tpu.memory_space<hbm>> -> memref<1x4x100xi32, #tpu.memory_space<hbm>>
      %dma_start3A_100 = tpu.memref_squeeze %dma_start3A_99 : memref<1x4x100xi32, #tpu.memory_space<hbm>> -> memref<4x100xi32, #tpu.memory_space<hbm>>
      %dma_start3A_101 = arith.constant 0 : i32
      %dma_start3A_102 = arith.constant 0 : i32
      %dma_start3A_103 = tpu.memref_slice %arg2[%mul3A_2, %dma_start3A_101, %dma_start3A_102] : memref<2048x4x100xi32, #tpu.memory_space<hbm>> -> memref<1x4x100xi32, #tpu.memory_space<hbm>>
      %dma_start3A_104 = tpu.memref_squeeze %dma_start3A_103 : memref<1x4x100xi32, #tpu.memory_space<hbm>> -> memref<4x100xi32, #tpu.memory_space<hbm>>
      tpu.enqueue_dma source(%dma_start3A_104 : memref<4x100xi32, #tpu.memory_space<hbm>>) target(%arg8 : memref<4x100xi32, #tpu.memory_space<vmem>>) target_semaphore(%run_scoped3A : memref<!tpu.dma_semaphore, #tpu.memory_space<semaphore_mem>>)
      %dma_wait3A_105 = arith.constant 0 : i32
      %dma_wait3A_106 = arith.constant 0 : i32
      %dma_wait3A_107 = tpu.memref_slice %arg2[%mul3A_2, %dma_wait3A_105, %dma_wait3A_106] : memref<2048x4x100xi32, #tpu.memory_space<hbm>> -> memref<1x4x100xi32, #tpu.memory_space<hbm>>
      %dma_wait3A_108 = tpu.memref_squeeze %dma_wait3A_107 : memref<1x4x100xi32, #tpu.memory_space<hbm>> -> memref<4x100xi32, #tpu.memory_space<hbm>>
      %dma_wait3A_109 = arith.constant 0 : i32
      %dma_wait3A_110 = arith.constant 0 : i32
      %dma_wait3A_111 = tpu.memref_slice %arg2[%mul3A_2, %dma_wait3A_109, %dma_wait3A_110] : memref<2048x4x100xi32, #tpu.memory_space<hbm>> -> memref<1x4x100xi32, #tpu.memory_space<hbm>>
      %dma_wait3A_112 = tpu.memref_squeeze %dma_wait3A_111 : memref<1x4x100xi32, #tpu.memory_space<hbm>> -> memref<4x100xi32, #tpu.memory_space<hbm>>
      tpu.wait_dma2 semaphore(%run_scoped3A : memref<!tpu.dma_semaphore, #tpu.memory_space<semaphore_mem>>) src(%dma_wait3A_112 : memref<4x100xi32, #tpu.memory_space<hbm>>) dst(%arg8 : memref<4x100xi32, #tpu.memory_space<vmem>>)
      tpu.yield
    }) : () -> ()
    %dma_start3A = arith.constant 0 : i32
    %dma_start3A_21 = arith.constant 0 : i32
    %dma_start3A_22 = arith.constant 0 : i32
    %dma_start3A_23 = tpu.memref_slice %arg10[%dma_start3A_21, %dma_start3A_22] : memref<400x64xf32, #tpu.memory_space<vmem>> -> memref<100x64xf32, #tpu.memory_space<vmem>>
    %dma_start3A_24 = arith.constant 0 : i32
    %dma_start3A_25 = tpu.memref_slice %arg8[%dma_start3A, %dma_start3A_24] : memref<4x100xi32, #tpu.memory_space<vmem>> -> memref<1x100xi32, #tpu.memory_space<vmem>>
    %dma_start3A_26 = tpu.memref_squeeze %dma_start3A_25 : memref<1x100xi32, #tpu.memory_space<vmem>> -> memref<100xi32, #tpu.memory_space<vmem>>
    %dma_start3A_27 = arith.constant 0 : i32
    %dma_start3A_28 = arith.constant 0 : i32
    %dma_start3A_29 = tpu.memref_slice %arg3[%dma_start3A_27, %dma_start3A_28] : memref<100000x64xf32, #tpu.memory_space<hbm>> -> memref<100000x64xf32, #tpu.memory_space<hbm>>
    tpu.enqueue_indirect_dma source(%dma_start3A_29 : memref<100000x64xf32, #tpu.memory_space<hbm>>) target(%dma_start3A_23 : memref<100x64xf32, #tpu.memory_space<vmem>>) offsets(%dma_start3A_26 : memref<100xi32, #tpu.memory_space<vmem>>) semaphore(%arg18 : memref<!tpu.dma_semaphore, #tpu.memory_space<semaphore_mem>>)
    %dma_start3A_30 = arith.constant 1 : i32
    %dma_start3A_31 = arith.constant 100 : i32
    %dma_start3A_32 = arith.constant 0 : i32
    %dma_start3A_33 = tpu.memref_slice %arg10[%dma_start3A_31, %dma_start3A_32] : memref<400x64xf32, #tpu.memory_space<vmem>> -> memref<100x64xf32, #tpu.memory_space<vmem>>
    %dma_start3A_34 = arith.constant 0 : i32
    %dma_start3A_35 = tpu.memref_slice %arg8[%dma_start3A_30, %dma_start3A_34] : memref<4x100xi32, #tpu.memory_space<vmem>> -> memref<1x100xi32, #tpu.memory_space<vmem>>
    %dma_start3A_36 = tpu.memref_squeeze %dma_start3A_35 : memref<1x100xi32, #tpu.memory_space<vmem>> -> memref<100xi32, #tpu.memory_space<vmem>>
    %dma_start3A_37 = arith.constant 0 : i32
    %dma_start3A_38 = arith.constant 0 : i32
    %dma_start3A_39 = tpu.memref_slice %arg3[%dma_start3A_37, %dma_start3A_38] : memref<100000x64xf32, #tpu.memory_space<hbm>> -> memref<100000x64xf32, #tpu.memory_space<hbm>>
    tpu.enqueue_indirect_dma source(%dma_start3A_39 : memref<100000x64xf32, #tpu.memory_space<hbm>>) target(%dma_start3A_33 : memref<100x64xf32, #tpu.memory_space<vmem>>) offsets(%dma_start3A_36 : memref<100xi32, #tpu.memory_space<vmem>>) semaphore(%arg18 : memref<!tpu.dma_semaphore, #tpu.memory_space<semaphore_mem>>)
    %dma_start3A_40 = arith.constant 2 : i32
    %dma_start3A_41 = arith.constant 200 : i32
    %dma_start3A_42 = arith.constant 0 : i32
    %dma_start3A_43 = tpu.memref_slice %arg10[%dma_start3A_41, %dma_start3A_42] : memref<400x64xf32, #tpu.memory_space<vmem>> -> memref<100x64xf32, #tpu.memory_space<vmem>>
    %dma_start3A_44 = arith.constant 0 : i32
    %dma_start3A_45 = tpu.memref_slice %arg8[%dma_start3A_40, %dma_start3A_44] : memref<4x100xi32, #tpu.memory_space<vmem>> -> memref<1x100xi32, #tpu.memory_space<vmem>>
    %dma_start3A_46 = tpu.memref_squeeze %dma_start3A_45 : memref<1x100xi32, #tpu.memory_space<vmem>> -> memref<100xi32, #tpu.memory_space<vmem>>
    %dma_start3A_47 = arith.constant 0 : i32
    %dma_start3A_48 = arith.constant 0 : i32
    %dma_start3A_49 = tpu.memref_slice %arg3[%dma_start3A_47, %dma_start3A_48] : memref<100000x64xf32, #tpu.memory_space<hbm>> -> memref<100000x64xf32, #tpu.memory_space<hbm>>
    tpu.enqueue_indirect_dma source(%dma_start3A_49 : memref<100000x64xf32, #tpu.memory_space<hbm>>) target(%dma_start3A_43 : memref<100x64xf32, #tpu.memory_space<vmem>>) offsets(%dma_start3A_46 : memref<100xi32, #tpu.memory_space<vmem>>) semaphore(%arg18 : memref<!tpu.dma_semaphore, #tpu.memory_space<semaphore_mem>>)
    %dma_start3A_50 = arith.constant 3 : i32
    %dma_start3A_51 = arith.constant 300 : i32
    %dma_start3A_52 = arith.constant 0 : i32
    %dma_start3A_53 = tpu.memref_slice %arg10[%dma_start3A_51, %dma_start3A_52] : memref<400x64xf32, #tpu.memory_space<vmem>> -> memref<100x64xf32, #tpu.memory_space<vmem>>
    %dma_start3A_54 = arith.constant 0 : i32
    %dma_start3A_55 = tpu.memref_slice %arg8[%dma_start3A_50, %dma_start3A_54] : memref<4x100xi32, #tpu.memory_space<vmem>> -> memref<1x100xi32, #tpu.memory_space<vmem>>
    %dma_start3A_56 = tpu.memref_squeeze %dma_start3A_55 : memref<1x100xi32, #tpu.memory_space<vmem>> -> memref<100xi32, #tpu.memory_space<vmem>>
    %dma_start3A_57 = arith.constant 0 : i32
    %dma_start3A_58 = arith.constant 0 : i32
    %dma_start3A_59 = tpu.memref_slice %arg3[%dma_start3A_57, %dma_start3A_58] : memref<100000x64xf32, #tpu.memory_space<hbm>> -> memref<100000x64xf32, #tpu.memory_space<hbm>>
    tpu.enqueue_indirect_dma source(%dma_start3A_59 : memref<100000x64xf32, #tpu.memory_space<hbm>>) target(%dma_start3A_53 : memref<100x64xf32, #tpu.memory_space<vmem>>) offsets(%dma_start3A_56 : memref<100xi32, #tpu.memory_space<vmem>>) semaphore(%arg18 : memref<!tpu.dma_semaphore, #tpu.memory_space<semaphore_mem>>)
    %add3A_60 = arith.constant 1 : i32
    %add3A_61 = arith.addi %mul3A_2, %add3A_60 : i32
    %dma_start3A_62 = arith.constant 0 : i32
    %dma_start3A_63 = arith.constant 0 : i32
    %dma_start3A_64 = tpu.memref_slice %arg2[%add3A_61, %dma_start3A_62, %dma_start3A_63] : memref<2048x4x100xi32, #tpu.memory_space<hbm>> -> memref<1x4x100xi32, #tpu.memory_space<hbm>>
    %dma_start3A_65 = tpu.memref_squeeze %dma_start3A_64 : memref<1x4x100xi32, #tpu.memory_space<hbm>> -> memref<4x100xi32, #tpu.memory_space<hbm>>
    %dma_start3A_66 = arith.constant 0 : i32
    %dma_start3A_67 = arith.constant 0 : i32
    %dma_start3A_68 = tpu.memref_slice %arg2[%add3A_61, %dma_start3A_66, %dma_start3A_67] : memref<2048x4x100xi32, #tpu.memory_space<hbm>> -> memref<1x4x100xi32, #tpu.memory_space<hbm>>
    %dma_start3A_69 = tpu.memref_squeeze %dma_start3A_68 : memref<1x4x100xi32, #tpu.memory_space<hbm>> -> memref<4x100xi32, #tpu.memory_space<hbm>>
    tpu.enqueue_dma source(%dma_start3A_69 : memref<4x100xi32, #tpu.memory_space<hbm>>) target(%arg9 : memref<4x100xi32, #tpu.memory_space<vmem>>) target_semaphore(%arg22 : memref<!tpu.dma_semaphore, #tpu.memory_space<semaphore_mem>>)
    %scan3A = arith.constant 0 : i32
    %scan3A_70 = arith.constant 0 : i32
    %scan3A_71 = arith.constant 32 : i32
    %scan3A_72 = arith.addi %scan3A_70, %scan3A_71 : i32
    %scan3A_73 = arith.constant 1 : i32
    scf.for %scan3A_97 = %scan3A_70 to %scan3A_72 step %scan3A_73  : i32 {
      %mul3A_98 = arith.constant 2 : i32
      %mul3A_99 = arith.muli %mul3A_98, %scan3A_97 : i32
      %add3A_100 = arith.addi %mul3A_2, %mul3A_99 : i32
      %add3A_101 = arith.constant 1 : i32
      %add3A_102 = arith.addi %add3A_100, %add3A_101 : i32
      %dma_wait3A_103 = arith.constant 0 : i32
      %dma_wait3A_104 = arith.constant 0 : i32
      %dma_wait3A_105 = arith.constant 0 : i32
      %dma_wait3A_106 = tpu.memref_slice %arg10[%dma_wait3A_104, %dma_wait3A_105] : memref<400x64xf32, #tpu.memory_space<vmem>> -> memref<100x64xf32, #tpu.memory_space<vmem>>
      %dma_wait3A_107 = arith.constant 0 : i32
      %dma_wait3A_108 = tpu.memref_slice %arg8[%dma_wait3A_103, %dma_wait3A_107] : memref<4x100xi32, #tpu.memory_space<vmem>> -> memref<1x100xi32, #tpu.memory_space<vmem>>
      %dma_wait3A_109 = tpu.memref_squeeze %dma_wait3A_108 : memref<1x100xi32, #tpu.memory_space<vmem>> -> memref<100xi32, #tpu.memory_space<vmem>>
      %dma_wait3A_110 = arith.constant 0 : i32
      %dma_wait3A_111 = arith.constant 0 : i32
      %dma_wait3A_112 = tpu.memref_slice %arg3[%dma_wait3A_110, %dma_wait3A_111] : memref<100000x64xf32, #tpu.memory_space<hbm>> -> memref<100000x64xf32, #tpu.memory_space<hbm>>
      tpu.wait_indirect_dma semaphore(%arg18 : memref<!tpu.dma_semaphore, #tpu.memory_space<semaphore_mem>>) src(%dma_wait3A_112 : memref<100000x64xf32, #tpu.memory_space<hbm>>) dst(%dma_wait3A_106 : memref<100x64xf32, #tpu.memory_space<vmem>>)
      %dma_wait3A_113 = arith.constant 1 : i32
      %dma_wait3A_114 = arith.constant 100 : i32
      %dma_wait3A_115 = arith.constant 0 : i32
      %dma_wait3A_116 = tpu.memref_slice %arg10[%dma_wait3A_114, %dma_wait3A_115] : memref<400x64xf32, #tpu.memory_space<vmem>> -> memref<100x64xf32, #tpu.memory_space<vmem>>
      %dma_wait3A_117 = arith.constant 0 : i32
      %dma_wait3A_118 = tpu.memref_slice %arg8[%dma_wait3A_113, %dma_wait3A_117] : memref<4x100xi32, #tpu.memory_space<vmem>> -> memref<1x100xi32, #tpu.memory_space<vmem>>
      %dma_wait3A_119 = tpu.memref_squeeze %dma_wait3A_118 : memref<1x100xi32, #tpu.memory_space<vmem>> -> memref<100xi32, #tpu.memory_space<vmem>>
      %dma_wait3A_120 = arith.constant 0 : i32
      %dma_wait3A_121 = arith.constant 0 : i32
      %dma_wait3A_122 = tpu.memref_slice %arg3[%dma_wait3A_120, %dma_wait3A_121] : memref<100000x64xf32, #tpu.memory_space<hbm>> -> memref<100000x64xf32, #tpu.memory_space<hbm>>
      tpu.wait_indirect_dma semaphore(%arg18 : memref<!tpu.dma_semaphore, #tpu.memory_space<semaphore_mem>>) src(%dma_wait3A_122 : memref<100000x64xf32, #tpu.memory_space<hbm>>) dst(%dma_wait3A_116 : memref<100x64xf32, #tpu.memory_space<vmem>>)
      %dma_wait3A_123 = arith.constant 2 : i32
      %dma_wait3A_124 = arith.constant 200 : i32
      %dma_wait3A_125 = arith.constant 0 : i32
      %dma_wait3A_126 = tpu.memref_slice %arg10[%dma_wait3A_124, %dma_wait3A_125] : memref<400x64xf32, #tpu.memory_space<vmem>> -> memref<100x64xf32, #tpu.memory_space<vmem>>
      %dma_wait3A_127 = arith.constant 0 : i32
      %dma_wait3A_128 = tpu.memref_slice %arg8[%dma_wait3A_123, %dma_wait3A_127] : memref<4x100xi32, #tpu.memory_space<vmem>> -> memref<1x100xi32, #tpu.memory_space<vmem>>
      %dma_wait3A_129 = tpu.memref_squeeze %dma_wait3A_128 : memref<1x100xi32, #tpu.memory_space<vmem>> -> memref<100xi32, #tpu.memory_space<vmem>>
      %dma_wait3A_130 = arith.constant 0 : i32
      %dma_wait3A_131 = arith.constant 0 : i32
      %dma_wait3A_132 = tpu.memref_slice %arg3[%dma_wait3A_130, %dma_wait3A_131] : memref<100000x64xf32, #tpu.memory_space<hbm>> -> memref<100000x64xf32, #tpu.memory_space<hbm>>
      tpu.wait_indirect_dma semaphore(%arg18 : memref<!tpu.dma_semaphore, #tpu.memory_space<semaphore_mem>>) src(%dma_wait3A_132 : memref<100000x64xf32, #tpu.memory_space<hbm>>) dst(%dma_wait3A_126 : memref<100x64xf32, #tpu.memory_space<vmem>>)
      %dma_wait3A_133 = arith.constant 3 : i32
      %dma_wait3A_134 = arith.constant 300 : i32
      %dma_wait3A_135 = arith.constant 0 : i32
      %dma_wait3A_136 = tpu.memref_slice %arg10[%dma_wait3A_134, %dma_wait3A_135] : memref<400x64xf32, #tpu.memory_space<vmem>> -> memref<100x64xf32, #tpu.memory_space<vmem>>
      %dma_wait3A_137 = arith.constant 0 : i32
      %dma_wait3A_138 = tpu.memref_slice %arg8[%dma_wait3A_133, %dma_wait3A_137] : memref<4x100xi32, #tpu.memory_space<vmem>> -> memref<1x100xi32, #tpu.memory_space<vmem>>
      %dma_wait3A_139 = tpu.memref_squeeze %dma_wait3A_138 : memref<1x100xi32, #tpu.memory_space<vmem>> -> memref<100xi32, #tpu.memory_space<vmem>>
      %dma_wait3A_140 = arith.constant 0 : i32
      %dma_wait3A_141 = arith.constant 0 : i32
      %dma_wait3A_142 = tpu.memref_slice %arg3[%dma_wait3A_140, %dma_wait3A_141] : memref<100000x64xf32, #tpu.memory_space<hbm>> -> memref<100000x64xf32, #tpu.memory_space<hbm>>
      tpu.wait_indirect_dma semaphore(%arg18 : memref<!tpu.dma_semaphore, #tpu.memory_space<semaphore_mem>>) src(%dma_wait3A_142 : memref<100000x64xf32, #tpu.memory_space<hbm>>) dst(%dma_wait3A_136 : memref<100x64xf32, #tpu.memory_space<vmem>>)
      %lt3A = arith.constant 31 : i32
      %lt3A_143 = arith.cmpi slt, %scan3A_97, %lt3A : i32
      %convert_element_type3A = arith.extui %lt3A_143 : i1 to i32
      %cond3A = arith.constant 0 : i32
      %cond3A_144 = arith.cmpi ne, %convert_element_type3A, %cond3A : i32
      scf.if %cond3A_144 {
        %add3A_279 = arith.constant 2 : i32
        %add3A_280 = arith.addi %add3A_100, %add3A_279 : i32
        %dma_start3A_281 = arith.constant 0 : i32
        %dma_start3A_282 = arith.constant 0 : i32
        %dma_start3A_283 = tpu.memref_slice %arg2[%add3A_280, %dma_start3A_281, %dma_start3A_282] : memref<2048x4x100xi32, #tpu.memory_space<hbm>> -> memref<1x4x100xi32, #tpu.memory_space<hbm>>
        %dma_start3A_284 = tpu.memref_squeeze %dma_start3A_283 : memref<1x4x100xi32, #tpu.memory_space<hbm>> -> memref<4x100xi32, #tpu.memory_space<hbm>>
        %dma_start3A_285 = arith.constant 0 : i32
        %dma_start3A_286 = arith.constant 0 : i32
        %dma_start3A_287 = tpu.memref_slice %arg2[%add3A_280, %dma_start3A_285, %dma_start3A_286] : memref<2048x4x100xi32, #tpu.memory_space<hbm>> -> memref<1x4x100xi32, #tpu.memory_space<hbm>>
        %dma_start3A_288 = tpu.memref_squeeze %dma_start3A_287 : memref<1x4x100xi32, #tpu.memory_space<hbm>> -> memref<4x100xi32, #tpu.memory_space<hbm>>
        tpu.enqueue_dma source(%dma_start3A_288 : memref<4x100xi32, #tpu.memory_space<hbm>>) target(%arg8 : memref<4x100xi32, #tpu.memory_space<vmem>>) target_semaphore(%arg21 : memref<!tpu.dma_semaphore, #tpu.memory_space<semaphore_mem>>)
      } else {
      }
      %gt3A = arith.constant 0 : i32
      %gt3A_145 = arith.cmpi sgt, %scan3A_97, %gt3A : i32
      %convert_element_type3A_146 = arith.extui %gt3A_145 : i1 to i32
      %cond3A_147 = arith.constant 0 : i32
      %cond3A_148 = arith.cmpi ne, %convert_element_type3A_146, %cond3A_147 : i32
      scf.if %cond3A_148 {
        %sub3A_279 = arith.constant 2 : i32
        %sub3A_280 = arith.subi %add3A_100, %sub3A_279 : i32
        %dma_wait3A_281 = arith.constant 0 : i32
        %dma_wait3A_282 = arith.constant 0 : i32
        %dma_wait3A_283 = tpu.memref_slice %arg7[%sub3A_280, %dma_wait3A_281, %dma_wait3A_282] : memref<2048x200x128xf32, #tpu.memory_space<hbm>> -> memref<1x200x128xf32, #tpu.memory_space<hbm>>
        %dma_wait3A_284 = tpu.memref_squeeze %dma_wait3A_283 : memref<1x200x128xf32, #tpu.memory_space<hbm>> -> memref<200x128xf32, #tpu.memory_space<hbm>>
        %dma_wait3A_285 = arith.constant 0 : i32
        %dma_wait3A_286 = arith.constant 0 : i32
        %dma_wait3A_287 = tpu.memref_slice %arg7[%sub3A_280, %dma_wait3A_285, %dma_wait3A_286] : memref<2048x200x128xf32, #tpu.memory_space<hbm>> -> memref<1x200x128xf32, #tpu.memory_space<hbm>>
        %dma_wait3A_288 = tpu.memref_squeeze %dma_wait3A_287 : memref<1x200x128xf32, #tpu.memory_space<hbm>> -> memref<200x128xf32, #tpu.memory_space<hbm>>
        tpu.wait_dma2 semaphore(%arg19 : memref<!tpu.dma_semaphore, #tpu.memory_space<semaphore_mem>>) src(%arg11 : memref<200x128xf32, #tpu.memory_space<vmem>>) dst(%dma_wait3A_288 : memref<200x128xf32, #tpu.memory_space<hbm>>)
      } else {
      }
      %parallel_loop3A = arith.constant 0 : i32
      %parallel_loop3A_149 = arith.constant 200 : i32
      %parallel_loop3A_150 = arith.constant 1 : i32
      scf.for %parallel_loop3A_279 = %parallel_loop3A to %parallel_loop3A_149 step %parallel_loop3A_150  : i32 {
        %parallel_loop3A_280 = arith.index_cast %parallel_loop3A_279 : i32 to index
        %parallel_loop3A_281 = arith.constant 0 : index
        %parallel_loop3A_282 = tpu.vector_load %arg13[%parallel_loop3A_280, %parallel_loop3A_281] {strides = array<i32>} : memref<200x64xf32, #tpu.memory_space<vmem>>, vector<16xf32>,
        %parallel_loop3A_283 = arith.index_cast %parallel_loop3A_279 : i32 to index
        %parallel_loop3A_284 = arith.constant 16 : index
        %parallel_loop3A_285 = tpu.vector_load %arg13[%parallel_loop3A_283, %parallel_loop3A_284] {strides = array<i32>} : memref<200x64xf32, #tpu.memory_space<vmem>>, vector<16xf32>,
        %parallel_loop3A_286 = arith.index_cast %parallel_loop3A_279 : i32 to index
        %parallel_loop3A_287 = arith.constant 32 : index
        %parallel_loop3A_288 = tpu.vector_load %arg13[%parallel_loop3A_286, %parallel_loop3A_287] {strides = array<i32>} : memref<200x64xf32, #tpu.memory_space<vmem>>, vector<16xf32>,
        %parallel_loop3A_289 = arith.index_cast %parallel_loop3A_279 : i32 to index
        %parallel_loop3A_290 = arith.constant 48 : index
        %parallel_loop3A_291 = tpu.vector_load %arg13[%parallel_loop3A_289, %parallel_loop3A_290] {strides = array<i32>} : memref<200x64xf32, #tpu.memory_space<vmem>>, vector<16xf32>,
        %parallel_loop3A_292 = arith.constant 1 : i32
        %parallel_loop3A_293 = arith.shrui %parallel_loop3A_279, %parallel_loop3A_292 : i32
        %parallel_loop3A_294 = arith.constant 1 : i32
        %parallel_loop3A_295 = arith.andi %parallel_loop3A_279, %parallel_loop3A_294 : i32
        %parallel_loop3A_296 = arith.constant 64 : i32
        %parallel_loop3A_297 = arith.muli %parallel_loop3A_295, %parallel_loop3A_296 : i32
        %parallel_loop3A_298 = arith.constant 0 : i32
        %parallel_loop3A_299 = arith.addi %parallel_loop3A_298, %parallel_loop3A_279 : i32
        %parallel_loop3A_300 = arith.index_cast %parallel_loop3A_299 : i32 to index
        %parallel_loop3A_301 = arith.constant 0 : index
        %parallel_loop3A_302 = tpu.vector_load %arg10[%parallel_loop3A_300, %parallel_loop3A_301] {strides = array<i32>} : memref<400x64xf32, #tpu.memory_space<vmem>>, vector<16xf32>,
        %parallel_loop3A_303 = arith.addf %parallel_loop3A_302, %parallel_loop3A_282 : vector<16xf32>
        %parallel_loop3A_304 = arith.index_cast %parallel_loop3A_299 : i32 to index
        %parallel_loop3A_305 = arith.constant 16 : index
        %parallel_loop3A_306 = tpu.vector_load %arg10[%parallel_loop3A_304, %parallel_loop3A_305] {strides = array<i32>} : memref<400x64xf32, #tpu.memory_space<vmem>>, vector<16xf32>,
        %parallel_loop3A_307 = arith.addf %parallel_loop3A_306, %parallel_loop3A_285 : vector<16xf32>
        %parallel_loop3A_308 = arith.index_cast %parallel_loop3A_299 : i32 to index
        %parallel_loop3A_309 = arith.constant 32 : index
        %parallel_loop3A_310 = tpu.vector_load %arg10[%parallel_loop3A_308, %parallel_loop3A_309] {strides = array<i32>} : memref<400x64xf32, #tpu.memory_space<vmem>>, vector<16xf32>,
        %parallel_loop3A_311 = arith.addf %parallel_loop3A_310, %parallel_loop3A_288 : vector<16xf32>
        %parallel_loop3A_312 = arith.index_cast %parallel_loop3A_299 : i32 to index
        %parallel_loop3A_313 = arith.constant 48 : index
        %parallel_loop3A_314 = tpu.vector_load %arg10[%parallel_loop3A_312, %parallel_loop3A_313] {strides = array<i32>} : memref<400x64xf32, #tpu.memory_space<vmem>>, vector<16xf32>,
        %parallel_loop3A_315 = arith.addf %parallel_loop3A_314, %parallel_loop3A_291 : vector<16xf32>
        %parallel_loop3A_316 = arith.constant 0 : i32
        %parallel_loop3A_317 = arith.addi %parallel_loop3A_316, %parallel_loop3A_293 : i32
        %parallel_loop3A_318 = arith.constant 0 : i32
        %parallel_loop3A_319 = arith.addi %parallel_loop3A_297, %parallel_loop3A_318 : i32
        %parallel_loop3A_320 = arith.index_cast %parallel_loop3A_317 : i32 to index
        %parallel_loop3A_321 = arith.index_cast %parallel_loop3A_319 : i32 to index
        %parallel_loop3A_322 = tpu.vector_load %arg11[%parallel_loop3A_320, %parallel_loop3A_321] {strides = array<i32>} : memref<200x128xf32, #tpu.memory_space<vmem>>, vector<16xf32>,
        tpu.vector_store %arg11[%parallel_loop3A_320, %parallel_loop3A_321], %parallel_loop3A_303 {strides = array<i32>} : memref<200x128xf32, #tpu.memory_space<vmem>>, vector<16xf32>,
        %parallel_loop3A_323 = arith.constant 0 : i32
        %parallel_loop3A_324 = arith.addi %parallel_loop3A_323, %parallel_loop3A_293 : i32
        %parallel_loop3A_325 = arith.constant 16 : i32
        %parallel_loop3A_326 = arith.addi %parallel_loop3A_297, %parallel_loop3A_325 : i32
        %parallel_loop3A_327 = arith.index_cast %parallel_loop3A_324 : i32 to index
        %parallel_loop3A_328 = arith.index_cast %parallel_loop3A_326 : i32 to index
        %parallel_loop3A_329 = tpu.vector_load %arg11[%parallel_loop3A_327, %parallel_loop3A_328] {strides = array<i32>} : memref<200x128xf32, #tpu.memory_space<vmem>>, vector<16xf32>,
        tpu.vector_store %arg11[%parallel_loop3A_327, %parallel_loop3A_328], %parallel_loop3A_307 {strides = array<i32>} : memref<200x128xf32, #tpu.memory_space<vmem>>, vector<16xf32>,
        %parallel_loop3A_330 = arith.constant 0 : i32
        %parallel_loop3A_331 = arith.addi %parallel_loop3A_330, %parallel_loop3A_293 : i32
        %parallel_loop3A_332 = arith.constant 32 : i32
        %parallel_loop3A_333 = arith.addi %parallel_loop3A_297, %parallel_loop3A_332 : i32
        %parallel_loop3A_334 = arith.index_cast %parallel_loop3A_331 : i32 to index
        %parallel_loop3A_335 = arith.index_cast %parallel_loop3A_333 : i32 to index
        %parallel_loop3A_336 = tpu.vector_load %arg11[%parallel_loop3A_334, %parallel_loop3A_335] {strides = array<i32>} : memref<200x128xf32, #tpu.memory_space<vmem>>, vector<16xf32>,
        tpu.vector_store %arg11[%parallel_loop3A_334, %parallel_loop3A_335], %parallel_loop3A_311 {strides = array<i32>} : memref<200x128xf32, #tpu.memory_space<vmem>>, vector<16xf32>,
        %parallel_loop3A_337 = arith.constant 0 : i32
        %parallel_loop3A_338 = arith.addi %parallel_loop3A_337, %parallel_loop3A_293 : i32
        %parallel_loop3A_339 = arith.constant 48 : i32
        %parallel_loop3A_340 = arith.addi %parallel_loop3A_297, %parallel_loop3A_339 : i32
        %parallel_loop3A_341 = arith.index_cast %parallel_loop3A_338 : i32 to index
        %parallel_loop3A_342 = arith.index_cast %parallel_loop3A_340 : i32 to index
        %parallel_loop3A_343 = tpu.vector_load %arg11[%parallel_loop3A_341, %parallel_loop3A_342] {strides = array<i32>} : memref<200x128xf32, #tpu.memory_space<vmem>>, vector<16xf32>,
        tpu.vector_store %arg11[%parallel_loop3A_341, %parallel_loop3A_342], %parallel_loop3A_315 {strides = array<i32>} : memref<200x128xf32, #tpu.memory_space<vmem>>, vector<16xf32>,
        %parallel_loop3A_344 = arith.addf %parallel_loop3A_303, %parallel_loop3A_307 : vector<16xf32>
        %parallel_loop3A_345 = arith.addf %parallel_loop3A_311, %parallel_loop3A_315 : vector<16xf32>
        %parallel_loop3A_346 = arith.addf %parallel_loop3A_344, %parallel_loop3A_345 : vector<16xf32>
        %parallel_loop3A_347 = arith.mulf %parallel_loop3A_303, %parallel_loop3A_303 : vector<16xf32>
        %parallel_loop3A_348 = arith.mulf %parallel_loop3A_307, %parallel_loop3A_307 : vector<16xf32>
        %parallel_loop3A_349 = arith.addf %parallel_loop3A_347, %parallel_loop3A_348 : vector<16xf32>
        %parallel_loop3A_350 = arith.mulf %parallel_loop3A_311, %parallel_loop3A_311 : vector<16xf32>
        %parallel_loop3A_351 = arith.mulf %parallel_loop3A_315, %parallel_loop3A_315 : vector<16xf32>
        %parallel_loop3A_352 = arith.addf %parallel_loop3A_350, %parallel_loop3A_351 : vector<16xf32>
        %parallel_loop3A_353 = arith.addf %parallel_loop3A_349, %parallel_loop3A_352 : vector<16xf32>
        %parallel_loop3A_354 = arith.constant 17 : i32
        %parallel_loop3A_355 = arith.muli %parallel_loop3A_299, %parallel_loop3A_354 : i32
        %parallel_loop3A_356 = arith.index_cast %parallel_loop3A_355 : i32 to index
        %parallel_loop3A_357 = tpu.vector_load %arg16[%parallel_loop3A_356] {strides = array<i32>} : memref<6800xf32, #tpu.memory_space<vmem>>, vector<16xf32>,
        tpu.vector_store %arg16[%parallel_loop3A_356], %parallel_loop3A_346 {strides = array<i32>} : memref<6800xf32, #tpu.memory_space<vmem>>, vector<16xf32>,
        %parallel_loop3A_358 = arith.constant 17 : i32
        %parallel_loop3A_359 = arith.muli %parallel_loop3A_299, %parallel_loop3A_358 : i32
        %parallel_loop3A_360 = arith.index_cast %parallel_loop3A_359 : i32 to index
        %parallel_loop3A_361 = tpu.vector_load %arg17[%parallel_loop3A_360] {strides = array<i32>} : memref<6800xf32, #tpu.memory_space<vmem>>, vector<16xf32>,
        tpu.vector_store %arg17[%parallel_loop3A_360], %parallel_loop3A_353 {strides = array<i32>} : memref<6800xf32, #tpu.memory_space<vmem>>, vector<16xf32>,
        %parallel_loop3A_362 = arith.constant 200 : i32
        %parallel_loop3A_363 = arith.addi %parallel_loop3A_362, %parallel_loop3A_279 : i32
        %parallel_loop3A_364 = arith.index_cast %parallel_loop3A_363 : i32 to index
        %parallel_loop3A_365 = arith.constant 0 : index
        %parallel_loop3A_366 = tpu.vector_load %arg10[%parallel_loop3A_364, %parallel_loop3A_365] {strides = array<i32>} : memref<400x64xf32, #tpu.memory_space<vmem>>, vector<16xf32>,
        %parallel_loop3A_367 = arith.addf %parallel_loop3A_366, %parallel_loop3A_282 : vector<16xf32>
        %parallel_loop3A_368 = arith.index_cast %parallel_loop3A_363 : i32 to index
        %parallel_loop3A_369 = arith.constant 16 : index
        %parallel_loop3A_370 = tpu.vector_load %arg10[%parallel_loop3A_368, %parallel_loop3A_369] {strides = array<i32>} : memref<400x64xf32, #tpu.memory_space<vmem>>, vector<16xf32>,
        %parallel_loop3A_371 = arith.addf %parallel_loop3A_370, %parallel_loop3A_285 : vector<16xf32>
        %parallel_loop3A_372 = arith.index_cast %parallel_loop3A_363 : i32 to index
        %parallel_loop3A_373 = arith.constant 32 : index
        %parallel_loop3A_374 = tpu.vector_load %arg10[%parallel_loop3A_372, %parallel_loop3A_373] {strides = array<i32>} : memref<400x64xf32, #tpu.memory_space<vmem>>, vector<16xf32>,
        %parallel_loop3A_375 = arith.addf %parallel_loop3A_374, %parallel_loop3A_288 : vector<16xf32>
        %parallel_loop3A_376 = arith.index_cast %parallel_loop3A_363 : i32 to index
        %parallel_loop3A_377 = arith.constant 48 : index
        %parallel_loop3A_378 = tpu.vector_load %arg10[%parallel_loop3A_376, %parallel_loop3A_377] {strides = array<i32>} : memref<400x64xf32, #tpu.memory_space<vmem>>, vector<16xf32>,
        %parallel_loop3A_379 = arith.addf %parallel_loop3A_378, %parallel_loop3A_291 : vector<16xf32>
        %parallel_loop3A_380 = arith.constant 100 : i32
        %parallel_loop3A_381 = arith.addi %parallel_loop3A_380, %parallel_loop3A_293 : i32
        %parallel_loop3A_382 = arith.constant 0 : i32
        %parallel_loop3A_383 = arith.addi %parallel_loop3A_297, %parallel_loop3A_382 : i32
        %parallel_loop3A_384 = arith.index_cast %parallel_loop3A_381 : i32 to index
        %parallel_loop3A_385 = arith.index_cast %parallel_loop3A_383 : i32 to index
        %parallel_loop3A_386 = tpu.vector_load %arg11[%parallel_loop3A_384, %parallel_loop3A_385] {strides = array<i32>} : memref<200x128xf32, #tpu.memory_space<vmem>>, vector<16xf32>,
        tpu.vector_store %arg11[%parallel_loop3A_384, %parallel_loop3A_385], %parallel_loop3A_367 {strides = array<i32>} : memref<200x128xf32, #tpu.memory_space<vmem>>, vector<16xf32>,
        %parallel_loop3A_387 = arith.constant 100 : i32
        %parallel_loop3A_388 = arith.addi %parallel_loop3A_387, %parallel_loop3A_293 : i32
        %parallel_loop3A_389 = arith.constant 16 : i32
        %parallel_loop3A_390 = arith.addi %parallel_loop3A_297, %parallel_loop3A_389 : i32
        %parallel_loop3A_391 = arith.index_cast %parallel_loop3A_388 : i32 to index
        %parallel_loop3A_392 = arith.index_cast %parallel_loop3A_390 : i32 to index
        %parallel_loop3A_393 = tpu.vector_load %arg11[%parallel_loop3A_391, %parallel_loop3A_392] {strides = array<i32>} : memref<200x128xf32, #tpu.memory_space<vmem>>, vector<16xf32>,
        tpu.vector_store %arg11[%parallel_loop3A_391, %parallel_loop3A_392], %parallel_loop3A_371 {strides = array<i32>} : memref<200x128xf32, #tpu.memory_space<vmem>>, vector<16xf32>,
        %parallel_loop3A_394 = arith.constant 100 : i32
        %parallel_loop3A_395 = arith.addi %parallel_loop3A_394, %parallel_loop3A_293 : i32
        %parallel_loop3A_396 = arith.constant 32 : i32
        %parallel_loop3A_397 = arith.addi %parallel_loop3A_297, %parallel_loop3A_396 : i32
        %parallel_loop3A_398 = arith.index_cast %parallel_loop3A_395 : i32 to index
        %parallel_loop3A_399 = arith.index_cast %parallel_loop3A_397 : i32 to index
        %parallel_loop3A_400 = tpu.vector_load %arg11[%parallel_loop3A_398, %parallel_loop3A_399] {strides = array<i32>} : memref<200x128xf32, #tpu.memory_space<vmem>>, vector<16xf32>,
        tpu.vector_store %arg11[%parallel_loop3A_398, %parallel_loop3A_399], %parallel_loop3A_375 {strides = array<i32>} : memref<200x128xf32, #tpu.memory_space<vmem>>, vector<16xf32>,
        %parallel_loop3A_401 = arith.constant 100 : i32
        %parallel_loop3A_402 = arith.addi %parallel_loop3A_401, %parallel_loop3A_293 : i32
        %parallel_loop3A_403 = arith.constant 48 : i32
        %parallel_loop3A_404 = arith.addi %parallel_loop3A_297, %parallel_loop3A_403 : i32
        %parallel_loop3A_405 = arith.index_cast %parallel_loop3A_402 : i32 to index
        %parallel_loop3A_406 = arith.index_cast %parallel_loop3A_404 : i32 to index
        %parallel_loop3A_407 = tpu.vector_load %arg11[%parallel_loop3A_405, %parallel_loop3A_406] {strides = array<i32>} : memref<200x128xf32, #tpu.memory_space<vmem>>, vector<16xf32>,
        tpu.vector_store %arg11[%parallel_loop3A_405, %parallel_loop3A_406], %parallel_loop3A_379 {strides = array<i32>} : memref<200x128xf32, #tpu.memory_space<vmem>>, vector<16xf32>,
        %parallel_loop3A_408 = arith.addf %parallel_loop3A_367, %parallel_loop3A_371 : vector<16xf32>
        %parallel_loop3A_409 = arith.addf %parallel_loop3A_375, %parallel_loop3A_379 : vector<16xf32>
        %parallel_loop3A_410 = arith.addf %parallel_loop3A_408, %parallel_loop3A_409 : vector<16xf32>
        %parallel_loop3A_411 = arith.mulf %parallel_loop3A_367, %parallel_loop3A_367 : vector<16xf32>
        %parallel_loop3A_412 = arith.mulf %parallel_loop3A_371, %parallel_loop3A_371 : vector<16xf32>
        %parallel_loop3A_413 = arith.addf %parallel_loop3A_411, %parallel_loop3A_412 : vector<16xf32>
        %parallel_loop3A_414 = arith.mulf %parallel_loop3A_375, %parallel_loop3A_375 : vector<16xf32>
        %parallel_loop3A_415 = arith.mulf %parallel_loop3A_379, %parallel_loop3A_379 : vector<16xf32>
        %parallel_loop3A_416 = arith.addf %parallel_loop3A_414, %parallel_loop3A_415 : vector<16xf32>
        %parallel_loop3A_417 = arith.addf %parallel_loop3A_413, %parallel_loop3A_416 : vector<16xf32>
        %parallel_loop3A_418 = arith.constant 17 : i32
        %parallel_loop3A_419 = arith.muli %parallel_loop3A_363, %parallel_loop3A_418 : i32
        %parallel_loop3A_420 = arith.index_cast %parallel_loop3A_419 : i32 to index
        %parallel_loop3A_421 = tpu.vector_load %arg16[%parallel_loop3A_420] {strides = array<i32>} : memref<6800xf32, #tpu.memory_space<vmem>>, vector<16xf32>,
        tpu.vector_store %arg16[%parallel_loop3A_420], %parallel_loop3A_410 {strides = array<i32>} : memref<6800xf32, #tpu.memory_space<vmem>>, vector<16xf32>,
        %parallel_loop3A_422 = arith.constant 17 : i32
        %parallel_loop3A_423 = arith.muli %parallel_loop3A_363, %parallel_loop3A_422 : i32
        %parallel_loop3A_424 = arith.index_cast %parallel_loop3A_423 : i32 to index
        %parallel_loop3A_425 = tpu.vector_load %arg17[%parallel_loop3A_424] {strides = array<i32>} : memref<6800xf32, #tpu.memory_space<vmem>>, vector<16xf32>,
        tpu.vector_store %arg17[%parallel_loop3A_424], %parallel_loop3A_417 {strides = array<i32>} : memref<6800xf32, #tpu.memory_space<vmem>>, vector<16xf32>,
      } {sc.loop_unroll_factor = 4 : i64, sc.parallel_access}
      %dma_wait3A_151 = arith.constant 0 : i32
      %dma_wait3A_152 = arith.constant 0 : i32
      %dma_wait3A_153 = tpu.memref_slice %arg2[%add3A_102, %dma_wait3A_151, %dma_wait3A_152] : memref<2048x4x100xi32, #tpu.memory_space<hbm>> -> memref<1x4x100xi32, #tpu.memory_space<hbm>>
      %dma_wait3A_154 = tpu.memref_squeeze %dma_wait3A_153 : memref<1x4x100xi32, #tpu.memory_space<hbm>> -> memref<4x100xi32, #tpu.memory_space<hbm>>
      %dma_wait3A_155 = arith.constant 0 : i32
      %dma_wait3A_156 = arith.constant 0 : i32
      %dma_wait3A_157 = tpu.memref_slice %arg2[%add3A_102, %dma_wait3A_155, %dma_wait3A_156] : memref<2048x4x100xi32, #tpu.memory_space<hbm>> -> memref<1x4x100xi32, #tpu.memory_space<hbm>>
      %dma_wait3A_158 = tpu.memref_squeeze %dma_wait3A_157 : memref<1x4x100xi32, #tpu.memory_space<hbm>> -> memref<4x100xi32, #tpu.memory_space<hbm>>
      tpu.wait_dma2 semaphore(%arg22 : memref<!tpu.dma_semaphore, #tpu.memory_space<semaphore_mem>>) src(%dma_wait3A_158 : memref<4x100xi32, #tpu.memory_space<hbm>>) dst(%arg9 : memref<4x100xi32, #tpu.memory_space<vmem>>)
      %dma_start3A_159 = arith.constant 0 : i32
      %dma_start3A_160 = arith.constant 0 : i32
      %dma_start3A_161 = arith.constant 0 : i32
      %dma_start3A_162 = tpu.memref_slice %arg10[%dma_start3A_160, %dma_start3A_161] : memref<400x64xf32, #tpu.memory_space<vmem>> -> memref<100x64xf32, #tpu.memory_space<vmem>>
      %dma_start3A_163 = arith.constant 0 : i32
      %dma_start3A_164 = tpu.memref_slice %arg9[%dma_start3A_159, %dma_start3A_163] : memref<4x100xi32, #tpu.memory_space<vmem>> -> memref<1x100xi32, #tpu.memory_space<vmem>>
      %dma_start3A_165 = tpu.memref_squeeze %dma_start3A_164 : memref<1x100xi32, #tpu.memory_space<vmem>> -> memref<100xi32, #tpu.memory_space<vmem>>
      %dma_start3A_166 = arith.constant 0 : i32
      %dma_start3A_167 = arith.constant 0 : i32
      %dma_start3A_168 = tpu.memref_slice %arg3[%dma_start3A_166, %dma_start3A_167] : memref<100000x64xf32, #tpu.memory_space<hbm>> -> memref<100000x64xf32, #tpu.memory_space<hbm>>
      tpu.enqueue_indirect_dma source(%dma_start3A_168 : memref<100000x64xf32, #tpu.memory_space<hbm>>) target(%dma_start3A_162 : memref<100x64xf32, #tpu.memory_space<vmem>>) offsets(%dma_start3A_165 : memref<100xi32, #tpu.memory_space<vmem>>) semaphore(%arg18 : memref<!tpu.dma_semaphore, #tpu.memory_space<semaphore_mem>>)
      %dma_start3A_169 = arith.constant 1 : i32
      %dma_start3A_170 = arith.constant 100 : i32
      %dma_start3A_171 = arith.constant 0 : i32
      %dma_start3A_172 = tpu.memref_slice %arg10[%dma_start3A_170, %dma_start3A_171] : memref<400x64xf32, #tpu.memory_space<vmem>> -> memref<100x64xf32, #tpu.memory_space<vmem>>
      %dma_start3A_173 = arith.constant 0 : i32
      %dma_start3A_174 = tpu.memref_slice %arg9[%dma_start3A_169, %dma_start3A_173] : memref<4x100xi32, #tpu.memory_space<vmem>> -> memref<1x100xi32, #tpu.memory_space<vmem>>
      %dma_start3A_175 = tpu.memref_squeeze %dma_start3A_174 : memref<1x100xi32, #tpu.memory_space<vmem>> -> memref<100xi32, #tpu.memory_space<vmem>>
      %dma_start3A_176 = arith.constant 0 : i32
      %dma_start3A_177 = arith.constant 0 : i32
      %dma_start3A_178 = tpu.memref_slice %arg3[%dma_start3A_176, %dma_start3A_177] : memref<100000x64xf32, #tpu.memory_space<hbm>> -> memref<100000x64xf32, #tpu.memory_space<hbm>>
      tpu.enqueue_indirect_dma source(%dma_start3A_178 : memref<100000x64xf32, #tpu.memory_space<hbm>>) target(%dma_start3A_172 : memref<100x64xf32, #tpu.memory_space<vmem>>) offsets(%dma_start3A_175 : memref<100xi32, #tpu.memory_space<vmem>>) semaphore(%arg18 : memref<!tpu.dma_semaphore, #tpu.memory_space<semaphore_mem>>)
      %dma_start3A_179 = arith.constant 2 : i32
      %dma_start3A_180 = arith.constant 200 : i32
      %dma_start3A_181 = arith.constant 0 : i32
      %dma_start3A_182 = tpu.memref_slice %arg10[%dma_start3A_180, %dma_start3A_181] : memref<400x64xf32, #tpu.memory_space<vmem>> -> memref<100x64xf32, #tpu.memory_space<vmem>>
      %dma_start3A_183 = arith.constant 0 : i32
      %dma_start3A_184 = tpu.memref_slice %arg9[%dma_start3A_179, %dma_start3A_183] : memref<4x100xi32, #tpu.memory_space<vmem>> -> memref<1x100xi32, #tpu.memory_space<vmem>>
      %dma_start3A_185 = tpu.memref_squeeze %dma_start3A_184 : memref<1x100xi32, #tpu.memory_space<vmem>> -> memref<100xi32, #tpu.memory_space<vmem>>
      %dma_start3A_186 = arith.constant 0 : i32
      %dma_start3A_187 = arith.constant 0 : i32
      %dma_start3A_188 = tpu.memref_slice %arg3[%dma_start3A_186, %dma_start3A_187] : memref<100000x64xf32, #tpu.memory_space<hbm>> -> memref<100000x64xf32, #tpu.memory_space<hbm>>
      tpu.enqueue_indirect_dma source(%dma_start3A_188 : memref<100000x64xf32, #tpu.memory_space<hbm>>) target(%dma_start3A_182 : memref<100x64xf32, #tpu.memory_space<vmem>>) offsets(%dma_start3A_185 : memref<100xi32, #tpu.memory_space<vmem>>) semaphore(%arg18 : memref<!tpu.dma_semaphore, #tpu.memory_space<semaphore_mem>>)
      %dma_start3A_189 = arith.constant 3 : i32
      %dma_start3A_190 = arith.constant 300 : i32
      %dma_start3A_191 = arith.constant 0 : i32
      %dma_start3A_192 = tpu.memref_slice %arg10[%dma_start3A_190, %dma_start3A_191] : memref<400x64xf32, #tpu.memory_space<vmem>> -> memref<100x64xf32, #tpu.memory_space<vmem>>
      %dma_start3A_193 = arith.constant 0 : i32
      %dma_start3A_194 = tpu.memref_slice %arg9[%dma_start3A_189, %dma_start3A_193] : memref<4x100xi32, #tpu.memory_space<vmem>> -> memref<1x100xi32, #tpu.memory_space<vmem>>
      %dma_start3A_195 = tpu.memref_squeeze %dma_start3A_194 : memref<1x100xi32, #tpu.memory_space<vmem>> -> memref<100xi32, #tpu.memory_space<vmem>>
      %dma_start3A_196 = arith.constant 0 : i32
      %dma_start3A_197 = arith.constant 0 : i32
      %dma_start3A_198 = tpu.memref_slice %arg3[%dma_start3A_196, %dma_start3A_197] : memref<100000x64xf32, #tpu.memory_space<hbm>> -> memref<100000x64xf32, #tpu.memory_space<hbm>>
      tpu.enqueue_indirect_dma source(%dma_start3A_198 : memref<100000x64xf32, #tpu.memory_space<hbm>>) target(%dma_start3A_192 : memref<100x64xf32, #tpu.memory_space<vmem>>) offsets(%dma_start3A_195 : memref<100xi32, #tpu.memory_space<vmem>>) semaphore(%arg18 : memref<!tpu.dma_semaphore, #tpu.memory_space<semaphore_mem>>)
      %parallel_loop3A_199 = arith.constant 0 : i32
      %parallel_loop3A_200 = arith.constant 25 : i32
      %parallel_loop3A_201 = arith.constant 1 : i32
      scf.for %parallel_loop3A_279 = %parallel_loop3A_199 to %parallel_loop3A_200 step %parallel_loop3A_201  : i32 {
        %parallel_loop3A_280 = arith.constant 272 : i32
        %parallel_loop3A_281 = arith.muli %parallel_loop3A_279, %parallel_loop3A_280 : i32
        %parallel_loop3A_282 = vector.broadcast %parallel_loop3A_281 : i32 to vector<16xi32>
        %parallel_loop3A_283 = arith.addi %mul3A_20, %parallel_loop3A_282 : vector<16xi32>
        %parallel_loop3A_284 = tpu.vector_load_idx %arg16[%parallel_loop3A_283] : memref<6800xf32, #tpu.memory_space<vmem>>[vector<16xi32>], vector<16xf32>,
        %parallel_loop3A_285 = tpu.vector_load_idx %arg17[%parallel_loop3A_283] : memref<6800xf32, #tpu.memory_space<vmem>>[vector<16xi32>], vector<16xf32>,
        %parallel_loop3A_286 = arith.constant 1 : i32
        %parallel_loop3A_287 = vector.broadcast %parallel_loop3A_286 : i32 to vector<16xi32>
        %parallel_loop3A_288 = arith.addi %parallel_loop3A_283, %parallel_loop3A_287 : vector<16xi32>
        %parallel_loop3A_289 = tpu.vector_load_idx %arg16[%parallel_loop3A_288] : memref<6800xf32, #tpu.memory_space<vmem>>[vector<16xi32>], vector<16xf32>,
        %parallel_loop3A_290 = arith.addf %parallel_loop3A_284, %parallel_loop3A_289 : vector<16xf32>
        %parallel_loop3A_291 = arith.constant 1 : i32
        %parallel_loop3A_292 = vector.broadcast %parallel_loop3A_291 : i32 to vector<16xi32>
        %parallel_loop3A_293 = arith.addi %parallel_loop3A_283, %parallel_loop3A_292 : vector<16xi32>
        %parallel_loop3A_294 = tpu.vector_load_idx %arg17[%parallel_loop3A_293] : memref<6800xf32, #tpu.memory_space<vmem>>[vector<16xi32>], vector<16xf32>,
        %parallel_loop3A_295 = arith.addf %parallel_loop3A_285, %parallel_loop3A_294 : vector<16xf32>
        %parallel_loop3A_296 = arith.constant 2 : i32
        %parallel_loop3A_297 = vector.broadcast %parallel_loop3A_296 : i32 to vector<16xi32>
        %parallel_loop3A_298 = arith.addi %parallel_loop3A_283, %parallel_loop3A_297 : vector<16xi32>
        %parallel_loop3A_299 = tpu.vector_load_idx %arg16[%parallel_loop3A_298] : memref<6800xf32, #tpu.memory_space<vmem>>[vector<16xi32>], vector<16xf32>,
        %parallel_loop3A_300 = arith.addf %parallel_loop3A_290, %parallel_loop3A_299 : vector<16xf32>
        %parallel_loop3A_301 = arith.constant 2 : i32
        %parallel_loop3A_302 = vector.broadcast %parallel_loop3A_301 : i32 to vector<16xi32>
        %parallel_loop3A_303 = arith.addi %parallel_loop3A_283, %parallel_loop3A_302 : vector<16xi32>
        %parallel_loop3A_304 = tpu.vector_load_idx %arg17[%parallel_loop3A_303] : memref<6800xf32, #tpu.memory_space<vmem>>[vector<16xi32>], vector<16xf32>,
        %parallel_loop3A_305 = arith.addf %parallel_loop3A_295, %parallel_loop3A_304 : vector<16xf32>
        %parallel_loop3A_306 = arith.constant 3 : i32
        %parallel_loop3A_307 = vector.broadcast %parallel_loop3A_306 : i32 to vector<16xi32>
        %parallel_loop3A_308 = arith.addi %parallel_loop3A_283, %parallel_loop3A_307 : vector<16xi32>
        %parallel_loop3A_309 = tpu.vector_load_idx %arg16[%parallel_loop3A_308] : memref<6800xf32, #tpu.memory_space<vmem>>[vector<16xi32>], vector<16xf32>,
        %parallel_loop3A_310 = arith.addf %parallel_loop3A_300, %parallel_loop3A_309 : vector<16xf32>
        %parallel_loop3A_311 = arith.constant 3 : i32
        %parallel_loop3A_312 = vector.broadcast %parallel_loop3A_311 : i32 to vector<16xi32>
        %parallel_loop3A_313 = arith.addi %parallel_loop3A_283, %parallel_loop3A_312 : vector<16xi32>
        %parallel_loop3A_314 = tpu.vector_load_idx %arg17[%parallel_loop3A_313] : memref<6800xf32, #tpu.memory_space<vmem>>[vector<16xi32>], vector<16xf32>,
        %parallel_loop3A_315 = arith.addf %parallel_loop3A_305, %parallel_loop3A_314 : vector<16xf32>
        %parallel_loop3A_316 = arith.constant 4 : i32
        %parallel_loop3A_317 = vector.broadcast %parallel_loop3A_316 : i32 to vector<16xi32>
        %parallel_loop3A_318 = arith.addi %parallel_loop3A_283, %parallel_loop3A_317 : vector<16xi32>
        %parallel_loop3A_319 = tpu.vector_load_idx %arg16[%parallel_loop3A_318] : memref<6800xf32, #tpu.memory_space<vmem>>[vector<16xi32>], vector<16xf32>,
        %parallel_loop3A_320 = arith.addf %parallel_loop3A_310, %parallel_loop3A_319 : vector<16xf32>
        %parallel_loop3A_321 = arith.constant 4 : i32
        %parallel_loop3A_322 = vector.broadcast %parallel_loop3A_321 : i32 to vector<16xi32>
        %parallel_loop3A_323 = arith.addi %parallel_loop3A_283, %parallel_loop3A_322 : vector<16xi32>
        %parallel_loop3A_324 = tpu.vector_load_idx %arg17[%parallel_loop3A_323] : memref<6800xf32, #tpu.memory_space<vmem>>[vector<16xi32>], vector<16xf32>,
        %parallel_loop3A_325 = arith.addf %parallel_loop3A_315, %parallel_loop3A_324 : vector<16xf32>
        %parallel_loop3A_326 = arith.constant 5 : i32
        %parallel_loop3A_327 = vector.broadcast %parallel_loop3A_326 : i32 to vector<16xi32>
        %parallel_loop3A_328 = arith.addi %parallel_loop3A_283, %parallel_loop3A_327 : vector<16xi32>
        %parallel_loop3A_329 = tpu.vector_load_idx %arg16[%parallel_loop3A_328] : memref<6800xf32, #tpu.memory_space<vmem>>[vector<16xi32>], vector<16xf32>,
        %parallel_loop3A_330 = arith.addf %parallel_loop3A_320, %parallel_loop3A_329 : vector<16xf32>
        %parallel_loop3A_331 = arith.constant 5 : i32
        %parallel_loop3A_332 = vector.broadcast %parallel_loop3A_331 : i32 to vector<16xi32>
        %parallel_loop3A_333 = arith.addi %parallel_loop3A_283, %parallel_loop3A_332 : vector<16xi32>
        %parallel_loop3A_334 = tpu.vector_load_idx %arg17[%parallel_loop3A_333] : memref<6800xf32, #tpu.memory_space<vmem>>[vector<16xi32>], vector<16xf32>,
        %parallel_loop3A_335 = arith.addf %parallel_loop3A_325, %parallel_loop3A_334 : vector<16xf32>
        %parallel_loop3A_336 = arith.constant 6 : i32
        %parallel_loop3A_337 = vector.broadcast %parallel_loop3A_336 : i32 to vector<16xi32>
        %parallel_loop3A_338 = arith.addi %parallel_loop3A_283, %parallel_loop3A_337 : vector<16xi32>
        %parallel_loop3A_339 = tpu.vector_load_idx %arg16[%parallel_loop3A_338] : memref<6800xf32, #tpu.memory_space<vmem>>[vector<16xi32>], vector<16xf32>,
        %parallel_loop3A_340 = arith.addf %parallel_loop3A_330, %parallel_loop3A_339 : vector<16xf32>
        %parallel_loop3A_341 = arith.constant 6 : i32
        %parallel_loop3A_342 = vector.broadcast %parallel_loop3A_341 : i32 to vector<16xi32>
        %parallel_loop3A_343 = arith.addi %parallel_loop3A_283, %parallel_loop3A_342 : vector<16xi32>
        %parallel_loop3A_344 = tpu.vector_load_idx %arg17[%parallel_loop3A_343] : memref<6800xf32, #tpu.memory_space<vmem>>[vector<16xi32>], vector<16xf32>,
        %parallel_loop3A_345 = arith.addf %parallel_loop3A_335, %parallel_loop3A_344 : vector<16xf32>
        %parallel_loop3A_346 = arith.constant 7 : i32
        %parallel_loop3A_347 = vector.broadcast %parallel_loop3A_346 : i32 to vector<16xi32>
        %parallel_loop3A_348 = arith.addi %parallel_loop3A_283, %parallel_loop3A_347 : vector<16xi32>
        %parallel_loop3A_349 = tpu.vector_load_idx %arg16[%parallel_loop3A_348] : memref<6800xf32, #tpu.memory_space<vmem>>[vector<16xi32>], vector<16xf32>,
        %parallel_loop3A_350 = arith.addf %parallel_loop3A_340, %parallel_loop3A_349 : vector<16xf32>
        %parallel_loop3A_351 = arith.constant 7 : i32
        %parallel_loop3A_352 = vector.broadcast %parallel_loop3A_351 : i32 to vector<16xi32>
        %parallel_loop3A_353 = arith.addi %parallel_loop3A_283, %parallel_loop3A_352 : vector<16xi32>
        %parallel_loop3A_354 = tpu.vector_load_idx %arg17[%parallel_loop3A_353] : memref<6800xf32, #tpu.memory_space<vmem>>[vector<16xi32>], vector<16xf32>,
        %parallel_loop3A_355 = arith.addf %parallel_loop3A_345, %parallel_loop3A_354 : vector<16xf32>
        %parallel_loop3A_356 = arith.constant 8 : i32
        %parallel_loop3A_357 = vector.broadcast %parallel_loop3A_356 : i32 to vector<16xi32>
        %parallel_loop3A_358 = arith.addi %parallel_loop3A_283, %parallel_loop3A_357 : vector<16xi32>
        %parallel_loop3A_359 = tpu.vector_load_idx %arg16[%parallel_loop3A_358] : memref<6800xf32, #tpu.memory_space<vmem>>[vector<16xi32>], vector<16xf32>,
        %parallel_loop3A_360 = arith.addf %parallel_loop3A_350, %parallel_loop3A_359 : vector<16xf32>
        %parallel_loop3A_361 = arith.constant 8 : i32
        %parallel_loop3A_362 = vector.broadcast %parallel_loop3A_361 : i32 to vector<16xi32>
        %parallel_loop3A_363 = arith.addi %parallel_loop3A_283, %parallel_loop3A_362 : vector<16xi32>
        %parallel_loop3A_364 = tpu.vector_load_idx %arg17[%parallel_loop3A_363] : memref<6800xf32, #tpu.memory_space<vmem>>[vector<16xi32>], vector<16xf32>,
        %parallel_loop3A_365 = arith.addf %parallel_loop3A_355, %parallel_loop3A_364 : vector<16xf32>
        %parallel_loop3A_366 = arith.constant 9 : i32
        %parallel_loop3A_367 = vector.broadcast %parallel_loop3A_366 : i32 to vector<16xi32>
        %parallel_loop3A_368 = arith.addi %parallel_loop3A_283, %parallel_loop3A_367 : vector<16xi32>
        %parallel_loop3A_369 = tpu.vector_load_idx %arg16[%parallel_loop3A_368] : memref<6800xf32, #tpu.memory_space<vmem>>[vector<16xi32>], vector<16xf32>,
        %parallel_loop3A_370 = arith.addf %parallel_loop3A_360, %parallel_loop3A_369 : vector<16xf32>
        %parallel_loop3A_371 = arith.constant 9 : i32
        %parallel_loop3A_372 = vector.broadcast %parallel_loop3A_371 : i32 to vector<16xi32>
        %parallel_loop3A_373 = arith.addi %parallel_loop3A_283, %parallel_loop3A_372 : vector<16xi32>
        %parallel_loop3A_374 = tpu.vector_load_idx %arg17[%parallel_loop3A_373] : memref<6800xf32, #tpu.memory_space<vmem>>[vector<16xi32>], vector<16xf32>,
        %parallel_loop3A_375 = arith.addf %parallel_loop3A_365, %parallel_loop3A_374 : vector<16xf32>
        %parallel_loop3A_376 = arith.constant 10 : i32
        %parallel_loop3A_377 = vector.broadcast %parallel_loop3A_376 : i32 to vector<16xi32>
        %parallel_loop3A_378 = arith.addi %parallel_loop3A_283, %parallel_loop3A_377 : vector<16xi32>
        %parallel_loop3A_379 = tpu.vector_load_idx %arg16[%parallel_loop3A_378] : memref<6800xf32, #tpu.memory_space<vmem>>[vector<16xi32>], vector<16xf32>,
        %parallel_loop3A_380 = arith.addf %parallel_loop3A_370, %parallel_loop3A_379 : vector<16xf32>
        %parallel_loop3A_381 = arith.constant 10 : i32
        %parallel_loop3A_382 = vector.broadcast %parallel_loop3A_381 : i32 to vector<16xi32>
        %parallel_loop3A_383 = arith.addi %parallel_loop3A_283, %parallel_loop3A_382 : vector<16xi32>
        %parallel_loop3A_384 = tpu.vector_load_idx %arg17[%parallel_loop3A_383] : memref<6800xf32, #tpu.memory_space<vmem>>[vector<16xi32>], vector<16xf32>,
        %parallel_loop3A_385 = arith.addf %parallel_loop3A_375, %parallel_loop3A_384 : vector<16xf32>
        %parallel_loop3A_386 = arith.constant 11 : i32
        %parallel_loop3A_387 = vector.broadcast %parallel_loop3A_386 : i32 to vector<16xi32>
        %parallel_loop3A_388 = arith.addi %parallel_loop3A_283, %parallel_loop3A_387 : vector<16xi32>
        %parallel_loop3A_389 = tpu.vector_load_idx %arg16[%parallel_loop3A_388] : memref<6800xf32, #tpu.memory_space<vmem>>[vector<16xi32>], vector<16xf32>,
        %parallel_loop3A_390 = arith.addf %parallel_loop3A_380, %parallel_loop3A_389 : vector<16xf32>
        %parallel_loop3A_391 = arith.constant 11 : i32
        %parallel_loop3A_392 = vector.broadcast %parallel_loop3A_391 : i32 to vector<16xi32>
        %parallel_loop3A_393 = arith.addi %parallel_loop3A_283, %parallel_loop3A_392 : vector<16xi32>
        %parallel_loop3A_394 = tpu.vector_load_idx %arg17[%parallel_loop3A_393] : memref<6800xf32, #tpu.memory_space<vmem>>[vector<16xi32>], vector<16xf32>,
        %parallel_loop3A_395 = arith.addf %parallel_loop3A_385, %parallel_loop3A_394 : vector<16xf32>
        %parallel_loop3A_396 = arith.constant 12 : i32
        %parallel_loop3A_397 = vector.broadcast %parallel_loop3A_396 : i32 to vector<16xi32>
        %parallel_loop3A_398 = arith.addi %parallel_loop3A_283, %parallel_loop3A_397 : vector<16xi32>
        %parallel_loop3A_399 = tpu.vector_load_idx %arg16[%parallel_loop3A_398] : memref<6800xf32, #tpu.memory_space<vmem>>[vector<16xi32>], vector<16xf32>,
        %parallel_loop3A_400 = arith.addf %parallel_loop3A_390, %parallel_loop3A_399 : vector<16xf32>
        %parallel_loop3A_401 = arith.constant 12 : i32
        %parallel_loop3A_402 = vector.broadcast %parallel_loop3A_401 : i32 to vector<16xi32>
        %parallel_loop3A_403 = arith.addi %parallel_loop3A_283, %parallel_loop3A_402 : vector<16xi32>
        %parallel_loop3A_404 = tpu.vector_load_idx %arg17[%parallel_loop3A_403] : memref<6800xf32, #tpu.memory_space<vmem>>[vector<16xi32>], vector<16xf32>,
        %parallel_loop3A_405 = arith.addf %parallel_loop3A_395, %parallel_loop3A_404 : vector<16xf32>
        %parallel_loop3A_406 = arith.constant 13 : i32
        %parallel_loop3A_407 = vector.broadcast %parallel_loop3A_406 : i32 to vector<16xi32>
        %parallel_loop3A_408 = arith.addi %parallel_loop3A_283, %parallel_loop3A_407 : vector<16xi32>
        %parallel_loop3A_409 = tpu.vector_load_idx %arg16[%parallel_loop3A_408] : memref<6800xf32, #tpu.memory_space<vmem>>[vector<16xi32>], vector<16xf32>,
        %parallel_loop3A_410 = arith.addf %parallel_loop3A_400, %parallel_loop3A_409 : vector<16xf32>
        %parallel_loop3A_411 = arith.constant 13 : i32
        %parallel_loop3A_412 = vector.broadcast %parallel_loop3A_411 : i32 to vector<16xi32>
        %parallel_loop3A_413 = arith.addi %parallel_loop3A_283, %parallel_loop3A_412 : vector<16xi32>
        %parallel_loop3A_414 = tpu.vector_load_idx %arg17[%parallel_loop3A_413] : memref<6800xf32, #tpu.memory_space<vmem>>[vector<16xi32>], vector<16xf32>,
        %parallel_loop3A_415 = arith.addf %parallel_loop3A_405, %parallel_loop3A_414 : vector<16xf32>
        %parallel_loop3A_416 = arith.constant 14 : i32
        %parallel_loop3A_417 = vector.broadcast %parallel_loop3A_416 : i32 to vector<16xi32>
        %parallel_loop3A_418 = arith.addi %parallel_loop3A_283, %parallel_loop3A_417 : vector<16xi32>
        %parallel_loop3A_419 = tpu.vector_load_idx %arg16[%parallel_loop3A_418] : memref<6800xf32, #tpu.memory_space<vmem>>[vector<16xi32>], vector<16xf32>,
        %parallel_loop3A_420 = arith.addf %parallel_loop3A_410, %parallel_loop3A_419 : vector<16xf32>
        %parallel_loop3A_421 = arith.constant 14 : i32
        %parallel_loop3A_422 = vector.broadcast %parallel_loop3A_421 : i32 to vector<16xi32>
        %parallel_loop3A_423 = arith.addi %parallel_loop3A_283, %parallel_loop3A_422 : vector<16xi32>
        %parallel_loop3A_424 = tpu.vector_load_idx %arg17[%parallel_loop3A_423] : memref<6800xf32, #tpu.memory_space<vmem>>[vector<16xi32>], vector<16xf32>,
        %parallel_loop3A_425 = arith.addf %parallel_loop3A_415, %parallel_loop3A_424 : vector<16xf32>
        %parallel_loop3A_426 = arith.constant 15 : i32
        %parallel_loop3A_427 = vector.broadcast %parallel_loop3A_426 : i32 to vector<16xi32>
        %parallel_loop3A_428 = arith.addi %parallel_loop3A_283, %parallel_loop3A_427 : vector<16xi32>
        %parallel_loop3A_429 = tpu.vector_load_idx %arg16[%parallel_loop3A_428] : memref<6800xf32, #tpu.memory_space<vmem>>[vector<16xi32>], vector<16xf32>,
        %parallel_loop3A_430 = arith.addf %parallel_loop3A_420, %parallel_loop3A_429 : vector<16xf32>
        %parallel_loop3A_431 = arith.constant 15 : i32
        %parallel_loop3A_432 = vector.broadcast %parallel_loop3A_431 : i32 to vector<16xi32>
        %parallel_loop3A_433 = arith.addi %parallel_loop3A_283, %parallel_loop3A_432 : vector<16xi32>
        %parallel_loop3A_434 = tpu.vector_load_idx %arg17[%parallel_loop3A_433] : memref<6800xf32, #tpu.memory_space<vmem>>[vector<16xi32>], vector<16xf32>,
        %parallel_loop3A_435 = arith.addf %parallel_loop3A_425, %parallel_loop3A_434 : vector<16xf32>
        %parallel_loop3A_436 = arith.constant 1.562500e-02 : f32
        %parallel_loop3A_437 = vector.broadcast %parallel_loop3A_436 : f32 to vector<16xf32>
        %parallel_loop3A_438 = arith.mulf %parallel_loop3A_430, %parallel_loop3A_437 : vector<16xf32>
        %parallel_loop3A_439 = arith.constant 1.562500e-02 : f32
        %parallel_loop3A_440 = vector.broadcast %parallel_loop3A_439 : f32 to vector<16xf32>
        %parallel_loop3A_441 = arith.mulf %parallel_loop3A_435, %parallel_loop3A_440 : vector<16xf32>
        %parallel_loop3A_442 = arith.mulf %parallel_loop3A_438, %parallel_loop3A_438 : vector<16xf32>
        %parallel_loop3A_443 = arith.subf %parallel_loop3A_441, %parallel_loop3A_442 : vector<16xf32>
        %parallel_loop3A_444 = arith.constant 9.99999996E-13 : f32
        %parallel_loop3A_445 = vector.broadcast %parallel_loop3A_444 : f32 to vector<16xf32>
        %parallel_loop3A_446 = arith.addf %parallel_loop3A_443, %parallel_loop3A_445 : vector<16xf32>
        %parallel_loop3A_447 = tpu.bitcast %parallel_loop3A_446 : vector<16xf32> -> vector<16xi32>
        %parallel_loop3A_448 = arith.constant 1 : i32
        %parallel_loop3A_449 = vector.broadcast %parallel_loop3A_448 : i32 to vector<16xi32>
        %parallel_loop3A_450 = arith.shrsi %parallel_loop3A_447, %parallel_loop3A_449 : vector<16xi32>
        %parallel_loop3A_451 = arith.constant 1597463007 : i32
        %parallel_loop3A_452 = vector.broadcast %parallel_loop3A_451 : i32 to vector<16xi32>
        %parallel_loop3A_453 = arith.subi %parallel_loop3A_452, %parallel_loop3A_450 : vector<16xi32>
        %parallel_loop3A_454 = tpu.bitcast %parallel_loop3A_453 : vector<16xi32> -> vector<16xf32>
        %parallel_loop3A_455 = arith.constant 5.000000e-01 : f32
        %parallel_loop3A_456 = vector.broadcast %parallel_loop3A_455 : f32 to vector<16xf32>
        %parallel_loop3A_457 = arith.mulf %parallel_loop3A_446, %parallel_loop3A_456 : vector<16xf32>
        %parallel_loop3A_458 = arith.mulf %parallel_loop3A_457, %parallel_loop3A_454 : vector<16xf32>
        %parallel_loop3A_459 = arith.mulf %parallel_loop3A_458, %parallel_loop3A_454 : vector<16xf32>
        %parallel_loop3A_460 = arith.constant 1.500000e+00 : f32
        %parallel_loop3A_461 = vector.broadcast %parallel_loop3A_460 : f32 to vector<16xf32>
        %parallel_loop3A_462 = arith.subf %parallel_loop3A_461, %parallel_loop3A_459 : vector<16xf32>
        %parallel_loop3A_463 = arith.mulf %parallel_loop3A_454, %parallel_loop3A_462 : vector<16xf32>
        %parallel_loop3A_464 = arith.mulf %parallel_loop3A_457, %parallel_loop3A_463 : vector<16xf32>
        %parallel_loop3A_465 = arith.mulf %parallel_loop3A_464, %parallel_loop3A_463 : vector<16xf32>
        %parallel_loop3A_466 = arith.constant 1.500000e+00 : f32
        %parallel_loop3A_467 = vector.broadcast %parallel_loop3A_466 : f32 to vector<16xf32>
        %parallel_loop3A_468 = arith.subf %parallel_loop3A_467, %parallel_loop3A_465 : vector<16xf32>
        %parallel_loop3A_469 = arith.mulf %parallel_loop3A_463, %parallel_loop3A_468 : vector<16xf32>
        %parallel_loop3A_470 = arith.mulf %parallel_loop3A_457, %parallel_loop3A_469 : vector<16xf32>
        %parallel_loop3A_471 = arith.mulf %parallel_loop3A_470, %parallel_loop3A_469 : vector<16xf32>
        %parallel_loop3A_472 = arith.constant 1.500000e+00 : f32
        %parallel_loop3A_473 = vector.broadcast %parallel_loop3A_472 : f32 to vector<16xf32>
        %parallel_loop3A_474 = arith.subf %parallel_loop3A_473, %parallel_loop3A_471 : vector<16xf32>
        %parallel_loop3A_475 = arith.mulf %parallel_loop3A_469, %parallel_loop3A_474 : vector<16xf32>
        %parallel_loop3A_476 = arith.constant 8 : i32
        %parallel_loop3A_477 = arith.muli %parallel_loop3A_279, %parallel_loop3A_476 : i32
        %parallel_loop3A_478 = vector.extract_strided_slice %parallel_loop3A_438 {offsets = [0], sizes = [1], strides = [1]} : vector<16xf32> to vector<1xf32>
        %parallel_loop3A_479 = vector.extract %parallel_loop3A_478[0] : f32 from vector<1xf32>
        %parallel_loop3A_480 = vector.broadcast %parallel_loop3A_479 : f32 to vector<16xf32>
        %parallel_loop3A_481 = vector.extract_strided_slice %parallel_loop3A_475 {offsets = [0], sizes = [1], strides = [1]} : vector<16xf32> to vector<1xf32>
        %parallel_loop3A_482 = vector.extract %parallel_loop3A_481[0] : f32 from vector<1xf32>
        %parallel_loop3A_483 = vector.broadcast %parallel_loop3A_482 : f32 to vector<16xf32>
        %parallel_loop3A_484 = arith.constant 0 : i32
        %parallel_loop3A_485 = arith.addi %parallel_loop3A_477, %parallel_loop3A_484 : i32
        %parallel_loop3A_486 = arith.index_cast %parallel_loop3A_485 : i32 to index
        %parallel_loop3A_487 = arith.constant 0 : index
        %parallel_loop3A_488 = tpu.vector_load %arg11[%parallel_loop3A_486, %parallel_loop3A_487] {strides = array<i32>} : memref<200x128xf32, #tpu.memory_space<vmem>>, vector<16xf32>,
        %parallel_loop3A_489 = arith.subf %parallel_loop3A_488, %parallel_loop3A_480 : vector<16xf32>
        %parallel_loop3A_490 = arith.mulf %parallel_loop3A_489, %parallel_loop3A_483 : vector<16xf32>
        %parallel_loop3A_491 = arith.mulf %parallel_loop3A_490, %get3A_3 : vector<16xf32>
        %parallel_loop3A_492 = arith.addf %parallel_loop3A_491, %get3A_11 : vector<16xf32>
        %parallel_loop3A_493 = arith.constant 0 : i32
        %parallel_loop3A_494 = arith.addi %parallel_loop3A_477, %parallel_loop3A_493 : i32
        %parallel_loop3A_495 = arith.index_cast %parallel_loop3A_494 : i32 to index
        %parallel_loop3A_496 = arith.constant 0 : index
        %parallel_loop3A_497 = tpu.vector_load %arg11[%parallel_loop3A_495, %parallel_loop3A_496] {strides = array<i32>} : memref<200x128xf32, #tpu.memory_space<vmem>>, vector<16xf32>,
        tpu.vector_store %arg11[%parallel_loop3A_495, %parallel_loop3A_496], %parallel_loop3A_492 {strides = array<i32>} : memref<200x128xf32, #tpu.memory_space<vmem>>, vector<16xf32>,
        %parallel_loop3A_498 = arith.constant 0 : i32
        %parallel_loop3A_499 = arith.addi %parallel_loop3A_477, %parallel_loop3A_498 : i32
        %parallel_loop3A_500 = arith.index_cast %parallel_loop3A_499 : i32 to index
        %parallel_loop3A_501 = arith.constant 16 : index
        %parallel_loop3A_502 = tpu.vector_load %arg11[%parallel_loop3A_500, %parallel_loop3A_501] {strides = array<i32>} : memref<200x128xf32, #tpu.memory_space<vmem>>, vector<16xf32>,
        %parallel_loop3A_503 = arith.subf %parallel_loop3A_502, %parallel_loop3A_480 : vector<16xf32>
        %parallel_loop3A_504 = arith.mulf %parallel_loop3A_503, %parallel_loop3A_483 : vector<16xf32>
        %parallel_loop3A_505 = arith.mulf %parallel_loop3A_504, %get3A_5 : vector<16xf32>
        %parallel_loop3A_506 = arith.addf %parallel_loop3A_505, %get3A_13 : vector<16xf32>
        %parallel_loop3A_507 = arith.constant 0 : i32
        %parallel_loop3A_508 = arith.addi %parallel_loop3A_477, %parallel_loop3A_507 : i32
        %parallel_loop3A_509 = arith.index_cast %parallel_loop3A_508 : i32 to index
        %parallel_loop3A_510 = arith.constant 16 : index
        %parallel_loop3A_511 = tpu.vector_load %arg11[%parallel_loop3A_509, %parallel_loop3A_510] {strides = array<i32>} : memref<200x128xf32, #tpu.memory_space<vmem>>, vector<16xf32>,
        tpu.vector_store %arg11[%parallel_loop3A_509, %parallel_loop3A_510], %parallel_loop3A_506 {strides = array<i32>} : memref<200x128xf32, #tpu.memory_space<vmem>>, vector<16xf32>,
        %parallel_loop3A_512 = arith.constant 0 : i32
        %parallel_loop3A_513 = arith.addi %parallel_loop3A_477, %parallel_loop3A_512 : i32
        %parallel_loop3A_514 = arith.index_cast %parallel_loop3A_513 : i32 to index
        %parallel_loop3A_515 = arith.constant 32 : index
        %parallel_loop3A_516 = tpu.vector_load %arg11[%parallel_loop3A_514, %parallel_loop3A_515] {strides = array<i32>} : memref<200x128xf32, #tpu.memory_space<vmem>>, vector<16xf32>,
        %parallel_loop3A_517 = arith.subf %parallel_loop3A_516, %parallel_loop3A_480 : vector<16xf32>
        %parallel_loop3A_518 = arith.mulf %parallel_loop3A_517, %parallel_loop3A_483 : vector<16xf32>
        %parallel_loop3A_519 = arith.mulf %parallel_loop3A_518, %get3A_7 : vector<16xf32>
        %parallel_loop3A_520 = arith.addf %parallel_loop3A_519, %get3A_15 : vector<16xf32>
        %parallel_loop3A_521 = arith.constant 0 : i32
        %parallel_loop3A_522 = arith.addi %parallel_loop3A_477, %parallel_loop3A_521 : i32
        %parallel_loop3A_523 = arith.index_cast %parallel_loop3A_522 : i32 to index
        %parallel_loop3A_524 = arith.constant 32 : index
        %parallel_loop3A_525 = tpu.vector_load %arg11[%parallel_loop3A_523, %parallel_loop3A_524] {strides = array<i32>} : memref<200x128xf32, #tpu.memory_space<vmem>>, vector<16xf32>,
        tpu.vector_store %arg11[%parallel_loop3A_523, %parallel_loop3A_524], %parallel_loop3A_520 {strides = array<i32>} : memref<200x128xf32, #tpu.memory_space<vmem>>, vector<16xf32>,
        %parallel_loop3A_526 = arith.constant 0 : i32
        %parallel_loop3A_527 = arith.addi %parallel_loop3A_477, %parallel_loop3A_526 : i32
        %parallel_loop3A_528 = arith.index_cast %parallel_loop3A_527 : i32 to index
        %parallel_loop3A_529 = arith.constant 48 : index
        %parallel_loop3A_530 = tpu.vector_load %arg11[%parallel_loop3A_528, %parallel_loop3A_529] {strides = array<i32>} : memref<200x128xf32, #tpu.memory_space<vmem>>, vector<16xf32>,
        %parallel_loop3A_531 = arith.subf %parallel_loop3A_530, %parallel_loop3A_480 : vector<16xf32>
        %parallel_loop3A_532 = arith.mulf %parallel_loop3A_531, %parallel_loop3A_483 : vector<16xf32>
        %parallel_loop3A_533 = arith.mulf %parallel_loop3A_532, %get3A_9 : vector<16xf32>
        %parallel_loop3A_534 = arith.addf %parallel_loop3A_533, %get3A_17 : vector<16xf32>
        %parallel_loop3A_535 = arith.constant 0 : i32
        %parallel_loop3A_536 = arith.addi %parallel_loop3A_477, %parallel_loop3A_535 : i32
        %parallel_loop3A_537 = arith.index_cast %parallel_loop3A_536 : i32 to index
        %parallel_loop3A_538 = arith.constant 48 : index
        %parallel_loop3A_539 = tpu.vector_load %arg11[%parallel_loop3A_537, %parallel_loop3A_538] {strides = array<i32>} : memref<200x128xf32, #tpu.memory_space<vmem>>, vector<16xf32>,
        tpu.vector_store %arg11[%parallel_loop3A_537, %parallel_loop3A_538], %parallel_loop3A_534 {strides = array<i32>} : memref<200x128xf32, #tpu.memory_space<vmem>>, vector<16xf32>,
        %parallel_loop3A_540 = vector.extract_strided_slice %parallel_loop3A_438 {offsets = [1], sizes = [1], strides = [1]} : vector<16xf32> to vector<1xf32>
        %parallel_loop3A_541 = vector.extract %parallel_loop3A_540[0] : f32 from vector<1xf32>
        %parallel_loop3A_542 = vector.broadcast %parallel_loop3A_541 : f32 to vector<16xf32>
        %parallel_loop3A_543 = vector.extract_strided_slice %parallel_loop3A_475 {offsets = [1], sizes = [1], strides = [1]} : vector<16xf32> to vector<1xf32>
        %parallel_loop3A_544 = vector.extract %parallel_loop3A_543[0] : f32 from vector<1xf32>
        %parallel_loop3A_545 = vector.broadcast %parallel_loop3A_544 : f32 to vector<16xf32>
        %parallel_loop3A_546 = arith.constant 0 : i32
        %parallel_loop3A_547 = arith.addi %parallel_loop3A_477, %parallel_loop3A_546 : i32
        %parallel_loop3A_548 = arith.index_cast %parallel_loop3A_547 : i32 to index
        %parallel_loop3A_549 = arith.constant 64 : index
        %parallel_loop3A_550 = tpu.vector_load %arg11[%parallel_loop3A_548, %parallel_loop3A_549] {strides = array<i32>} : memref<200x128xf32, #tpu.memory_space<vmem>>, vector<16xf32>,
        %parallel_loop3A_551 = arith.subf %parallel_loop3A_550, %parallel_loop3A_542 : vector<16xf32>
        %parallel_loop3A_552 = arith.mulf %parallel_loop3A_551, %parallel_loop3A_545 : vector<16xf32>
        %parallel_loop3A_553 = arith.mulf %parallel_loop3A_552, %get3A_3 : vector<16xf32>
        %parallel_loop3A_554 = arith.addf %parallel_loop3A_553, %get3A_11 : vector<16xf32>
        %parallel_loop3A_555 = arith.constant 0 : i32
        %parallel_loop3A_556 = arith.addi %parallel_loop3A_477, %parallel_loop3A_555 : i32
        %parallel_loop3A_557 = arith.index_cast %parallel_loop3A_556 : i32 to index
        %parallel_loop3A_558 = arith.constant 64 : index
        %parallel_loop3A_559 = tpu.vector_load %arg11[%parallel_loop3A_557, %parallel_loop3A_558] {strides = array<i32>} : memref<200x128xf32, #tpu.memory_space<vmem>>, vector<16xf32>,
        tpu.vector_store %arg11[%parallel_loop3A_557, %parallel_loop3A_558], %parallel_loop3A_554 {strides = array<i32>} : memref<200x128xf32, #tpu.memory_space<vmem>>, vector<16xf32>,
        %parallel_loop3A_560 = arith.constant 0 : i32
        %parallel_loop3A_561 = arith.addi %parallel_loop3A_477, %parallel_loop3A_560 : i32
        %parallel_loop3A_562 = arith.index_cast %parallel_loop3A_561 : i32 to index
        %parallel_loop3A_563 = arith.constant 80 : index
        %parallel_loop3A_564 = tpu.vector_load %arg11[%parallel_loop3A_562, %parallel_loop3A_563] {strides = array<i32>} : memref<200x128xf32, #tpu.memory_space<vmem>>, vector<16xf32>,
        %parallel_loop3A_565 = arith.subf %parallel_loop3A_564, %parallel_loop3A_542 : vector<16xf32>
        %parallel_loop3A_566 = arith.mulf %parallel_loop3A_565, %parallel_loop3A_545 : vector<16xf32>
        %parallel_loop3A_567 = arith.mulf %parallel_loop3A_566, %get3A_5 : vector<16xf32>
        %parallel_loop3A_568 = arith.addf %parallel_loop3A_567, %get3A_13 : vector<16xf32>
        %parallel_loop3A_569 = arith.constant 0 : i32
        %parallel_loop3A_570 = arith.addi %parallel_loop3A_477, %parallel_loop3A_569 : i32
        %parallel_loop3A_571 = arith.index_cast %parallel_loop3A_570 : i32 to index
        %parallel_loop3A_572 = arith.constant 80 : index
        %parallel_loop3A_573 = tpu.vector_load %arg11[%parallel_loop3A_571, %parallel_loop3A_572] {strides = array<i32>} : memref<200x128xf32, #tpu.memory_space<vmem>>, vector<16xf32>,
        tpu.vector_store %arg11[%parallel_loop3A_571, %parallel_loop3A_572], %parallel_loop3A_568 {strides = array<i32>} : memref<200x128xf32, #tpu.memory_space<vmem>>, vector<16xf32>,
        %parallel_loop3A_574 = arith.constant 0 : i32
        %parallel_loop3A_575 = arith.addi %parallel_loop3A_477, %parallel_loop3A_574 : i32
        %parallel_loop3A_576 = arith.index_cast %parallel_loop3A_575 : i32 to index
        %parallel_loop3A_577 = arith.constant 96 : index
        %parallel_loop3A_578 = tpu.vector_load %arg11[%parallel_loop3A_576, %parallel_loop3A_577] {strides = array<i32>} : memref<200x128xf32, #tpu.memory_space<vmem>>, vector<16xf32>,
        %parallel_loop3A_579 = arith.subf %parallel_loop3A_578, %parallel_loop3A_542 : vector<16xf32>
        %parallel_loop3A_580 = arith.mulf %parallel_loop3A_579, %parallel_loop3A_545 : vector<16xf32>
        %parallel_loop3A_581 = arith.mulf %parallel_loop3A_580, %get3A_7 : vector<16xf32>
        %parallel_loop3A_582 = arith.addf %parallel_loop3A_581, %get3A_15 : vector<16xf32>
        %parallel_loop3A_583 = arith.constant 0 : i32
        %parallel_loop3A_584 = arith.addi %parallel_loop3A_477, %parallel_loop3A_583 : i32
        %parallel_loop3A_585 = arith.index_cast %parallel_loop3A_584 : i32 to index
        %parallel_loop3A_586 = arith.constant 96 : index
        %parallel_loop3A_587 = tpu.vector_load %arg11[%parallel_loop3A_585, %parallel_loop3A_586] {strides = array<i32>} : memref<200x128xf32, #tpu.memory_space<vmem>>, vector<16xf32>,
        tpu.vector_store %arg11[%parallel_loop3A_585, %parallel_loop3A_586], %parallel_loop3A_582 {strides = array<i32>} : memref<200x128xf32, #tpu.memory_space<vmem>>, vector<16xf32>,
        %parallel_loop3A_588 = arith.constant 0 : i32
        %parallel_loop3A_589 = arith.addi %parallel_loop3A_477, %parallel_loop3A_588 : i32
        %parallel_loop3A_590 = arith.index_cast %parallel_loop3A_589 : i32 to index
        %parallel_loop3A_591 = arith.constant 112 : index
        %parallel_loop3A_592 = tpu.vector_load %arg11[%parallel_loop3A_590, %parallel_loop3A_591] {strides = array<i32>} : memref<200x128xf32, #tpu.memory_space<vmem>>, vector<16xf32>,
        %parallel_loop3A_593 = arith.subf %parallel_loop3A_592, %parallel_loop3A_542 : vector<16xf32>
        %parallel_loop3A_594 = arith.mulf %parallel_loop3A_593, %parallel_loop3A_545 : vector<16xf32>
        %parallel_loop3A_595 = arith.mulf %parallel_loop3A_594, %get3A_9 : vector<16xf32>
        %parallel_loop3A_596 = arith.addf %parallel_loop3A_595, %get3A_17 : vector<16xf32>
        %parallel_loop3A_597 = arith.constant 0 : i32
        %parallel_loop3A_598 = arith.addi %parallel_loop3A_477, %parallel_loop3A_597 : i32
        %parallel_loop3A_599 = arith.index_cast %parallel_loop3A_598 : i32 to index
        %parallel_loop3A_600 = arith.constant 112 : index
        %parallel_loop3A_601 = tpu.vector_load %arg11[%parallel_loop3A_599, %parallel_loop3A_600] {strides = array<i32>} : memref<200x128xf32, #tpu.memory_space<vmem>>, vector<16xf32>,
        tpu.vector_store %arg11[%parallel_loop3A_599, %parallel_loop3A_600], %parallel_loop3A_596 {strides = array<i32>} : memref<200x128xf32, #tpu.memory_space<vmem>>, vector<16xf32>,
        %parallel_loop3A_602 = vector.extract_strided_slice %parallel_loop3A_438 {offsets = [2], sizes = [1], strides = [1]} : vector<16xf32> to vector<1xf32>
        %parallel_loop3A_603 = vector.extract %parallel_loop3A_602[0] : f32 from vector<1xf32>
        %parallel_loop3A_604 = vector.broadcast %parallel_loop3A_603 : f32 to vector<16xf32>
        %parallel_loop3A_605 = vector.extract_strided_slice %parallel_loop3A_475 {offsets = [2], sizes = [1], strides = [1]} : vector<16xf32> to vector<1xf32>
        %parallel_loop3A_606 = vector.extract %parallel_loop3A_605[0] : f32 from vector<1xf32>
        %parallel_loop3A_607 = vector.broadcast %parallel_loop3A_606 : f32 to vector<16xf32>
        %parallel_loop3A_608 = arith.constant 1 : i32
        %parallel_loop3A_609 = arith.addi %parallel_loop3A_477, %parallel_loop3A_608 : i32
        %parallel_loop3A_610 = arith.index_cast %parallel_loop3A_609 : i32 to index
        %parallel_loop3A_611 = arith.constant 0 : index
        %parallel_loop3A_612 = tpu.vector_load %arg11[%parallel_loop3A_610, %parallel_loop3A_611] {strides = array<i32>} : memref<200x128xf32, #tpu.memory_space<vmem>>, vector<16xf32>,
        %parallel_loop3A_613 = arith.subf %parallel_loop3A_612, %parallel_loop3A_604 : vector<16xf32>
        %parallel_loop3A_614 = arith.mulf %parallel_loop3A_613, %parallel_loop3A_607 : vector<16xf32>
        %parallel_loop3A_615 = arith.mulf %parallel_loop3A_614, %get3A_3 : vector<16xf32>
        %parallel_loop3A_616 = arith.addf %parallel_loop3A_615, %get3A_11 : vector<16xf32>
        %parallel_loop3A_617 = arith.constant 1 : i32
        %parallel_loop3A_618 = arith.addi %parallel_loop3A_477, %parallel_loop3A_617 : i32
        %parallel_loop3A_619 = arith.index_cast %parallel_loop3A_618 : i32 to index
        %parallel_loop3A_620 = arith.constant 0 : index
        %parallel_loop3A_621 = tpu.vector_load %arg11[%parallel_loop3A_619, %parallel_loop3A_620] {strides = array<i32>} : memref<200x128xf32, #tpu.memory_space<vmem>>, vector<16xf32>,
        tpu.vector_store %arg11[%parallel_loop3A_619, %parallel_loop3A_620], %parallel_loop3A_616 {strides = array<i32>} : memref<200x128xf32, #tpu.memory_space<vmem>>, vector<16xf32>,
        %parallel_loop3A_622 = arith.constant 1 : i32
        %parallel_loop3A_623 = arith.addi %parallel_loop3A_477, %parallel_loop3A_622 : i32
        %parallel_loop3A_624 = arith.index_cast %parallel_loop3A_623 : i32 to index
        %parallel_loop3A_625 = arith.constant 16 : index
        %parallel_loop3A_626 = tpu.vector_load %arg11[%parallel_loop3A_624, %parallel_loop3A_625] {strides = array<i32>} : memref<200x128xf32, #tpu.memory_space<vmem>>, vector<16xf32>,
        %parallel_loop3A_627 = arith.subf %parallel_loop3A_626, %parallel_loop3A_604 : vector<16xf32>
        %parallel_loop3A_628 = arith.mulf %parallel_loop3A_627, %parallel_loop3A_607 : vector<16xf32>
        %parallel_loop3A_629 = arith.mulf %parallel_loop3A_628, %get3A_5 : vector<16xf32>
        %parallel_loop3A_630 = arith.addf %parallel_loop3A_629, %get3A_13 : vector<16xf32>
        %parallel_loop3A_631 = arith.constant 1 : i32
        %parallel_loop3A_632 = arith.addi %parallel_loop3A_477, %parallel_loop3A_631 : i32
        %parallel_loop3A_633 = arith.index_cast %parallel_loop3A_632 : i32 to index
        %parallel_loop3A_634 = arith.constant 16 : index
        %parallel_loop3A_635 = tpu.vector_load %arg11[%parallel_loop3A_633, %parallel_loop3A_634] {strides = array<i32>} : memref<200x128xf32, #tpu.memory_space<vmem>>, vector<16xf32>,
        tpu.vector_store %arg11[%parallel_loop3A_633, %parallel_loop3A_634], %parallel_loop3A_630 {strides = array<i32>} : memref<200x128xf32, #tpu.memory_space<vmem>>, vector<16xf32>,
        %parallel_loop3A_636 = arith.constant 1 : i32
        %parallel_loop3A_637 = arith.addi %parallel_loop3A_477, %parallel_loop3A_636 : i32
        %parallel_loop3A_638 = arith.index_cast %parallel_loop3A_637 : i32 to index
        %parallel_loop3A_639 = arith.constant 32 : index
        %parallel_loop3A_640 = tpu.vector_load %arg11[%parallel_loop3A_638, %parallel_loop3A_639] {strides = array<i32>} : memref<200x128xf32, #tpu.memory_space<vmem>>, vector<16xf32>,
        %parallel_loop3A_641 = arith.subf %parallel_loop3A_640, %parallel_loop3A_604 : vector<16xf32>
        %parallel_loop3A_642 = arith.mulf %parallel_loop3A_641, %parallel_loop3A_607 : vector<16xf32>
        %parallel_loop3A_643 = arith.mulf %parallel_loop3A_642, %get3A_7 : vector<16xf32>
        %parallel_loop3A_644 = arith.addf %parallel_loop3A_643, %get3A_15 : vector<16xf32>
        %parallel_loop3A_645 = arith.constant 1 : i32
        %parallel_loop3A_646 = arith.addi %parallel_loop3A_477, %parallel_loop3A_645 : i32
        %parallel_loop3A_647 = arith.index_cast %parallel_loop3A_646 : i32 to index
        %parallel_loop3A_648 = arith.constant 32 : index
        %parallel_loop3A_649 = tpu.vector_load %arg11[%parallel_loop3A_647, %parallel_loop3A_648] {strides = array<i32>} : memref<200x128xf32, #tpu.memory_space<vmem>>, vector<16xf32>,
        tpu.vector_store %arg11[%parallel_loop3A_647, %parallel_loop3A_648], %parallel_loop3A_644 {strides = array<i32>} : memref<200x128xf32, #tpu.memory_space<vmem>>, vector<16xf32>,
        %parallel_loop3A_650 = arith.constant 1 : i32
        %parallel_loop3A_651 = arith.addi %parallel_loop3A_477, %parallel_loop3A_650 : i32
        %parallel_loop3A_652 = arith.index_cast %parallel_loop3A_651 : i32 to index
        %parallel_loop3A_653 = arith.constant 48 : index
        %parallel_loop3A_654 = tpu.vector_load %arg11[%parallel_loop3A_652, %parallel_loop3A_653] {strides = array<i32>} : memref<200x128xf32, #tpu.memory_space<vmem>>, vector<16xf32>,
        %parallel_loop3A_655 = arith.subf %parallel_loop3A_654, %parallel_loop3A_604 : vector<16xf32>
        %parallel_loop3A_656 = arith.mulf %parallel_loop3A_655, %parallel_loop3A_607 : vector<16xf32>
        %parallel_loop3A_657 = arith.mulf %parallel_loop3A_656, %get3A_9 : vector<16xf32>
        %parallel_loop3A_658 = arith.addf %parallel_loop3A_657, %get3A_17 : vector<16xf32>
        %parallel_loop3A_659 = arith.constant 1 : i32
        %parallel_loop3A_660 = arith.addi %parallel_loop3A_477, %parallel_loop3A_659 : i32
        %parallel_loop3A_661 = arith.index_cast %parallel_loop3A_660 : i32 to index
        %parallel_loop3A_662 = arith.constant 48 : index
        %parallel_loop3A_663 = tpu.vector_load %arg11[%parallel_loop3A_661, %parallel_loop3A_662] {strides = array<i32>} : memref<200x128xf32, #tpu.memory_space<vmem>>, vector<16xf32>,
        tpu.vector_store %arg11[%parallel_loop3A_661, %parallel_loop3A_662], %parallel_loop3A_658 {strides = array<i32>} : memref<200x128xf32, #tpu.memory_space<vmem>>, vector<16xf32>,
        %parallel_loop3A_664 = vector.extract_strided_slice %parallel_loop3A_438 {offsets = [3], sizes = [1], strides = [1]} : vector<16xf32> to vector<1xf32>
        %parallel_loop3A_665 = vector.extract %parallel_loop3A_664[0] : f32 from vector<1xf32>
        %parallel_loop3A_666 = vector.broadcast %parallel_loop3A_665 : f32 to vector<16xf32>
        %parallel_loop3A_667 = vector.extract_strided_slice %parallel_loop3A_475 {offsets = [3], sizes = [1], strides = [1]} : vector<16xf32> to vector<1xf32>
        %parallel_loop3A_668 = vector.extract %parallel_loop3A_667[0] : f32 from vector<1xf32>
        %parallel_loop3A_669 = vector.broadcast %parallel_loop3A_668 : f32 to vector<16xf32>
        %parallel_loop3A_670 = arith.constant 1 : i32
        %parallel_loop3A_671 = arith.addi %parallel_loop3A_477, %parallel_loop3A_670 : i32
        %parallel_loop3A_672 = arith.index_cast %parallel_loop3A_671 : i32 to index
        %parallel_loop3A_673 = arith.constant 64 : index
        %parallel_loop3A_674 = tpu.vector_load %arg11[%parallel_loop3A_672, %parallel_loop3A_673] {strides = array<i32>} : memref<200x128xf32, #tpu.memory_space<vmem>>, vector<16xf32>,
        %parallel_loop3A_675 = arith.subf %parallel_loop3A_674, %parallel_loop3A_666 : vector<16xf32>
        %parallel_loop3A_676 = arith.mulf %parallel_loop3A_675, %parallel_loop3A_669 : vector<16xf32>
        %parallel_loop3A_677 = arith.mulf %parallel_loop3A_676, %get3A_3 : vector<16xf32>
        %parallel_loop3A_678 = arith.addf %parallel_loop3A_677, %get3A_11 : vector<16xf32>
        %parallel_loop3A_679 = arith.constant 1 : i32
        %parallel_loop3A_680 = arith.addi %parallel_loop3A_477, %parallel_loop3A_679 : i32
        %parallel_loop3A_681 = arith.index_cast %parallel_loop3A_680 : i32 to index
        %parallel_loop3A_682 = arith.constant 64 : index
        %parallel_loop3A_683 = tpu.vector_load %arg11[%parallel_loop3A_681, %parallel_loop3A_682] {strides = array<i32>} : memref<200x128xf32, #tpu.memory_space<vmem>>, vector<16xf32>,
        tpu.vector_store %arg11[%parallel_loop3A_681, %parallel_loop3A_682], %parallel_loop3A_678 {strides = array<i32>} : memref<200x128xf32, #tpu.memory_space<vmem>>, vector<16xf32>,
        %parallel_loop3A_684 = arith.constant 1 : i32
        %parallel_loop3A_685 = arith.addi %parallel_loop3A_477, %parallel_loop3A_684 : i32
        %parallel_loop3A_686 = arith.index_cast %parallel_loop3A_685 : i32 to index
        %parallel_loop3A_687 = arith.constant 80 : index
        %parallel_loop3A_688 = tpu.vector_load %arg11[%parallel_loop3A_686, %parallel_loop3A_687] {strides = array<i32>} : memref<200x128xf32, #tpu.memory_space<vmem>>, vector<16xf32>,
        %parallel_loop3A_689 = arith.subf %parallel_loop3A_688, %parallel_loop3A_666 : vector<16xf32>
        %parallel_loop3A_690 = arith.mulf %parallel_loop3A_689, %parallel_loop3A_669 : vector<16xf32>
        %parallel_loop3A_691 = arith.mulf %parallel_loop3A_690, %get3A_5 : vector<16xf32>
        %parallel_loop3A_692 = arith.addf %parallel_loop3A_691, %get3A_13 : vector<16xf32>
        %parallel_loop3A_693 = arith.constant 1 : i32
        %parallel_loop3A_694 = arith.addi %parallel_loop3A_477, %parallel_loop3A_693 : i32
        %parallel_loop3A_695 = arith.index_cast %parallel_loop3A_694 : i32 to index
        %parallel_loop3A_696 = arith.constant 80 : index
        %parallel_loop3A_697 = tpu.vector_load %arg11[%parallel_loop3A_695, %parallel_loop3A_696] {strides = array<i32>} : memref<200x128xf32, #tpu.memory_space<vmem>>, vector<16xf32>,
        tpu.vector_store %arg11[%parallel_loop3A_695, %parallel_loop3A_696], %parallel_loop3A_692 {strides = array<i32>} : memref<200x128xf32, #tpu.memory_space<vmem>>, vector<16xf32>,
        %parallel_loop3A_698 = arith.constant 1 : i32
        %parallel_loop3A_699 = arith.addi %parallel_loop3A_477, %parallel_loop3A_698 : i32
        %parallel_loop3A_700 = arith.index_cast %parallel_loop3A_699 : i32 to index
        %parallel_loop3A_701 = arith.constant 96 : index
        %parallel_loop3A_702 = tpu.vector_load %arg11[%parallel_loop3A_700, %parallel_loop3A_701] {strides = array<i32>} : memref<200x128xf32, #tpu.memory_space<vmem>>, vector<16xf32>,
        %parallel_loop3A_703 = arith.subf %parallel_loop3A_702, %parallel_loop3A_666 : vector<16xf32>
        %parallel_loop3A_704 = arith.mulf %parallel_loop3A_703, %parallel_loop3A_669 : vector<16xf32>
        %parallel_loop3A_705 = arith.mulf %parallel_loop3A_704, %get3A_7 : vector<16xf32>
        %parallel_loop3A_706 = arith.addf %parallel_loop3A_705, %get3A_15 : vector<16xf32>
        %parallel_loop3A_707 = arith.constant 1 : i32
        %parallel_loop3A_708 = arith.addi %parallel_loop3A_477, %parallel_loop3A_707 : i32
        %parallel_loop3A_709 = arith.index_cast %parallel_loop3A_708 : i32 to index
        %parallel_loop3A_710 = arith.constant 96 : index
        %parallel_loop3A_711 = tpu.vector_load %arg11[%parallel_loop3A_709, %parallel_loop3A_710] {strides = array<i32>} : memref<200x128xf32, #tpu.memory_space<vmem>>, vector<16xf32>,
        tpu.vector_store %arg11[%parallel_loop3A_709, %parallel_loop3A_710], %parallel_loop3A_706 {strides = array<i32>} : memref<200x128xf32, #tpu.memory_space<vmem>>, vector<16xf32>,
        %parallel_loop3A_712 = arith.constant 1 : i32
        %parallel_loop3A_713 = arith.addi %parallel_loop3A_477, %parallel_loop3A_712 : i32
        %parallel_loop3A_714 = arith.index_cast %parallel_loop3A_713 : i32 to index
        %parallel_loop3A_715 = arith.constant 112 : index
        %parallel_loop3A_716 = tpu.vector_load %arg11[%parallel_loop3A_714, %parallel_loop3A_715] {strides = array<i32>} : memref<200x128xf32, #tpu.memory_space<vmem>>, vector<16xf32>,
        %parallel_loop3A_717 = arith.subf %parallel_loop3A_716, %parallel_loop3A_666 : vector<16xf32>
        %parallel_loop3A_718 = arith.mulf %parallel_loop3A_717, %parallel_loop3A_669 : vector<16xf32>
        %parallel_loop3A_719 = arith.mulf %parallel_loop3A_718, %get3A_9 : vector<16xf32>
        %parallel_loop3A_720 = arith.addf %parallel_loop3A_719, %get3A_17 : vector<16xf32>
        %parallel_loop3A_721 = arith.constant 1 : i32
        %parallel_loop3A_722 = arith.addi %parallel_loop3A_477, %parallel_loop3A_721 : i32
        %parallel_loop3A_723 = arith.index_cast %parallel_loop3A_722 : i32 to index
        %parallel_loop3A_724 = arith.constant 112 : index
        %parallel_loop3A_725 = tpu.vector_load %arg11[%parallel_loop3A_723, %parallel_loop3A_724] {strides = array<i32>} : memref<200x128xf32, #tpu.memory_space<vmem>>, vector<16xf32>,
        tpu.vector_store %arg11[%parallel_loop3A_723, %parallel_loop3A_724], %parallel_loop3A_720 {strides = array<i32>} : memref<200x128xf32, #tpu.memory_space<vmem>>, vector<16xf32>,
        %parallel_loop3A_726 = vector.extract_strided_slice %parallel_loop3A_438 {offsets = [4], sizes = [1], strides = [1]} : vector<16xf32> to vector<1xf32>
        %parallel_loop3A_727 = vector.extract %parallel_loop3A_726[0] : f32 from vector<1xf32>
        %parallel_loop3A_728 = vector.broadcast %parallel_loop3A_727 : f32 to vector<16xf32>
        %parallel_loop3A_729 = vector.extract_strided_slice %parallel_loop3A_475 {offsets = [4], sizes = [1], strides = [1]} : vector<16xf32> to vector<1xf32>
        %parallel_loop3A_730 = vector.extract %parallel_loop3A_729[0] : f32 from vector<1xf32>
        %parallel_loop3A_731 = vector.broadcast %parallel_loop3A_730 : f32 to vector<16xf32>
        %parallel_loop3A_732 = arith.constant 2 : i32
        %parallel_loop3A_733 = arith.addi %parallel_loop3A_477, %parallel_loop3A_732 : i32
        %parallel_loop3A_734 = arith.index_cast %parallel_loop3A_733 : i32 to index
        %parallel_loop3A_735 = arith.constant 0 : index
        %parallel_loop3A_736 = tpu.vector_load %arg11[%parallel_loop3A_734, %parallel_loop3A_735] {strides = array<i32>} : memref<200x128xf32, #tpu.memory_space<vmem>>, vector<16xf32>,
        %parallel_loop3A_737 = arith.subf %parallel_loop3A_736, %parallel_loop3A_728 : vector<16xf32>
        %parallel_loop3A_738 = arith.mulf %parallel_loop3A_737, %parallel_loop3A_731 : vector<16xf32>
        %parallel_loop3A_739 = arith.mulf %parallel_loop3A_738, %get3A_3 : vector<16xf32>
        %parallel_loop3A_740 = arith.addf %parallel_loop3A_739, %get3A_11 : vector<16xf32>
        %parallel_loop3A_741 = arith.constant 2 : i32
        %parallel_loop3A_742 = arith.addi %parallel_loop3A_477, %parallel_loop3A_741 : i32
        %parallel_loop3A_743 = arith.index_cast %parallel_loop3A_742 : i32 to index
        %parallel_loop3A_744 = arith.constant 0 : index
        %parallel_loop3A_745 = tpu.vector_load %arg11[%parallel_loop3A_743, %parallel_loop3A_744] {strides = array<i32>} : memref<200x128xf32, #tpu.memory_space<vmem>>, vector<16xf32>,
        tpu.vector_store %arg11[%parallel_loop3A_743, %parallel_loop3A_744], %parallel_loop3A_740 {strides = array<i32>} : memref<200x128xf32, #tpu.memory_space<vmem>>, vector<16xf32>,
        %parallel_loop3A_746 = arith.constant 2 : i32
        %parallel_loop3A_747 = arith.addi %parallel_loop3A_477, %parallel_loop3A_746 : i32
        %parallel_loop3A_748 = arith.index_cast %parallel_loop3A_747 : i32 to index
        %parallel_loop3A_749 = arith.constant 16 : index
        %parallel_loop3A_750 = tpu.vector_load %arg11[%parallel_loop3A_748, %parallel_loop3A_749] {strides = array<i32>} : memref<200x128xf32, #tpu.memory_space<vmem>>, vector<16xf32>,
        %parallel_loop3A_751 = arith.subf %parallel_loop3A_750, %parallel_loop3A_728 : vector<16xf32>
        %parallel_loop3A_752 = arith.mulf %parallel_loop3A_751, %parallel_loop3A_731 : vector<16xf32>
        %parallel_loop3A_753 = arith.mulf %parallel_loop3A_752, %get3A_5 : vector<16xf32>
        %parallel_loop3A_754 = arith.addf %parallel_loop3A_753, %get3A_13 : vector<16xf32>
        %parallel_loop3A_755 = arith.constant 2 : i32
        %parallel_loop3A_756 = arith.addi %parallel_loop3A_477, %parallel_loop3A_755 : i32
        %parallel_loop3A_757 = arith.index_cast %parallel_loop3A_756 : i32 to index
        %parallel_loop3A_758 = arith.constant 16 : index
        %parallel_loop3A_759 = tpu.vector_load %arg11[%parallel_loop3A_757, %parallel_loop3A_758] {strides = array<i32>} : memref<200x128xf32, #tpu.memory_space<vmem>>, vector<16xf32>,
        tpu.vector_store %arg11[%parallel_loop3A_757, %parallel_loop3A_758], %parallel_loop3A_754 {strides = array<i32>} : memref<200x128xf32, #tpu.memory_space<vmem>>, vector<16xf32>,
        %parallel_loop3A_760 = arith.constant 2 : i32
        %parallel_loop3A_761 = arith.addi %parallel_loop3A_477, %parallel_loop3A_760 : i32
        %parallel_loop3A_762 = arith.index_cast %parallel_loop3A_761 : i32 to index
        %parallel_loop3A_763 = arith.constant 32 : index
        %parallel_loop3A_764 = tpu.vector_load %arg11[%parallel_loop3A_762, %parallel_loop3A_763] {strides = array<i32>} : memref<200x128xf32, #tpu.memory_space<vmem>>, vector<16xf32>,
        %parallel_loop3A_765 = arith.subf %parallel_loop3A_764, %parallel_loop3A_728 : vector<16xf32>
        %parallel_loop3A_766 = arith.mulf %parallel_loop3A_765, %parallel_loop3A_731 : vector<16xf32>
        %parallel_loop3A_767 = arith.mulf %parallel_loop3A_766, %get3A_7 : vector<16xf32>
        %parallel_loop3A_768 = arith.addf %parallel_loop3A_767, %get3A_15 : vector<16xf32>
        %parallel_loop3A_769 = arith.constant 2 : i32
        %parallel_loop3A_770 = arith.addi %parallel_loop3A_477, %parallel_loop3A_769 : i32
        %parallel_loop3A_771 = arith.index_cast %parallel_loop3A_770 : i32 to index
        %parallel_loop3A_772 = arith.constant 32 : index
        %parallel_loop3A_773 = tpu.vector_load %arg11[%parallel_loop3A_771, %parallel_loop3A_772] {strides = array<i32>} : memref<200x128xf32, #tpu.memory_space<vmem>>, vector<16xf32>,
        tpu.vector_store %arg11[%parallel_loop3A_771, %parallel_loop3A_772], %parallel_loop3A_768 {strides = array<i32>} : memref<200x128xf32, #tpu.memory_space<vmem>>, vector<16xf32>,
        %parallel_loop3A_774 = arith.constant 2 : i32
        %parallel_loop3A_775 = arith.addi %parallel_loop3A_477, %parallel_loop3A_774 : i32
        %parallel_loop3A_776 = arith.index_cast %parallel_loop3A_775 : i32 to index
        %parallel_loop3A_777 = arith.constant 48 : index
        %parallel_loop3A_778 = tpu.vector_load %arg11[%parallel_loop3A_776, %parallel_loop3A_777] {strides = array<i32>} : memref<200x128xf32, #tpu.memory_space<vmem>>, vector<16xf32>,
        %parallel_loop3A_779 = arith.subf %parallel_loop3A_778, %parallel_loop3A_728 : vector<16xf32>
        %parallel_loop3A_780 = arith.mulf %parallel_loop3A_779, %parallel_loop3A_731 : vector<16xf32>
        %parallel_loop3A_781 = arith.mulf %parallel_loop3A_780, %get3A_9 : vector<16xf32>
        %parallel_loop3A_782 = arith.addf %parallel_loop3A_781, %get3A_17 : vector<16xf32>
        %parallel_loop3A_783 = arith.constant 2 : i32
        %parallel_loop3A_784 = arith.addi %parallel_loop3A_477, %parallel_loop3A_783 : i32
        %parallel_loop3A_785 = arith.index_cast %parallel_loop3A_784 : i32 to index
        %parallel_loop3A_786 = arith.constant 48 : index
        %parallel_loop3A_787 = tpu.vector_load %arg11[%parallel_loop3A_785, %parallel_loop3A_786] {strides = array<i32>} : memref<200x128xf32, #tpu.memory_space<vmem>>, vector<16xf32>,
        tpu.vector_store %arg11[%parallel_loop3A_785, %parallel_loop3A_786], %parallel_loop3A_782 {strides = array<i32>} : memref<200x128xf32, #tpu.memory_space<vmem>>, vector<16xf32>,
        %parallel_loop3A_788 = vector.extract_strided_slice %parallel_loop3A_438 {offsets = [5], sizes = [1], strides = [1]} : vector<16xf32> to vector<1xf32>
        %parallel_loop3A_789 = vector.extract %parallel_loop3A_788[0] : f32 from vector<1xf32>
        %parallel_loop3A_790 = vector.broadcast %parallel_loop3A_789 : f32 to vector<16xf32>
        %parallel_loop3A_791 = vector.extract_strided_slice %parallel_loop3A_475 {offsets = [5], sizes = [1], strides = [1]} : vector<16xf32> to vector<1xf32>
        %parallel_loop3A_792 = vector.extract %parallel_loop3A_791[0] : f32 from vector<1xf32>
        %parallel_loop3A_793 = vector.broadcast %parallel_loop3A_792 : f32 to vector<16xf32>
        %parallel_loop3A_794 = arith.constant 2 : i32
        %parallel_loop3A_795 = arith.addi %parallel_loop3A_477, %parallel_loop3A_794 : i32
        %parallel_loop3A_796 = arith.index_cast %parallel_loop3A_795 : i32 to index
        %parallel_loop3A_797 = arith.constant 64 : index
        %parallel_loop3A_798 = tpu.vector_load %arg11[%parallel_loop3A_796, %parallel_loop3A_797] {strides = array<i32>} : memref<200x128xf32, #tpu.memory_space<vmem>>, vector<16xf32>,
        %parallel_loop3A_799 = arith.subf %parallel_loop3A_798, %parallel_loop3A_790 : vector<16xf32>
        %parallel_loop3A_800 = arith.mulf %parallel_loop3A_799, %parallel_loop3A_793 : vector<16xf32>
        %parallel_loop3A_801 = arith.mulf %parallel_loop3A_800, %get3A_3 : vector<16xf32>
        %parallel_loop3A_802 = arith.addf %parallel_loop3A_801, %get3A_11 : vector<16xf32>
        %parallel_loop3A_803 = arith.constant 2 : i32
        %parallel_loop3A_804 = arith.addi %parallel_loop3A_477, %parallel_loop3A_803 : i32
        %parallel_loop3A_805 = arith.index_cast %parallel_loop3A_804 : i32 to index
        %parallel_loop3A_806 = arith.constant 64 : index
        %parallel_loop3A_807 = tpu.vector_load %arg11[%parallel_loop3A_805, %parallel_loop3A_806] {strides = array<i32>} : memref<200x128xf32, #tpu.memory_space<vmem>>, vector<16xf32>,
        tpu.vector_store %arg11[%parallel_loop3A_805, %parallel_loop3A_806], %parallel_loop3A_802 {strides = array<i32>} : memref<200x128xf32, #tpu.memory_space<vmem>>, vector<16xf32>,
        %parallel_loop3A_808 = arith.constant 2 : i32
        %parallel_loop3A_809 = arith.addi %parallel_loop3A_477, %parallel_loop3A_808 : i32
        %parallel_loop3A_810 = arith.index_cast %parallel_loop3A_809 : i32 to index
        %parallel_loop3A_811 = arith.constant 80 : index
        %parallel_loop3A_812 = tpu.vector_load %arg11[%parallel_loop3A_810, %parallel_loop3A_811] {strides = array<i32>} : memref<200x128xf32, #tpu.memory_space<vmem>>, vector<16xf32>,
        %parallel_loop3A_813 = arith.subf %parallel_loop3A_812, %parallel_loop3A_790 : vector<16xf32>
        %parallel_loop3A_814 = arith.mulf %parallel_loop3A_813, %parallel_loop3A_793 : vector<16xf32>
        %parallel_loop3A_815 = arith.mulf %parallel_loop3A_814, %get3A_5 : vector<16xf32>
        %parallel_loop3A_816 = arith.addf %parallel_loop3A_815, %get3A_13 : vector<16xf32>
        %parallel_loop3A_817 = arith.constant 2 : i32
        %parallel_loop3A_818 = arith.addi %parallel_loop3A_477, %parallel_loop3A_817 : i32
        %parallel_loop3A_819 = arith.index_cast %parallel_loop3A_818 : i32 to index
        %parallel_loop3A_820 = arith.constant 80 : index
        %parallel_loop3A_821 = tpu.vector_load %arg11[%parallel_loop3A_819, %parallel_loop3A_820] {strides = array<i32>} : memref<200x128xf32, #tpu.memory_space<vmem>>, vector<16xf32>,
        tpu.vector_store %arg11[%parallel_loop3A_819, %parallel_loop3A_820], %parallel_loop3A_816 {strides = array<i32>} : memref<200x128xf32, #tpu.memory_space<vmem>>, vector<16xf32>,
        %parallel_loop3A_822 = arith.constant 2 : i32
        %parallel_loop3A_823 = arith.addi %parallel_loop3A_477, %parallel_loop3A_822 : i32
        %parallel_loop3A_824 = arith.index_cast %parallel_loop3A_823 : i32 to index
        %parallel_loop3A_825 = arith.constant 96 : index
        %parallel_loop3A_826 = tpu.vector_load %arg11[%parallel_loop3A_824, %parallel_loop3A_825] {strides = array<i32>} : memref<200x128xf32, #tpu.memory_space<vmem>>, vector<16xf32>,
        %parallel_loop3A_827 = arith.subf %parallel_loop3A_826, %parallel_loop3A_790 : vector<16xf32>
        %parallel_loop3A_828 = arith.mulf %parallel_loop3A_827, %parallel_loop3A_793 : vector<16xf32>
        %parallel_loop3A_829 = arith.mulf %parallel_loop3A_828, %get3A_7 : vector<16xf32>
        %parallel_loop3A_830 = arith.addf %parallel_loop3A_829, %get3A_15 : vector<16xf32>
        %parallel_loop3A_831 = arith.constant 2 : i32
        %parallel_loop3A_832 = arith.addi %parallel_loop3A_477, %parallel_loop3A_831 : i32
        %parallel_loop3A_833 = arith.index_cast %parallel_loop3A_832 : i32 to index
        %parallel_loop3A_834 = arith.constant 96 : index
        %parallel_loop3A_835 = tpu.vector_load %arg11[%parallel_loop3A_833, %parallel_loop3A_834] {strides = array<i32>} : memref<200x128xf32, #tpu.memory_space<vmem>>, vector<16xf32>,
        tpu.vector_store %arg11[%parallel_loop3A_833, %parallel_loop3A_834], %parallel_loop3A_830 {strides = array<i32>} : memref<200x128xf32, #tpu.memory_space<vmem>>, vector<16xf32>,
        %parallel_loop3A_836 = arith.constant 2 : i32
        %parallel_loop3A_837 = arith.addi %parallel_loop3A_477, %parallel_loop3A_836 : i32
        %parallel_loop3A_838 = arith.index_cast %parallel_loop3A_837 : i32 to index
        %parallel_loop3A_839 = arith.constant 112 : index
        %parallel_loop3A_840 = tpu.vector_load %arg11[%parallel_loop3A_838, %parallel_loop3A_839] {strides = array<i32>} : memref<200x128xf32, #tpu.memory_space<vmem>>, vector<16xf32>,
        %parallel_loop3A_841 = arith.subf %parallel_loop3A_840, %parallel_loop3A_790 : vector<16xf32>
        %parallel_loop3A_842 = arith.mulf %parallel_loop3A_841, %parallel_loop3A_793 : vector<16xf32>
        %parallel_loop3A_843 = arith.mulf %parallel_loop3A_842, %get3A_9 : vector<16xf32>
        %parallel_loop3A_844 = arith.addf %parallel_loop3A_843, %get3A_17 : vector<16xf32>
        %parallel_loop3A_845 = arith.constant 2 : i32
        %parallel_loop3A_846 = arith.addi %parallel_loop3A_477, %parallel_loop3A_845 : i32
        %parallel_loop3A_847 = arith.index_cast %parallel_loop3A_846 : i32 to index
        %parallel_loop3A_848 = arith.constant 112 : index
        %parallel_loop3A_849 = tpu.vector_load %arg11[%parallel_loop3A_847, %parallel_loop3A_848] {strides = array<i32>} : memref<200x128xf32, #tpu.memory_space<vmem>>, vector<16xf32>,
        tpu.vector_store %arg11[%parallel_loop3A_847, %parallel_loop3A_848], %parallel_loop3A_844 {strides = array<i32>} : memref<200x128xf32, #tpu.memory_space<vmem>>, vector<16xf32>,
        %parallel_loop3A_850 = vector.extract_strided_slice %parallel_loop3A_438 {offsets = [6], sizes = [1], strides = [1]} : vector<16xf32> to vector<1xf32>
        %parallel_loop3A_851 = vector.extract %parallel_loop3A_850[0] : f32 from vector<1xf32>
        %parallel_loop3A_852 = vector.broadcast %parallel_loop3A_851 : f32 to vector<16xf32>
        %parallel_loop3A_853 = vector.extract_strided_slice %parallel_loop3A_475 {offsets = [6], sizes = [1], strides = [1]} : vector<16xf32> to vector<1xf32>
        %parallel_loop3A_854 = vector.extract %parallel_loop3A_853[0] : f32 from vector<1xf32>
        %parallel_loop3A_855 = vector.broadcast %parallel_loop3A_854 : f32 to vector<16xf32>
        %parallel_loop3A_856 = arith.constant 3 : i32
        %parallel_loop3A_857 = arith.addi %parallel_loop3A_477, %parallel_loop3A_856 : i32
        %parallel_loop3A_858 = arith.index_cast %parallel_loop3A_857 : i32 to index
        %parallel_loop3A_859 = arith.constant 0 : index
        %parallel_loop3A_860 = tpu.vector_load %arg11[%parallel_loop3A_858, %parallel_loop3A_859] {strides = array<i32>} : memref<200x128xf32, #tpu.memory_space<vmem>>, vector<16xf32>,
        %parallel_loop3A_861 = arith.subf %parallel_loop3A_860, %parallel_loop3A_852 : vector<16xf32>
        %parallel_loop3A_862 = arith.mulf %parallel_loop3A_861, %parallel_loop3A_855 : vector<16xf32>
        %parallel_loop3A_863 = arith.mulf %parallel_loop3A_862, %get3A_3 : vector<16xf32>
        %parallel_loop3A_864 = arith.addf %parallel_loop3A_863, %get3A_11 : vector<16xf32>
        %parallel_loop3A_865 = arith.constant 3 : i32
        %parallel_loop3A_866 = arith.addi %parallel_loop3A_477, %parallel_loop3A_865 : i32
        %parallel_loop3A_867 = arith.index_cast %parallel_loop3A_866 : i32 to index
        %parallel_loop3A_868 = arith.constant 0 : index
        %parallel_loop3A_869 = tpu.vector_load %arg11[%parallel_loop3A_867, %parallel_loop3A_868] {strides = array<i32>} : memref<200x128xf32, #tpu.memory_space<vmem>>, vector<16xf32>,
        tpu.vector_store %arg11[%parallel_loop3A_867, %parallel_loop3A_868], %parallel_loop3A_864 {strides = array<i32>} : memref<200x128xf32, #tpu.memory_space<vmem>>, vector<16xf32>,
        %parallel_loop3A_870 = arith.constant 3 : i32
        %parallel_loop3A_871 = arith.addi %parallel_loop3A_477, %parallel_loop3A_870 : i32
        %parallel_loop3A_872 = arith.index_cast %parallel_loop3A_871 : i32 to index
        %parallel_loop3A_873 = arith.constant 16 : index
        %parallel_loop3A_874 = tpu.vector_load %arg11[%parallel_loop3A_872, %parallel_loop3A_873] {strides = array<i32>} : memref<200x128xf32, #tpu.memory_space<vmem>>, vector<16xf32>,
        %parallel_loop3A_875 = arith.subf %parallel_loop3A_874, %parallel_loop3A_852 : vector<16xf32>
        %parallel_loop3A_876 = arith.mulf %parallel_loop3A_875, %parallel_loop3A_855 : vector<16xf32>
        %parallel_loop3A_877 = arith.mulf %parallel_loop3A_876, %get3A_5 : vector<16xf32>
        %parallel_loop3A_878 = arith.addf %parallel_loop3A_877, %get3A_13 : vector<16xf32>
        %parallel_loop3A_879 = arith.constant 3 : i32
        %parallel_loop3A_880 = arith.addi %parallel_loop3A_477, %parallel_loop3A_879 : i32
        %parallel_loop3A_881 = arith.index_cast %parallel_loop3A_880 : i32 to index
        %parallel_loop3A_882 = arith.constant 16 : index
        %parallel_loop3A_883 = tpu.vector_load %arg11[%parallel_loop3A_881, %parallel_loop3A_882] {strides = array<i32>} : memref<200x128xf32, #tpu.memory_space<vmem>>, vector<16xf32>,
        tpu.vector_store %arg11[%parallel_loop3A_881, %parallel_loop3A_882], %parallel_loop3A_878 {strides = array<i32>} : memref<200x128xf32, #tpu.memory_space<vmem>>, vector<16xf32>,
        %parallel_loop3A_884 = arith.constant 3 : i32
        %parallel_loop3A_885 = arith.addi %parallel_loop3A_477, %parallel_loop3A_884 : i32
        %parallel_loop3A_886 = arith.index_cast %parallel_loop3A_885 : i32 to index
        %parallel_loop3A_887 = arith.constant 32 : index
        %parallel_loop3A_888 = tpu.vector_load %arg11[%parallel_loop3A_886, %parallel_loop3A_887] {strides = array<i32>} : memref<200x128xf32, #tpu.memory_space<vmem>>, vector<16xf32>,
        %parallel_loop3A_889 = arith.subf %parallel_loop3A_888, %parallel_loop3A_852 : vector<16xf32>
        %parallel_loop3A_890 = arith.mulf %parallel_loop3A_889, %parallel_loop3A_855 : vector<16xf32>
        %parallel_loop3A_891 = arith.mulf %parallel_loop3A_890, %get3A_7 : vector<16xf32>
        %parallel_loop3A_892 = arith.addf %parallel_loop3A_891, %get3A_15 : vector<16xf32>
        %parallel_loop3A_893 = arith.constant 3 : i32
        %parallel_loop3A_894 = arith.addi %parallel_loop3A_477, %parallel_loop3A_893 : i32
        %parallel_loop3A_895 = arith.index_cast %parallel_loop3A_894 : i32 to index
        %parallel_loop3A_896 = arith.constant 32 : index
        %parallel_loop3A_897 = tpu.vector_load %arg11[%parallel_loop3A_895, %parallel_loop3A_896] {strides = array<i32>} : memref<200x128xf32, #tpu.memory_space<vmem>>, vector<16xf32>,
        tpu.vector_store %arg11[%parallel_loop3A_895, %parallel_loop3A_896], %parallel_loop3A_892 {strides = array<i32>} : memref<200x128xf32, #tpu.memory_space<vmem>>, vector<16xf32>,
        %parallel_loop3A_898 = arith.constant 3 : i32
        %parallel_loop3A_899 = arith.addi %parallel_loop3A_477, %parallel_loop3A_898 : i32
        %parallel_loop3A_900 = arith.index_cast %parallel_loop3A_899 : i32 to index
        %parallel_loop3A_901 = arith.constant 48 : index
        %parallel_loop3A_902 = tpu.vector_load %arg11[%parallel_loop3A_900, %parallel_loop3A_901] {strides = array<i32>} : memref<200x128xf32, #tpu.memory_space<vmem>>, vector<16xf32>,
        %parallel_loop3A_903 = arith.subf %parallel_loop3A_902, %parallel_loop3A_852 : vector<16xf32>
        %parallel_loop3A_904 = arith.mulf %parallel_loop3A_903, %parallel_loop3A_855 : vector<16xf32>
        %parallel_loop3A_905 = arith.mulf %parallel_loop3A_904, %get3A_9 : vector<16xf32>
        %parallel_loop3A_906 = arith.addf %parallel_loop3A_905, %get3A_17 : vector<16xf32>
        %parallel_loop3A_907 = arith.constant 3 : i32
        %parallel_loop3A_908 = arith.addi %parallel_loop3A_477, %parallel_loop3A_907 : i32
        %parallel_loop3A_909 = arith.index_cast %parallel_loop3A_908 : i32 to index
        %parallel_loop3A_910 = arith.constant 48 : index
        %parallel_loop3A_911 = tpu.vector_load %arg11[%parallel_loop3A_909, %parallel_loop3A_910] {strides = array<i32>} : memref<200x128xf32, #tpu.memory_space<vmem>>, vector<16xf32>,
        tpu.vector_store %arg11[%parallel_loop3A_909, %parallel_loop3A_910], %parallel_loop3A_906 {strides = array<i32>} : memref<200x128xf32, #tpu.memory_space<vmem>>, vector<16xf32>,
        %parallel_loop3A_912 = vector.extract_strided_slice %parallel_loop3A_438 {offsets = [7], sizes = [1], strides = [1]} : vector<16xf32> to vector<1xf32>
        %parallel_loop3A_913 = vector.extract %parallel_loop3A_912[0] : f32 from vector<1xf32>
        %parallel_loop3A_914 = vector.broadcast %parallel_loop3A_913 : f32 to vector<16xf32>
        %parallel_loop3A_915 = vector.extract_strided_slice %parallel_loop3A_475 {offsets = [7], sizes = [1], strides = [1]} : vector<16xf32> to vector<1xf32>
        %parallel_loop3A_916 = vector.extract %parallel_loop3A_915[0] : f32 from vector<1xf32>
        %parallel_loop3A_917 = vector.broadcast %parallel_loop3A_916 : f32 to vector<16xf32>
        %parallel_loop3A_918 = arith.constant 3 : i32
        %parallel_loop3A_919 = arith.addi %parallel_loop3A_477, %parallel_loop3A_918 : i32
        %parallel_loop3A_920 = arith.index_cast %parallel_loop3A_919 : i32 to index
        %parallel_loop3A_921 = arith.constant 64 : index
        %parallel_loop3A_922 = tpu.vector_load %arg11[%parallel_loop3A_920, %parallel_loop3A_921] {strides = array<i32>} : memref<200x128xf32, #tpu.memory_space<vmem>>, vector<16xf32>,
        %parallel_loop3A_923 = arith.subf %parallel_loop3A_922, %parallel_loop3A_914 : vector<16xf32>
        %parallel_loop3A_924 = arith.mulf %parallel_loop3A_923, %parallel_loop3A_917 : vector<16xf32>
        %parallel_loop3A_925 = arith.mulf %parallel_loop3A_924, %get3A_3 : vector<16xf32>
        %parallel_loop3A_926 = arith.addf %parallel_loop3A_925, %get3A_11 : vector<16xf32>
        %parallel_loop3A_927 = arith.constant 3 : i32
        %parallel_loop3A_928 = arith.addi %parallel_loop3A_477, %parallel_loop3A_927 : i32
        %parallel_loop3A_929 = arith.index_cast %parallel_loop3A_928 : i32 to index
        %parallel_loop3A_930 = arith.constant 64 : index
        %parallel_loop3A_931 = tpu.vector_load %arg11[%parallel_loop3A_929, %parallel_loop3A_930] {strides = array<i32>} : memref<200x128xf32, #tpu.memory_space<vmem>>, vector<16xf32>,
        tpu.vector_store %arg11[%parallel_loop3A_929, %parallel_loop3A_930], %parallel_loop3A_926 {strides = array<i32>} : memref<200x128xf32, #tpu.memory_space<vmem>>, vector<16xf32>,
        %parallel_loop3A_932 = arith.constant 3 : i32
        %parallel_loop3A_933 = arith.addi %parallel_loop3A_477, %parallel_loop3A_932 : i32
        %parallel_loop3A_934 = arith.index_cast %parallel_loop3A_933 : i32 to index
        %parallel_loop3A_935 = arith.constant 80 : index
        %parallel_loop3A_936 = tpu.vector_load %arg11[%parallel_loop3A_934, %parallel_loop3A_935] {strides = array<i32>} : memref<200x128xf32, #tpu.memory_space<vmem>>, vector<16xf32>,
        %parallel_loop3A_937 = arith.subf %parallel_loop3A_936, %parallel_loop3A_914 : vector<16xf32>
        %parallel_loop3A_938 = arith.mulf %parallel_loop3A_937, %parallel_loop3A_917 : vector<16xf32>
        %parallel_loop3A_939 = arith.mulf %parallel_loop3A_938, %get3A_5 : vector<16xf32>
        %parallel_loop3A_940 = arith.addf %parallel_loop3A_939, %get3A_13 : vector<16xf32>
        %parallel_loop3A_941 = arith.constant 3 : i32
        %parallel_loop3A_942 = arith.addi %parallel_loop3A_477, %parallel_loop3A_941 : i32
        %parallel_loop3A_943 = arith.index_cast %parallel_loop3A_942 : i32 to index
        %parallel_loop3A_944 = arith.constant 80 : index
        %parallel_loop3A_945 = tpu.vector_load %arg11[%parallel_loop3A_943, %parallel_loop3A_944] {strides = array<i32>} : memref<200x128xf32, #tpu.memory_space<vmem>>, vector<16xf32>,
        tpu.vector_store %arg11[%parallel_loop3A_943, %parallel_loop3A_944], %parallel_loop3A_940 {strides = array<i32>} : memref<200x128xf32, #tpu.memory_space<vmem>>, vector<16xf32>,
        %parallel_loop3A_946 = arith.constant 3 : i32
        %parallel_loop3A_947 = arith.addi %parallel_loop3A_477, %parallel_loop3A_946 : i32
        %parallel_loop3A_948 = arith.index_cast %parallel_loop3A_947 : i32 to index
        %parallel_loop3A_949 = arith.constant 96 : index
        %parallel_loop3A_950 = tpu.vector_load %arg11[%parallel_loop3A_948, %parallel_loop3A_949] {strides = array<i32>} : memref<200x128xf32, #tpu.memory_space<vmem>>, vector<16xf32>,
        %parallel_loop3A_951 = arith.subf %parallel_loop3A_950, %parallel_loop3A_914 : vector<16xf32>
        %parallel_loop3A_952 = arith.mulf %parallel_loop3A_951, %parallel_loop3A_917 : vector<16xf32>
        %parallel_loop3A_953 = arith.mulf %parallel_loop3A_952, %get3A_7 : vector<16xf32>
        %parallel_loop3A_954 = arith.addf %parallel_loop3A_953, %get3A_15 : vector<16xf32>
        %parallel_loop3A_955 = arith.constant 3 : i32
        %parallel_loop3A_956 = arith.addi %parallel_loop3A_477, %parallel_loop3A_955 : i32
        %parallel_loop3A_957 = arith.index_cast %parallel_loop3A_956 : i32 to index
        %parallel_loop3A_958 = arith.constant 96 : index
        %parallel_loop3A_959 = tpu.vector_load %arg11[%parallel_loop3A_957, %parallel_loop3A_958] {strides = array<i32>} : memref<200x128xf32, #tpu.memory_space<vmem>>, vector<16xf32>,
        tpu.vector_store %arg11[%parallel_loop3A_957, %parallel_loop3A_958], %parallel_loop3A_954 {strides = array<i32>} : memref<200x128xf32, #tpu.memory_space<vmem>>, vector<16xf32>,
        %parallel_loop3A_960 = arith.constant 3 : i32
        %parallel_loop3A_961 = arith.addi %parallel_loop3A_477, %parallel_loop3A_960 : i32
        %parallel_loop3A_962 = arith.index_cast %parallel_loop3A_961 : i32 to index
        %parallel_loop3A_963 = arith.constant 112 : index
        %parallel_loop3A_964 = tpu.vector_load %arg11[%parallel_loop3A_962, %parallel_loop3A_963] {strides = array<i32>} : memref<200x128xf32, #tpu.memory_space<vmem>>, vector<16xf32>,
        %parallel_loop3A_965 = arith.subf %parallel_loop3A_964, %parallel_loop3A_914 : vector<16xf32>
        %parallel_loop3A_966 = arith.mulf %parallel_loop3A_965, %parallel_loop3A_917 : vector<16xf32>
        %parallel_loop3A_967 = arith.mulf %parallel_loop3A_966, %get3A_9 : vector<16xf32>
        %parallel_loop3A_968 = arith.addf %parallel_loop3A_967, %get3A_17 : vector<16xf32>
        %parallel_loop3A_969 = arith.constant 3 : i32
        %parallel_loop3A_970 = arith.addi %parallel_loop3A_477, %parallel_loop3A_969 : i32
        %parallel_loop3A_971 = arith.index_cast %parallel_loop3A_970 : i32 to index
        %parallel_loop3A_972 = arith.constant 112 : index
        %parallel_loop3A_973 = tpu.vector_load %arg11[%parallel_loop3A_971, %parallel_loop3A_972] {strides = array<i32>} : memref<200x128xf32, #tpu.memory_space<vmem>>, vector<16xf32>,
        tpu.vector_store %arg11[%parallel_loop3A_971, %parallel_loop3A_972], %parallel_loop3A_968 {strides = array<i32>} : memref<200x128xf32, #tpu.memory_space<vmem>>, vector<16xf32>,
        %parallel_loop3A_974 = vector.extract_strided_slice %parallel_loop3A_438 {offsets = [8], sizes = [1], strides = [1]} : vector<16xf32> to vector<1xf32>
        %parallel_loop3A_975 = vector.extract %parallel_loop3A_974[0] : f32 from vector<1xf32>
        %parallel_loop3A_976 = vector.broadcast %parallel_loop3A_975 : f32 to vector<16xf32>
        %parallel_loop3A_977 = vector.extract_strided_slice %parallel_loop3A_475 {offsets = [8], sizes = [1], strides = [1]} : vector<16xf32> to vector<1xf32>
        %parallel_loop3A_978 = vector.extract %parallel_loop3A_977[0] : f32 from vector<1xf32>
        %parallel_loop3A_979 = vector.broadcast %parallel_loop3A_978 : f32 to vector<16xf32>
        %parallel_loop3A_980 = arith.constant 4 : i32
        %parallel_loop3A_981 = arith.addi %parallel_loop3A_477, %parallel_loop3A_980 : i32
        %parallel_loop3A_982 = arith.index_cast %parallel_loop3A_981 : i32 to index
        %parallel_loop3A_983 = arith.constant 0 : index
        %parallel_loop3A_984 = tpu.vector_load %arg11[%parallel_loop3A_982, %parallel_loop3A_983] {strides = array<i32>} : memref<200x128xf32, #tpu.memory_space<vmem>>, vector<16xf32>,
        %parallel_loop3A_985 = arith.subf %parallel_loop3A_984, %parallel_loop3A_976 : vector<16xf32>
        %parallel_loop3A_986 = arith.mulf %parallel_loop3A_985, %parallel_loop3A_979 : vector<16xf32>
        %parallel_loop3A_987 = arith.mulf %parallel_loop3A_986, %get3A_3 : vector<16xf32>
        %parallel_loop3A_988 = arith.addf %parallel_loop3A_987, %get3A_11 : vector<16xf32>
        %parallel_loop3A_989 = arith.constant 4 : i32
        %parallel_loop3A_990 = arith.addi %parallel_loop3A_477, %parallel_loop3A_989 : i32
        %parallel_loop3A_991 = arith.index_cast %parallel_loop3A_990 : i32 to index
        %parallel_loop3A_992 = arith.constant 0 : index
        %parallel_loop3A_993 = tpu.vector_load %arg11[%parallel_loop3A_991, %parallel_loop3A_992] {strides = array<i32>} : memref<200x128xf32, #tpu.memory_space<vmem>>, vector<16xf32>,
        tpu.vector_store %arg11[%parallel_loop3A_991, %parallel_loop3A_992], %parallel_loop3A_988 {strides = array<i32>} : memref<200x128xf32, #tpu.memory_space<vmem>>, vector<16xf32>,
        %parallel_loop3A_994 = arith.constant 4 : i32
        %parallel_loop3A_995 = arith.addi %parallel_loop3A_477, %parallel_loop3A_994 : i32
        %parallel_loop3A_996 = arith.index_cast %parallel_loop3A_995 : i32 to index
        %parallel_loop3A_997 = arith.constant 16 : index
        %parallel_loop3A_998 = tpu.vector_load %arg11[%parallel_loop3A_996, %parallel_loop3A_997] {strides = array<i32>} : memref<200x128xf32, #tpu.memory_space<vmem>>, vector<16xf32>,
        %parallel_loop3A_999 = arith.subf %parallel_loop3A_998, %parallel_loop3A_976 : vector<16xf32>
        %parallel_loop3A_1000 = arith.mulf %parallel_loop3A_999, %parallel_loop3A_979 : vector<16xf32>
        %parallel_loop3A_1001 = arith.mulf %parallel_loop3A_1000, %get3A_5 : vector<16xf32>
        %parallel_loop3A_1002 = arith.addf %parallel_loop3A_1001, %get3A_13 : vector<16xf32>
        %parallel_loop3A_1003 = arith.constant 4 : i32
        %parallel_loop3A_1004 = arith.addi %parallel_loop3A_477, %parallel_loop3A_1003 : i32
        %parallel_loop3A_1005 = arith.index_cast %parallel_loop3A_1004 : i32 to index
        %parallel_loop3A_1006 = arith.constant 16 : index
        %parallel_loop3A_1007 = tpu.vector_load %arg11[%parallel_loop3A_1005, %parallel_loop3A_1006] {strides = array<i32>} : memref<200x128xf32, #tpu.memory_space<vmem>>, vector<16xf32>,
        tpu.vector_store %arg11[%parallel_loop3A_1005, %parallel_loop3A_1006], %parallel_loop3A_1002 {strides = array<i32>} : memref<200x128xf32, #tpu.memory_space<vmem>>, vector<16xf32>,
        %parallel_loop3A_1008 = arith.constant 4 : i32
        %parallel_loop3A_1009 = arith.addi %parallel_loop3A_477, %parallel_loop3A_1008 : i32
        %parallel_loop3A_1010 = arith.index_cast %parallel_loop3A_1009 : i32 to index
        %parallel_loop3A_1011 = arith.constant 32 : index
        %parallel_loop3A_1012 = tpu.vector_load %arg11[%parallel_loop3A_1010, %parallel_loop3A_1011] {strides = array<i32>} : memref<200x128xf32, #tpu.memory_space<vmem>>, vector<16xf32>,
        %parallel_loop3A_1013 = arith.subf %parallel_loop3A_1012, %parallel_loop3A_976 : vector<16xf32>
        %parallel_loop3A_1014 = arith.mulf %parallel_loop3A_1013, %parallel_loop3A_979 : vector<16xf32>
        %parallel_loop3A_1015 = arith.mulf %parallel_loop3A_1014, %get3A_7 : vector<16xf32>
        %parallel_loop3A_1016 = arith.addf %parallel_loop3A_1015, %get3A_15 : vector<16xf32>
        %parallel_loop3A_1017 = arith.constant 4 : i32
        %parallel_loop3A_1018 = arith.addi %parallel_loop3A_477, %parallel_loop3A_1017 : i32
        %parallel_loop3A_1019 = arith.index_cast %parallel_loop3A_1018 : i32 to index
        %parallel_loop3A_1020 = arith.constant 32 : index
        %parallel_loop3A_1021 = tpu.vector_load %arg11[%parallel_loop3A_1019, %parallel_loop3A_1020] {strides = array<i32>} : memref<200x128xf32, #tpu.memory_space<vmem>>, vector<16xf32>,
        tpu.vector_store %arg11[%parallel_loop3A_1019, %parallel_loop3A_1020], %parallel_loop3A_1016 {strides = array<i32>} : memref<200x128xf32, #tpu.memory_space<vmem>>, vector<16xf32>,
        %parallel_loop3A_1022 = arith.constant 4 : i32
        %parallel_loop3A_1023 = arith.addi %parallel_loop3A_477, %parallel_loop3A_1022 : i32
        %parallel_loop3A_1024 = arith.index_cast %parallel_loop3A_1023 : i32 to index
        %parallel_loop3A_1025 = arith.constant 48 : index
        %parallel_loop3A_1026 = tpu.vector_load %arg11[%parallel_loop3A_1024, %parallel_loop3A_1025] {strides = array<i32>} : memref<200x128xf32, #tpu.memory_space<vmem>>, vector<16xf32>,
        %parallel_loop3A_1027 = arith.subf %parallel_loop3A_1026, %parallel_loop3A_976 : vector<16xf32>
        %parallel_loop3A_1028 = arith.mulf %parallel_loop3A_1027, %parallel_loop3A_979 : vector<16xf32>
        %parallel_loop3A_1029 = arith.mulf %parallel_loop3A_1028, %get3A_9 : vector<16xf32>
        %parallel_loop3A_1030 = arith.addf %parallel_loop3A_1029, %get3A_17 : vector<16xf32>
        %parallel_loop3A_1031 = arith.constant 4 : i32
        %parallel_loop3A_1032 = arith.addi %parallel_loop3A_477, %parallel_loop3A_1031 : i32
        %parallel_loop3A_1033 = arith.index_cast %parallel_loop3A_1032 : i32 to index
        %parallel_loop3A_1034 = arith.constant 48 : index
        %parallel_loop3A_1035 = tpu.vector_load %arg11[%parallel_loop3A_1033, %parallel_loop3A_1034] {strides = array<i32>} : memref<200x128xf32, #tpu.memory_space<vmem>>, vector<16xf32>,
        tpu.vector_store %arg11[%parallel_loop3A_1033, %parallel_loop3A_1034], %parallel_loop3A_1030 {strides = array<i32>} : memref<200x128xf32, #tpu.memory_space<vmem>>, vector<16xf32>,
        %parallel_loop3A_1036 = vector.extract_strided_slice %parallel_loop3A_438 {offsets = [9], sizes = [1], strides = [1]} : vector<16xf32> to vector<1xf32>
        %parallel_loop3A_1037 = vector.extract %parallel_loop3A_1036[0] : f32 from vector<1xf32>
        %parallel_loop3A_1038 = vector.broadcast %parallel_loop3A_1037 : f32 to vector<16xf32>
        %parallel_loop3A_1039 = vector.extract_strided_slice %parallel_loop3A_475 {offsets = [9], sizes = [1], strides = [1]} : vector<16xf32> to vector<1xf32>
        %parallel_loop3A_1040 = vector.extract %parallel_loop3A_1039[0] : f32 from vector<1xf32>
        %parallel_loop3A_1041 = vector.broadcast %parallel_loop3A_1040 : f32 to vector<16xf32>
        %parallel_loop3A_1042 = arith.constant 4 : i32
        %parallel_loop3A_1043 = arith.addi %parallel_loop3A_477, %parallel_loop3A_1042 : i32
        %parallel_loop3A_1044 = arith.index_cast %parallel_loop3A_1043 : i32 to index
        %parallel_loop3A_1045 = arith.constant 64 : index
        %parallel_loop3A_1046 = tpu.vector_load %arg11[%parallel_loop3A_1044, %parallel_loop3A_1045] {strides = array<i32>} : memref<200x128xf32, #tpu.memory_space<vmem>>, vector<16xf32>,
        %parallel_loop3A_1047 = arith.subf %parallel_loop3A_1046, %parallel_loop3A_1038 : vector<16xf32>
        %parallel_loop3A_1048 = arith.mulf %parallel_loop3A_1047, %parallel_loop3A_1041 : vector<16xf32>
        %parallel_loop3A_1049 = arith.mulf %parallel_loop3A_1048, %get3A_3 : vector<16xf32>
        %parallel_loop3A_1050 = arith.addf %parallel_loop3A_1049, %get3A_11 : vector<16xf32>
        %parallel_loop3A_1051 = arith.constant 4 : i32
        %parallel_loop3A_1052 = arith.addi %parallel_loop3A_477, %parallel_loop3A_1051 : i32
        %parallel_loop3A_1053 = arith.index_cast %parallel_loop3A_1052 : i32 to index
        %parallel_loop3A_1054 = arith.constant 64 : index
        %parallel_loop3A_1055 = tpu.vector_load %arg11[%parallel_loop3A_1053, %parallel_loop3A_1054] {strides = array<i32>} : memref<200x128xf32, #tpu.memory_space<vmem>>, vector<16xf32>,
        tpu.vector_store %arg11[%parallel_loop3A_1053, %parallel_loop3A_1054], %parallel_loop3A_1050 {strides = array<i32>} : memref<200x128xf32, #tpu.memory_space<vmem>>, vector<16xf32>,
        %parallel_loop3A_1056 = arith.constant 4 : i32
        %parallel_loop3A_1057 = arith.addi %parallel_loop3A_477, %parallel_loop3A_1056 : i32
        %parallel_loop3A_1058 = arith.index_cast %parallel_loop3A_1057 : i32 to index
        %parallel_loop3A_1059 = arith.constant 80 : index
        %parallel_loop3A_1060 = tpu.vector_load %arg11[%parallel_loop3A_1058, %parallel_loop3A_1059] {strides = array<i32>} : memref<200x128xf32, #tpu.memory_space<vmem>>, vector<16xf32>,
        %parallel_loop3A_1061 = arith.subf %parallel_loop3A_1060, %parallel_loop3A_1038 : vector<16xf32>
        %parallel_loop3A_1062 = arith.mulf %parallel_loop3A_1061, %parallel_loop3A_1041 : vector<16xf32>
        %parallel_loop3A_1063 = arith.mulf %parallel_loop3A_1062, %get3A_5 : vector<16xf32>
        %parallel_loop3A_1064 = arith.addf %parallel_loop3A_1063, %get3A_13 : vector<16xf32>
        %parallel_loop3A_1065 = arith.constant 4 : i32
        %parallel_loop3A_1066 = arith.addi %parallel_loop3A_477, %parallel_loop3A_1065 : i32
        %parallel_loop3A_1067 = arith.index_cast %parallel_loop3A_1066 : i32 to index
        %parallel_loop3A_1068 = arith.constant 80 : index
        %parallel_loop3A_1069 = tpu.vector_load %arg11[%parallel_loop3A_1067, %parallel_loop3A_1068] {strides = array<i32>} : memref<200x128xf32, #tpu.memory_space<vmem>>, vector<16xf32>,
        tpu.vector_store %arg11[%parallel_loop3A_1067, %parallel_loop3A_1068], %parallel_loop3A_1064 {strides = array<i32>} : memref<200x128xf32, #tpu.memory_space<vmem>>, vector<16xf32>,
        %parallel_loop3A_1070 = arith.constant 4 : i32
        %parallel_loop3A_1071 = arith.addi %parallel_loop3A_477, %parallel_loop3A_1070 : i32
        %parallel_loop3A_1072 = arith.index_cast %parallel_loop3A_1071 : i32 to index
        %parallel_loop3A_1073 = arith.constant 96 : index
        %parallel_loop3A_1074 = tpu.vector_load %arg11[%parallel_loop3A_1072, %parallel_loop3A_1073] {strides = array<i32>} : memref<200x128xf32, #tpu.memory_space<vmem>>, vector<16xf32>,
        %parallel_loop3A_1075 = arith.subf %parallel_loop3A_1074, %parallel_loop3A_1038 : vector<16xf32>
        %parallel_loop3A_1076 = arith.mulf %parallel_loop3A_1075, %parallel_loop3A_1041 : vector<16xf32>
        %parallel_loop3A_1077 = arith.mulf %parallel_loop3A_1076, %get3A_7 : vector<16xf32>
        %parallel_loop3A_1078 = arith.addf %parallel_loop3A_1077, %get3A_15 : vector<16xf32>
        %parallel_loop3A_1079 = arith.constant 4 : i32
        %parallel_loop3A_1080 = arith.addi %parallel_loop3A_477, %parallel_loop3A_1079 : i32
        %parallel_loop3A_1081 = arith.index_cast %parallel_loop3A_1080 : i32 to index
        %parallel_loop3A_1082 = arith.constant 96 : index
        %parallel_loop3A_1083 = tpu.vector_load %arg11[%parallel_loop3A_1081, %parallel_loop3A_1082] {strides = array<i32>} : memref<200x128xf32, #tpu.memory_space<vmem>>, vector<16xf32>,
        tpu.vector_store %arg11[%parallel_loop3A_1081, %parallel_loop3A_1082], %parallel_loop3A_1078 {strides = array<i32>} : memref<200x128xf32, #tpu.memory_space<vmem>>, vector<16xf32>,
        %parallel_loop3A_1084 = arith.constant 4 : i32
        %parallel_loop3A_1085 = arith.addi %parallel_loop3A_477, %parallel_loop3A_1084 : i32
        %parallel_loop3A_1086 = arith.index_cast %parallel_loop3A_1085 : i32 to index
        %parallel_loop3A_1087 = arith.constant 112 : index
        %parallel_loop3A_1088 = tpu.vector_load %arg11[%parallel_loop3A_1086, %parallel_loop3A_1087] {strides = array<i32>} : memref<200x128xf32, #tpu.memory_space<vmem>>, vector<16xf32>,
        %parallel_loop3A_1089 = arith.subf %parallel_loop3A_1088, %parallel_loop3A_1038 : vector<16xf32>
        %parallel_loop3A_1090 = arith.mulf %parallel_loop3A_1089, %parallel_loop3A_1041 : vector<16xf32>
        %parallel_loop3A_1091 = arith.mulf %parallel_loop3A_1090, %get3A_9 : vector<16xf32>
        %parallel_loop3A_1092 = arith.addf %parallel_loop3A_1091, %get3A_17 : vector<16xf32>
        %parallel_loop3A_1093 = arith.constant 4 : i32
        %parallel_loop3A_1094 = arith.addi %parallel_loop3A_477, %parallel_loop3A_1093 : i32
        %parallel_loop3A_1095 = arith.index_cast %parallel_loop3A_1094 : i32 to index
        %parallel_loop3A_1096 = arith.constant 112 : index
        %parallel_loop3A_1097 = tpu.vector_load %arg11[%parallel_loop3A_1095, %parallel_loop3A_1096] {strides = array<i32>} : memref<200x128xf32, #tpu.memory_space<vmem>>, vector<16xf32>,
        tpu.vector_store %arg11[%parallel_loop3A_1095, %parallel_loop3A_1096], %parallel_loop3A_1092 {strides = array<i32>} : memref<200x128xf32, #tpu.memory_space<vmem>>, vector<16xf32>,
        %parallel_loop3A_1098 = vector.extract_strided_slice %parallel_loop3A_438 {offsets = [10], sizes = [1], strides = [1]} : vector<16xf32> to vector<1xf32>
        %parallel_loop3A_1099 = vector.extract %parallel_loop3A_1098[0] : f32 from vector<1xf32>
        %parallel_loop3A_1100 = vector.broadcast %parallel_loop3A_1099 : f32 to vector<16xf32>
        %parallel_loop3A_1101 = vector.extract_strided_slice %parallel_loop3A_475 {offsets = [10], sizes = [1], strides = [1]} : vector<16xf32> to vector<1xf32>
        %parallel_loop3A_1102 = vector.extract %parallel_loop3A_1101[0] : f32 from vector<1xf32>
        %parallel_loop3A_1103 = vector.broadcast %parallel_loop3A_1102 : f32 to vector<16xf32>
        %parallel_loop3A_1104 = arith.constant 5 : i32
        %parallel_loop3A_1105 = arith.addi %parallel_loop3A_477, %parallel_loop3A_1104 : i32
        %parallel_loop3A_1106 = arith.index_cast %parallel_loop3A_1105 : i32 to index
        %parallel_loop3A_1107 = arith.constant 0 : index
        %parallel_loop3A_1108 = tpu.vector_load %arg11[%parallel_loop3A_1106, %parallel_loop3A_1107] {strides = array<i32>} : memref<200x128xf32, #tpu.memory_space<vmem>>, vector<16xf32>,
        %parallel_loop3A_1109 = arith.subf %parallel_loop3A_1108, %parallel_loop3A_1100 : vector<16xf32>
        %parallel_loop3A_1110 = arith.mulf %parallel_loop3A_1109, %parallel_loop3A_1103 : vector<16xf32>
        %parallel_loop3A_1111 = arith.mulf %parallel_loop3A_1110, %get3A_3 : vector<16xf32>
        %parallel_loop3A_1112 = arith.addf %parallel_loop3A_1111, %get3A_11 : vector<16xf32>
        %parallel_loop3A_1113 = arith.constant 5 : i32
        %parallel_loop3A_1114 = arith.addi %parallel_loop3A_477, %parallel_loop3A_1113 : i32
        %parallel_loop3A_1115 = arith.index_cast %parallel_loop3A_1114 : i32 to index
        %parallel_loop3A_1116 = arith.constant 0 : index
        %parallel_loop3A_1117 = tpu.vector_load %arg11[%parallel_loop3A_1115, %parallel_loop3A_1116] {strides = array<i32>} : memref<200x128xf32, #tpu.memory_space<vmem>>, vector<16xf32>,
        tpu.vector_store %arg11[%parallel_loop3A_1115, %parallel_loop3A_1116], %parallel_loop3A_1112 {strides = array<i32>} : memref<200x128xf32, #tpu.memory_space<vmem>>, vector<16xf32>,
        %parallel_loop3A_1118 = arith.constant 5 : i32
        %parallel_loop3A_1119 = arith.addi %parallel_loop3A_477, %parallel_loop3A_1118 : i32
        %parallel_loop3A_1120 = arith.index_cast %parallel_loop3A_1119 : i32 to index
        %parallel_loop3A_1121 = arith.constant 16 : index
        %parallel_loop3A_1122 = tpu.vector_load %arg11[%parallel_loop3A_1120, %parallel_loop3A_1121] {strides = array<i32>} : memref<200x128xf32, #tpu.memory_space<vmem>>, vector<16xf32>,
        %parallel_loop3A_1123 = arith.subf %parallel_loop3A_1122, %parallel_loop3A_1100 : vector<16xf32>
        %parallel_loop3A_1124 = arith.mulf %parallel_loop3A_1123, %parallel_loop3A_1103 : vector<16xf32>
        %parallel_loop3A_1125 = arith.mulf %parallel_loop3A_1124, %get3A_5 : vector<16xf32>
        %parallel_loop3A_1126 = arith.addf %parallel_loop3A_1125, %get3A_13 : vector<16xf32>
        %parallel_loop3A_1127 = arith.constant 5 : i32
        %parallel_loop3A_1128 = arith.addi %parallel_loop3A_477, %parallel_loop3A_1127 : i32
        %parallel_loop3A_1129 = arith.index_cast %parallel_loop3A_1128 : i32 to index
        %parallel_loop3A_1130 = arith.constant 16 : index
        %parallel_loop3A_1131 = tpu.vector_load %arg11[%parallel_loop3A_1129, %parallel_loop3A_1130] {strides = array<i32>} : memref<200x128xf32, #tpu.memory_space<vmem>>, vector<16xf32>,
        tpu.vector_store %arg11[%parallel_loop3A_1129, %parallel_loop3A_1130], %parallel_loop3A_1126 {strides = array<i32>} : memref<200x128xf32, #tpu.memory_space<vmem>>, vector<16xf32>,
        %parallel_loop3A_1132 = arith.constant 5 : i32
        %parallel_loop3A_1133 = arith.addi %parallel_loop3A_477, %parallel_loop3A_1132 : i32
        %parallel_loop3A_1134 = arith.index_cast %parallel_loop3A_1133 : i32 to index
        %parallel_loop3A_1135 = arith.constant 32 : index
        %parallel_loop3A_1136 = tpu.vector_load %arg11[%parallel_loop3A_1134, %parallel_loop3A_1135] {strides = array<i32>} : memref<200x128xf32, #tpu.memory_space<vmem>>, vector<16xf32>,
        %parallel_loop3A_1137 = arith.subf %parallel_loop3A_1136, %parallel_loop3A_1100 : vector<16xf32>
        %parallel_loop3A_1138 = arith.mulf %parallel_loop3A_1137, %parallel_loop3A_1103 : vector<16xf32>
        %parallel_loop3A_1139 = arith.mulf %parallel_loop3A_1138, %get3A_7 : vector<16xf32>
        %parallel_loop3A_1140 = arith.addf %parallel_loop3A_1139, %get3A_15 : vector<16xf32>
        %parallel_loop3A_1141 = arith.constant 5 : i32
        %parallel_loop3A_1142 = arith.addi %parallel_loop3A_477, %parallel_loop3A_1141 : i32
        %parallel_loop3A_1143 = arith.index_cast %parallel_loop3A_1142 : i32 to index
        %parallel_loop3A_1144 = arith.constant 32 : index
        %parallel_loop3A_1145 = tpu.vector_load %arg11[%parallel_loop3A_1143, %parallel_loop3A_1144] {strides = array<i32>} : memref<200x128xf32, #tpu.memory_space<vmem>>, vector<16xf32>,
        tpu.vector_store %arg11[%parallel_loop3A_1143, %parallel_loop3A_1144], %parallel_loop3A_1140 {strides = array<i32>} : memref<200x128xf32, #tpu.memory_space<vmem>>, vector<16xf32>,
        %parallel_loop3A_1146 = arith.constant 5 : i32
        %parallel_loop3A_1147 = arith.addi %parallel_loop3A_477, %parallel_loop3A_1146 : i32
        %parallel_loop3A_1148 = arith.index_cast %parallel_loop3A_1147 : i32 to index
        %parallel_loop3A_1149 = arith.constant 48 : index
        %parallel_loop3A_1150 = tpu.vector_load %arg11[%parallel_loop3A_1148, %parallel_loop3A_1149] {strides = array<i32>} : memref<200x128xf32, #tpu.memory_space<vmem>>, vector<16xf32>,
        %parallel_loop3A_1151 = arith.subf %parallel_loop3A_1150, %parallel_loop3A_1100 : vector<16xf32>
        %parallel_loop3A_1152 = arith.mulf %parallel_loop3A_1151, %parallel_loop3A_1103 : vector<16xf32>
        %parallel_loop3A_1153 = arith.mulf %parallel_loop3A_1152, %get3A_9 : vector<16xf32>
        %parallel_loop3A_1154 = arith.addf %parallel_loop3A_1153, %get3A_17 : vector<16xf32>
        %parallel_loop3A_1155 = arith.constant 5 : i32
        %parallel_loop3A_1156 = arith.addi %parallel_loop3A_477, %parallel_loop3A_1155 : i32
        %parallel_loop3A_1157 = arith.index_cast %parallel_loop3A_1156 : i32 to index
        %parallel_loop3A_1158 = arith.constant 48 : index
        %parallel_loop3A_1159 = tpu.vector_load %arg11[%parallel_loop3A_1157, %parallel_loop3A_1158] {strides = array<i32>} : memref<200x128xf32, #tpu.memory_space<vmem>>, vector<16xf32>,
        tpu.vector_store %arg11[%parallel_loop3A_1157, %parallel_loop3A_1158], %parallel_loop3A_1154 {strides = array<i32>} : memref<200x128xf32, #tpu.memory_space<vmem>>, vector<16xf32>,
        %parallel_loop3A_1160 = vector.extract_strided_slice %parallel_loop3A_438 {offsets = [11], sizes = [1], strides = [1]} : vector<16xf32> to vector<1xf32>
        %parallel_loop3A_1161 = vector.extract %parallel_loop3A_1160[0] : f32 from vector<1xf32>
        %parallel_loop3A_1162 = vector.broadcast %parallel_loop3A_1161 : f32 to vector<16xf32>
        %parallel_loop3A_1163 = vector.extract_strided_slice %parallel_loop3A_475 {offsets = [11], sizes = [1], strides = [1]} : vector<16xf32> to vector<1xf32>
        %parallel_loop3A_1164 = vector.extract %parallel_loop3A_1163[0] : f32 from vector<1xf32>
        %parallel_loop3A_1165 = vector.broadcast %parallel_loop3A_1164 : f32 to vector<16xf32>
        %parallel_loop3A_1166 = arith.constant 5 : i32
        %parallel_loop3A_1167 = arith.addi %parallel_loop3A_477, %parallel_loop3A_1166 : i32
        %parallel_loop3A_1168 = arith.index_cast %parallel_loop3A_1167 : i32 to index
        %parallel_loop3A_1169 = arith.constant 64 : index
        %parallel_loop3A_1170 = tpu.vector_load %arg11[%parallel_loop3A_1168, %parallel_loop3A_1169] {strides = array<i32>} : memref<200x128xf32, #tpu.memory_space<vmem>>, vector<16xf32>,
        %parallel_loop3A_1171 = arith.subf %parallel_loop3A_1170, %parallel_loop3A_1162 : vector<16xf32>
        %parallel_loop3A_1172 = arith.mulf %parallel_loop3A_1171, %parallel_loop3A_1165 : vector<16xf32>
        %parallel_loop3A_1173 = arith.mulf %parallel_loop3A_1172, %get3A_3 : vector<16xf32>
        %parallel_loop3A_1174 = arith.addf %parallel_loop3A_1173, %get3A_11 : vector<16xf32>
        %parallel_loop3A_1175 = arith.constant 5 : i32
        %parallel_loop3A_1176 = arith.addi %parallel_loop3A_477, %parallel_loop3A_1175 : i32
        %parallel_loop3A_1177 = arith.index_cast %parallel_loop3A_1176 : i32 to index
        %parallel_loop3A_1178 = arith.constant 64 : index
        %parallel_loop3A_1179 = tpu.vector_load %arg11[%parallel_loop3A_1177, %parallel_loop3A_1178] {strides = array<i32>} : memref<200x128xf32, #tpu.memory_space<vmem>>, vector<16xf32>,
        tpu.vector_store %arg11[%parallel_loop3A_1177, %parallel_loop3A_1178], %parallel_loop3A_1174 {strides = array<i32>} : memref<200x128xf32, #tpu.memory_space<vmem>>, vector<16xf32>,
        %parallel_loop3A_1180 = arith.constant 5 : i32
        %parallel_loop3A_1181 = arith.addi %parallel_loop3A_477, %parallel_loop3A_1180 : i32
        %parallel_loop3A_1182 = arith.index_cast %parallel_loop3A_1181 : i32 to index
        %parallel_loop3A_1183 = arith.constant 80 : index
        %parallel_loop3A_1184 = tpu.vector_load %arg11[%parallel_loop3A_1182, %parallel_loop3A_1183] {strides = array<i32>} : memref<200x128xf32, #tpu.memory_space<vmem>>, vector<16xf32>,
        %parallel_loop3A_1185 = arith.subf %parallel_loop3A_1184, %parallel_loop3A_1162 : vector<16xf32>
        %parallel_loop3A_1186 = arith.mulf %parallel_loop3A_1185, %parallel_loop3A_1165 : vector<16xf32>
        %parallel_loop3A_1187 = arith.mulf %parallel_loop3A_1186, %get3A_5 : vector<16xf32>
        %parallel_loop3A_1188 = arith.addf %parallel_loop3A_1187, %get3A_13 : vector<16xf32>
        %parallel_loop3A_1189 = arith.constant 5 : i32
        %parallel_loop3A_1190 = arith.addi %parallel_loop3A_477, %parallel_loop3A_1189 : i32
        %parallel_loop3A_1191 = arith.index_cast %parallel_loop3A_1190 : i32 to index
        %parallel_loop3A_1192 = arith.constant 80 : index
        %parallel_loop3A_1193 = tpu.vector_load %arg11[%parallel_loop3A_1191, %parallel_loop3A_1192] {strides = array<i32>} : memref<200x128xf32, #tpu.memory_space<vmem>>, vector<16xf32>,
        tpu.vector_store %arg11[%parallel_loop3A_1191, %parallel_loop3A_1192], %parallel_loop3A_1188 {strides = array<i32>} : memref<200x128xf32, #tpu.memory_space<vmem>>, vector<16xf32>,
        %parallel_loop3A_1194 = arith.constant 5 : i32
        %parallel_loop3A_1195 = arith.addi %parallel_loop3A_477, %parallel_loop3A_1194 : i32
        %parallel_loop3A_1196 = arith.index_cast %parallel_loop3A_1195 : i32 to index
        %parallel_loop3A_1197 = arith.constant 96 : index
        %parallel_loop3A_1198 = tpu.vector_load %arg11[%parallel_loop3A_1196, %parallel_loop3A_1197] {strides = array<i32>} : memref<200x128xf32, #tpu.memory_space<vmem>>, vector<16xf32>,
        %parallel_loop3A_1199 = arith.subf %parallel_loop3A_1198, %parallel_loop3A_1162 : vector<16xf32>
        %parallel_loop3A_1200 = arith.mulf %parallel_loop3A_1199, %parallel_loop3A_1165 : vector<16xf32>
        %parallel_loop3A_1201 = arith.mulf %parallel_loop3A_1200, %get3A_7 : vector<16xf32>
        %parallel_loop3A_1202 = arith.addf %parallel_loop3A_1201, %get3A_15 : vector<16xf32>
        %parallel_loop3A_1203 = arith.constant 5 : i32
        %parallel_loop3A_1204 = arith.addi %parallel_loop3A_477, %parallel_loop3A_1203 : i32
        %parallel_loop3A_1205 = arith.index_cast %parallel_loop3A_1204 : i32 to index
        %parallel_loop3A_1206 = arith.constant 96 : index
        %parallel_loop3A_1207 = tpu.vector_load %arg11[%parallel_loop3A_1205, %parallel_loop3A_1206] {strides = array<i32>} : memref<200x128xf32, #tpu.memory_space<vmem>>, vector<16xf32>,
        tpu.vector_store %arg11[%parallel_loop3A_1205, %parallel_loop3A_1206], %parallel_loop3A_1202 {strides = array<i32>} : memref<200x128xf32, #tpu.memory_space<vmem>>, vector<16xf32>,
        %parallel_loop3A_1208 = arith.constant 5 : i32
        %parallel_loop3A_1209 = arith.addi %parallel_loop3A_477, %parallel_loop3A_1208 : i32
        %parallel_loop3A_1210 = arith.index_cast %parallel_loop3A_1209 : i32 to index
        %parallel_loop3A_1211 = arith.constant 112 : index
        %parallel_loop3A_1212 = tpu.vector_load %arg11[%parallel_loop3A_1210, %parallel_loop3A_1211] {strides = array<i32>} : memref<200x128xf32, #tpu.memory_space<vmem>>, vector<16xf32>,
        %parallel_loop3A_1213 = arith.subf %parallel_loop3A_1212, %parallel_loop3A_1162 : vector<16xf32>
        %parallel_loop3A_1214 = arith.mulf %parallel_loop3A_1213, %parallel_loop3A_1165 : vector<16xf32>
        %parallel_loop3A_1215 = arith.mulf %parallel_loop3A_1214, %get3A_9 : vector<16xf32>
        %parallel_loop3A_1216 = arith.addf %parallel_loop3A_1215, %get3A_17 : vector<16xf32>
        %parallel_loop3A_1217 = arith.constant 5 : i32
        %parallel_loop3A_1218 = arith.addi %parallel_loop3A_477, %parallel_loop3A_1217 : i32
        %parallel_loop3A_1219 = arith.index_cast %parallel_loop3A_1218 : i32 to index
        %parallel_loop3A_1220 = arith.constant 112 : index
        %parallel_loop3A_1221 = tpu.vector_load %arg11[%parallel_loop3A_1219, %parallel_loop3A_1220] {strides = array<i32>} : memref<200x128xf32, #tpu.memory_space<vmem>>, vector<16xf32>,
        tpu.vector_store %arg11[%parallel_loop3A_1219, %parallel_loop3A_1220], %parallel_loop3A_1216 {strides = array<i32>} : memref<200x128xf32, #tpu.memory_space<vmem>>, vector<16xf32>,
        %parallel_loop3A_1222 = vector.extract_strided_slice %parallel_loop3A_438 {offsets = [12], sizes = [1], strides = [1]} : vector<16xf32> to vector<1xf32>
        %parallel_loop3A_1223 = vector.extract %parallel_loop3A_1222[0] : f32 from vector<1xf32>
        %parallel_loop3A_1224 = vector.broadcast %parallel_loop3A_1223 : f32 to vector<16xf32>
        %parallel_loop3A_1225 = vector.extract_strided_slice %parallel_loop3A_475 {offsets = [12], sizes = [1], strides = [1]} : vector<16xf32> to vector<1xf32>
        %parallel_loop3A_1226 = vector.extract %parallel_loop3A_1225[0] : f32 from vector<1xf32>
        %parallel_loop3A_1227 = vector.broadcast %parallel_loop3A_1226 : f32 to vector<16xf32>
        %parallel_loop3A_1228 = arith.constant 6 : i32
        %parallel_loop3A_1229 = arith.addi %parallel_loop3A_477, %parallel_loop3A_1228 : i32
        %parallel_loop3A_1230 = arith.index_cast %parallel_loop3A_1229 : i32 to index
        %parallel_loop3A_1231 = arith.constant 0 : index
        %parallel_loop3A_1232 = tpu.vector_load %arg11[%parallel_loop3A_1230, %parallel_loop3A_1231] {strides = array<i32>} : memref<200x128xf32, #tpu.memory_space<vmem>>, vector<16xf32>,
        %parallel_loop3A_1233 = arith.subf %parallel_loop3A_1232, %parallel_loop3A_1224 : vector<16xf32>
        %parallel_loop3A_1234 = arith.mulf %parallel_loop3A_1233, %parallel_loop3A_1227 : vector<16xf32>
        %parallel_loop3A_1235 = arith.mulf %parallel_loop3A_1234, %get3A_3 : vector<16xf32>
        %parallel_loop3A_1236 = arith.addf %parallel_loop3A_1235, %get3A_11 : vector<16xf32>
        %parallel_loop3A_1237 = arith.constant 6 : i32
        %parallel_loop3A_1238 = arith.addi %parallel_loop3A_477, %parallel_loop3A_1237 : i32
        %parallel_loop3A_1239 = arith.index_cast %parallel_loop3A_1238 : i32 to index
        %parallel_loop3A_1240 = arith.constant 0 : index
        %parallel_loop3A_1241 = tpu.vector_load %arg11[%parallel_loop3A_1239, %parallel_loop3A_1240] {strides = array<i32>} : memref<200x128xf32, #tpu.memory_space<vmem>>, vector<16xf32>,
        tpu.vector_store %arg11[%parallel_loop3A_1239, %parallel_loop3A_1240], %parallel_loop3A_1236 {strides = array<i32>} : memref<200x128xf32, #tpu.memory_space<vmem>>, vector<16xf32>,
        %parallel_loop3A_1242 = arith.constant 6 : i32
        %parallel_loop3A_1243 = arith.addi %parallel_loop3A_477, %parallel_loop3A_1242 : i32
        %parallel_loop3A_1244 = arith.index_cast %parallel_loop3A_1243 : i32 to index
        %parallel_loop3A_1245 = arith.constant 16 : index
        %parallel_loop3A_1246 = tpu.vector_load %arg11[%parallel_loop3A_1244, %parallel_loop3A_1245] {strides = array<i32>} : memref<200x128xf32, #tpu.memory_space<vmem>>, vector<16xf32>,
        %parallel_loop3A_1247 = arith.subf %parallel_loop3A_1246, %parallel_loop3A_1224 : vector<16xf32>
        %parallel_loop3A_1248 = arith.mulf %parallel_loop3A_1247, %parallel_loop3A_1227 : vector<16xf32>
        %parallel_loop3A_1249 = arith.mulf %parallel_loop3A_1248, %get3A_5 : vector<16xf32>
        %parallel_loop3A_1250 = arith.addf %parallel_loop3A_1249, %get3A_13 : vector<16xf32>
        %parallel_loop3A_1251 = arith.constant 6 : i32
        %parallel_loop3A_1252 = arith.addi %parallel_loop3A_477, %parallel_loop3A_1251 : i32
        %parallel_loop3A_1253 = arith.index_cast %parallel_loop3A_1252 : i32 to index
        %parallel_loop3A_1254 = arith.constant 16 : index
        %parallel_loop3A_1255 = tpu.vector_load %arg11[%parallel_loop3A_1253, %parallel_loop3A_1254] {strides = array<i32>} : memref<200x128xf32, #tpu.memory_space<vmem>>, vector<16xf32>,
        tpu.vector_store %arg11[%parallel_loop3A_1253, %parallel_loop3A_1254], %parallel_loop3A_1250 {strides = array<i32>} : memref<200x128xf32, #tpu.memory_space<vmem>>, vector<16xf32>,
        %parallel_loop3A_1256 = arith.constant 6 : i32
        %parallel_loop3A_1257 = arith.addi %parallel_loop3A_477, %parallel_loop3A_1256 : i32
        %parallel_loop3A_1258 = arith.index_cast %parallel_loop3A_1257 : i32 to index
        %parallel_loop3A_1259 = arith.constant 32 : index
        %parallel_loop3A_1260 = tpu.vector_load %arg11[%parallel_loop3A_1258, %parallel_loop3A_1259] {strides = array<i32>} : memref<200x128xf32, #tpu.memory_space<vmem>>, vector<16xf32>,
        %parallel_loop3A_1261 = arith.subf %parallel_loop3A_1260, %parallel_loop3A_1224 : vector<16xf32>
        %parallel_loop3A_1262 = arith.mulf %parallel_loop3A_1261, %parallel_loop3A_1227 : vector<16xf32>
        %parallel_loop3A_1263 = arith.mulf %parallel_loop3A_1262, %get3A_7 : vector<16xf32>
        %parallel_loop3A_1264 = arith.addf %parallel_loop3A_1263, %get3A_15 : vector<16xf32>
        %parallel_loop3A_1265 = arith.constant 6 : i32
        %parallel_loop3A_1266 = arith.addi %parallel_loop3A_477, %parallel_loop3A_1265 : i32
        %parallel_loop3A_1267 = arith.index_cast %parallel_loop3A_1266 : i32 to index
        %parallel_loop3A_1268 = arith.constant 32 : index
        %parallel_loop3A_1269 = tpu.vector_load %arg11[%parallel_loop3A_1267, %parallel_loop3A_1268] {strides = array<i32>} : memref<200x128xf32, #tpu.memory_space<vmem>>, vector<16xf32>,
        tpu.vector_store %arg11[%parallel_loop3A_1267, %parallel_loop3A_1268], %parallel_loop3A_1264 {strides = array<i32>} : memref<200x128xf32, #tpu.memory_space<vmem>>, vector<16xf32>,
        %parallel_loop3A_1270 = arith.constant 6 : i32
        %parallel_loop3A_1271 = arith.addi %parallel_loop3A_477, %parallel_loop3A_1270 : i32
        %parallel_loop3A_1272 = arith.index_cast %parallel_loop3A_1271 : i32 to index
        %parallel_loop3A_1273 = arith.constant 48 : index
        %parallel_loop3A_1274 = tpu.vector_load %arg11[%parallel_loop3A_1272, %parallel_loop3A_1273] {strides = array<i32>} : memref<200x128xf32, #tpu.memory_space<vmem>>, vector<16xf32>,
        %parallel_loop3A_1275 = arith.subf %parallel_loop3A_1274, %parallel_loop3A_1224 : vector<16xf32>
        %parallel_loop3A_1276 = arith.mulf %parallel_loop3A_1275, %parallel_loop3A_1227 : vector<16xf32>
        %parallel_loop3A_1277 = arith.mulf %parallel_loop3A_1276, %get3A_9 : vector<16xf32>
        %parallel_loop3A_1278 = arith.addf %parallel_loop3A_1277, %get3A_17 : vector<16xf32>
        %parallel_loop3A_1279 = arith.constant 6 : i32
        %parallel_loop3A_1280 = arith.addi %parallel_loop3A_477, %parallel_loop3A_1279 : i32
        %parallel_loop3A_1281 = arith.index_cast %parallel_loop3A_1280 : i32 to index
        %parallel_loop3A_1282 = arith.constant 48 : index
        %parallel_loop3A_1283 = tpu.vector_load %arg11[%parallel_loop3A_1281, %parallel_loop3A_1282] {strides = array<i32>} : memref<200x128xf32, #tpu.memory_space<vmem>>, vector<16xf32>,
        tpu.vector_store %arg11[%parallel_loop3A_1281, %parallel_loop3A_1282], %parallel_loop3A_1278 {strides = array<i32>} : memref<200x128xf32, #tpu.memory_space<vmem>>, vector<16xf32>,
        %parallel_loop3A_1284 = vector.extract_strided_slice %parallel_loop3A_438 {offsets = [13], sizes = [1], strides = [1]} : vector<16xf32> to vector<1xf32>
        %parallel_loop3A_1285 = vector.extract %parallel_loop3A_1284[0] : f32 from vector<1xf32>
        %parallel_loop3A_1286 = vector.broadcast %parallel_loop3A_1285 : f32 to vector<16xf32>
        %parallel_loop3A_1287 = vector.extract_strided_slice %parallel_loop3A_475 {offsets = [13], sizes = [1], strides = [1]} : vector<16xf32> to vector<1xf32>
        %parallel_loop3A_1288 = vector.extract %parallel_loop3A_1287[0] : f32 from vector<1xf32>
        %parallel_loop3A_1289 = vector.broadcast %parallel_loop3A_1288 : f32 to vector<16xf32>
        %parallel_loop3A_1290 = arith.constant 6 : i32
        %parallel_loop3A_1291 = arith.addi %parallel_loop3A_477, %parallel_loop3A_1290 : i32
        %parallel_loop3A_1292 = arith.index_cast %parallel_loop3A_1291 : i32 to index
        %parallel_loop3A_1293 = arith.constant 64 : index
        %parallel_loop3A_1294 = tpu.vector_load %arg11[%parallel_loop3A_1292, %parallel_loop3A_1293] {strides = array<i32>} : memref<200x128xf32, #tpu.memory_space<vmem>>, vector<16xf32>,
        %parallel_loop3A_1295 = arith.subf %parallel_loop3A_1294, %parallel_loop3A_1286 : vector<16xf32>
        %parallel_loop3A_1296 = arith.mulf %parallel_loop3A_1295, %parallel_loop3A_1289 : vector<16xf32>
        %parallel_loop3A_1297 = arith.mulf %parallel_loop3A_1296, %get3A_3 : vector<16xf32>
        %parallel_loop3A_1298 = arith.addf %parallel_loop3A_1297, %get3A_11 : vector<16xf32>
        %parallel_loop3A_1299 = arith.constant 6 : i32
        %parallel_loop3A_1300 = arith.addi %parallel_loop3A_477, %parallel_loop3A_1299 : i32
        %parallel_loop3A_1301 = arith.index_cast %parallel_loop3A_1300 : i32 to index
        %parallel_loop3A_1302 = arith.constant 64 : index
        %parallel_loop3A_1303 = tpu.vector_load %arg11[%parallel_loop3A_1301, %parallel_loop3A_1302] {strides = array<i32>} : memref<200x128xf32, #tpu.memory_space<vmem>>, vector<16xf32>,
        tpu.vector_store %arg11[%parallel_loop3A_1301, %parallel_loop3A_1302], %parallel_loop3A_1298 {strides = array<i32>} : memref<200x128xf32, #tpu.memory_space<vmem>>, vector<16xf32>,
        %parallel_loop3A_1304 = arith.constant 6 : i32
        %parallel_loop3A_1305 = arith.addi %parallel_loop3A_477, %parallel_loop3A_1304 : i32
        %parallel_loop3A_1306 = arith.index_cast %parallel_loop3A_1305 : i32 to index
        %parallel_loop3A_1307 = arith.constant 80 : index
        %parallel_loop3A_1308 = tpu.vector_load %arg11[%parallel_loop3A_1306, %parallel_loop3A_1307] {strides = array<i32>} : memref<200x128xf32, #tpu.memory_space<vmem>>, vector<16xf32>,
        %parallel_loop3A_1309 = arith.subf %parallel_loop3A_1308, %parallel_loop3A_1286 : vector<16xf32>
        %parallel_loop3A_1310 = arith.mulf %parallel_loop3A_1309, %parallel_loop3A_1289 : vector<16xf32>
        %parallel_loop3A_1311 = arith.mulf %parallel_loop3A_1310, %get3A_5 : vector<16xf32>
        %parallel_loop3A_1312 = arith.addf %parallel_loop3A_1311, %get3A_13 : vector<16xf32>
        %parallel_loop3A_1313 = arith.constant 6 : i32
        %parallel_loop3A_1314 = arith.addi %parallel_loop3A_477, %parallel_loop3A_1313 : i32
        %parallel_loop3A_1315 = arith.index_cast %parallel_loop3A_1314 : i32 to index
        %parallel_loop3A_1316 = arith.constant 80 : index
        %parallel_loop3A_1317 = tpu.vector_load %arg11[%parallel_loop3A_1315, %parallel_loop3A_1316] {strides = array<i32>} : memref<200x128xf32, #tpu.memory_space<vmem>>, vector<16xf32>,
        tpu.vector_store %arg11[%parallel_loop3A_1315, %parallel_loop3A_1316], %parallel_loop3A_1312 {strides = array<i32>} : memref<200x128xf32, #tpu.memory_space<vmem>>, vector<16xf32>,
        %parallel_loop3A_1318 = arith.constant 6 : i32
        %parallel_loop3A_1319 = arith.addi %parallel_loop3A_477, %parallel_loop3A_1318 : i32
        %parallel_loop3A_1320 = arith.index_cast %parallel_loop3A_1319 : i32 to index
        %parallel_loop3A_1321 = arith.constant 96 : index
        %parallel_loop3A_1322 = tpu.vector_load %arg11[%parallel_loop3A_1320, %parallel_loop3A_1321] {strides = array<i32>} : memref<200x128xf32, #tpu.memory_space<vmem>>, vector<16xf32>,
        %parallel_loop3A_1323 = arith.subf %parallel_loop3A_1322, %parallel_loop3A_1286 : vector<16xf32>
        %parallel_loop3A_1324 = arith.mulf %parallel_loop3A_1323, %parallel_loop3A_1289 : vector<16xf32>
        %parallel_loop3A_1325 = arith.mulf %parallel_loop3A_1324, %get3A_7 : vector<16xf32>
        %parallel_loop3A_1326 = arith.addf %parallel_loop3A_1325, %get3A_15 : vector<16xf32>
        %parallel_loop3A_1327 = arith.constant 6 : i32
        %parallel_loop3A_1328 = arith.addi %parallel_loop3A_477, %parallel_loop3A_1327 : i32
        %parallel_loop3A_1329 = arith.index_cast %parallel_loop3A_1328 : i32 to index
        %parallel_loop3A_1330 = arith.constant 96 : index
        %parallel_loop3A_1331 = tpu.vector_load %arg11[%parallel_loop3A_1329, %parallel_loop3A_1330] {strides = array<i32>} : memref<200x128xf32, #tpu.memory_space<vmem>>, vector<16xf32>,
        tpu.vector_store %arg11[%parallel_loop3A_1329, %parallel_loop3A_1330], %parallel_loop3A_1326 {strides = array<i32>} : memref<200x128xf32, #tpu.memory_space<vmem>>, vector<16xf32>,
        %parallel_loop3A_1332 = arith.constant 6 : i32
        %parallel_loop3A_1333 = arith.addi %parallel_loop3A_477, %parallel_loop3A_1332 : i32
        %parallel_loop3A_1334 = arith.index_cast %parallel_loop3A_1333 : i32 to index
        %parallel_loop3A_1335 = arith.constant 112 : index
        %parallel_loop3A_1336 = tpu.vector_load %arg11[%parallel_loop3A_1334, %parallel_loop3A_1335] {strides = array<i32>} : memref<200x128xf32, #tpu.memory_space<vmem>>, vector<16xf32>,
        %parallel_loop3A_1337 = arith.subf %parallel_loop3A_1336, %parallel_loop3A_1286 : vector<16xf32>
        %parallel_loop3A_1338 = arith.mulf %parallel_loop3A_1337, %parallel_loop3A_1289 : vector<16xf32>
        %parallel_loop3A_1339 = arith.mulf %parallel_loop3A_1338, %get3A_9 : vector<16xf32>
        %parallel_loop3A_1340 = arith.addf %parallel_loop3A_1339, %get3A_17 : vector<16xf32>
        %parallel_loop3A_1341 = arith.constant 6 : i32
        %parallel_loop3A_1342 = arith.addi %parallel_loop3A_477, %parallel_loop3A_1341 : i32
        %parallel_loop3A_1343 = arith.index_cast %parallel_loop3A_1342 : i32 to index
        %parallel_loop3A_1344 = arith.constant 112 : index
        %parallel_loop3A_1345 = tpu.vector_load %arg11[%parallel_loop3A_1343, %parallel_loop3A_1344] {strides = array<i32>} : memref<200x128xf32, #tpu.memory_space<vmem>>, vector<16xf32>,
        tpu.vector_store %arg11[%parallel_loop3A_1343, %parallel_loop3A_1344], %parallel_loop3A_1340 {strides = array<i32>} : memref<200x128xf32, #tpu.memory_space<vmem>>, vector<16xf32>,
        %parallel_loop3A_1346 = vector.extract_strided_slice %parallel_loop3A_438 {offsets = [14], sizes = [1], strides = [1]} : vector<16xf32> to vector<1xf32>
        %parallel_loop3A_1347 = vector.extract %parallel_loop3A_1346[0] : f32 from vector<1xf32>
        %parallel_loop3A_1348 = vector.broadcast %parallel_loop3A_1347 : f32 to vector<16xf32>
        %parallel_loop3A_1349 = vector.extract_strided_slice %parallel_loop3A_475 {offsets = [14], sizes = [1], strides = [1]} : vector<16xf32> to vector<1xf32>
        %parallel_loop3A_1350 = vector.extract %parallel_loop3A_1349[0] : f32 from vector<1xf32>
        %parallel_loop3A_1351 = vector.broadcast %parallel_loop3A_1350 : f32 to vector<16xf32>
        %parallel_loop3A_1352 = arith.constant 7 : i32
        %parallel_loop3A_1353 = arith.addi %parallel_loop3A_477, %parallel_loop3A_1352 : i32
        %parallel_loop3A_1354 = arith.index_cast %parallel_loop3A_1353 : i32 to index
        %parallel_loop3A_1355 = arith.constant 0 : index
        %parallel_loop3A_1356 = tpu.vector_load %arg11[%parallel_loop3A_1354, %parallel_loop3A_1355] {strides = array<i32>} : memref<200x128xf32, #tpu.memory_space<vmem>>, vector<16xf32>,
        %parallel_loop3A_1357 = arith.subf %parallel_loop3A_1356, %parallel_loop3A_1348 : vector<16xf32>
        %parallel_loop3A_1358 = arith.mulf %parallel_loop3A_1357, %parallel_loop3A_1351 : vector<16xf32>
        %parallel_loop3A_1359 = arith.mulf %parallel_loop3A_1358, %get3A_3 : vector<16xf32>
        %parallel_loop3A_1360 = arith.addf %parallel_loop3A_1359, %get3A_11 : vector<16xf32>
        %parallel_loop3A_1361 = arith.constant 7 : i32
        %parallel_loop3A_1362 = arith.addi %parallel_loop3A_477, %parallel_loop3A_1361 : i32
        %parallel_loop3A_1363 = arith.index_cast %parallel_loop3A_1362 : i32 to index
        %parallel_loop3A_1364 = arith.constant 0 : index
        %parallel_loop3A_1365 = tpu.vector_load %arg11[%parallel_loop3A_1363, %parallel_loop3A_1364] {strides = array<i32>} : memref<200x128xf32, #tpu.memory_space<vmem>>, vector<16xf32>,
        tpu.vector_store %arg11[%parallel_loop3A_1363, %parallel_loop3A_1364], %parallel_loop3A_1360 {strides = array<i32>} : memref<200x128xf32, #tpu.memory_space<vmem>>, vector<16xf32>,
        %parallel_loop3A_1366 = arith.constant 7 : i32
        %parallel_loop3A_1367 = arith.addi %parallel_loop3A_477, %parallel_loop3A_1366 : i32
        %parallel_loop3A_1368 = arith.index_cast %parallel_loop3A_1367 : i32 to index
        %parallel_loop3A_1369 = arith.constant 16 : index
        %parallel_loop3A_1370 = tpu.vector_load %arg11[%parallel_loop3A_1368, %parallel_loop3A_1369] {strides = array<i32>} : memref<200x128xf32, #tpu.memory_space<vmem>>, vector<16xf32>,
        %parallel_loop3A_1371 = arith.subf %parallel_loop3A_1370, %parallel_loop3A_1348 : vector<16xf32>
        %parallel_loop3A_1372 = arith.mulf %parallel_loop3A_1371, %parallel_loop3A_1351 : vector<16xf32>
        %parallel_loop3A_1373 = arith.mulf %parallel_loop3A_1372, %get3A_5 : vector<16xf32>
        %parallel_loop3A_1374 = arith.addf %parallel_loop3A_1373, %get3A_13 : vector<16xf32>
        %parallel_loop3A_1375 = arith.constant 7 : i32
        %parallel_loop3A_1376 = arith.addi %parallel_loop3A_477, %parallel_loop3A_1375 : i32
        %parallel_loop3A_1377 = arith.index_cast %parallel_loop3A_1376 : i32 to index
        %parallel_loop3A_1378 = arith.constant 16 : index
        %parallel_loop3A_1379 = tpu.vector_load %arg11[%parallel_loop3A_1377, %parallel_loop3A_1378] {strides = array<i32>} : memref<200x128xf32, #tpu.memory_space<vmem>>, vector<16xf32>,
        tpu.vector_store %arg11[%parallel_loop3A_1377, %parallel_loop3A_1378], %parallel_loop3A_1374 {strides = array<i32>} : memref<200x128xf32, #tpu.memory_space<vmem>>, vector<16xf32>,
        %parallel_loop3A_1380 = arith.constant 7 : i32
        %parallel_loop3A_1381 = arith.addi %parallel_loop3A_477, %parallel_loop3A_1380 : i32
        %parallel_loop3A_1382 = arith.index_cast %parallel_loop3A_1381 : i32 to index
        %parallel_loop3A_1383 = arith.constant 32 : index
        %parallel_loop3A_1384 = tpu.vector_load %arg11[%parallel_loop3A_1382, %parallel_loop3A_1383] {strides = array<i32>} : memref<200x128xf32, #tpu.memory_space<vmem>>, vector<16xf32>,
        %parallel_loop3A_1385 = arith.subf %parallel_loop3A_1384, %parallel_loop3A_1348 : vector<16xf32>
        %parallel_loop3A_1386 = arith.mulf %parallel_loop3A_1385, %parallel_loop3A_1351 : vector<16xf32>
        %parallel_loop3A_1387 = arith.mulf %parallel_loop3A_1386, %get3A_7 : vector<16xf32>
        %parallel_loop3A_1388 = arith.addf %parallel_loop3A_1387, %get3A_15 : vector<16xf32>
        %parallel_loop3A_1389 = arith.constant 7 : i32
        %parallel_loop3A_1390 = arith.addi %parallel_loop3A_477, %parallel_loop3A_1389 : i32
        %parallel_loop3A_1391 = arith.index_cast %parallel_loop3A_1390 : i32 to index
        %parallel_loop3A_1392 = arith.constant 32 : index
        %parallel_loop3A_1393 = tpu.vector_load %arg11[%parallel_loop3A_1391, %parallel_loop3A_1392] {strides = array<i32>} : memref<200x128xf32, #tpu.memory_space<vmem>>, vector<16xf32>,
        tpu.vector_store %arg11[%parallel_loop3A_1391, %parallel_loop3A_1392], %parallel_loop3A_1388 {strides = array<i32>} : memref<200x128xf32, #tpu.memory_space<vmem>>, vector<16xf32>,
        %parallel_loop3A_1394 = arith.constant 7 : i32
        %parallel_loop3A_1395 = arith.addi %parallel_loop3A_477, %parallel_loop3A_1394 : i32
        %parallel_loop3A_1396 = arith.index_cast %parallel_loop3A_1395 : i32 to index
        %parallel_loop3A_1397 = arith.constant 48 : index
        %parallel_loop3A_1398 = tpu.vector_load %arg11[%parallel_loop3A_1396, %parallel_loop3A_1397] {strides = array<i32>} : memref<200x128xf32, #tpu.memory_space<vmem>>, vector<16xf32>,
        %parallel_loop3A_1399 = arith.subf %parallel_loop3A_1398, %parallel_loop3A_1348 : vector<16xf32>
        %parallel_loop3A_1400 = arith.mulf %parallel_loop3A_1399, %parallel_loop3A_1351 : vector<16xf32>
        %parallel_loop3A_1401 = arith.mulf %parallel_loop3A_1400, %get3A_9 : vector<16xf32>
        %parallel_loop3A_1402 = arith.addf %parallel_loop3A_1401, %get3A_17 : vector<16xf32>
        %parallel_loop3A_1403 = arith.constant 7 : i32
        %parallel_loop3A_1404 = arith.addi %parallel_loop3A_477, %parallel_loop3A_1403 : i32
        %parallel_loop3A_1405 = arith.index_cast %parallel_loop3A_1404 : i32 to index
        %parallel_loop3A_1406 = arith.constant 48 : index
        %parallel_loop3A_1407 = tpu.vector_load %arg11[%parallel_loop3A_1405, %parallel_loop3A_1406] {strides = array<i32>} : memref<200x128xf32, #tpu.memory_space<vmem>>, vector<16xf32>,
        tpu.vector_store %arg11[%parallel_loop3A_1405, %parallel_loop3A_1406], %parallel_loop3A_1402 {strides = array<i32>} : memref<200x128xf32, #tpu.memory_space<vmem>>, vector<16xf32>,
        %parallel_loop3A_1408 = vector.extract_strided_slice %parallel_loop3A_438 {offsets = [15], sizes = [1], strides = [1]} : vector<16xf32> to vector<1xf32>
        %parallel_loop3A_1409 = vector.extract %parallel_loop3A_1408[0] : f32 from vector<1xf32>
        %parallel_loop3A_1410 = vector.broadcast %parallel_loop3A_1409 : f32 to vector<16xf32>
        %parallel_loop3A_1411 = vector.extract_strided_slice %parallel_loop3A_475 {offsets = [15], sizes = [1], strides = [1]} : vector<16xf32> to vector<1xf32>
        %parallel_loop3A_1412 = vector.extract %parallel_loop3A_1411[0] : f32 from vector<1xf32>
        %parallel_loop3A_1413 = vector.broadcast %parallel_loop3A_1412 : f32 to vector<16xf32>
        %parallel_loop3A_1414 = arith.constant 7 : i32
        %parallel_loop3A_1415 = arith.addi %parallel_loop3A_477, %parallel_loop3A_1414 : i32
        %parallel_loop3A_1416 = arith.index_cast %parallel_loop3A_1415 : i32 to index
        %parallel_loop3A_1417 = arith.constant 64 : index
        %parallel_loop3A_1418 = tpu.vector_load %arg11[%parallel_loop3A_1416, %parallel_loop3A_1417] {strides = array<i32>} : memref<200x128xf32, #tpu.memory_space<vmem>>, vector<16xf32>,
        %parallel_loop3A_1419 = arith.subf %parallel_loop3A_1418, %parallel_loop3A_1410 : vector<16xf32>
        %parallel_loop3A_1420 = arith.mulf %parallel_loop3A_1419, %parallel_loop3A_1413 : vector<16xf32>
        %parallel_loop3A_1421 = arith.mulf %parallel_loop3A_1420, %get3A_3 : vector<16xf32>
        %parallel_loop3A_1422 = arith.addf %parallel_loop3A_1421, %get3A_11 : vector<16xf32>
        %parallel_loop3A_1423 = arith.constant 7 : i32
        %parallel_loop3A_1424 = arith.addi %parallel_loop3A_477, %parallel_loop3A_1423 : i32
        %parallel_loop3A_1425 = arith.index_cast %parallel_loop3A_1424 : i32 to index
        %parallel_loop3A_1426 = arith.constant 64 : index
        %parallel_loop3A_1427 = tpu.vector_load %arg11[%parallel_loop3A_1425, %parallel_loop3A_1426] {strides = array<i32>} : memref<200x128xf32, #tpu.memory_space<vmem>>, vector<16xf32>,
        tpu.vector_store %arg11[%parallel_loop3A_1425, %parallel_loop3A_1426], %parallel_loop3A_1422 {strides = array<i32>} : memref<200x128xf32, #tpu.memory_space<vmem>>, vector<16xf32>,
        %parallel_loop3A_1428 = arith.constant 7 : i32
        %parallel_loop3A_1429 = arith.addi %parallel_loop3A_477, %parallel_loop3A_1428 : i32
        %parallel_loop3A_1430 = arith.index_cast %parallel_loop3A_1429 : i32 to index
        %parallel_loop3A_1431 = arith.constant 80 : index
        %parallel_loop3A_1432 = tpu.vector_load %arg11[%parallel_loop3A_1430, %parallel_loop3A_1431] {strides = array<i32>} : memref<200x128xf32, #tpu.memory_space<vmem>>, vector<16xf32>,
        %parallel_loop3A_1433 = arith.subf %parallel_loop3A_1432, %parallel_loop3A_1410 : vector<16xf32>
        %parallel_loop3A_1434 = arith.mulf %parallel_loop3A_1433, %parallel_loop3A_1413 : vector<16xf32>
        %parallel_loop3A_1435 = arith.mulf %parallel_loop3A_1434, %get3A_5 : vector<16xf32>
        %parallel_loop3A_1436 = arith.addf %parallel_loop3A_1435, %get3A_13 : vector<16xf32>
        %parallel_loop3A_1437 = arith.constant 7 : i32
        %parallel_loop3A_1438 = arith.addi %parallel_loop3A_477, %parallel_loop3A_1437 : i32
        %parallel_loop3A_1439 = arith.index_cast %parallel_loop3A_1438 : i32 to index
        %parallel_loop3A_1440 = arith.constant 80 : index
        %parallel_loop3A_1441 = tpu.vector_load %arg11[%parallel_loop3A_1439, %parallel_loop3A_1440] {strides = array<i32>} : memref<200x128xf32, #tpu.memory_space<vmem>>, vector<16xf32>,
        tpu.vector_store %arg11[%parallel_loop3A_1439, %parallel_loop3A_1440], %parallel_loop3A_1436 {strides = array<i32>} : memref<200x128xf32, #tpu.memory_space<vmem>>, vector<16xf32>,
        %parallel_loop3A_1442 = arith.constant 7 : i32
        %parallel_loop3A_1443 = arith.addi %parallel_loop3A_477, %parallel_loop3A_1442 : i32
        %parallel_loop3A_1444 = arith.index_cast %parallel_loop3A_1443 : i32 to index
        %parallel_loop3A_1445 = arith.constant 96 : index
        %parallel_loop3A_1446 = tpu.vector_load %arg11[%parallel_loop3A_1444, %parallel_loop3A_1445] {strides = array<i32>} : memref<200x128xf32, #tpu.memory_space<vmem>>, vector<16xf32>,
        %parallel_loop3A_1447 = arith.subf %parallel_loop3A_1446, %parallel_loop3A_1410 : vector<16xf32>
        %parallel_loop3A_1448 = arith.mulf %parallel_loop3A_1447, %parallel_loop3A_1413 : vector<16xf32>
        %parallel_loop3A_1449 = arith.mulf %parallel_loop3A_1448, %get3A_7 : vector<16xf32>
        %parallel_loop3A_1450 = arith.addf %parallel_loop3A_1449, %get3A_15 : vector<16xf32>
        %parallel_loop3A_1451 = arith.constant 7 : i32
        %parallel_loop3A_1452 = arith.addi %parallel_loop3A_477, %parallel_loop3A_1451 : i32
        %parallel_loop3A_1453 = arith.index_cast %parallel_loop3A_1452 : i32 to index
        %parallel_loop3A_1454 = arith.constant 96 : index
        %parallel_loop3A_1455 = tpu.vector_load %arg11[%parallel_loop3A_1453, %parallel_loop3A_1454] {strides = array<i32>} : memref<200x128xf32, #tpu.memory_space<vmem>>, vector<16xf32>,
        tpu.vector_store %arg11[%parallel_loop3A_1453, %parallel_loop3A_1454], %parallel_loop3A_1450 {strides = array<i32>} : memref<200x128xf32, #tpu.memory_space<vmem>>, vector<16xf32>,
        %parallel_loop3A_1456 = arith.constant 7 : i32
        %parallel_loop3A_1457 = arith.addi %parallel_loop3A_477, %parallel_loop3A_1456 : i32
        %parallel_loop3A_1458 = arith.index_cast %parallel_loop3A_1457 : i32 to index
        %parallel_loop3A_1459 = arith.constant 112 : index
        %parallel_loop3A_1460 = tpu.vector_load %arg11[%parallel_loop3A_1458, %parallel_loop3A_1459] {strides = array<i32>} : memref<200x128xf32, #tpu.memory_space<vmem>>, vector<16xf32>,
        %parallel_loop3A_1461 = arith.subf %parallel_loop3A_1460, %parallel_loop3A_1410 : vector<16xf32>
        %parallel_loop3A_1462 = arith.mulf %parallel_loop3A_1461, %parallel_loop3A_1413 : vector<16xf32>
        %parallel_loop3A_1463 = arith.mulf %parallel_loop3A_1462, %get3A_9 : vector<16xf32>
        %parallel_loop3A_1464 = arith.addf %parallel_loop3A_1463, %get3A_17 : vector<16xf32>
        %parallel_loop3A_1465 = arith.constant 7 : i32
        %parallel_loop3A_1466 = arith.addi %parallel_loop3A_477, %parallel_loop3A_1465 : i32
        %parallel_loop3A_1467 = arith.index_cast %parallel_loop3A_1466 : i32 to index
        %parallel_loop3A_1468 = arith.constant 112 : index
        %parallel_loop3A_1469 = tpu.vector_load %arg11[%parallel_loop3A_1467, %parallel_loop3A_1468] {strides = array<i32>} : memref<200x128xf32, #tpu.memory_space<vmem>>, vector<16xf32>,
        tpu.vector_store %arg11[%parallel_loop3A_1467, %parallel_loop3A_1468], %parallel_loop3A_1464 {strides = array<i32>} : memref<200x128xf32, #tpu.memory_space<vmem>>, vector<16xf32>,
      } {sc.loop_unroll_factor = 2 : i64, sc.parallel_access}
      %dma_start3A_202 = arith.constant 0 : i32
      %dma_start3A_203 = arith.constant 0 : i32
      %dma_start3A_204 = tpu.memref_slice %arg7[%add3A_100, %dma_start3A_202, %dma_start3A_203] : memref<2048x200x128xf32, #tpu.memory_space<hbm>> -> memref<1x200x128xf32, #tpu.memory_space<hbm>>
      %dma_start3A_205 = tpu.memref_squeeze %dma_start3A_204 : memref<1x200x128xf32, #tpu.memory_space<hbm>> -> memref<200x128xf32, #tpu.memory_space<hbm>>
      %dma_start3A_206 = arith.constant 0 : i32
      %dma_start3A_207 = arith.constant 0 : i32
      %dma_start3A_208 = tpu.memref_slice %arg7[%add3A_100, %dma_start3A_206, %dma_start3A_207] : memref<2048x200x128xf32, #tpu.memory_space<hbm>> -> memref<1x200x128xf32, #tpu.memory_space<hbm>>
      %dma_start3A_209 = tpu.memref_squeeze %dma_start3A_208 : memref<1x200x128xf32, #tpu.memory_space<hbm>> -> memref<200x128xf32, #tpu.memory_space<hbm>>
      tpu.enqueue_dma source(%arg11 : memref<200x128xf32, #tpu.memory_space<vmem>>) target(%dma_start3A_209 : memref<200x128xf32, #tpu.memory_space<hbm>>) target_semaphore(%arg19 : memref<!tpu.dma_semaphore, #tpu.memory_space<semaphore_mem>>)
      %dma_wait3A_210 = arith.constant 0 : i32
      %dma_wait3A_211 = arith.constant 0 : i32
      %dma_wait3A_212 = arith.constant 0 : i32
      %dma_wait3A_213 = tpu.memref_slice %arg10[%dma_wait3A_211, %dma_wait3A_212] : memref<400x64xf32, #tpu.memory_space<vmem>> -> memref<100x64xf32, #tpu.memory_space<vmem>>
      %dma_wait3A_214 = arith.constant 0 : i32
      %dma_wait3A_215 = tpu.memref_slice %arg9[%dma_wait3A_210, %dma_wait3A_214] : memref<4x100xi32, #tpu.memory_space<vmem>> -> memref<1x100xi32, #tpu.memory_space<vmem>>
      %dma_wait3A_216 = tpu.memref_squeeze %dma_wait3A_215 : memref<1x100xi32, #tpu.memory_space<vmem>> -> memref<100xi32, #tpu.memory_space<vmem>>
      %dma_wait3A_217 = arith.constant 0 : i32
      %dma_wait3A_218 = arith.constant 0 : i32
      %dma_wait3A_219 = tpu.memref_slice %arg3[%dma_wait3A_217, %dma_wait3A_218] : memref<100000x64xf32, #tpu.memory_space<hbm>> -> memref<100000x64xf32, #tpu.memory_space<hbm>>
      tpu.wait_indirect_dma semaphore(%arg18 : memref<!tpu.dma_semaphore, #tpu.memory_space<semaphore_mem>>) src(%dma_wait3A_219 : memref<100000x64xf32, #tpu.memory_space<hbm>>) dst(%dma_wait3A_213 : memref<100x64xf32, #tpu.memory_space<vmem>>)
      %dma_wait3A_220 = arith.constant 1 : i32
      %dma_wait3A_221 = arith.constant 100 : i32
      %dma_wait3A_222 = arith.constant 0 : i32
      %dma_wait3A_223 = tpu.memref_slice %arg10[%dma_wait3A_221, %dma_wait3A_222] : memref<400x64xf32, #tpu.memory_space<vmem>> -> memref<100x64xf32, #tpu.memory_space<vmem>>
      %dma_wait3A_224 = arith.constant 0 : i32
      %dma_wait3A_225 = tpu.memref_slice %arg9[%dma_wait3A_220, %dma_wait3A_224] : memref<4x100xi32, #tpu.memory_space<vmem>> -> memref<1x100xi32, #tpu.memory_space<vmem>>
      %dma_wait3A_226 = tpu.memref_squeeze %dma_wait3A_225 : memref<1x100xi32, #tpu.memory_space<vmem>> -> memref<100xi32, #tpu.memory_space<vmem>>
      %dma_wait3A_227 = arith.constant 0 : i32
      %dma_wait3A_228 = arith.constant 0 : i32
      %dma_wait3A_229 = tpu.memref_slice %arg3[%dma_wait3A_227, %dma_wait3A_228] : memref<100000x64xf32, #tpu.memory_space<hbm>> -> memref<100000x64xf32, #tpu.memory_space<hbm>>
      tpu.wait_indirect_dma semaphore(%arg18 : memref<!tpu.dma_semaphore, #tpu.memory_space<semaphore_mem>>) src(%dma_wait3A_229 : memref<100000x64xf32, #tpu.memory_space<hbm>>) dst(%dma_wait3A_223 : memref<100x64xf32, #tpu.memory_space<vmem>>)
      %dma_wait3A_230 = arith.constant 2 : i32
      %dma_wait3A_231 = arith.constant 200 : i32
      %dma_wait3A_232 = arith.constant 0 : i32
      %dma_wait3A_233 = tpu.memref_slice %arg10[%dma_wait3A_231, %dma_wait3A_232] : memref<400x64xf32, #tpu.memory_space<vmem>> -> memref<100x64xf32, #tpu.memory_space<vmem>>
      %dma_wait3A_234 = arith.constant 0 : i32
      %dma_wait3A_235 = tpu.memref_slice %arg9[%dma_wait3A_230, %dma_wait3A_234] : memref<4x100xi32, #tpu.memory_space<vmem>> -> memref<1x100xi32, #tpu.memory_space<vmem>>
      %dma_wait3A_236 = tpu.memref_squeeze %dma_wait3A_235 : memref<1x100xi32, #tpu.memory_space<vmem>> -> memref<100xi32, #tpu.memory_space<vmem>>
      %dma_wait3A_237 = arith.constant 0 : i32
      %dma_wait3A_238 = arith.constant 0 : i32
      %dma_wait3A_239 = tpu.memref_slice %arg3[%dma_wait3A_237, %dma_wait3A_238] : memref<100000x64xf32, #tpu.memory_space<hbm>> -> memref<100000x64xf32, #tpu.memory_space<hbm>>
      tpu.wait_indirect_dma semaphore(%arg18 : memref<!tpu.dma_semaphore, #tpu.memory_space<semaphore_mem>>) src(%dma_wait3A_239 : memref<100000x64xf32, #tpu.memory_space<hbm>>) dst(%dma_wait3A_233 : memref<100x64xf32, #tpu.memory_space<vmem>>)
      %dma_wait3A_240 = arith.constant 3 : i32
      %dma_wait3A_241 = arith.constant 300 : i32
      %dma_wait3A_242 = arith.constant 0 : i32
      %dma_wait3A_243 = tpu.memref_slice %arg10[%dma_wait3A_241, %dma_wait3A_242] : memref<400x64xf32, #tpu.memory_space<vmem>> -> memref<100x64xf32, #tpu.memory_space<vmem>>
      %dma_wait3A_244 = arith.constant 0 : i32
      %dma_wait3A_245 = tpu.memref_slice %arg9[%dma_wait3A_240, %dma_wait3A_244] : memref<4x100xi32, #tpu.memory_space<vmem>> -> memref<1x100xi32, #tpu.memory_space<vmem>>
      %dma_wait3A_246 = tpu.memref_squeeze %dma_wait3A_245 : memref<1x100xi32, #tpu.memory_space<vmem>> -> memref<100xi32, #tpu.memory_space<vmem>>
      %dma_wait3A_247 = arith.constant 0 : i32
      %dma_wait3A_248 = arith.constant 0 : i32
      %dma_wait3A_249 = tpu.memref_slice %arg3[%dma_wait3A_247, %dma_wait3A_248] : memref<100000x64xf32, #tpu.memory_space<hbm>> -> memref<100000x64xf32, #tpu.memory_space<hbm>>
      tpu.wait_indirect_dma semaphore(%arg18 : memref<!tpu.dma_semaphore, #tpu.memory_space<semaphore_mem>>) src(%dma_wait3A_249 : memref<100000x64xf32, #tpu.memory_space<hbm>>) dst(%dma_wait3A_243 : memref<100x64xf32, #tpu.memory_space<vmem>>)
      %lt3A_250 = arith.constant 31 : i32
      %lt3A_251 = arith.cmpi slt, %scan3A_97, %lt3A_250 : i32
      %convert_element_type3A_252 = arith.extui %lt3A_251 : i1 to i32
      %cond3A_253 = arith.constant 0 : i32
      %cond3A_254 = arith.cmpi ne, %convert_element_type3A_252, %cond3A_253 : i32
      scf.if %cond3A_254 {
        %add3A_279 = arith.constant 2 : i32
        %add3A_280 = arith.addi %add3A_102, %add3A_279 : i32
        %dma_start3A_281 = arith.constant 0 : i32
        %dma_start3A_282 = arith.constant 0 : i32
        %dma_start3A_283 = tpu.memref_slice %arg2[%add3A_280, %dma_start3A_281, %dma_start3A_282] : memref<2048x4x100xi32, #tpu.memory_space<hbm>> -> memref<1x4x100xi32, #tpu.memory_space<hbm>>
        %dma_start3A_284 = tpu.memref_squeeze %dma_start3A_283 : memref<1x4x100xi32, #tpu.memory_space<hbm>> -> memref<4x100xi32, #tpu.memory_space<hbm>>
        %dma_start3A_285 = arith.constant 0 : i32
        %dma_start3A_286 = arith.constant 0 : i32
        %dma_start3A_287 = tpu.memref_slice %arg2[%add3A_280, %dma_start3A_285, %dma_start3A_286] : memref<2048x4x100xi32, #tpu.memory_space<hbm>> -> memref<1x4x100xi32, #tpu.memory_space<hbm>>
        %dma_start3A_288 = tpu.memref_squeeze %dma_start3A_287 : memref<1x4x100xi32, #tpu.memory_space<hbm>> -> memref<4x100xi32, #tpu.memory_space<hbm>>
        tpu.enqueue_dma source(%dma_start3A_288 : memref<4x100xi32, #tpu.memory_space<hbm>>) target(%arg9 : memref<4x100xi32, #tpu.memory_space<vmem>>) target_semaphore(%arg22 : memref<!tpu.dma_semaphore, #tpu.memory_space<semaphore_mem>>)
      } else {
      }
      %gt3A_255 = arith.constant 0 : i32
      %gt3A_256 = arith.cmpi sgt, %scan3A_97, %gt3A_255 : i32
      %convert_element_type3A_257 = arith.extui %gt3A_256 : i1 to i32
      %cond3A_258 = arith.constant 0 : i32
      %cond3A_259 = arith.cmpi ne, %convert_element_type3A_257, %cond3A_258 : i32
      scf.if %cond3A_259 {
        %sub3A_279 = arith.constant 2 : i32
        %sub3A_280 = arith.subi %add3A_102, %sub3A_279 : i32
        %dma_wait3A_281 = arith.constant 0 : i32
        %dma_wait3A_282 = arith.constant 0 : i32
        %dma_wait3A_283 = tpu.memref_slice %arg7[%sub3A_280, %dma_wait3A_281, %dma_wait3A_282] : memref<2048x200x128xf32, #tpu.memory_space<hbm>> -> memref<1x200x128xf32, #tpu.memory_space<hbm>>
        %dma_wait3A_284 = tpu.memref_squeeze %dma_wait3A_283 : memref<1x200x128xf32, #tpu.memory_space<hbm>> -> memref<200x128xf32, #tpu.memory_space<hbm>>
        %dma_wait3A_285 = arith.constant 0 : i32
        %dma_wait3A_286 = arith.constant 0 : i32
        %dma_wait3A_287 = tpu.memref_slice %arg7[%sub3A_280, %dma_wait3A_285, %dma_wait3A_286] : memref<2048x200x128xf32, #tpu.memory_space<hbm>> -> memref<1x200x128xf32, #tpu.memory_space<hbm>>
        %dma_wait3A_288 = tpu.memref_squeeze %dma_wait3A_287 : memref<1x200x128xf32, #tpu.memory_space<hbm>> -> memref<200x128xf32, #tpu.memory_space<hbm>>
        tpu.wait_dma2 semaphore(%arg20 : memref<!tpu.dma_semaphore, #tpu.memory_space<semaphore_mem>>) src(%arg12 : memref<200x128xf32, #tpu.memory_space<vmem>>) dst(%dma_wait3A_288 : memref<200x128xf32, #tpu.memory_space<hbm>>)
      } else {
      }
      %parallel_loop3A_260 = arith.constant 0 : i32
      %parallel_loop3A_261 = arith.constant 200 : i32
      %parallel_loop3A_262 = arith.constant 1 : i32
      scf.for %parallel_loop3A_279 = %parallel_loop3A_260 to %parallel_loop3A_261 step %parallel_loop3A_262  : i32 {
        %parallel_loop3A_280 = arith.index_cast %parallel_loop3A_279 : i32 to index
        %parallel_loop3A_281 = arith.constant 0 : index
        %parallel_loop3A_282 = tpu.vector_load %arg13[%parallel_loop3A_280, %parallel_loop3A_281] {strides = array<i32>} : memref<200x64xf32, #tpu.memory_space<vmem>>, vector<16xf32>,
        %parallel_loop3A_283 = arith.index_cast %parallel_loop3A_279 : i32 to index
        %parallel_loop3A_284 = arith.constant 16 : index
        %parallel_loop3A_285 = tpu.vector_load %arg13[%parallel_loop3A_283, %parallel_loop3A_284] {strides = array<i32>} : memref<200x64xf32, #tpu.memory_space<vmem>>, vector<16xf32>,
        %parallel_loop3A_286 = arith.index_cast %parallel_loop3A_279 : i32 to index
        %parallel_loop3A_287 = arith.constant 32 : index
        %parallel_loop3A_288 = tpu.vector_load %arg13[%parallel_loop3A_286, %parallel_loop3A_287] {strides = array<i32>} : memref<200x64xf32, #tpu.memory_space<vmem>>, vector<16xf32>,
        %parallel_loop3A_289 = arith.index_cast %parallel_loop3A_279 : i32 to index
        %parallel_loop3A_290 = arith.constant 48 : index
        %parallel_loop3A_291 = tpu.vector_load %arg13[%parallel_loop3A_289, %parallel_loop3A_290] {strides = array<i32>} : memref<200x64xf32, #tpu.memory_space<vmem>>, vector<16xf32>,
        %parallel_loop3A_292 = arith.constant 1 : i32
        %parallel_loop3A_293 = arith.shrui %parallel_loop3A_279, %parallel_loop3A_292 : i32
        %parallel_loop3A_294 = arith.constant 1 : i32
        %parallel_loop3A_295 = arith.andi %parallel_loop3A_279, %parallel_loop3A_294 : i32
        %parallel_loop3A_296 = arith.constant 64 : i32
        %parallel_loop3A_297 = arith.muli %parallel_loop3A_295, %parallel_loop3A_296 : i32
        %parallel_loop3A_298 = arith.constant 0 : i32
        %parallel_loop3A_299 = arith.addi %parallel_loop3A_298, %parallel_loop3A_279 : i32
        %parallel_loop3A_300 = arith.index_cast %parallel_loop3A_299 : i32 to index
        %parallel_loop3A_301 = arith.constant 0 : index
        %parallel_loop3A_302 = tpu.vector_load %arg10[%parallel_loop3A_300, %parallel_loop3A_301] {strides = array<i32>} : memref<400x64xf32, #tpu.memory_space<vmem>>, vector<16xf32>,
        %parallel_loop3A_303 = arith.addf %parallel_loop3A_302, %parallel_loop3A_282 : vector<16xf32>
        %parallel_loop3A_304 = arith.index_cast %parallel_loop3A_299 : i32 to index
        %parallel_loop3A_305 = arith.constant 16 : index
        %parallel_loop3A_306 = tpu.vector_load %arg10[%parallel_loop3A_304, %parallel_loop3A_305] {strides = array<i32>} : memref<400x64xf32, #tpu.memory_space<vmem>>, vector<16xf32>,
        %parallel_loop3A_307 = arith.addf %parallel_loop3A_306, %parallel_loop3A_285 : vector<16xf32>
        %parallel_loop3A_308 = arith.index_cast %parallel_loop3A_299 : i32 to index
        %parallel_loop3A_309 = arith.constant 32 : index
        %parallel_loop3A_310 = tpu.vector_load %arg10[%parallel_loop3A_308, %parallel_loop3A_309] {strides = array<i32>} : memref<400x64xf32, #tpu.memory_space<vmem>>, vector<16xf32>,
        %parallel_loop3A_311 = arith.addf %parallel_loop3A_310, %parallel_loop3A_288 : vector<16xf32>
        %parallel_loop3A_312 = arith.index_cast %parallel_loop3A_299 : i32 to index
        %parallel_loop3A_313 = arith.constant 48 : index
        %parallel_loop3A_314 = tpu.vector_load %arg10[%parallel_loop3A_312, %parallel_loop3A_313] {strides = array<i32>} : memref<400x64xf32, #tpu.memory_space<vmem>>, vector<16xf32>,
        %parallel_loop3A_315 = arith.addf %parallel_loop3A_314, %parallel_loop3A_291 : vector<16xf32>
        %parallel_loop3A_316 = arith.constant 0 : i32
        %parallel_loop3A_317 = arith.addi %parallel_loop3A_316, %parallel_loop3A_293 : i32
        %parallel_loop3A_318 = arith.constant 0 : i32
        %parallel_loop3A_319 = arith.addi %parallel_loop3A_297, %parallel_loop3A_318 : i32
        %parallel_loop3A_320 = arith.index_cast %parallel_loop3A_317 : i32 to index
        %parallel_loop3A_321 = arith.index_cast %parallel_loop3A_319 : i32 to index
        %parallel_loop3A_322 = tpu.vector_load %arg12[%parallel_loop3A_320, %parallel_loop3A_321] {strides = array<i32>} : memref<200x128xf32, #tpu.memory_space<vmem>>, vector<16xf32>,
        tpu.vector_store %arg12[%parallel_loop3A_320, %parallel_loop3A_321], %parallel_loop3A_303 {strides = array<i32>} : memref<200x128xf32, #tpu.memory_space<vmem>>, vector<16xf32>,
        %parallel_loop3A_323 = arith.constant 0 : i32
        %parallel_loop3A_324 = arith.addi %parallel_loop3A_323, %parallel_loop3A_293 : i32
        %parallel_loop3A_325 = arith.constant 16 : i32
        %parallel_loop3A_326 = arith.addi %parallel_loop3A_297, %parallel_loop3A_325 : i32
        %parallel_loop3A_327 = arith.index_cast %parallel_loop3A_324 : i32 to index
        %parallel_loop3A_328 = arith.index_cast %parallel_loop3A_326 : i32 to index
        %parallel_loop3A_329 = tpu.vector_load %arg12[%parallel_loop3A_327, %parallel_loop3A_328] {strides = array<i32>} : memref<200x128xf32, #tpu.memory_space<vmem>>, vector<16xf32>,
        tpu.vector_store %arg12[%parallel_loop3A_327, %parallel_loop3A_328], %parallel_loop3A_307 {strides = array<i32>} : memref<200x128xf32, #tpu.memory_space<vmem>>, vector<16xf32>,
        %parallel_loop3A_330 = arith.constant 0 : i32
        %parallel_loop3A_331 = arith.addi %parallel_loop3A_330, %parallel_loop3A_293 : i32
        %parallel_loop3A_332 = arith.constant 32 : i32
        %parallel_loop3A_333 = arith.addi %parallel_loop3A_297, %parallel_loop3A_332 : i32
        %parallel_loop3A_334 = arith.index_cast %parallel_loop3A_331 : i32 to index
        %parallel_loop3A_335 = arith.index_cast %parallel_loop3A_333 : i32 to index
        %parallel_loop3A_336 = tpu.vector_load %arg12[%parallel_loop3A_334, %parallel_loop3A_335] {strides = array<i32>} : memref<200x128xf32, #tpu.memory_space<vmem>>, vector<16xf32>,
        tpu.vector_store %arg12[%parallel_loop3A_334, %parallel_loop3A_335], %parallel_loop3A_311 {strides = array<i32>} : memref<200x128xf32, #tpu.memory_space<vmem>>, vector<16xf32>,
        %parallel_loop3A_337 = arith.constant 0 : i32
        %parallel_loop3A_338 = arith.addi %parallel_loop3A_337, %parallel_loop3A_293 : i32
        %parallel_loop3A_339 = arith.constant 48 : i32
        %parallel_loop3A_340 = arith.addi %parallel_loop3A_297, %parallel_loop3A_339 : i32
        %parallel_loop3A_341 = arith.index_cast %parallel_loop3A_338 : i32 to index
        %parallel_loop3A_342 = arith.index_cast %parallel_loop3A_340 : i32 to index
        %parallel_loop3A_343 = tpu.vector_load %arg12[%parallel_loop3A_341, %parallel_loop3A_342] {strides = array<i32>} : memref<200x128xf32, #tpu.memory_space<vmem>>, vector<16xf32>,
        tpu.vector_store %arg12[%parallel_loop3A_341, %parallel_loop3A_342], %parallel_loop3A_315 {strides = array<i32>} : memref<200x128xf32, #tpu.memory_space<vmem>>, vector<16xf32>,
        %parallel_loop3A_344 = arith.addf %parallel_loop3A_303, %parallel_loop3A_307 : vector<16xf32>
        %parallel_loop3A_345 = arith.addf %parallel_loop3A_311, %parallel_loop3A_315 : vector<16xf32>
        %parallel_loop3A_346 = arith.addf %parallel_loop3A_344, %parallel_loop3A_345 : vector<16xf32>
        %parallel_loop3A_347 = arith.mulf %parallel_loop3A_303, %parallel_loop3A_303 : vector<16xf32>
        %parallel_loop3A_348 = arith.mulf %parallel_loop3A_307, %parallel_loop3A_307 : vector<16xf32>
        %parallel_loop3A_349 = arith.addf %parallel_loop3A_347, %parallel_loop3A_348 : vector<16xf32>
        %parallel_loop3A_350 = arith.mulf %parallel_loop3A_311, %parallel_loop3A_311 : vector<16xf32>
        %parallel_loop3A_351 = arith.mulf %parallel_loop3A_315, %parallel_loop3A_315 : vector<16xf32>
        %parallel_loop3A_352 = arith.addf %parallel_loop3A_350, %parallel_loop3A_351 : vector<16xf32>
        %parallel_loop3A_353 = arith.addf %parallel_loop3A_349, %parallel_loop3A_352 : vector<16xf32>
        %parallel_loop3A_354 = arith.constant 17 : i32
        %parallel_loop3A_355 = arith.muli %parallel_loop3A_299, %parallel_loop3A_354 : i32
        %parallel_loop3A_356 = arith.index_cast %parallel_loop3A_355 : i32 to index
        %parallel_loop3A_357 = tpu.vector_load %arg16[%parallel_loop3A_356] {strides = array<i32>} : memref<6800xf32, #tpu.memory_space<vmem>>, vector<16xf32>,
        tpu.vector_store %arg16[%parallel_loop3A_356], %parallel_loop3A_346 {strides = array<i32>} : memref<6800xf32, #tpu.memory_space<vmem>>, vector<16xf32>,
        %parallel_loop3A_358 = arith.constant 17 : i32
        %parallel_loop3A_359 = arith.muli %parallel_loop3A_299, %parallel_loop3A_358 : i32
        %parallel_loop3A_360 = arith.index_cast %parallel_loop3A_359 : i32 to index
        %parallel_loop3A_361 = tpu.vector_load %arg17[%parallel_loop3A_360] {strides = array<i32>} : memref<6800xf32, #tpu.memory_space<vmem>>, vector<16xf32>,
        tpu.vector_store %arg17[%parallel_loop3A_360], %parallel_loop3A_353 {strides = array<i32>} : memref<6800xf32, #tpu.memory_space<vmem>>, vector<16xf32>,
        %parallel_loop3A_362 = arith.constant 200 : i32
        %parallel_loop3A_363 = arith.addi %parallel_loop3A_362, %parallel_loop3A_279 : i32
        %parallel_loop3A_364 = arith.index_cast %parallel_loop3A_363 : i32 to index
        %parallel_loop3A_365 = arith.constant 0 : index
        %parallel_loop3A_366 = tpu.vector_load %arg10[%parallel_loop3A_364, %parallel_loop3A_365] {strides = array<i32>} : memref<400x64xf32, #tpu.memory_space<vmem>>, vector<16xf32>,
        %parallel_loop3A_367 = arith.addf %parallel_loop3A_366, %parallel_loop3A_282 : vector<16xf32>
        %parallel_loop3A_368 = arith.index_cast %parallel_loop3A_363 : i32 to index
        %parallel_loop3A_369 = arith.constant 16 : index
        %parallel_loop3A_370 = tpu.vector_load %arg10[%parallel_loop3A_368, %parallel_loop3A_369] {strides = array<i32>} : memref<400x64xf32, #tpu.memory_space<vmem>>, vector<16xf32>,
        %parallel_loop3A_371 = arith.addf %parallel_loop3A_370, %parallel_loop3A_285 : vector<16xf32>
        %parallel_loop3A_372 = arith.index_cast %parallel_loop3A_363 : i32 to index
        %parallel_loop3A_373 = arith.constant 32 : index
        %parallel_loop3A_374 = tpu.vector_load %arg10[%parallel_loop3A_372, %parallel_loop3A_373] {strides = array<i32>} : memref<400x64xf32, #tpu.memory_space<vmem>>, vector<16xf32>,
        %parallel_loop3A_375 = arith.addf %parallel_loop3A_374, %parallel_loop3A_288 : vector<16xf32>
        %parallel_loop3A_376 = arith.index_cast %parallel_loop3A_363 : i32 to index
        %parallel_loop3A_377 = arith.constant 48 : index
        %parallel_loop3A_378 = tpu.vector_load %arg10[%parallel_loop3A_376, %parallel_loop3A_377] {strides = array<i32>} : memref<400x64xf32, #tpu.memory_space<vmem>>, vector<16xf32>,
        %parallel_loop3A_379 = arith.addf %parallel_loop3A_378, %parallel_loop3A_291 : vector<16xf32>
        %parallel_loop3A_380 = arith.constant 100 : i32
        %parallel_loop3A_381 = arith.addi %parallel_loop3A_380, %parallel_loop3A_293 : i32
        %parallel_loop3A_382 = arith.constant 0 : i32
        %parallel_loop3A_383 = arith.addi %parallel_loop3A_297, %parallel_loop3A_382 : i32
        %parallel_loop3A_384 = arith.index_cast %parallel_loop3A_381 : i32 to index
        %parallel_loop3A_385 = arith.index_cast %parallel_loop3A_383 : i32 to index
        %parallel_loop3A_386 = tpu.vector_load %arg12[%parallel_loop3A_384, %parallel_loop3A_385] {strides = array<i32>} : memref<200x128xf32, #tpu.memory_space<vmem>>, vector<16xf32>,
        tpu.vector_store %arg12[%parallel_loop3A_384, %parallel_loop3A_385], %parallel_loop3A_367 {strides = array<i32>} : memref<200x128xf32, #tpu.memory_space<vmem>>, vector<16xf32>,
        %parallel_loop3A_387 = arith.constant 100 : i32
        %parallel_loop3A_388 = arith.addi %parallel_loop3A_387, %parallel_loop3A_293 : i32
        %parallel_loop3A_389 = arith.constant 16 : i32
        %parallel_loop3A_390 = arith.addi %parallel_loop3A_297, %parallel_loop3A_389 : i32
        %parallel_loop3A_391 = arith.index_cast %parallel_loop3A_388 : i32 to index
        %parallel_loop3A_392 = arith.index_cast %parallel_loop3A_390 : i32 to index
        %parallel_loop3A_393 = tpu.vector_load %arg12[%parallel_loop3A_391, %parallel_loop3A_392] {strides = array<i32>} : memref<200x128xf32, #tpu.memory_space<vmem>>, vector<16xf32>,
        tpu.vector_store %arg12[%parallel_loop3A_391, %parallel_loop3A_392], %parallel_loop3A_371 {strides = array<i32>} : memref<200x128xf32, #tpu.memory_space<vmem>>, vector<16xf32>,
        %parallel_loop3A_394 = arith.constant 100 : i32
        %parallel_loop3A_395 = arith.addi %parallel_loop3A_394, %parallel_loop3A_293 : i32
        %parallel_loop3A_396 = arith.constant 32 : i32
        %parallel_loop3A_397 = arith.addi %parallel_loop3A_297, %parallel_loop3A_396 : i32
        %parallel_loop3A_398 = arith.index_cast %parallel_loop3A_395 : i32 to index
        %parallel_loop3A_399 = arith.index_cast %parallel_loop3A_397 : i32 to index
        %parallel_loop3A_400 = tpu.vector_load %arg12[%parallel_loop3A_398, %parallel_loop3A_399] {strides = array<i32>} : memref<200x128xf32, #tpu.memory_space<vmem>>, vector<16xf32>,
        tpu.vector_store %arg12[%parallel_loop3A_398, %parallel_loop3A_399], %parallel_loop3A_375 {strides = array<i32>} : memref<200x128xf32, #tpu.memory_space<vmem>>, vector<16xf32>,
        %parallel_loop3A_401 = arith.constant 100 : i32
        %parallel_loop3A_402 = arith.addi %parallel_loop3A_401, %parallel_loop3A_293 : i32
        %parallel_loop3A_403 = arith.constant 48 : i32
        %parallel_loop3A_404 = arith.addi %parallel_loop3A_297, %parallel_loop3A_403 : i32
        %parallel_loop3A_405 = arith.index_cast %parallel_loop3A_402 : i32 to index
        %parallel_loop3A_406 = arith.index_cast %parallel_loop3A_404 : i32 to index
        %parallel_loop3A_407 = tpu.vector_load %arg12[%parallel_loop3A_405, %parallel_loop3A_406] {strides = array<i32>} : memref<200x128xf32, #tpu.memory_space<vmem>>, vector<16xf32>,
        tpu.vector_store %arg12[%parallel_loop3A_405, %parallel_loop3A_406], %parallel_loop3A_379 {strides = array<i32>} : memref<200x128xf32, #tpu.memory_space<vmem>>, vector<16xf32>,
        %parallel_loop3A_408 = arith.addf %parallel_loop3A_367, %parallel_loop3A_371 : vector<16xf32>
        %parallel_loop3A_409 = arith.addf %parallel_loop3A_375, %parallel_loop3A_379 : vector<16xf32>
        %parallel_loop3A_410 = arith.addf %parallel_loop3A_408, %parallel_loop3A_409 : vector<16xf32>
        %parallel_loop3A_411 = arith.mulf %parallel_loop3A_367, %parallel_loop3A_367 : vector<16xf32>
        %parallel_loop3A_412 = arith.mulf %parallel_loop3A_371, %parallel_loop3A_371 : vector<16xf32>
        %parallel_loop3A_413 = arith.addf %parallel_loop3A_411, %parallel_loop3A_412 : vector<16xf32>
        %parallel_loop3A_414 = arith.mulf %parallel_loop3A_375, %parallel_loop3A_375 : vector<16xf32>
        %parallel_loop3A_415 = arith.mulf %parallel_loop3A_379, %parallel_loop3A_379 : vector<16xf32>
        %parallel_loop3A_416 = arith.addf %parallel_loop3A_414, %parallel_loop3A_415 : vector<16xf32>
        %parallel_loop3A_417 = arith.addf %parallel_loop3A_413, %parallel_loop3A_416 : vector<16xf32>
        %parallel_loop3A_418 = arith.constant 17 : i32
        %parallel_loop3A_419 = arith.muli %parallel_loop3A_363, %parallel_loop3A_418 : i32
        %parallel_loop3A_420 = arith.index_cast %parallel_loop3A_419 : i32 to index
        %parallel_loop3A_421 = tpu.vector_load %arg16[%parallel_loop3A_420] {strides = array<i32>} : memref<6800xf32, #tpu.memory_space<vmem>>, vector<16xf32>,
        tpu.vector_store %arg16[%parallel_loop3A_420], %parallel_loop3A_410 {strides = array<i32>} : memref<6800xf32, #tpu.memory_space<vmem>>, vector<16xf32>,
        %parallel_loop3A_422 = arith.constant 17 : i32
        %parallel_loop3A_423 = arith.muli %parallel_loop3A_363, %parallel_loop3A_422 : i32
        %parallel_loop3A_424 = arith.index_cast %parallel_loop3A_423 : i32 to index
        %parallel_loop3A_425 = tpu.vector_load %arg17[%parallel_loop3A_424] {strides = array<i32>} : memref<6800xf32, #tpu.memory_space<vmem>>, vector<16xf32>,
        tpu.vector_store %arg17[%parallel_loop3A_424], %parallel_loop3A_417 {strides = array<i32>} : memref<6800xf32, #tpu.memory_space<vmem>>, vector<16xf32>,
      } {sc.loop_unroll_factor = 4 : i64, sc.parallel_access}
      %lt3A_263 = arith.constant 31 : i32
      %lt3A_264 = arith.cmpi slt, %scan3A_97, %lt3A_263 : i32
      %convert_element_type3A_265 = arith.extui %lt3A_264 : i1 to i32
      %cond3A_266 = arith.constant 0 : i32
      %cond3A_267 = arith.cmpi ne, %convert_element_type3A_265, %cond3A_266 : i32
      scf.if %cond3A_267 {
        %add3A_279 = arith.constant 2 : i32
        %add3A_280 = arith.addi %add3A_100, %add3A_279 : i32
        %dma_wait3A_281 = arith.constant 0 : i32
        %dma_wait3A_282 = arith.constant 0 : i32
        %dma_wait3A_283 = tpu.memref_slice %arg2[%add3A_280, %dma_wait3A_281, %dma_wait3A_282] : memref<2048x4x100xi32, #tpu.memory_space<hbm>> -> memref<1x4x100xi32, #tpu.memory_space<hbm>>
        %dma_wait3A_284 = tpu.memref_squeeze %dma_wait3A_283 : memref<1x4x100xi32, #tpu.memory_space<hbm>> -> memref<4x100xi32, #tpu.memory_space<hbm>>
        %dma_wait3A_285 = arith.constant 0 : i32
        %dma_wait3A_286 = arith.constant 0 : i32
        %dma_wait3A_287 = tpu.memref_slice %arg2[%add3A_280, %dma_wait3A_285, %dma_wait3A_286] : memref<2048x4x100xi32, #tpu.memory_space<hbm>> -> memref<1x4x100xi32, #tpu.memory_space<hbm>>
        %dma_wait3A_288 = tpu.memref_squeeze %dma_wait3A_287 : memref<1x4x100xi32, #tpu.memory_space<hbm>> -> memref<4x100xi32, #tpu.memory_space<hbm>>
        tpu.wait_dma2 semaphore(%arg21 : memref<!tpu.dma_semaphore, #tpu.memory_space<semaphore_mem>>) src(%dma_wait3A_288 : memref<4x100xi32, #tpu.memory_space<hbm>>) dst(%arg8 : memref<4x100xi32, #tpu.memory_space<vmem>>)
        %dma_start3A_289 = arith.constant 0 : i32
        %dma_start3A_290 = arith.constant 0 : i32
        %dma_start3A_291 = arith.constant 0 : i32
        %dma_start3A_292 = tpu.memref_slice %arg10[%dma_start3A_290, %dma_start3A_291] : memref<400x64xf32, #tpu.memory_space<vmem>> -> memref<100x64xf32, #tpu.memory_space<vmem>>
        %dma_start3A_293 = arith.constant 0 : i32
        %dma_start3A_294 = tpu.memref_slice %arg8[%dma_start3A_289, %dma_start3A_293] : memref<4x100xi32, #tpu.memory_space<vmem>> -> memref<1x100xi32, #tpu.memory_space<vmem>>
        %dma_start3A_295 = tpu.memref_squeeze %dma_start3A_294 : memref<1x100xi32, #tpu.memory_space<vmem>> -> memref<100xi32, #tpu.memory_space<vmem>>
        %dma_start3A_296 = arith.constant 0 : i32
        %dma_start3A_297 = arith.constant 0 : i32
        %dma_start3A_298 = tpu.memref_slice %arg3[%dma_start3A_296, %dma_start3A_297] : memref<100000x64xf32, #tpu.memory_space<hbm>> -> memref<100000x64xf32, #tpu.memory_space<hbm>>
        tpu.enqueue_indirect_dma source(%dma_start3A_298 : memref<100000x64xf32, #tpu.memory_space<hbm>>) target(%dma_start3A_292 : memref<100x64xf32, #tpu.memory_space<vmem>>) offsets(%dma_start3A_295 : memref<100xi32, #tpu.memory_space<vmem>>) semaphore(%arg18 : memref<!tpu.dma_semaphore, #tpu.memory_space<semaphore_mem>>)
        %dma_start3A_299 = arith.constant 1 : i32
        %dma_start3A_300 = arith.constant 100 : i32
        %dma_start3A_301 = arith.constant 0 : i32
        %dma_start3A_302 = tpu.memref_slice %arg10[%dma_start3A_300, %dma_start3A_301] : memref<400x64xf32, #tpu.memory_space<vmem>> -> memref<100x64xf32, #tpu.memory_space<vmem>>
        %dma_start3A_303 = arith.constant 0 : i32
        %dma_start3A_304 = tpu.memref_slice %arg8[%dma_start3A_299, %dma_start3A_303] : memref<4x100xi32, #tpu.memory_space<vmem>> -> memref<1x100xi32, #tpu.memory_space<vmem>>
        %dma_start3A_305 = tpu.memref_squeeze %dma_start3A_304 : memref<1x100xi32, #tpu.memory_space<vmem>> -> memref<100xi32, #tpu.memory_space<vmem>>
        %dma_start3A_306 = arith.constant 0 : i32
        %dma_start3A_307 = arith.constant 0 : i32
        %dma_start3A_308 = tpu.memref_slice %arg3[%dma_start3A_306, %dma_start3A_307] : memref<100000x64xf32, #tpu.memory_space<hbm>> -> memref<100000x64xf32, #tpu.memory_space<hbm>>
        tpu.enqueue_indirect_dma source(%dma_start3A_308 : memref<100000x64xf32, #tpu.memory_space<hbm>>) target(%dma_start3A_302 : memref<100x64xf32, #tpu.memory_space<vmem>>) offsets(%dma_start3A_305 : memref<100xi32, #tpu.memory_space<vmem>>) semaphore(%arg18 : memref<!tpu.dma_semaphore, #tpu.memory_space<semaphore_mem>>)
        %dma_start3A_309 = arith.constant 2 : i32
        %dma_start3A_310 = arith.constant 200 : i32
        %dma_start3A_311 = arith.constant 0 : i32
        %dma_start3A_312 = tpu.memref_slice %arg10[%dma_start3A_310, %dma_start3A_311] : memref<400x64xf32, #tpu.memory_space<vmem>> -> memref<100x64xf32, #tpu.memory_space<vmem>>
        %dma_start3A_313 = arith.constant 0 : i32
        %dma_start3A_314 = tpu.memref_slice %arg8[%dma_start3A_309, %dma_start3A_313] : memref<4x100xi32, #tpu.memory_space<vmem>> -> memref<1x100xi32, #tpu.memory_space<vmem>>
        %dma_start3A_315 = tpu.memref_squeeze %dma_start3A_314 : memref<1x100xi32, #tpu.memory_space<vmem>> -> memref<100xi32, #tpu.memory_space<vmem>>
        %dma_start3A_316 = arith.constant 0 : i32
        %dma_start3A_317 = arith.constant 0 : i32
        %dma_start3A_318 = tpu.memref_slice %arg3[%dma_start3A_316, %dma_start3A_317] : memref<100000x64xf32, #tpu.memory_space<hbm>> -> memref<100000x64xf32, #tpu.memory_space<hbm>>
        tpu.enqueue_indirect_dma source(%dma_start3A_318 : memref<100000x64xf32, #tpu.memory_space<hbm>>) target(%dma_start3A_312 : memref<100x64xf32, #tpu.memory_space<vmem>>) offsets(%dma_start3A_315 : memref<100xi32, #tpu.memory_space<vmem>>) semaphore(%arg18 : memref<!tpu.dma_semaphore, #tpu.memory_space<semaphore_mem>>)
        %dma_start3A_319 = arith.constant 3 : i32
        %dma_start3A_320 = arith.constant 300 : i32
        %dma_start3A_321 = arith.constant 0 : i32
        %dma_start3A_322 = tpu.memref_slice %arg10[%dma_start3A_320, %dma_start3A_321] : memref<400x64xf32, #tpu.memory_space<vmem>> -> memref<100x64xf32, #tpu.memory_space<vmem>>
        %dma_start3A_323 = arith.constant 0 : i32
        %dma_start3A_324 = tpu.memref_slice %arg8[%dma_start3A_319, %dma_start3A_323] : memref<4x100xi32, #tpu.memory_space<vmem>> -> memref<1x100xi32, #tpu.memory_space<vmem>>
        %dma_start3A_325 = tpu.memref_squeeze %dma_start3A_324 : memref<1x100xi32, #tpu.memory_space<vmem>> -> memref<100xi32, #tpu.memory_space<vmem>>
        %dma_start3A_326 = arith.constant 0 : i32
        %dma_start3A_327 = arith.constant 0 : i32
        %dma_start3A_328 = tpu.memref_slice %arg3[%dma_start3A_326, %dma_start3A_327] : memref<100000x64xf32, #tpu.memory_space<hbm>> -> memref<100000x64xf32, #tpu.memory_space<hbm>>
        tpu.enqueue_indirect_dma source(%dma_start3A_328 : memref<100000x64xf32, #tpu.memory_space<hbm>>) target(%dma_start3A_322 : memref<100x64xf32, #tpu.memory_space<vmem>>) offsets(%dma_start3A_325 : memref<100xi32, #tpu.memory_space<vmem>>) semaphore(%arg18 : memref<!tpu.dma_semaphore, #tpu.memory_space<semaphore_mem>>)
      } else {
      }
      %parallel_loop3A_268 = arith.constant 0 : i32
      %parallel_loop3A_269 = arith.constant 25 : i32
      %parallel_loop3A_270 = arith.constant 1 : i32
      scf.for %parallel_loop3A_279 = %parallel_loop3A_268 to %parallel_loop3A_269 step %parallel_loop3A_270  : i32 {
        %parallel_loop3A_280 = arith.constant 272 : i32
        %parallel_loop3A_281 = arith.muli %parallel_loop3A_279, %parallel_loop3A_280 : i32
        %parallel_loop3A_282 = vector.broadcast %parallel_loop3A_281 : i32 to vector<16xi32>
        %parallel_loop3A_283 = arith.addi %mul3A_20, %parallel_loop3A_282 : vector<16xi32>
        %parallel_loop3A_284 = tpu.vector_load_idx %arg16[%parallel_loop3A_283] : memref<6800xf32, #tpu.memory_space<vmem>>[vector<16xi32>], vector<16xf32>,
        %parallel_loop3A_285 = tpu.vector_load_idx %arg17[%parallel_loop3A_283] : memref<6800xf32, #tpu.memory_space<vmem>>[vector<16xi32>], vector<16xf32>,
        %parallel_loop3A_286 = arith.constant 1 : i32
        %parallel_loop3A_287 = vector.broadcast %parallel_loop3A_286 : i32 to vector<16xi32>
        %parallel_loop3A_288 = arith.addi %parallel_loop3A_283, %parallel_loop3A_287 : vector<16xi32>
        %parallel_loop3A_289 = tpu.vector_load_idx %arg16[%parallel_loop3A_288] : memref<6800xf32, #tpu.memory_space<vmem>>[vector<16xi32>], vector<16xf32>,
        %parallel_loop3A_290 = arith.addf %parallel_loop3A_284, %parallel_loop3A_289 : vector<16xf32>
        %parallel_loop3A_291 = arith.constant 1 : i32
        %parallel_loop3A_292 = vector.broadcast %parallel_loop3A_291 : i32 to vector<16xi32>
        %parallel_loop3A_293 = arith.addi %parallel_loop3A_283, %parallel_loop3A_292 : vector<16xi32>
        %parallel_loop3A_294 = tpu.vector_load_idx %arg17[%parallel_loop3A_293] : memref<6800xf32, #tpu.memory_space<vmem>>[vector<16xi32>], vector<16xf32>,
        %parallel_loop3A_295 = arith.addf %parallel_loop3A_285, %parallel_loop3A_294 : vector<16xf32>
        %parallel_loop3A_296 = arith.constant 2 : i32
        %parallel_loop3A_297 = vector.broadcast %parallel_loop3A_296 : i32 to vector<16xi32>
        %parallel_loop3A_298 = arith.addi %parallel_loop3A_283, %parallel_loop3A_297 : vector<16xi32>
        %parallel_loop3A_299 = tpu.vector_load_idx %arg16[%parallel_loop3A_298] : memref<6800xf32, #tpu.memory_space<vmem>>[vector<16xi32>], vector<16xf32>,
        %parallel_loop3A_300 = arith.addf %parallel_loop3A_290, %parallel_loop3A_299 : vector<16xf32>
        %parallel_loop3A_301 = arith.constant 2 : i32
        %parallel_loop3A_302 = vector.broadcast %parallel_loop3A_301 : i32 to vector<16xi32>
        %parallel_loop3A_303 = arith.addi %parallel_loop3A_283, %parallel_loop3A_302 : vector<16xi32>
        %parallel_loop3A_304 = tpu.vector_load_idx %arg17[%parallel_loop3A_303] : memref<6800xf32, #tpu.memory_space<vmem>>[vector<16xi32>], vector<16xf32>,
        %parallel_loop3A_305 = arith.addf %parallel_loop3A_295, %parallel_loop3A_304 : vector<16xf32>
        %parallel_loop3A_306 = arith.constant 3 : i32
        %parallel_loop3A_307 = vector.broadcast %parallel_loop3A_306 : i32 to vector<16xi32>
        %parallel_loop3A_308 = arith.addi %parallel_loop3A_283, %parallel_loop3A_307 : vector<16xi32>
        %parallel_loop3A_309 = tpu.vector_load_idx %arg16[%parallel_loop3A_308] : memref<6800xf32, #tpu.memory_space<vmem>>[vector<16xi32>], vector<16xf32>,
        %parallel_loop3A_310 = arith.addf %parallel_loop3A_300, %parallel_loop3A_309 : vector<16xf32>
        %parallel_loop3A_311 = arith.constant 3 : i32
        %parallel_loop3A_312 = vector.broadcast %parallel_loop3A_311 : i32 to vector<16xi32>
        %parallel_loop3A_313 = arith.addi %parallel_loop3A_283, %parallel_loop3A_312 : vector<16xi32>
        %parallel_loop3A_314 = tpu.vector_load_idx %arg17[%parallel_loop3A_313] : memref<6800xf32, #tpu.memory_space<vmem>>[vector<16xi32>], vector<16xf32>,
        %parallel_loop3A_315 = arith.addf %parallel_loop3A_305, %parallel_loop3A_314 : vector<16xf32>
        %parallel_loop3A_316 = arith.constant 4 : i32
        %parallel_loop3A_317 = vector.broadcast %parallel_loop3A_316 : i32 to vector<16xi32>
        %parallel_loop3A_318 = arith.addi %parallel_loop3A_283, %parallel_loop3A_317 : vector<16xi32>
        %parallel_loop3A_319 = tpu.vector_load_idx %arg16[%parallel_loop3A_318] : memref<6800xf32, #tpu.memory_space<vmem>>[vector<16xi32>], vector<16xf32>,
        %parallel_loop3A_320 = arith.addf %parallel_loop3A_310, %parallel_loop3A_319 : vector<16xf32>
        %parallel_loop3A_321 = arith.constant 4 : i32
        %parallel_loop3A_322 = vector.broadcast %parallel_loop3A_321 : i32 to vector<16xi32>
        %parallel_loop3A_323 = arith.addi %parallel_loop3A_283, %parallel_loop3A_322 : vector<16xi32>
        %parallel_loop3A_324 = tpu.vector_load_idx %arg17[%parallel_loop3A_323] : memref<6800xf32, #tpu.memory_space<vmem>>[vector<16xi32>], vector<16xf32>,
        %parallel_loop3A_325 = arith.addf %parallel_loop3A_315, %parallel_loop3A_324 : vector<16xf32>
        %parallel_loop3A_326 = arith.constant 5 : i32
        %parallel_loop3A_327 = vector.broadcast %parallel_loop3A_326 : i32 to vector<16xi32>
        %parallel_loop3A_328 = arith.addi %parallel_loop3A_283, %parallel_loop3A_327 : vector<16xi32>
        %parallel_loop3A_329 = tpu.vector_load_idx %arg16[%parallel_loop3A_328] : memref<6800xf32, #tpu.memory_space<vmem>>[vector<16xi32>], vector<16xf32>,
        %parallel_loop3A_330 = arith.addf %parallel_loop3A_320, %parallel_loop3A_329 : vector<16xf32>
        %parallel_loop3A_331 = arith.constant 5 : i32
        %parallel_loop3A_332 = vector.broadcast %parallel_loop3A_331 : i32 to vector<16xi32>
        %parallel_loop3A_333 = arith.addi %parallel_loop3A_283, %parallel_loop3A_332 : vector<16xi32>
        %parallel_loop3A_334 = tpu.vector_load_idx %arg17[%parallel_loop3A_333] : memref<6800xf32, #tpu.memory_space<vmem>>[vector<16xi32>], vector<16xf32>,
        %parallel_loop3A_335 = arith.addf %parallel_loop3A_325, %parallel_loop3A_334 : vector<16xf32>
        %parallel_loop3A_336 = arith.constant 6 : i32
        %parallel_loop3A_337 = vector.broadcast %parallel_loop3A_336 : i32 to vector<16xi32>
        %parallel_loop3A_338 = arith.addi %parallel_loop3A_283, %parallel_loop3A_337 : vector<16xi32>
        %parallel_loop3A_339 = tpu.vector_load_idx %arg16[%parallel_loop3A_338] : memref<6800xf32, #tpu.memory_space<vmem>>[vector<16xi32>], vector<16xf32>,
        %parallel_loop3A_340 = arith.addf %parallel_loop3A_330, %parallel_loop3A_339 : vector<16xf32>
        %parallel_loop3A_341 = arith.constant 6 : i32
        %parallel_loop3A_342 = vector.broadcast %parallel_loop3A_341 : i32 to vector<16xi32>
        %parallel_loop3A_343 = arith.addi %parallel_loop3A_283, %parallel_loop3A_342 : vector<16xi32>
        %parallel_loop3A_344 = tpu.vector_load_idx %arg17[%parallel_loop3A_343] : memref<6800xf32, #tpu.memory_space<vmem>>[vector<16xi32>], vector<16xf32>,
        %parallel_loop3A_345 = arith.addf %parallel_loop3A_335, %parallel_loop3A_344 : vector<16xf32>
        %parallel_loop3A_346 = arith.constant 7 : i32
        %parallel_loop3A_347 = vector.broadcast %parallel_loop3A_346 : i32 to vector<16xi32>
        %parallel_loop3A_348 = arith.addi %parallel_loop3A_283, %parallel_loop3A_347 : vector<16xi32>
        %parallel_loop3A_349 = tpu.vector_load_idx %arg16[%parallel_loop3A_348] : memref<6800xf32, #tpu.memory_space<vmem>>[vector<16xi32>], vector<16xf32>,
        %parallel_loop3A_350 = arith.addf %parallel_loop3A_340, %parallel_loop3A_349 : vector<16xf32>
        %parallel_loop3A_351 = arith.constant 7 : i32
        %parallel_loop3A_352 = vector.broadcast %parallel_loop3A_351 : i32 to vector<16xi32>
        %parallel_loop3A_353 = arith.addi %parallel_loop3A_283, %parallel_loop3A_352 : vector<16xi32>
        %parallel_loop3A_354 = tpu.vector_load_idx %arg17[%parallel_loop3A_353] : memref<6800xf32, #tpu.memory_space<vmem>>[vector<16xi32>], vector<16xf32>,
        %parallel_loop3A_355 = arith.addf %parallel_loop3A_345, %parallel_loop3A_354 : vector<16xf32>
        %parallel_loop3A_356 = arith.constant 8 : i32
        %parallel_loop3A_357 = vector.broadcast %parallel_loop3A_356 : i32 to vector<16xi32>
        %parallel_loop3A_358 = arith.addi %parallel_loop3A_283, %parallel_loop3A_357 : vector<16xi32>
        %parallel_loop3A_359 = tpu.vector_load_idx %arg16[%parallel_loop3A_358] : memref<6800xf32, #tpu.memory_space<vmem>>[vector<16xi32>], vector<16xf32>,
        %parallel_loop3A_360 = arith.addf %parallel_loop3A_350, %parallel_loop3A_359 : vector<16xf32>
        %parallel_loop3A_361 = arith.constant 8 : i32
        %parallel_loop3A_362 = vector.broadcast %parallel_loop3A_361 : i32 to vector<16xi32>
        %parallel_loop3A_363 = arith.addi %parallel_loop3A_283, %parallel_loop3A_362 : vector<16xi32>
        %parallel_loop3A_364 = tpu.vector_load_idx %arg17[%parallel_loop3A_363] : memref<6800xf32, #tpu.memory_space<vmem>>[vector<16xi32>], vector<16xf32>,
        %parallel_loop3A_365 = arith.addf %parallel_loop3A_355, %parallel_loop3A_364 : vector<16xf32>
        %parallel_loop3A_366 = arith.constant 9 : i32
        %parallel_loop3A_367 = vector.broadcast %parallel_loop3A_366 : i32 to vector<16xi32>
        %parallel_loop3A_368 = arith.addi %parallel_loop3A_283, %parallel_loop3A_367 : vector<16xi32>
        %parallel_loop3A_369 = tpu.vector_load_idx %arg16[%parallel_loop3A_368] : memref<6800xf32, #tpu.memory_space<vmem>>[vector<16xi32>], vector<16xf32>,
        %parallel_loop3A_370 = arith.addf %parallel_loop3A_360, %parallel_loop3A_369 : vector<16xf32>
        %parallel_loop3A_371 = arith.constant 9 : i32
        %parallel_loop3A_372 = vector.broadcast %parallel_loop3A_371 : i32 to vector<16xi32>
        %parallel_loop3A_373 = arith.addi %parallel_loop3A_283, %parallel_loop3A_372 : vector<16xi32>
        %parallel_loop3A_374 = tpu.vector_load_idx %arg17[%parallel_loop3A_373] : memref<6800xf32, #tpu.memory_space<vmem>>[vector<16xi32>], vector<16xf32>,
        %parallel_loop3A_375 = arith.addf %parallel_loop3A_365, %parallel_loop3A_374 : vector<16xf32>
        %parallel_loop3A_376 = arith.constant 10 : i32
        %parallel_loop3A_377 = vector.broadcast %parallel_loop3A_376 : i32 to vector<16xi32>
        %parallel_loop3A_378 = arith.addi %parallel_loop3A_283, %parallel_loop3A_377 : vector<16xi32>
        %parallel_loop3A_379 = tpu.vector_load_idx %arg16[%parallel_loop3A_378] : memref<6800xf32, #tpu.memory_space<vmem>>[vector<16xi32>], vector<16xf32>,
        %parallel_loop3A_380 = arith.addf %parallel_loop3A_370, %parallel_loop3A_379 : vector<16xf32>
        %parallel_loop3A_381 = arith.constant 10 : i32
        %parallel_loop3A_382 = vector.broadcast %parallel_loop3A_381 : i32 to vector<16xi32>
        %parallel_loop3A_383 = arith.addi %parallel_loop3A_283, %parallel_loop3A_382 : vector<16xi32>
        %parallel_loop3A_384 = tpu.vector_load_idx %arg17[%parallel_loop3A_383] : memref<6800xf32, #tpu.memory_space<vmem>>[vector<16xi32>], vector<16xf32>,
        %parallel_loop3A_385 = arith.addf %parallel_loop3A_375, %parallel_loop3A_384 : vector<16xf32>
        %parallel_loop3A_386 = arith.constant 11 : i32
        %parallel_loop3A_387 = vector.broadcast %parallel_loop3A_386 : i32 to vector<16xi32>
        %parallel_loop3A_388 = arith.addi %parallel_loop3A_283, %parallel_loop3A_387 : vector<16xi32>
        %parallel_loop3A_389 = tpu.vector_load_idx %arg16[%parallel_loop3A_388] : memref<6800xf32, #tpu.memory_space<vmem>>[vector<16xi32>], vector<16xf32>,
        %parallel_loop3A_390 = arith.addf %parallel_loop3A_380, %parallel_loop3A_389 : vector<16xf32>
        %parallel_loop3A_391 = arith.constant 11 : i32
        %parallel_loop3A_392 = vector.broadcast %parallel_loop3A_391 : i32 to vector<16xi32>
        %parallel_loop3A_393 = arith.addi %parallel_loop3A_283, %parallel_loop3A_392 : vector<16xi32>
        %parallel_loop3A_394 = tpu.vector_load_idx %arg17[%parallel_loop3A_393] : memref<6800xf32, #tpu.memory_space<vmem>>[vector<16xi32>], vector<16xf32>,
        %parallel_loop3A_395 = arith.addf %parallel_loop3A_385, %parallel_loop3A_394 : vector<16xf32>
        %parallel_loop3A_396 = arith.constant 12 : i32
        %parallel_loop3A_397 = vector.broadcast %parallel_loop3A_396 : i32 to vector<16xi32>
        %parallel_loop3A_398 = arith.addi %parallel_loop3A_283, %parallel_loop3A_397 : vector<16xi32>
        %parallel_loop3A_399 = tpu.vector_load_idx %arg16[%parallel_loop3A_398] : memref<6800xf32, #tpu.memory_space<vmem>>[vector<16xi32>], vector<16xf32>,
        %parallel_loop3A_400 = arith.addf %parallel_loop3A_390, %parallel_loop3A_399 : vector<16xf32>
        %parallel_loop3A_401 = arith.constant 12 : i32
        %parallel_loop3A_402 = vector.broadcast %parallel_loop3A_401 : i32 to vector<16xi32>
        %parallel_loop3A_403 = arith.addi %parallel_loop3A_283, %parallel_loop3A_402 : vector<16xi32>
        %parallel_loop3A_404 = tpu.vector_load_idx %arg17[%parallel_loop3A_403] : memref<6800xf32, #tpu.memory_space<vmem>>[vector<16xi32>], vector<16xf32>,
        %parallel_loop3A_405 = arith.addf %parallel_loop3A_395, %parallel_loop3A_404 : vector<16xf32>
        %parallel_loop3A_406 = arith.constant 13 : i32
        %parallel_loop3A_407 = vector.broadcast %parallel_loop3A_406 : i32 to vector<16xi32>
        %parallel_loop3A_408 = arith.addi %parallel_loop3A_283, %parallel_loop3A_407 : vector<16xi32>
        %parallel_loop3A_409 = tpu.vector_load_idx %arg16[%parallel_loop3A_408] : memref<6800xf32, #tpu.memory_space<vmem>>[vector<16xi32>], vector<16xf32>,
        %parallel_loop3A_410 = arith.addf %parallel_loop3A_400, %parallel_loop3A_409 : vector<16xf32>
        %parallel_loop3A_411 = arith.constant 13 : i32
        %parallel_loop3A_412 = vector.broadcast %parallel_loop3A_411 : i32 to vector<16xi32>
        %parallel_loop3A_413 = arith.addi %parallel_loop3A_283, %parallel_loop3A_412 : vector<16xi32>
        %parallel_loop3A_414 = tpu.vector_load_idx %arg17[%parallel_loop3A_413] : memref<6800xf32, #tpu.memory_space<vmem>>[vector<16xi32>], vector<16xf32>,
        %parallel_loop3A_415 = arith.addf %parallel_loop3A_405, %parallel_loop3A_414 : vector<16xf32>
        %parallel_loop3A_416 = arith.constant 14 : i32
        %parallel_loop3A_417 = vector.broadcast %parallel_loop3A_416 : i32 to vector<16xi32>
        %parallel_loop3A_418 = arith.addi %parallel_loop3A_283, %parallel_loop3A_417 : vector<16xi32>
        %parallel_loop3A_419 = tpu.vector_load_idx %arg16[%parallel_loop3A_418] : memref<6800xf32, #tpu.memory_space<vmem>>[vector<16xi32>], vector<16xf32>,
        %parallel_loop3A_420 = arith.addf %parallel_loop3A_410, %parallel_loop3A_419 : vector<16xf32>
        %parallel_loop3A_421 = arith.constant 14 : i32
        %parallel_loop3A_422 = vector.broadcast %parallel_loop3A_421 : i32 to vector<16xi32>
        %parallel_loop3A_423 = arith.addi %parallel_loop3A_283, %parallel_loop3A_422 : vector<16xi32>
        %parallel_loop3A_424 = tpu.vector_load_idx %arg17[%parallel_loop3A_423] : memref<6800xf32, #tpu.memory_space<vmem>>[vector<16xi32>], vector<16xf32>,
        %parallel_loop3A_425 = arith.addf %parallel_loop3A_415, %parallel_loop3A_424 : vector<16xf32>
        %parallel_loop3A_426 = arith.constant 15 : i32
        %parallel_loop3A_427 = vector.broadcast %parallel_loop3A_426 : i32 to vector<16xi32>
        %parallel_loop3A_428 = arith.addi %parallel_loop3A_283, %parallel_loop3A_427 : vector<16xi32>
        %parallel_loop3A_429 = tpu.vector_load_idx %arg16[%parallel_loop3A_428] : memref<6800xf32, #tpu.memory_space<vmem>>[vector<16xi32>], vector<16xf32>,
        %parallel_loop3A_430 = arith.addf %parallel_loop3A_420, %parallel_loop3A_429 : vector<16xf32>
        %parallel_loop3A_431 = arith.constant 15 : i32
        %parallel_loop3A_432 = vector.broadcast %parallel_loop3A_431 : i32 to vector<16xi32>
        %parallel_loop3A_433 = arith.addi %parallel_loop3A_283, %parallel_loop3A_432 : vector<16xi32>
        %parallel_loop3A_434 = tpu.vector_load_idx %arg17[%parallel_loop3A_433] : memref<6800xf32, #tpu.memory_space<vmem>>[vector<16xi32>], vector<16xf32>,
        %parallel_loop3A_435 = arith.addf %parallel_loop3A_425, %parallel_loop3A_434 : vector<16xf32>
        %parallel_loop3A_436 = arith.constant 1.562500e-02 : f32
        %parallel_loop3A_437 = vector.broadcast %parallel_loop3A_436 : f32 to vector<16xf32>
        %parallel_loop3A_438 = arith.mulf %parallel_loop3A_430, %parallel_loop3A_437 : vector<16xf32>
        %parallel_loop3A_439 = arith.constant 1.562500e-02 : f32
        %parallel_loop3A_440 = vector.broadcast %parallel_loop3A_439 : f32 to vector<16xf32>
        %parallel_loop3A_441 = arith.mulf %parallel_loop3A_435, %parallel_loop3A_440 : vector<16xf32>
        %parallel_loop3A_442 = arith.mulf %parallel_loop3A_438, %parallel_loop3A_438 : vector<16xf32>
        %parallel_loop3A_443 = arith.subf %parallel_loop3A_441, %parallel_loop3A_442 : vector<16xf32>
        %parallel_loop3A_444 = arith.constant 9.99999996E-13 : f32
        %parallel_loop3A_445 = vector.broadcast %parallel_loop3A_444 : f32 to vector<16xf32>
        %parallel_loop3A_446 = arith.addf %parallel_loop3A_443, %parallel_loop3A_445 : vector<16xf32>
        %parallel_loop3A_447 = tpu.bitcast %parallel_loop3A_446 : vector<16xf32> -> vector<16xi32>
        %parallel_loop3A_448 = arith.constant 1 : i32
        %parallel_loop3A_449 = vector.broadcast %parallel_loop3A_448 : i32 to vector<16xi32>
        %parallel_loop3A_450 = arith.shrsi %parallel_loop3A_447, %parallel_loop3A_449 : vector<16xi32>
        %parallel_loop3A_451 = arith.constant 1597463007 : i32
        %parallel_loop3A_452 = vector.broadcast %parallel_loop3A_451 : i32 to vector<16xi32>
        %parallel_loop3A_453 = arith.subi %parallel_loop3A_452, %parallel_loop3A_450 : vector<16xi32>
        %parallel_loop3A_454 = tpu.bitcast %parallel_loop3A_453 : vector<16xi32> -> vector<16xf32>
        %parallel_loop3A_455 = arith.constant 5.000000e-01 : f32
        %parallel_loop3A_456 = vector.broadcast %parallel_loop3A_455 : f32 to vector<16xf32>
        %parallel_loop3A_457 = arith.mulf %parallel_loop3A_446, %parallel_loop3A_456 : vector<16xf32>
        %parallel_loop3A_458 = arith.mulf %parallel_loop3A_457, %parallel_loop3A_454 : vector<16xf32>
        %parallel_loop3A_459 = arith.mulf %parallel_loop3A_458, %parallel_loop3A_454 : vector<16xf32>
        %parallel_loop3A_460 = arith.constant 1.500000e+00 : f32
        %parallel_loop3A_461 = vector.broadcast %parallel_loop3A_460 : f32 to vector<16xf32>
        %parallel_loop3A_462 = arith.subf %parallel_loop3A_461, %parallel_loop3A_459 : vector<16xf32>
        %parallel_loop3A_463 = arith.mulf %parallel_loop3A_454, %parallel_loop3A_462 : vector<16xf32>
        %parallel_loop3A_464 = arith.mulf %parallel_loop3A_457, %parallel_loop3A_463 : vector<16xf32>
        %parallel_loop3A_465 = arith.mulf %parallel_loop3A_464, %parallel_loop3A_463 : vector<16xf32>
        %parallel_loop3A_466 = arith.constant 1.500000e+00 : f32
        %parallel_loop3A_467 = vector.broadcast %parallel_loop3A_466 : f32 to vector<16xf32>
        %parallel_loop3A_468 = arith.subf %parallel_loop3A_467, %parallel_loop3A_465 : vector<16xf32>
        %parallel_loop3A_469 = arith.mulf %parallel_loop3A_463, %parallel_loop3A_468 : vector<16xf32>
        %parallel_loop3A_470 = arith.mulf %parallel_loop3A_457, %parallel_loop3A_469 : vector<16xf32>
        %parallel_loop3A_471 = arith.mulf %parallel_loop3A_470, %parallel_loop3A_469 : vector<16xf32>
        %parallel_loop3A_472 = arith.constant 1.500000e+00 : f32
        %parallel_loop3A_473 = vector.broadcast %parallel_loop3A_472 : f32 to vector<16xf32>
        %parallel_loop3A_474 = arith.subf %parallel_loop3A_473, %parallel_loop3A_471 : vector<16xf32>
        %parallel_loop3A_475 = arith.mulf %parallel_loop3A_469, %parallel_loop3A_474 : vector<16xf32>
        %parallel_loop3A_476 = arith.constant 8 : i32
        %parallel_loop3A_477 = arith.muli %parallel_loop3A_279, %parallel_loop3A_476 : i32
        %parallel_loop3A_478 = vector.extract_strided_slice %parallel_loop3A_438 {offsets = [0], sizes = [1], strides = [1]} : vector<16xf32> to vector<1xf32>
        %parallel_loop3A_479 = vector.extract %parallel_loop3A_478[0] : f32 from vector<1xf32>
        %parallel_loop3A_480 = vector.broadcast %parallel_loop3A_479 : f32 to vector<16xf32>
        %parallel_loop3A_481 = vector.extract_strided_slice %parallel_loop3A_475 {offsets = [0], sizes = [1], strides = [1]} : vector<16xf32> to vector<1xf32>
        %parallel_loop3A_482 = vector.extract %parallel_loop3A_481[0] : f32 from vector<1xf32>
        %parallel_loop3A_483 = vector.broadcast %parallel_loop3A_482 : f32 to vector<16xf32>
        %parallel_loop3A_484 = arith.constant 0 : i32
        %parallel_loop3A_485 = arith.addi %parallel_loop3A_477, %parallel_loop3A_484 : i32
        %parallel_loop3A_486 = arith.index_cast %parallel_loop3A_485 : i32 to index
        %parallel_loop3A_487 = arith.constant 0 : index
        %parallel_loop3A_488 = tpu.vector_load %arg12[%parallel_loop3A_486, %parallel_loop3A_487] {strides = array<i32>} : memref<200x128xf32, #tpu.memory_space<vmem>>, vector<16xf32>,
        %parallel_loop3A_489 = arith.subf %parallel_loop3A_488, %parallel_loop3A_480 : vector<16xf32>
        %parallel_loop3A_490 = arith.mulf %parallel_loop3A_489, %parallel_loop3A_483 : vector<16xf32>
        %parallel_loop3A_491 = arith.mulf %parallel_loop3A_490, %get3A_3 : vector<16xf32>
        %parallel_loop3A_492 = arith.addf %parallel_loop3A_491, %get3A_11 : vector<16xf32>
        %parallel_loop3A_493 = arith.constant 0 : i32
        %parallel_loop3A_494 = arith.addi %parallel_loop3A_477, %parallel_loop3A_493 : i32
        %parallel_loop3A_495 = arith.index_cast %parallel_loop3A_494 : i32 to index
        %parallel_loop3A_496 = arith.constant 0 : index
        %parallel_loop3A_497 = tpu.vector_load %arg12[%parallel_loop3A_495, %parallel_loop3A_496] {strides = array<i32>} : memref<200x128xf32, #tpu.memory_space<vmem>>, vector<16xf32>,
        tpu.vector_store %arg12[%parallel_loop3A_495, %parallel_loop3A_496], %parallel_loop3A_492 {strides = array<i32>} : memref<200x128xf32, #tpu.memory_space<vmem>>, vector<16xf32>,
        %parallel_loop3A_498 = arith.constant 0 : i32
        %parallel_loop3A_499 = arith.addi %parallel_loop3A_477, %parallel_loop3A_498 : i32
        %parallel_loop3A_500 = arith.index_cast %parallel_loop3A_499 : i32 to index
        %parallel_loop3A_501 = arith.constant 16 : index
        %parallel_loop3A_502 = tpu.vector_load %arg12[%parallel_loop3A_500, %parallel_loop3A_501] {strides = array<i32>} : memref<200x128xf32, #tpu.memory_space<vmem>>, vector<16xf32>,
        %parallel_loop3A_503 = arith.subf %parallel_loop3A_502, %parallel_loop3A_480 : vector<16xf32>
        %parallel_loop3A_504 = arith.mulf %parallel_loop3A_503, %parallel_loop3A_483 : vector<16xf32>
        %parallel_loop3A_505 = arith.mulf %parallel_loop3A_504, %get3A_5 : vector<16xf32>
        %parallel_loop3A_506 = arith.addf %parallel_loop3A_505, %get3A_13 : vector<16xf32>
        %parallel_loop3A_507 = arith.constant 0 : i32
        %parallel_loop3A_508 = arith.addi %parallel_loop3A_477, %parallel_loop3A_507 : i32
        %parallel_loop3A_509 = arith.index_cast %parallel_loop3A_508 : i32 to index
        %parallel_loop3A_510 = arith.constant 16 : index
        %parallel_loop3A_511 = tpu.vector_load %arg12[%parallel_loop3A_509, %parallel_loop3A_510] {strides = array<i32>} : memref<200x128xf32, #tpu.memory_space<vmem>>, vector<16xf32>,
        tpu.vector_store %arg12[%parallel_loop3A_509, %parallel_loop3A_510], %parallel_loop3A_506 {strides = array<i32>} : memref<200x128xf32, #tpu.memory_space<vmem>>, vector<16xf32>,
        %parallel_loop3A_512 = arith.constant 0 : i32
        %parallel_loop3A_513 = arith.addi %parallel_loop3A_477, %parallel_loop3A_512 : i32
        %parallel_loop3A_514 = arith.index_cast %parallel_loop3A_513 : i32 to index
        %parallel_loop3A_515 = arith.constant 32 : index
        %parallel_loop3A_516 = tpu.vector_load %arg12[%parallel_loop3A_514, %parallel_loop3A_515] {strides = array<i32>} : memref<200x128xf32, #tpu.memory_space<vmem>>, vector<16xf32>,
        %parallel_loop3A_517 = arith.subf %parallel_loop3A_516, %parallel_loop3A_480 : vector<16xf32>
        %parallel_loop3A_518 = arith.mulf %parallel_loop3A_517, %parallel_loop3A_483 : vector<16xf32>
        %parallel_loop3A_519 = arith.mulf %parallel_loop3A_518, %get3A_7 : vector<16xf32>
        %parallel_loop3A_520 = arith.addf %parallel_loop3A_519, %get3A_15 : vector<16xf32>
        %parallel_loop3A_521 = arith.constant 0 : i32
        %parallel_loop3A_522 = arith.addi %parallel_loop3A_477, %parallel_loop3A_521 : i32
        %parallel_loop3A_523 = arith.index_cast %parallel_loop3A_522 : i32 to index
        %parallel_loop3A_524 = arith.constant 32 : index
        %parallel_loop3A_525 = tpu.vector_load %arg12[%parallel_loop3A_523, %parallel_loop3A_524] {strides = array<i32>} : memref<200x128xf32, #tpu.memory_space<vmem>>, vector<16xf32>,
        tpu.vector_store %arg12[%parallel_loop3A_523, %parallel_loop3A_524], %parallel_loop3A_520 {strides = array<i32>} : memref<200x128xf32, #tpu.memory_space<vmem>>, vector<16xf32>,
        %parallel_loop3A_526 = arith.constant 0 : i32
        %parallel_loop3A_527 = arith.addi %parallel_loop3A_477, %parallel_loop3A_526 : i32
        %parallel_loop3A_528 = arith.index_cast %parallel_loop3A_527 : i32 to index
        %parallel_loop3A_529 = arith.constant 48 : index
        %parallel_loop3A_530 = tpu.vector_load %arg12[%parallel_loop3A_528, %parallel_loop3A_529] {strides = array<i32>} : memref<200x128xf32, #tpu.memory_space<vmem>>, vector<16xf32>,
        %parallel_loop3A_531 = arith.subf %parallel_loop3A_530, %parallel_loop3A_480 : vector<16xf32>
        %parallel_loop3A_532 = arith.mulf %parallel_loop3A_531, %parallel_loop3A_483 : vector<16xf32>
        %parallel_loop3A_533 = arith.mulf %parallel_loop3A_532, %get3A_9 : vector<16xf32>
        %parallel_loop3A_534 = arith.addf %parallel_loop3A_533, %get3A_17 : vector<16xf32>
        %parallel_loop3A_535 = arith.constant 0 : i32
        %parallel_loop3A_536 = arith.addi %parallel_loop3A_477, %parallel_loop3A_535 : i32
        %parallel_loop3A_537 = arith.index_cast %parallel_loop3A_536 : i32 to index
        %parallel_loop3A_538 = arith.constant 48 : index
        %parallel_loop3A_539 = tpu.vector_load %arg12[%parallel_loop3A_537, %parallel_loop3A_538] {strides = array<i32>} : memref<200x128xf32, #tpu.memory_space<vmem>>, vector<16xf32>,
        tpu.vector_store %arg12[%parallel_loop3A_537, %parallel_loop3A_538], %parallel_loop3A_534 {strides = array<i32>} : memref<200x128xf32, #tpu.memory_space<vmem>>, vector<16xf32>,
        %parallel_loop3A_540 = vector.extract_strided_slice %parallel_loop3A_438 {offsets = [1], sizes = [1], strides = [1]} : vector<16xf32> to vector<1xf32>
        %parallel_loop3A_541 = vector.extract %parallel_loop3A_540[0] : f32 from vector<1xf32>
        %parallel_loop3A_542 = vector.broadcast %parallel_loop3A_541 : f32 to vector<16xf32>
        %parallel_loop3A_543 = vector.extract_strided_slice %parallel_loop3A_475 {offsets = [1], sizes = [1], strides = [1]} : vector<16xf32> to vector<1xf32>
        %parallel_loop3A_544 = vector.extract %parallel_loop3A_543[0] : f32 from vector<1xf32>
        %parallel_loop3A_545 = vector.broadcast %parallel_loop3A_544 : f32 to vector<16xf32>
        %parallel_loop3A_546 = arith.constant 0 : i32
        %parallel_loop3A_547 = arith.addi %parallel_loop3A_477, %parallel_loop3A_546 : i32
        %parallel_loop3A_548 = arith.index_cast %parallel_loop3A_547 : i32 to index
        %parallel_loop3A_549 = arith.constant 64 : index
        %parallel_loop3A_550 = tpu.vector_load %arg12[%parallel_loop3A_548, %parallel_loop3A_549] {strides = array<i32>} : memref<200x128xf32, #tpu.memory_space<vmem>>, vector<16xf32>,
        %parallel_loop3A_551 = arith.subf %parallel_loop3A_550, %parallel_loop3A_542 : vector<16xf32>
        %parallel_loop3A_552 = arith.mulf %parallel_loop3A_551, %parallel_loop3A_545 : vector<16xf32>
        %parallel_loop3A_553 = arith.mulf %parallel_loop3A_552, %get3A_3 : vector<16xf32>
        %parallel_loop3A_554 = arith.addf %parallel_loop3A_553, %get3A_11 : vector<16xf32>
        %parallel_loop3A_555 = arith.constant 0 : i32
        %parallel_loop3A_556 = arith.addi %parallel_loop3A_477, %parallel_loop3A_555 : i32
        %parallel_loop3A_557 = arith.index_cast %parallel_loop3A_556 : i32 to index
        %parallel_loop3A_558 = arith.constant 64 : index
        %parallel_loop3A_559 = tpu.vector_load %arg12[%parallel_loop3A_557, %parallel_loop3A_558] {strides = array<i32>} : memref<200x128xf32, #tpu.memory_space<vmem>>, vector<16xf32>,
        tpu.vector_store %arg12[%parallel_loop3A_557, %parallel_loop3A_558], %parallel_loop3A_554 {strides = array<i32>} : memref<200x128xf32, #tpu.memory_space<vmem>>, vector<16xf32>,
        %parallel_loop3A_560 = arith.constant 0 : i32
        %parallel_loop3A_561 = arith.addi %parallel_loop3A_477, %parallel_loop3A_560 : i32
        %parallel_loop3A_562 = arith.index_cast %parallel_loop3A_561 : i32 to index
        %parallel_loop3A_563 = arith.constant 80 : index
        %parallel_loop3A_564 = tpu.vector_load %arg12[%parallel_loop3A_562, %parallel_loop3A_563] {strides = array<i32>} : memref<200x128xf32, #tpu.memory_space<vmem>>, vector<16xf32>,
        %parallel_loop3A_565 = arith.subf %parallel_loop3A_564, %parallel_loop3A_542 : vector<16xf32>
        %parallel_loop3A_566 = arith.mulf %parallel_loop3A_565, %parallel_loop3A_545 : vector<16xf32>
        %parallel_loop3A_567 = arith.mulf %parallel_loop3A_566, %get3A_5 : vector<16xf32>
        %parallel_loop3A_568 = arith.addf %parallel_loop3A_567, %get3A_13 : vector<16xf32>
        %parallel_loop3A_569 = arith.constant 0 : i32
        %parallel_loop3A_570 = arith.addi %parallel_loop3A_477, %parallel_loop3A_569 : i32
        %parallel_loop3A_571 = arith.index_cast %parallel_loop3A_570 : i32 to index
        %parallel_loop3A_572 = arith.constant 80 : index
        %parallel_loop3A_573 = tpu.vector_load %arg12[%parallel_loop3A_571, %parallel_loop3A_572] {strides = array<i32>} : memref<200x128xf32, #tpu.memory_space<vmem>>, vector<16xf32>,
        tpu.vector_store %arg12[%parallel_loop3A_571, %parallel_loop3A_572], %parallel_loop3A_568 {strides = array<i32>} : memref<200x128xf32, #tpu.memory_space<vmem>>, vector<16xf32>,
        %parallel_loop3A_574 = arith.constant 0 : i32
        %parallel_loop3A_575 = arith.addi %parallel_loop3A_477, %parallel_loop3A_574 : i32
        %parallel_loop3A_576 = arith.index_cast %parallel_loop3A_575 : i32 to index
        %parallel_loop3A_577 = arith.constant 96 : index
        %parallel_loop3A_578 = tpu.vector_load %arg12[%parallel_loop3A_576, %parallel_loop3A_577] {strides = array<i32>} : memref<200x128xf32, #tpu.memory_space<vmem>>, vector<16xf32>,
        %parallel_loop3A_579 = arith.subf %parallel_loop3A_578, %parallel_loop3A_542 : vector<16xf32>
        %parallel_loop3A_580 = arith.mulf %parallel_loop3A_579, %parallel_loop3A_545 : vector<16xf32>
        %parallel_loop3A_581 = arith.mulf %parallel_loop3A_580, %get3A_7 : vector<16xf32>
        %parallel_loop3A_582 = arith.addf %parallel_loop3A_581, %get3A_15 : vector<16xf32>
        %parallel_loop3A_583 = arith.constant 0 : i32
        %parallel_loop3A_584 = arith.addi %parallel_loop3A_477, %parallel_loop3A_583 : i32
        %parallel_loop3A_585 = arith.index_cast %parallel_loop3A_584 : i32 to index
        %parallel_loop3A_586 = arith.constant 96 : index
        %parallel_loop3A_587 = tpu.vector_load %arg12[%parallel_loop3A_585, %parallel_loop3A_586] {strides = array<i32>} : memref<200x128xf32, #tpu.memory_space<vmem>>, vector<16xf32>,
        tpu.vector_store %arg12[%parallel_loop3A_585, %parallel_loop3A_586], %parallel_loop3A_582 {strides = array<i32>} : memref<200x128xf32, #tpu.memory_space<vmem>>, vector<16xf32>,
        %parallel_loop3A_588 = arith.constant 0 : i32
        %parallel_loop3A_589 = arith.addi %parallel_loop3A_477, %parallel_loop3A_588 : i32
        %parallel_loop3A_590 = arith.index_cast %parallel_loop3A_589 : i32 to index
        %parallel_loop3A_591 = arith.constant 112 : index
        %parallel_loop3A_592 = tpu.vector_load %arg12[%parallel_loop3A_590, %parallel_loop3A_591] {strides = array<i32>} : memref<200x128xf32, #tpu.memory_space<vmem>>, vector<16xf32>,
        %parallel_loop3A_593 = arith.subf %parallel_loop3A_592, %parallel_loop3A_542 : vector<16xf32>
        %parallel_loop3A_594 = arith.mulf %parallel_loop3A_593, %parallel_loop3A_545 : vector<16xf32>
        %parallel_loop3A_595 = arith.mulf %parallel_loop3A_594, %get3A_9 : vector<16xf32>
        %parallel_loop3A_596 = arith.addf %parallel_loop3A_595, %get3A_17 : vector<16xf32>
        %parallel_loop3A_597 = arith.constant 0 : i32
        %parallel_loop3A_598 = arith.addi %parallel_loop3A_477, %parallel_loop3A_597 : i32
        %parallel_loop3A_599 = arith.index_cast %parallel_loop3A_598 : i32 to index
        %parallel_loop3A_600 = arith.constant 112 : index
        %parallel_loop3A_601 = tpu.vector_load %arg12[%parallel_loop3A_599, %parallel_loop3A_600] {strides = array<i32>} : memref<200x128xf32, #tpu.memory_space<vmem>>, vector<16xf32>,
        tpu.vector_store %arg12[%parallel_loop3A_599, %parallel_loop3A_600], %parallel_loop3A_596 {strides = array<i32>} : memref<200x128xf32, #tpu.memory_space<vmem>>, vector<16xf32>,
        %parallel_loop3A_602 = vector.extract_strided_slice %parallel_loop3A_438 {offsets = [2], sizes = [1], strides = [1]} : vector<16xf32> to vector<1xf32>
        %parallel_loop3A_603 = vector.extract %parallel_loop3A_602[0] : f32 from vector<1xf32>
        %parallel_loop3A_604 = vector.broadcast %parallel_loop3A_603 : f32 to vector<16xf32>
        %parallel_loop3A_605 = vector.extract_strided_slice %parallel_loop3A_475 {offsets = [2], sizes = [1], strides = [1]} : vector<16xf32> to vector<1xf32>
        %parallel_loop3A_606 = vector.extract %parallel_loop3A_605[0] : f32 from vector<1xf32>
        %parallel_loop3A_607 = vector.broadcast %parallel_loop3A_606 : f32 to vector<16xf32>
        %parallel_loop3A_608 = arith.constant 1 : i32
        %parallel_loop3A_609 = arith.addi %parallel_loop3A_477, %parallel_loop3A_608 : i32
        %parallel_loop3A_610 = arith.index_cast %parallel_loop3A_609 : i32 to index
        %parallel_loop3A_611 = arith.constant 0 : index
        %parallel_loop3A_612 = tpu.vector_load %arg12[%parallel_loop3A_610, %parallel_loop3A_611] {strides = array<i32>} : memref<200x128xf32, #tpu.memory_space<vmem>>, vector<16xf32>,
        %parallel_loop3A_613 = arith.subf %parallel_loop3A_612, %parallel_loop3A_604 : vector<16xf32>
        %parallel_loop3A_614 = arith.mulf %parallel_loop3A_613, %parallel_loop3A_607 : vector<16xf32>
        %parallel_loop3A_615 = arith.mulf %parallel_loop3A_614, %get3A_3 : vector<16xf32>
        %parallel_loop3A_616 = arith.addf %parallel_loop3A_615, %get3A_11 : vector<16xf32>
        %parallel_loop3A_617 = arith.constant 1 : i32
        %parallel_loop3A_618 = arith.addi %parallel_loop3A_477, %parallel_loop3A_617 : i32
        %parallel_loop3A_619 = arith.index_cast %parallel_loop3A_618 : i32 to index
        %parallel_loop3A_620 = arith.constant 0 : index
        %parallel_loop3A_621 = tpu.vector_load %arg12[%parallel_loop3A_619, %parallel_loop3A_620] {strides = array<i32>} : memref<200x128xf32, #tpu.memory_space<vmem>>, vector<16xf32>,
        tpu.vector_store %arg12[%parallel_loop3A_619, %parallel_loop3A_620], %parallel_loop3A_616 {strides = array<i32>} : memref<200x128xf32, #tpu.memory_space<vmem>>, vector<16xf32>,
        %parallel_loop3A_622 = arith.constant 1 : i32
        %parallel_loop3A_623 = arith.addi %parallel_loop3A_477, %parallel_loop3A_622 : i32
        %parallel_loop3A_624 = arith.index_cast %parallel_loop3A_623 : i32 to index
        %parallel_loop3A_625 = arith.constant 16 : index
        %parallel_loop3A_626 = tpu.vector_load %arg12[%parallel_loop3A_624, %parallel_loop3A_625] {strides = array<i32>} : memref<200x128xf32, #tpu.memory_space<vmem>>, vector<16xf32>,
        %parallel_loop3A_627 = arith.subf %parallel_loop3A_626, %parallel_loop3A_604 : vector<16xf32>
        %parallel_loop3A_628 = arith.mulf %parallel_loop3A_627, %parallel_loop3A_607 : vector<16xf32>
        %parallel_loop3A_629 = arith.mulf %parallel_loop3A_628, %get3A_5 : vector<16xf32>
        %parallel_loop3A_630 = arith.addf %parallel_loop3A_629, %get3A_13 : vector<16xf32>
        %parallel_loop3A_631 = arith.constant 1 : i32
        %parallel_loop3A_632 = arith.addi %parallel_loop3A_477, %parallel_loop3A_631 : i32
        %parallel_loop3A_633 = arith.index_cast %parallel_loop3A_632 : i32 to index
        %parallel_loop3A_634 = arith.constant 16 : index
        %parallel_loop3A_635 = tpu.vector_load %arg12[%parallel_loop3A_633, %parallel_loop3A_634] {strides = array<i32>} : memref<200x128xf32, #tpu.memory_space<vmem>>, vector<16xf32>,
        tpu.vector_store %arg12[%parallel_loop3A_633, %parallel_loop3A_634], %parallel_loop3A_630 {strides = array<i32>} : memref<200x128xf32, #tpu.memory_space<vmem>>, vector<16xf32>,
        %parallel_loop3A_636 = arith.constant 1 : i32
        %parallel_loop3A_637 = arith.addi %parallel_loop3A_477, %parallel_loop3A_636 : i32
        %parallel_loop3A_638 = arith.index_cast %parallel_loop3A_637 : i32 to index
        %parallel_loop3A_639 = arith.constant 32 : index
        %parallel_loop3A_640 = tpu.vector_load %arg12[%parallel_loop3A_638, %parallel_loop3A_639] {strides = array<i32>} : memref<200x128xf32, #tpu.memory_space<vmem>>, vector<16xf32>,
        %parallel_loop3A_641 = arith.subf %parallel_loop3A_640, %parallel_loop3A_604 : vector<16xf32>
        %parallel_loop3A_642 = arith.mulf %parallel_loop3A_641, %parallel_loop3A_607 : vector<16xf32>
        %parallel_loop3A_643 = arith.mulf %parallel_loop3A_642, %get3A_7 : vector<16xf32>
        %parallel_loop3A_644 = arith.addf %parallel_loop3A_643, %get3A_15 : vector<16xf32>
        %parallel_loop3A_645 = arith.constant 1 : i32
        %parallel_loop3A_646 = arith.addi %parallel_loop3A_477, %parallel_loop3A_645 : i32
        %parallel_loop3A_647 = arith.index_cast %parallel_loop3A_646 : i32 to index
        %parallel_loop3A_648 = arith.constant 32 : index
        %parallel_loop3A_649 = tpu.vector_load %arg12[%parallel_loop3A_647, %parallel_loop3A_648] {strides = array<i32>} : memref<200x128xf32, #tpu.memory_space<vmem>>, vector<16xf32>,
        tpu.vector_store %arg12[%parallel_loop3A_647, %parallel_loop3A_648], %parallel_loop3A_644 {strides = array<i32>} : memref<200x128xf32, #tpu.memory_space<vmem>>, vector<16xf32>,
        %parallel_loop3A_650 = arith.constant 1 : i32
        %parallel_loop3A_651 = arith.addi %parallel_loop3A_477, %parallel_loop3A_650 : i32
        %parallel_loop3A_652 = arith.index_cast %parallel_loop3A_651 : i32 to index
        %parallel_loop3A_653 = arith.constant 48 : index
        %parallel_loop3A_654 = tpu.vector_load %arg12[%parallel_loop3A_652, %parallel_loop3A_653] {strides = array<i32>} : memref<200x128xf32, #tpu.memory_space<vmem>>, vector<16xf32>,
        %parallel_loop3A_655 = arith.subf %parallel_loop3A_654, %parallel_loop3A_604 : vector<16xf32>
        %parallel_loop3A_656 = arith.mulf %parallel_loop3A_655, %parallel_loop3A_607 : vector<16xf32>
        %parallel_loop3A_657 = arith.mulf %parallel_loop3A_656, %get3A_9 : vector<16xf32>
        %parallel_loop3A_658 = arith.addf %parallel_loop3A_657, %get3A_17 : vector<16xf32>
        %parallel_loop3A_659 = arith.constant 1 : i32
        %parallel_loop3A_660 = arith.addi %parallel_loop3A_477, %parallel_loop3A_659 : i32
        %parallel_loop3A_661 = arith.index_cast %parallel_loop3A_660 : i32 to index
        %parallel_loop3A_662 = arith.constant 48 : index
        %parallel_loop3A_663 = tpu.vector_load %arg12[%parallel_loop3A_661, %parallel_loop3A_662] {strides = array<i32>} : memref<200x128xf32, #tpu.memory_space<vmem>>, vector<16xf32>,
        tpu.vector_store %arg12[%parallel_loop3A_661, %parallel_loop3A_662], %parallel_loop3A_658 {strides = array<i32>} : memref<200x128xf32, #tpu.memory_space<vmem>>, vector<16xf32>,
        %parallel_loop3A_664 = vector.extract_strided_slice %parallel_loop3A_438 {offsets = [3], sizes = [1], strides = [1]} : vector<16xf32> to vector<1xf32>
        %parallel_loop3A_665 = vector.extract %parallel_loop3A_664[0] : f32 from vector<1xf32>
        %parallel_loop3A_666 = vector.broadcast %parallel_loop3A_665 : f32 to vector<16xf32>
        %parallel_loop3A_667 = vector.extract_strided_slice %parallel_loop3A_475 {offsets = [3], sizes = [1], strides = [1]} : vector<16xf32> to vector<1xf32>
        %parallel_loop3A_668 = vector.extract %parallel_loop3A_667[0] : f32 from vector<1xf32>
        %parallel_loop3A_669 = vector.broadcast %parallel_loop3A_668 : f32 to vector<16xf32>
        %parallel_loop3A_670 = arith.constant 1 : i32
        %parallel_loop3A_671 = arith.addi %parallel_loop3A_477, %parallel_loop3A_670 : i32
        %parallel_loop3A_672 = arith.index_cast %parallel_loop3A_671 : i32 to index
        %parallel_loop3A_673 = arith.constant 64 : index
        %parallel_loop3A_674 = tpu.vector_load %arg12[%parallel_loop3A_672, %parallel_loop3A_673] {strides = array<i32>} : memref<200x128xf32, #tpu.memory_space<vmem>>, vector<16xf32>,
        %parallel_loop3A_675 = arith.subf %parallel_loop3A_674, %parallel_loop3A_666 : vector<16xf32>
        %parallel_loop3A_676 = arith.mulf %parallel_loop3A_675, %parallel_loop3A_669 : vector<16xf32>
        %parallel_loop3A_677 = arith.mulf %parallel_loop3A_676, %get3A_3 : vector<16xf32>
        %parallel_loop3A_678 = arith.addf %parallel_loop3A_677, %get3A_11 : vector<16xf32>
        %parallel_loop3A_679 = arith.constant 1 : i32
        %parallel_loop3A_680 = arith.addi %parallel_loop3A_477, %parallel_loop3A_679 : i32
        %parallel_loop3A_681 = arith.index_cast %parallel_loop3A_680 : i32 to index
        %parallel_loop3A_682 = arith.constant 64 : index
        %parallel_loop3A_683 = tpu.vector_load %arg12[%parallel_loop3A_681, %parallel_loop3A_682] {strides = array<i32>} : memref<200x128xf32, #tpu.memory_space<vmem>>, vector<16xf32>,
        tpu.vector_store %arg12[%parallel_loop3A_681, %parallel_loop3A_682], %parallel_loop3A_678 {strides = array<i32>} : memref<200x128xf32, #tpu.memory_space<vmem>>, vector<16xf32>,
        %parallel_loop3A_684 = arith.constant 1 : i32
        %parallel_loop3A_685 = arith.addi %parallel_loop3A_477, %parallel_loop3A_684 : i32
        %parallel_loop3A_686 = arith.index_cast %parallel_loop3A_685 : i32 to index
        %parallel_loop3A_687 = arith.constant 80 : index
        %parallel_loop3A_688 = tpu.vector_load %arg12[%parallel_loop3A_686, %parallel_loop3A_687] {strides = array<i32>} : memref<200x128xf32, #tpu.memory_space<vmem>>, vector<16xf32>,
        %parallel_loop3A_689 = arith.subf %parallel_loop3A_688, %parallel_loop3A_666 : vector<16xf32>
        %parallel_loop3A_690 = arith.mulf %parallel_loop3A_689, %parallel_loop3A_669 : vector<16xf32>
        %parallel_loop3A_691 = arith.mulf %parallel_loop3A_690, %get3A_5 : vector<16xf32>
        %parallel_loop3A_692 = arith.addf %parallel_loop3A_691, %get3A_13 : vector<16xf32>
        %parallel_loop3A_693 = arith.constant 1 : i32
        %parallel_loop3A_694 = arith.addi %parallel_loop3A_477, %parallel_loop3A_693 : i32
        %parallel_loop3A_695 = arith.index_cast %parallel_loop3A_694 : i32 to index
        %parallel_loop3A_696 = arith.constant 80 : index
        %parallel_loop3A_697 = tpu.vector_load %arg12[%parallel_loop3A_695, %parallel_loop3A_696] {strides = array<i32>} : memref<200x128xf32, #tpu.memory_space<vmem>>, vector<16xf32>,
        tpu.vector_store %arg12[%parallel_loop3A_695, %parallel_loop3A_696], %parallel_loop3A_692 {strides = array<i32>} : memref<200x128xf32, #tpu.memory_space<vmem>>, vector<16xf32>,
        %parallel_loop3A_698 = arith.constant 1 : i32
        %parallel_loop3A_699 = arith.addi %parallel_loop3A_477, %parallel_loop3A_698 : i32
        %parallel_loop3A_700 = arith.index_cast %parallel_loop3A_699 : i32 to index
        %parallel_loop3A_701 = arith.constant 96 : index
        %parallel_loop3A_702 = tpu.vector_load %arg12[%parallel_loop3A_700, %parallel_loop3A_701] {strides = array<i32>} : memref<200x128xf32, #tpu.memory_space<vmem>>, vector<16xf32>,
        %parallel_loop3A_703 = arith.subf %parallel_loop3A_702, %parallel_loop3A_666 : vector<16xf32>
        %parallel_loop3A_704 = arith.mulf %parallel_loop3A_703, %parallel_loop3A_669 : vector<16xf32>
        %parallel_loop3A_705 = arith.mulf %parallel_loop3A_704, %get3A_7 : vector<16xf32>
        %parallel_loop3A_706 = arith.addf %parallel_loop3A_705, %get3A_15 : vector<16xf32>
        %parallel_loop3A_707 = arith.constant 1 : i32
        %parallel_loop3A_708 = arith.addi %parallel_loop3A_477, %parallel_loop3A_707 : i32
        %parallel_loop3A_709 = arith.index_cast %parallel_loop3A_708 : i32 to index
        %parallel_loop3A_710 = arith.constant 96 : index
        %parallel_loop3A_711 = tpu.vector_load %arg12[%parallel_loop3A_709, %parallel_loop3A_710] {strides = array<i32>} : memref<200x128xf32, #tpu.memory_space<vmem>>, vector<16xf32>,
        tpu.vector_store %arg12[%parallel_loop3A_709, %parallel_loop3A_710], %parallel_loop3A_706 {strides = array<i32>} : memref<200x128xf32, #tpu.memory_space<vmem>>, vector<16xf32>,
        %parallel_loop3A_712 = arith.constant 1 : i32
        %parallel_loop3A_713 = arith.addi %parallel_loop3A_477, %parallel_loop3A_712 : i32
        %parallel_loop3A_714 = arith.index_cast %parallel_loop3A_713 : i32 to index
        %parallel_loop3A_715 = arith.constant 112 : index
        %parallel_loop3A_716 = tpu.vector_load %arg12[%parallel_loop3A_714, %parallel_loop3A_715] {strides = array<i32>} : memref<200x128xf32, #tpu.memory_space<vmem>>, vector<16xf32>,
        %parallel_loop3A_717 = arith.subf %parallel_loop3A_716, %parallel_loop3A_666 : vector<16xf32>
        %parallel_loop3A_718 = arith.mulf %parallel_loop3A_717, %parallel_loop3A_669 : vector<16xf32>
        %parallel_loop3A_719 = arith.mulf %parallel_loop3A_718, %get3A_9 : vector<16xf32>
        %parallel_loop3A_720 = arith.addf %parallel_loop3A_719, %get3A_17 : vector<16xf32>
        %parallel_loop3A_721 = arith.constant 1 : i32
        %parallel_loop3A_722 = arith.addi %parallel_loop3A_477, %parallel_loop3A_721 : i32
        %parallel_loop3A_723 = arith.index_cast %parallel_loop3A_722 : i32 to index
        %parallel_loop3A_724 = arith.constant 112 : index
        %parallel_loop3A_725 = tpu.vector_load %arg12[%parallel_loop3A_723, %parallel_loop3A_724] {strides = array<i32>} : memref<200x128xf32, #tpu.memory_space<vmem>>, vector<16xf32>,
        tpu.vector_store %arg12[%parallel_loop3A_723, %parallel_loop3A_724], %parallel_loop3A_720 {strides = array<i32>} : memref<200x128xf32, #tpu.memory_space<vmem>>, vector<16xf32>,
        %parallel_loop3A_726 = vector.extract_strided_slice %parallel_loop3A_438 {offsets = [4], sizes = [1], strides = [1]} : vector<16xf32> to vector<1xf32>
        %parallel_loop3A_727 = vector.extract %parallel_loop3A_726[0] : f32 from vector<1xf32>
        %parallel_loop3A_728 = vector.broadcast %parallel_loop3A_727 : f32 to vector<16xf32>
        %parallel_loop3A_729 = vector.extract_strided_slice %parallel_loop3A_475 {offsets = [4], sizes = [1], strides = [1]} : vector<16xf32> to vector<1xf32>
        %parallel_loop3A_730 = vector.extract %parallel_loop3A_729[0] : f32 from vector<1xf32>
        %parallel_loop3A_731 = vector.broadcast %parallel_loop3A_730 : f32 to vector<16xf32>
        %parallel_loop3A_732 = arith.constant 2 : i32
        %parallel_loop3A_733 = arith.addi %parallel_loop3A_477, %parallel_loop3A_732 : i32
        %parallel_loop3A_734 = arith.index_cast %parallel_loop3A_733 : i32 to index
        %parallel_loop3A_735 = arith.constant 0 : index
        %parallel_loop3A_736 = tpu.vector_load %arg12[%parallel_loop3A_734, %parallel_loop3A_735] {strides = array<i32>} : memref<200x128xf32, #tpu.memory_space<vmem>>, vector<16xf32>,
        %parallel_loop3A_737 = arith.subf %parallel_loop3A_736, %parallel_loop3A_728 : vector<16xf32>
        %parallel_loop3A_738 = arith.mulf %parallel_loop3A_737, %parallel_loop3A_731 : vector<16xf32>
        %parallel_loop3A_739 = arith.mulf %parallel_loop3A_738, %get3A_3 : vector<16xf32>
        %parallel_loop3A_740 = arith.addf %parallel_loop3A_739, %get3A_11 : vector<16xf32>
        %parallel_loop3A_741 = arith.constant 2 : i32
        %parallel_loop3A_742 = arith.addi %parallel_loop3A_477, %parallel_loop3A_741 : i32
        %parallel_loop3A_743 = arith.index_cast %parallel_loop3A_742 : i32 to index
        %parallel_loop3A_744 = arith.constant 0 : index
        %parallel_loop3A_745 = tpu.vector_load %arg12[%parallel_loop3A_743, %parallel_loop3A_744] {strides = array<i32>} : memref<200x128xf32, #tpu.memory_space<vmem>>, vector<16xf32>,
        tpu.vector_store %arg12[%parallel_loop3A_743, %parallel_loop3A_744], %parallel_loop3A_740 {strides = array<i32>} : memref<200x128xf32, #tpu.memory_space<vmem>>, vector<16xf32>,
        %parallel_loop3A_746 = arith.constant 2 : i32
        %parallel_loop3A_747 = arith.addi %parallel_loop3A_477, %parallel_loop3A_746 : i32
        %parallel_loop3A_748 = arith.index_cast %parallel_loop3A_747 : i32 to index
        %parallel_loop3A_749 = arith.constant 16 : index
        %parallel_loop3A_750 = tpu.vector_load %arg12[%parallel_loop3A_748, %parallel_loop3A_749] {strides = array<i32>} : memref<200x128xf32, #tpu.memory_space<vmem>>, vector<16xf32>,
        %parallel_loop3A_751 = arith.subf %parallel_loop3A_750, %parallel_loop3A_728 : vector<16xf32>
        %parallel_loop3A_752 = arith.mulf %parallel_loop3A_751, %parallel_loop3A_731 : vector<16xf32>
        %parallel_loop3A_753 = arith.mulf %parallel_loop3A_752, %get3A_5 : vector<16xf32>
        %parallel_loop3A_754 = arith.addf %parallel_loop3A_753, %get3A_13 : vector<16xf32>
        %parallel_loop3A_755 = arith.constant 2 : i32
        %parallel_loop3A_756 = arith.addi %parallel_loop3A_477, %parallel_loop3A_755 : i32
        %parallel_loop3A_757 = arith.index_cast %parallel_loop3A_756 : i32 to index
        %parallel_loop3A_758 = arith.constant 16 : index
        %parallel_loop3A_759 = tpu.vector_load %arg12[%parallel_loop3A_757, %parallel_loop3A_758] {strides = array<i32>} : memref<200x128xf32, #tpu.memory_space<vmem>>, vector<16xf32>,
        tpu.vector_store %arg12[%parallel_loop3A_757, %parallel_loop3A_758], %parallel_loop3A_754 {strides = array<i32>} : memref<200x128xf32, #tpu.memory_space<vmem>>, vector<16xf32>,
        %parallel_loop3A_760 = arith.constant 2 : i32
        %parallel_loop3A_761 = arith.addi %parallel_loop3A_477, %parallel_loop3A_760 : i32
        %parallel_loop3A_762 = arith.index_cast %parallel_loop3A_761 : i32 to index
        %parallel_loop3A_763 = arith.constant 32 : index
        %parallel_loop3A_764 = tpu.vector_load %arg12[%parallel_loop3A_762, %parallel_loop3A_763] {strides = array<i32>} : memref<200x128xf32, #tpu.memory_space<vmem>>, vector<16xf32>,
        %parallel_loop3A_765 = arith.subf %parallel_loop3A_764, %parallel_loop3A_728 : vector<16xf32>
        %parallel_loop3A_766 = arith.mulf %parallel_loop3A_765, %parallel_loop3A_731 : vector<16xf32>
        %parallel_loop3A_767 = arith.mulf %parallel_loop3A_766, %get3A_7 : vector<16xf32>
        %parallel_loop3A_768 = arith.addf %parallel_loop3A_767, %get3A_15 : vector<16xf32>
        %parallel_loop3A_769 = arith.constant 2 : i32
        %parallel_loop3A_770 = arith.addi %parallel_loop3A_477, %parallel_loop3A_769 : i32
        %parallel_loop3A_771 = arith.index_cast %parallel_loop3A_770 : i32 to index
        %parallel_loop3A_772 = arith.constant 32 : index
        %parallel_loop3A_773 = tpu.vector_load %arg12[%parallel_loop3A_771, %parallel_loop3A_772] {strides = array<i32>} : memref<200x128xf32, #tpu.memory_space<vmem>>, vector<16xf32>,
        tpu.vector_store %arg12[%parallel_loop3A_771, %parallel_loop3A_772], %parallel_loop3A_768 {strides = array<i32>} : memref<200x128xf32, #tpu.memory_space<vmem>>, vector<16xf32>,
        %parallel_loop3A_774 = arith.constant 2 : i32
        %parallel_loop3A_775 = arith.addi %parallel_loop3A_477, %parallel_loop3A_774 : i32
        %parallel_loop3A_776 = arith.index_cast %parallel_loop3A_775 : i32 to index
        %parallel_loop3A_777 = arith.constant 48 : index
        %parallel_loop3A_778 = tpu.vector_load %arg12[%parallel_loop3A_776, %parallel_loop3A_777] {strides = array<i32>} : memref<200x128xf32, #tpu.memory_space<vmem>>, vector<16xf32>,
        %parallel_loop3A_779 = arith.subf %parallel_loop3A_778, %parallel_loop3A_728 : vector<16xf32>
        %parallel_loop3A_780 = arith.mulf %parallel_loop3A_779, %parallel_loop3A_731 : vector<16xf32>
        %parallel_loop3A_781 = arith.mulf %parallel_loop3A_780, %get3A_9 : vector<16xf32>
        %parallel_loop3A_782 = arith.addf %parallel_loop3A_781, %get3A_17 : vector<16xf32>
        %parallel_loop3A_783 = arith.constant 2 : i32
        %parallel_loop3A_784 = arith.addi %parallel_loop3A_477, %parallel_loop3A_783 : i32
        %parallel_loop3A_785 = arith.index_cast %parallel_loop3A_784 : i32 to index
        %parallel_loop3A_786 = arith.constant 48 : index
        %parallel_loop3A_787 = tpu.vector_load %arg12[%parallel_loop3A_785, %parallel_loop3A_786] {strides = array<i32>} : memref<200x128xf32, #tpu.memory_space<vmem>>, vector<16xf32>,
        tpu.vector_store %arg12[%parallel_loop3A_785, %parallel_loop3A_786], %parallel_loop3A_782 {strides = array<i32>} : memref<200x128xf32, #tpu.memory_space<vmem>>, vector<16xf32>,
        %parallel_loop3A_788 = vector.extract_strided_slice %parallel_loop3A_438 {offsets = [5], sizes = [1], strides = [1]} : vector<16xf32> to vector<1xf32>
        %parallel_loop3A_789 = vector.extract %parallel_loop3A_788[0] : f32 from vector<1xf32>
        %parallel_loop3A_790 = vector.broadcast %parallel_loop3A_789 : f32 to vector<16xf32>
        %parallel_loop3A_791 = vector.extract_strided_slice %parallel_loop3A_475 {offsets = [5], sizes = [1], strides = [1]} : vector<16xf32> to vector<1xf32>
        %parallel_loop3A_792 = vector.extract %parallel_loop3A_791[0] : f32 from vector<1xf32>
        %parallel_loop3A_793 = vector.broadcast %parallel_loop3A_792 : f32 to vector<16xf32>
        %parallel_loop3A_794 = arith.constant 2 : i32
        %parallel_loop3A_795 = arith.addi %parallel_loop3A_477, %parallel_loop3A_794 : i32
        %parallel_loop3A_796 = arith.index_cast %parallel_loop3A_795 : i32 to index
        %parallel_loop3A_797 = arith.constant 64 : index
        %parallel_loop3A_798 = tpu.vector_load %arg12[%parallel_loop3A_796, %parallel_loop3A_797] {strides = array<i32>} : memref<200x128xf32, #tpu.memory_space<vmem>>, vector<16xf32>,
        %parallel_loop3A_799 = arith.subf %parallel_loop3A_798, %parallel_loop3A_790 : vector<16xf32>
        %parallel_loop3A_800 = arith.mulf %parallel_loop3A_799, %parallel_loop3A_793 : vector<16xf32>
        %parallel_loop3A_801 = arith.mulf %parallel_loop3A_800, %get3A_3 : vector<16xf32>
        %parallel_loop3A_802 = arith.addf %parallel_loop3A_801, %get3A_11 : vector<16xf32>
        %parallel_loop3A_803 = arith.constant 2 : i32
        %parallel_loop3A_804 = arith.addi %parallel_loop3A_477, %parallel_loop3A_803 : i32
        %parallel_loop3A_805 = arith.index_cast %parallel_loop3A_804 : i32 to index
        %parallel_loop3A_806 = arith.constant 64 : index
        %parallel_loop3A_807 = tpu.vector_load %arg12[%parallel_loop3A_805, %parallel_loop3A_806] {strides = array<i32>} : memref<200x128xf32, #tpu.memory_space<vmem>>, vector<16xf32>,
        tpu.vector_store %arg12[%parallel_loop3A_805, %parallel_loop3A_806], %parallel_loop3A_802 {strides = array<i32>} : memref<200x128xf32, #tpu.memory_space<vmem>>, vector<16xf32>,
        %parallel_loop3A_808 = arith.constant 2 : i32
        %parallel_loop3A_809 = arith.addi %parallel_loop3A_477, %parallel_loop3A_808 : i32
        %parallel_loop3A_810 = arith.index_cast %parallel_loop3A_809 : i32 to index
        %parallel_loop3A_811 = arith.constant 80 : index
        %parallel_loop3A_812 = tpu.vector_load %arg12[%parallel_loop3A_810, %parallel_loop3A_811] {strides = array<i32>} : memref<200x128xf32, #tpu.memory_space<vmem>>, vector<16xf32>,
        %parallel_loop3A_813 = arith.subf %parallel_loop3A_812, %parallel_loop3A_790 : vector<16xf32>
        %parallel_loop3A_814 = arith.mulf %parallel_loop3A_813, %parallel_loop3A_793 : vector<16xf32>
        %parallel_loop3A_815 = arith.mulf %parallel_loop3A_814, %get3A_5 : vector<16xf32>
        %parallel_loop3A_816 = arith.addf %parallel_loop3A_815, %get3A_13 : vector<16xf32>
        %parallel_loop3A_817 = arith.constant 2 : i32
        %parallel_loop3A_818 = arith.addi %parallel_loop3A_477, %parallel_loop3A_817 : i32
        %parallel_loop3A_819 = arith.index_cast %parallel_loop3A_818 : i32 to index
        %parallel_loop3A_820 = arith.constant 80 : index
        %parallel_loop3A_821 = tpu.vector_load %arg12[%parallel_loop3A_819, %parallel_loop3A_820] {strides = array<i32>} : memref<200x128xf32, #tpu.memory_space<vmem>>, vector<16xf32>,
        tpu.vector_store %arg12[%parallel_loop3A_819, %parallel_loop3A_820], %parallel_loop3A_816 {strides = array<i32>} : memref<200x128xf32, #tpu.memory_space<vmem>>, vector<16xf32>,
        %parallel_loop3A_822 = arith.constant 2 : i32
        %parallel_loop3A_823 = arith.addi %parallel_loop3A_477, %parallel_loop3A_822 : i32
        %parallel_loop3A_824 = arith.index_cast %parallel_loop3A_823 : i32 to index
        %parallel_loop3A_825 = arith.constant 96 : index
        %parallel_loop3A_826 = tpu.vector_load %arg12[%parallel_loop3A_824, %parallel_loop3A_825] {strides = array<i32>} : memref<200x128xf32, #tpu.memory_space<vmem>>, vector<16xf32>,
        %parallel_loop3A_827 = arith.subf %parallel_loop3A_826, %parallel_loop3A_790 : vector<16xf32>
        %parallel_loop3A_828 = arith.mulf %parallel_loop3A_827, %parallel_loop3A_793 : vector<16xf32>
        %parallel_loop3A_829 = arith.mulf %parallel_loop3A_828, %get3A_7 : vector<16xf32>
        %parallel_loop3A_830 = arith.addf %parallel_loop3A_829, %get3A_15 : vector<16xf32>
        %parallel_loop3A_831 = arith.constant 2 : i32
        %parallel_loop3A_832 = arith.addi %parallel_loop3A_477, %parallel_loop3A_831 : i32
        %parallel_loop3A_833 = arith.index_cast %parallel_loop3A_832 : i32 to index
        %parallel_loop3A_834 = arith.constant 96 : index
        %parallel_loop3A_835 = tpu.vector_load %arg12[%parallel_loop3A_833, %parallel_loop3A_834] {strides = array<i32>} : memref<200x128xf32, #tpu.memory_space<vmem>>, vector<16xf32>,
        tpu.vector_store %arg12[%parallel_loop3A_833, %parallel_loop3A_834], %parallel_loop3A_830 {strides = array<i32>} : memref<200x128xf32, #tpu.memory_space<vmem>>, vector<16xf32>,
        %parallel_loop3A_836 = arith.constant 2 : i32
        %parallel_loop3A_837 = arith.addi %parallel_loop3A_477, %parallel_loop3A_836 : i32
        %parallel_loop3A_838 = arith.index_cast %parallel_loop3A_837 : i32 to index
        %parallel_loop3A_839 = arith.constant 112 : index
        %parallel_loop3A_840 = tpu.vector_load %arg12[%parallel_loop3A_838, %parallel_loop3A_839] {strides = array<i32>} : memref<200x128xf32, #tpu.memory_space<vmem>>, vector<16xf32>,
        %parallel_loop3A_841 = arith.subf %parallel_loop3A_840, %parallel_loop3A_790 : vector<16xf32>
        %parallel_loop3A_842 = arith.mulf %parallel_loop3A_841, %parallel_loop3A_793 : vector<16xf32>
        %parallel_loop3A_843 = arith.mulf %parallel_loop3A_842, %get3A_9 : vector<16xf32>
        %parallel_loop3A_844 = arith.addf %parallel_loop3A_843, %get3A_17 : vector<16xf32>
        %parallel_loop3A_845 = arith.constant 2 : i32
        %parallel_loop3A_846 = arith.addi %parallel_loop3A_477, %parallel_loop3A_845 : i32
        %parallel_loop3A_847 = arith.index_cast %parallel_loop3A_846 : i32 to index
        %parallel_loop3A_848 = arith.constant 112 : index
        %parallel_loop3A_849 = tpu.vector_load %arg12[%parallel_loop3A_847, %parallel_loop3A_848] {strides = array<i32>} : memref<200x128xf32, #tpu.memory_space<vmem>>, vector<16xf32>,
        tpu.vector_store %arg12[%parallel_loop3A_847, %parallel_loop3A_848], %parallel_loop3A_844 {strides = array<i32>} : memref<200x128xf32, #tpu.memory_space<vmem>>, vector<16xf32>,
        %parallel_loop3A_850 = vector.extract_strided_slice %parallel_loop3A_438 {offsets = [6], sizes = [1], strides = [1]} : vector<16xf32> to vector<1xf32>
        %parallel_loop3A_851 = vector.extract %parallel_loop3A_850[0] : f32 from vector<1xf32>
        %parallel_loop3A_852 = vector.broadcast %parallel_loop3A_851 : f32 to vector<16xf32>
        %parallel_loop3A_853 = vector.extract_strided_slice %parallel_loop3A_475 {offsets = [6], sizes = [1], strides = [1]} : vector<16xf32> to vector<1xf32>
        %parallel_loop3A_854 = vector.extract %parallel_loop3A_853[0] : f32 from vector<1xf32>
        %parallel_loop3A_855 = vector.broadcast %parallel_loop3A_854 : f32 to vector<16xf32>
        %parallel_loop3A_856 = arith.constant 3 : i32
        %parallel_loop3A_857 = arith.addi %parallel_loop3A_477, %parallel_loop3A_856 : i32
        %parallel_loop3A_858 = arith.index_cast %parallel_loop3A_857 : i32 to index
        %parallel_loop3A_859 = arith.constant 0 : index
        %parallel_loop3A_860 = tpu.vector_load %arg12[%parallel_loop3A_858, %parallel_loop3A_859] {strides = array<i32>} : memref<200x128xf32, #tpu.memory_space<vmem>>, vector<16xf32>,
        %parallel_loop3A_861 = arith.subf %parallel_loop3A_860, %parallel_loop3A_852 : vector<16xf32>
        %parallel_loop3A_862 = arith.mulf %parallel_loop3A_861, %parallel_loop3A_855 : vector<16xf32>
        %parallel_loop3A_863 = arith.mulf %parallel_loop3A_862, %get3A_3 : vector<16xf32>
        %parallel_loop3A_864 = arith.addf %parallel_loop3A_863, %get3A_11 : vector<16xf32>
        %parallel_loop3A_865 = arith.constant 3 : i32
        %parallel_loop3A_866 = arith.addi %parallel_loop3A_477, %parallel_loop3A_865 : i32
        %parallel_loop3A_867 = arith.index_cast %parallel_loop3A_866 : i32 to index
        %parallel_loop3A_868 = arith.constant 0 : index
        %parallel_loop3A_869 = tpu.vector_load %arg12[%parallel_loop3A_867, %parallel_loop3A_868] {strides = array<i32>} : memref<200x128xf32, #tpu.memory_space<vmem>>, vector<16xf32>,
        tpu.vector_store %arg12[%parallel_loop3A_867, %parallel_loop3A_868], %parallel_loop3A_864 {strides = array<i32>} : memref<200x128xf32, #tpu.memory_space<vmem>>, vector<16xf32>,
        %parallel_loop3A_870 = arith.constant 3 : i32
        %parallel_loop3A_871 = arith.addi %parallel_loop3A_477, %parallel_loop3A_870 : i32
        %parallel_loop3A_872 = arith.index_cast %parallel_loop3A_871 : i32 to index
        %parallel_loop3A_873 = arith.constant 16 : index
        %parallel_loop3A_874 = tpu.vector_load %arg12[%parallel_loop3A_872, %parallel_loop3A_873] {strides = array<i32>} : memref<200x128xf32, #tpu.memory_space<vmem>>, vector<16xf32>,
        %parallel_loop3A_875 = arith.subf %parallel_loop3A_874, %parallel_loop3A_852 : vector<16xf32>
        %parallel_loop3A_876 = arith.mulf %parallel_loop3A_875, %parallel_loop3A_855 : vector<16xf32>
        %parallel_loop3A_877 = arith.mulf %parallel_loop3A_876, %get3A_5 : vector<16xf32>
        %parallel_loop3A_878 = arith.addf %parallel_loop3A_877, %get3A_13 : vector<16xf32>
        %parallel_loop3A_879 = arith.constant 3 : i32
        %parallel_loop3A_880 = arith.addi %parallel_loop3A_477, %parallel_loop3A_879 : i32
        %parallel_loop3A_881 = arith.index_cast %parallel_loop3A_880 : i32 to index
        %parallel_loop3A_882 = arith.constant 16 : index
        %parallel_loop3A_883 = tpu.vector_load %arg12[%parallel_loop3A_881, %parallel_loop3A_882] {strides = array<i32>} : memref<200x128xf32, #tpu.memory_space<vmem>>, vector<16xf32>,
        tpu.vector_store %arg12[%parallel_loop3A_881, %parallel_loop3A_882], %parallel_loop3A_878 {strides = array<i32>} : memref<200x128xf32, #tpu.memory_space<vmem>>, vector<16xf32>,
        %parallel_loop3A_884 = arith.constant 3 : i32
        %parallel_loop3A_885 = arith.addi %parallel_loop3A_477, %parallel_loop3A_884 : i32
        %parallel_loop3A_886 = arith.index_cast %parallel_loop3A_885 : i32 to index
        %parallel_loop3A_887 = arith.constant 32 : index
        %parallel_loop3A_888 = tpu.vector_load %arg12[%parallel_loop3A_886, %parallel_loop3A_887] {strides = array<i32>} : memref<200x128xf32, #tpu.memory_space<vmem>>, vector<16xf32>,
        %parallel_loop3A_889 = arith.subf %parallel_loop3A_888, %parallel_loop3A_852 : vector<16xf32>
        %parallel_loop3A_890 = arith.mulf %parallel_loop3A_889, %parallel_loop3A_855 : vector<16xf32>
        %parallel_loop3A_891 = arith.mulf %parallel_loop3A_890, %get3A_7 : vector<16xf32>
        %parallel_loop3A_892 = arith.addf %parallel_loop3A_891, %get3A_15 : vector<16xf32>
        %parallel_loop3A_893 = arith.constant 3 : i32
        %parallel_loop3A_894 = arith.addi %parallel_loop3A_477, %parallel_loop3A_893 : i32
        %parallel_loop3A_895 = arith.index_cast %parallel_loop3A_894 : i32 to index
        %parallel_loop3A_896 = arith.constant 32 : index
        %parallel_loop3A_897 = tpu.vector_load %arg12[%parallel_loop3A_895, %parallel_loop3A_896] {strides = array<i32>} : memref<200x128xf32, #tpu.memory_space<vmem>>, vector<16xf32>,
        tpu.vector_store %arg12[%parallel_loop3A_895, %parallel_loop3A_896], %parallel_loop3A_892 {strides = array<i32>} : memref<200x128xf32, #tpu.memory_space<vmem>>, vector<16xf32>,
        %parallel_loop3A_898 = arith.constant 3 : i32
        %parallel_loop3A_899 = arith.addi %parallel_loop3A_477, %parallel_loop3A_898 : i32
        %parallel_loop3A_900 = arith.index_cast %parallel_loop3A_899 : i32 to index
        %parallel_loop3A_901 = arith.constant 48 : index
        %parallel_loop3A_902 = tpu.vector_load %arg12[%parallel_loop3A_900, %parallel_loop3A_901] {strides = array<i32>} : memref<200x128xf32, #tpu.memory_space<vmem>>, vector<16xf32>,
        %parallel_loop3A_903 = arith.subf %parallel_loop3A_902, %parallel_loop3A_852 : vector<16xf32>
        %parallel_loop3A_904 = arith.mulf %parallel_loop3A_903, %parallel_loop3A_855 : vector<16xf32>
        %parallel_loop3A_905 = arith.mulf %parallel_loop3A_904, %get3A_9 : vector<16xf32>
        %parallel_loop3A_906 = arith.addf %parallel_loop3A_905, %get3A_17 : vector<16xf32>
        %parallel_loop3A_907 = arith.constant 3 : i32
        %parallel_loop3A_908 = arith.addi %parallel_loop3A_477, %parallel_loop3A_907 : i32
        %parallel_loop3A_909 = arith.index_cast %parallel_loop3A_908 : i32 to index
        %parallel_loop3A_910 = arith.constant 48 : index
        %parallel_loop3A_911 = tpu.vector_load %arg12[%parallel_loop3A_909, %parallel_loop3A_910] {strides = array<i32>} : memref<200x128xf32, #tpu.memory_space<vmem>>, vector<16xf32>,
        tpu.vector_store %arg12[%parallel_loop3A_909, %parallel_loop3A_910], %parallel_loop3A_906 {strides = array<i32>} : memref<200x128xf32, #tpu.memory_space<vmem>>, vector<16xf32>,
        %parallel_loop3A_912 = vector.extract_strided_slice %parallel_loop3A_438 {offsets = [7], sizes = [1], strides = [1]} : vector<16xf32> to vector<1xf32>
        %parallel_loop3A_913 = vector.extract %parallel_loop3A_912[0] : f32 from vector<1xf32>
        %parallel_loop3A_914 = vector.broadcast %parallel_loop3A_913 : f32 to vector<16xf32>
        %parallel_loop3A_915 = vector.extract_strided_slice %parallel_loop3A_475 {offsets = [7], sizes = [1], strides = [1]} : vector<16xf32> to vector<1xf32>
        %parallel_loop3A_916 = vector.extract %parallel_loop3A_915[0] : f32 from vector<1xf32>
        %parallel_loop3A_917 = vector.broadcast %parallel_loop3A_916 : f32 to vector<16xf32>
        %parallel_loop3A_918 = arith.constant 3 : i32
        %parallel_loop3A_919 = arith.addi %parallel_loop3A_477, %parallel_loop3A_918 : i32
        %parallel_loop3A_920 = arith.index_cast %parallel_loop3A_919 : i32 to index
        %parallel_loop3A_921 = arith.constant 64 : index
        %parallel_loop3A_922 = tpu.vector_load %arg12[%parallel_loop3A_920, %parallel_loop3A_921] {strides = array<i32>} : memref<200x128xf32, #tpu.memory_space<vmem>>, vector<16xf32>,
        %parallel_loop3A_923 = arith.subf %parallel_loop3A_922, %parallel_loop3A_914 : vector<16xf32>
        %parallel_loop3A_924 = arith.mulf %parallel_loop3A_923, %parallel_loop3A_917 : vector<16xf32>
        %parallel_loop3A_925 = arith.mulf %parallel_loop3A_924, %get3A_3 : vector<16xf32>
        %parallel_loop3A_926 = arith.addf %parallel_loop3A_925, %get3A_11 : vector<16xf32>
        %parallel_loop3A_927 = arith.constant 3 : i32
        %parallel_loop3A_928 = arith.addi %parallel_loop3A_477, %parallel_loop3A_927 : i32
        %parallel_loop3A_929 = arith.index_cast %parallel_loop3A_928 : i32 to index
        %parallel_loop3A_930 = arith.constant 64 : index
        %parallel_loop3A_931 = tpu.vector_load %arg12[%parallel_loop3A_929, %parallel_loop3A_930] {strides = array<i32>} : memref<200x128xf32, #tpu.memory_space<vmem>>, vector<16xf32>,
        tpu.vector_store %arg12[%parallel_loop3A_929, %parallel_loop3A_930], %parallel_loop3A_926 {strides = array<i32>} : memref<200x128xf32, #tpu.memory_space<vmem>>, vector<16xf32>,
        %parallel_loop3A_932 = arith.constant 3 : i32
        %parallel_loop3A_933 = arith.addi %parallel_loop3A_477, %parallel_loop3A_932 : i32
        %parallel_loop3A_934 = arith.index_cast %parallel_loop3A_933 : i32 to index
        %parallel_loop3A_935 = arith.constant 80 : index
        %parallel_loop3A_936 = tpu.vector_load %arg12[%parallel_loop3A_934, %parallel_loop3A_935] {strides = array<i32>} : memref<200x128xf32, #tpu.memory_space<vmem>>, vector<16xf32>,
        %parallel_loop3A_937 = arith.subf %parallel_loop3A_936, %parallel_loop3A_914 : vector<16xf32>
        %parallel_loop3A_938 = arith.mulf %parallel_loop3A_937, %parallel_loop3A_917 : vector<16xf32>
        %parallel_loop3A_939 = arith.mulf %parallel_loop3A_938, %get3A_5 : vector<16xf32>
        %parallel_loop3A_940 = arith.addf %parallel_loop3A_939, %get3A_13 : vector<16xf32>
        %parallel_loop3A_941 = arith.constant 3 : i32
        %parallel_loop3A_942 = arith.addi %parallel_loop3A_477, %parallel_loop3A_941 : i32
        %parallel_loop3A_943 = arith.index_cast %parallel_loop3A_942 : i32 to index
        %parallel_loop3A_944 = arith.constant 80 : index
        %parallel_loop3A_945 = tpu.vector_load %arg12[%parallel_loop3A_943, %parallel_loop3A_944] {strides = array<i32>} : memref<200x128xf32, #tpu.memory_space<vmem>>, vector<16xf32>,
        tpu.vector_store %arg12[%parallel_loop3A_943, %parallel_loop3A_944], %parallel_loop3A_940 {strides = array<i32>} : memref<200x128xf32, #tpu.memory_space<vmem>>, vector<16xf32>,
        %parallel_loop3A_946 = arith.constant 3 : i32
        %parallel_loop3A_947 = arith.addi %parallel_loop3A_477, %parallel_loop3A_946 : i32
        %parallel_loop3A_948 = arith.index_cast %parallel_loop3A_947 : i32 to index
        %parallel_loop3A_949 = arith.constant 96 : index
        %parallel_loop3A_950 = tpu.vector_load %arg12[%parallel_loop3A_948, %parallel_loop3A_949] {strides = array<i32>} : memref<200x128xf32, #tpu.memory_space<vmem>>, vector<16xf32>,
        %parallel_loop3A_951 = arith.subf %parallel_loop3A_950, %parallel_loop3A_914 : vector<16xf32>
        %parallel_loop3A_952 = arith.mulf %parallel_loop3A_951, %parallel_loop3A_917 : vector<16xf32>
        %parallel_loop3A_953 = arith.mulf %parallel_loop3A_952, %get3A_7 : vector<16xf32>
        %parallel_loop3A_954 = arith.addf %parallel_loop3A_953, %get3A_15 : vector<16xf32>
        %parallel_loop3A_955 = arith.constant 3 : i32
        %parallel_loop3A_956 = arith.addi %parallel_loop3A_477, %parallel_loop3A_955 : i32
        %parallel_loop3A_957 = arith.index_cast %parallel_loop3A_956 : i32 to index
        %parallel_loop3A_958 = arith.constant 96 : index
        %parallel_loop3A_959 = tpu.vector_load %arg12[%parallel_loop3A_957, %parallel_loop3A_958] {strides = array<i32>} : memref<200x128xf32, #tpu.memory_space<vmem>>, vector<16xf32>,
        tpu.vector_store %arg12[%parallel_loop3A_957, %parallel_loop3A_958], %parallel_loop3A_954 {strides = array<i32>} : memref<200x128xf32, #tpu.memory_space<vmem>>, vector<16xf32>,
        %parallel_loop3A_960 = arith.constant 3 : i32
        %parallel_loop3A_961 = arith.addi %parallel_loop3A_477, %parallel_loop3A_960 : i32
        %parallel_loop3A_962 = arith.index_cast %parallel_loop3A_961 : i32 to index
        %parallel_loop3A_963 = arith.constant 112 : index
        %parallel_loop3A_964 = tpu.vector_load %arg12[%parallel_loop3A_962, %parallel_loop3A_963] {strides = array<i32>} : memref<200x128xf32, #tpu.memory_space<vmem>>, vector<16xf32>,
        %parallel_loop3A_965 = arith.subf %parallel_loop3A_964, %parallel_loop3A_914 : vector<16xf32>
        %parallel_loop3A_966 = arith.mulf %parallel_loop3A_965, %parallel_loop3A_917 : vector<16xf32>
        %parallel_loop3A_967 = arith.mulf %parallel_loop3A_966, %get3A_9 : vector<16xf32>
        %parallel_loop3A_968 = arith.addf %parallel_loop3A_967, %get3A_17 : vector<16xf32>
        %parallel_loop3A_969 = arith.constant 3 : i32
        %parallel_loop3A_970 = arith.addi %parallel_loop3A_477, %parallel_loop3A_969 : i32
        %parallel_loop3A_971 = arith.index_cast %parallel_loop3A_970 : i32 to index
        %parallel_loop3A_972 = arith.constant 112 : index
        %parallel_loop3A_973 = tpu.vector_load %arg12[%parallel_loop3A_971, %parallel_loop3A_972] {strides = array<i32>} : memref<200x128xf32, #tpu.memory_space<vmem>>, vector<16xf32>,
        tpu.vector_store %arg12[%parallel_loop3A_971, %parallel_loop3A_972], %parallel_loop3A_968 {strides = array<i32>} : memref<200x128xf32, #tpu.memory_space<vmem>>, vector<16xf32>,
        %parallel_loop3A_974 = vector.extract_strided_slice %parallel_loop3A_438 {offsets = [8], sizes = [1], strides = [1]} : vector<16xf32> to vector<1xf32>
        %parallel_loop3A_975 = vector.extract %parallel_loop3A_974[0] : f32 from vector<1xf32>
        %parallel_loop3A_976 = vector.broadcast %parallel_loop3A_975 : f32 to vector<16xf32>
        %parallel_loop3A_977 = vector.extract_strided_slice %parallel_loop3A_475 {offsets = [8], sizes = [1], strides = [1]} : vector<16xf32> to vector<1xf32>
        %parallel_loop3A_978 = vector.extract %parallel_loop3A_977[0] : f32 from vector<1xf32>
        %parallel_loop3A_979 = vector.broadcast %parallel_loop3A_978 : f32 to vector<16xf32>
        %parallel_loop3A_980 = arith.constant 4 : i32
        %parallel_loop3A_981 = arith.addi %parallel_loop3A_477, %parallel_loop3A_980 : i32
        %parallel_loop3A_982 = arith.index_cast %parallel_loop3A_981 : i32 to index
        %parallel_loop3A_983 = arith.constant 0 : index
        %parallel_loop3A_984 = tpu.vector_load %arg12[%parallel_loop3A_982, %parallel_loop3A_983] {strides = array<i32>} : memref<200x128xf32, #tpu.memory_space<vmem>>, vector<16xf32>,
        %parallel_loop3A_985 = arith.subf %parallel_loop3A_984, %parallel_loop3A_976 : vector<16xf32>
        %parallel_loop3A_986 = arith.mulf %parallel_loop3A_985, %parallel_loop3A_979 : vector<16xf32>
        %parallel_loop3A_987 = arith.mulf %parallel_loop3A_986, %get3A_3 : vector<16xf32>
        %parallel_loop3A_988 = arith.addf %parallel_loop3A_987, %get3A_11 : vector<16xf32>
        %parallel_loop3A_989 = arith.constant 4 : i32
        %parallel_loop3A_990 = arith.addi %parallel_loop3A_477, %parallel_loop3A_989 : i32
        %parallel_loop3A_991 = arith.index_cast %parallel_loop3A_990 : i32 to index
        %parallel_loop3A_992 = arith.constant 0 : index
        %parallel_loop3A_993 = tpu.vector_load %arg12[%parallel_loop3A_991, %parallel_loop3A_992] {strides = array<i32>} : memref<200x128xf32, #tpu.memory_space<vmem>>, vector<16xf32>,
        tpu.vector_store %arg12[%parallel_loop3A_991, %parallel_loop3A_992], %parallel_loop3A_988 {strides = array<i32>} : memref<200x128xf32, #tpu.memory_space<vmem>>, vector<16xf32>,
        %parallel_loop3A_994 = arith.constant 4 : i32
        %parallel_loop3A_995 = arith.addi %parallel_loop3A_477, %parallel_loop3A_994 : i32
        %parallel_loop3A_996 = arith.index_cast %parallel_loop3A_995 : i32 to index
        %parallel_loop3A_997 = arith.constant 16 : index
        %parallel_loop3A_998 = tpu.vector_load %arg12[%parallel_loop3A_996, %parallel_loop3A_997] {strides = array<i32>} : memref<200x128xf32, #tpu.memory_space<vmem>>, vector<16xf32>,
        %parallel_loop3A_999 = arith.subf %parallel_loop3A_998, %parallel_loop3A_976 : vector<16xf32>
        %parallel_loop3A_1000 = arith.mulf %parallel_loop3A_999, %parallel_loop3A_979 : vector<16xf32>
        %parallel_loop3A_1001 = arith.mulf %parallel_loop3A_1000, %get3A_5 : vector<16xf32>
        %parallel_loop3A_1002 = arith.addf %parallel_loop3A_1001, %get3A_13 : vector<16xf32>
        %parallel_loop3A_1003 = arith.constant 4 : i32
        %parallel_loop3A_1004 = arith.addi %parallel_loop3A_477, %parallel_loop3A_1003 : i32
        %parallel_loop3A_1005 = arith.index_cast %parallel_loop3A_1004 : i32 to index
        %parallel_loop3A_1006 = arith.constant 16 : index
        %parallel_loop3A_1007 = tpu.vector_load %arg12[%parallel_loop3A_1005, %parallel_loop3A_1006] {strides = array<i32>} : memref<200x128xf32, #tpu.memory_space<vmem>>, vector<16xf32>,
        tpu.vector_store %arg12[%parallel_loop3A_1005, %parallel_loop3A_1006], %parallel_loop3A_1002 {strides = array<i32>} : memref<200x128xf32, #tpu.memory_space<vmem>>, vector<16xf32>,
        %parallel_loop3A_1008 = arith.constant 4 : i32
        %parallel_loop3A_1009 = arith.addi %parallel_loop3A_477, %parallel_loop3A_1008 : i32
        %parallel_loop3A_1010 = arith.index_cast %parallel_loop3A_1009 : i32 to index
        %parallel_loop3A_1011 = arith.constant 32 : index
        %parallel_loop3A_1012 = tpu.vector_load %arg12[%parallel_loop3A_1010, %parallel_loop3A_1011] {strides = array<i32>} : memref<200x128xf32, #tpu.memory_space<vmem>>, vector<16xf32>,
        %parallel_loop3A_1013 = arith.subf %parallel_loop3A_1012, %parallel_loop3A_976 : vector<16xf32>
        %parallel_loop3A_1014 = arith.mulf %parallel_loop3A_1013, %parallel_loop3A_979 : vector<16xf32>
        %parallel_loop3A_1015 = arith.mulf %parallel_loop3A_1014, %get3A_7 : vector<16xf32>
        %parallel_loop3A_1016 = arith.addf %parallel_loop3A_1015, %get3A_15 : vector<16xf32>
        %parallel_loop3A_1017 = arith.constant 4 : i32
        %parallel_loop3A_1018 = arith.addi %parallel_loop3A_477, %parallel_loop3A_1017 : i32
        %parallel_loop3A_1019 = arith.index_cast %parallel_loop3A_1018 : i32 to index
        %parallel_loop3A_1020 = arith.constant 32 : index
        %parallel_loop3A_1021 = tpu.vector_load %arg12[%parallel_loop3A_1019, %parallel_loop3A_1020] {strides = array<i32>} : memref<200x128xf32, #tpu.memory_space<vmem>>, vector<16xf32>,
        tpu.vector_store %arg12[%parallel_loop3A_1019, %parallel_loop3A_1020], %parallel_loop3A_1016 {strides = array<i32>} : memref<200x128xf32, #tpu.memory_space<vmem>>, vector<16xf32>,
        %parallel_loop3A_1022 = arith.constant 4 : i32
        %parallel_loop3A_1023 = arith.addi %parallel_loop3A_477, %parallel_loop3A_1022 : i32
        %parallel_loop3A_1024 = arith.index_cast %parallel_loop3A_1023 : i32 to index
        %parallel_loop3A_1025 = arith.constant 48 : index
        %parallel_loop3A_1026 = tpu.vector_load %arg12[%parallel_loop3A_1024, %parallel_loop3A_1025] {strides = array<i32>} : memref<200x128xf32, #tpu.memory_space<vmem>>, vector<16xf32>,
        %parallel_loop3A_1027 = arith.subf %parallel_loop3A_1026, %parallel_loop3A_976 : vector<16xf32>
        %parallel_loop3A_1028 = arith.mulf %parallel_loop3A_1027, %parallel_loop3A_979 : vector<16xf32>
        %parallel_loop3A_1029 = arith.mulf %parallel_loop3A_1028, %get3A_9 : vector<16xf32>
        %parallel_loop3A_1030 = arith.addf %parallel_loop3A_1029, %get3A_17 : vector<16xf32>
        %parallel_loop3A_1031 = arith.constant 4 : i32
        %parallel_loop3A_1032 = arith.addi %parallel_loop3A_477, %parallel_loop3A_1031 : i32
        %parallel_loop3A_1033 = arith.index_cast %parallel_loop3A_1032 : i32 to index
        %parallel_loop3A_1034 = arith.constant 48 : index
        %parallel_loop3A_1035 = tpu.vector_load %arg12[%parallel_loop3A_1033, %parallel_loop3A_1034] {strides = array<i32>} : memref<200x128xf32, #tpu.memory_space<vmem>>, vector<16xf32>,
        tpu.vector_store %arg12[%parallel_loop3A_1033, %parallel_loop3A_1034], %parallel_loop3A_1030 {strides = array<i32>} : memref<200x128xf32, #tpu.memory_space<vmem>>, vector<16xf32>,
        %parallel_loop3A_1036 = vector.extract_strided_slice %parallel_loop3A_438 {offsets = [9], sizes = [1], strides = [1]} : vector<16xf32> to vector<1xf32>
        %parallel_loop3A_1037 = vector.extract %parallel_loop3A_1036[0] : f32 from vector<1xf32>
        %parallel_loop3A_1038 = vector.broadcast %parallel_loop3A_1037 : f32 to vector<16xf32>
        %parallel_loop3A_1039 = vector.extract_strided_slice %parallel_loop3A_475 {offsets = [9], sizes = [1], strides = [1]} : vector<16xf32> to vector<1xf32>
        %parallel_loop3A_1040 = vector.extract %parallel_loop3A_1039[0] : f32 from vector<1xf32>
        %parallel_loop3A_1041 = vector.broadcast %parallel_loop3A_1040 : f32 to vector<16xf32>
        %parallel_loop3A_1042 = arith.constant 4 : i32
        %parallel_loop3A_1043 = arith.addi %parallel_loop3A_477, %parallel_loop3A_1042 : i32
        %parallel_loop3A_1044 = arith.index_cast %parallel_loop3A_1043 : i32 to index
        %parallel_loop3A_1045 = arith.constant 64 : index
        %parallel_loop3A_1046 = tpu.vector_load %arg12[%parallel_loop3A_1044, %parallel_loop3A_1045] {strides = array<i32>} : memref<200x128xf32, #tpu.memory_space<vmem>>, vector<16xf32>,
        %parallel_loop3A_1047 = arith.subf %parallel_loop3A_1046, %parallel_loop3A_1038 : vector<16xf32>
        %parallel_loop3A_1048 = arith.mulf %parallel_loop3A_1047, %parallel_loop3A_1041 : vector<16xf32>
        %parallel_loop3A_1049 = arith.mulf %parallel_loop3A_1048, %get3A_3 : vector<16xf32>
        %parallel_loop3A_1050 = arith.addf %parallel_loop3A_1049, %get3A_11 : vector<16xf32>
        %parallel_loop3A_1051 = arith.constant 4 : i32
        %parallel_loop3A_1052 = arith.addi %parallel_loop3A_477, %parallel_loop3A_1051 : i32
        %parallel_loop3A_1053 = arith.index_cast %parallel_loop3A_1052 : i32 to index
        %parallel_loop3A_1054 = arith.constant 64 : index
        %parallel_loop3A_1055 = tpu.vector_load %arg12[%parallel_loop3A_1053, %parallel_loop3A_1054] {strides = array<i32>} : memref<200x128xf32, #tpu.memory_space<vmem>>, vector<16xf32>,
        tpu.vector_store %arg12[%parallel_loop3A_1053, %parallel_loop3A_1054], %parallel_loop3A_1050 {strides = array<i32>} : memref<200x128xf32, #tpu.memory_space<vmem>>, vector<16xf32>,
        %parallel_loop3A_1056 = arith.constant 4 : i32
        %parallel_loop3A_1057 = arith.addi %parallel_loop3A_477, %parallel_loop3A_1056 : i32
        %parallel_loop3A_1058 = arith.index_cast %parallel_loop3A_1057 : i32 to index
        %parallel_loop3A_1059 = arith.constant 80 : index
        %parallel_loop3A_1060 = tpu.vector_load %arg12[%parallel_loop3A_1058, %parallel_loop3A_1059] {strides = array<i32>} : memref<200x128xf32, #tpu.memory_space<vmem>>, vector<16xf32>,
        %parallel_loop3A_1061 = arith.subf %parallel_loop3A_1060, %parallel_loop3A_1038 : vector<16xf32>
        %parallel_loop3A_1062 = arith.mulf %parallel_loop3A_1061, %parallel_loop3A_1041 : vector<16xf32>
        %parallel_loop3A_1063 = arith.mulf %parallel_loop3A_1062, %get3A_5 : vector<16xf32>
        %parallel_loop3A_1064 = arith.addf %parallel_loop3A_1063, %get3A_13 : vector<16xf32>
        %parallel_loop3A_1065 = arith.constant 4 : i32
        %parallel_loop3A_1066 = arith.addi %parallel_loop3A_477, %parallel_loop3A_1065 : i32
        %parallel_loop3A_1067 = arith.index_cast %parallel_loop3A_1066 : i32 to index
        %parallel_loop3A_1068 = arith.constant 80 : index
        %parallel_loop3A_1069 = tpu.vector_load %arg12[%parallel_loop3A_1067, %parallel_loop3A_1068] {strides = array<i32>} : memref<200x128xf32, #tpu.memory_space<vmem>>, vector<16xf32>,
        tpu.vector_store %arg12[%parallel_loop3A_1067, %parallel_loop3A_1068], %parallel_loop3A_1064 {strides = array<i32>} : memref<200x128xf32, #tpu.memory_space<vmem>>, vector<16xf32>,
        %parallel_loop3A_1070 = arith.constant 4 : i32
        %parallel_loop3A_1071 = arith.addi %parallel_loop3A_477, %parallel_loop3A_1070 : i32
        %parallel_loop3A_1072 = arith.index_cast %parallel_loop3A_1071 : i32 to index
        %parallel_loop3A_1073 = arith.constant 96 : index
        %parallel_loop3A_1074 = tpu.vector_load %arg12[%parallel_loop3A_1072, %parallel_loop3A_1073] {strides = array<i32>} : memref<200x128xf32, #tpu.memory_space<vmem>>, vector<16xf32>,
        %parallel_loop3A_1075 = arith.subf %parallel_loop3A_1074, %parallel_loop3A_1038 : vector<16xf32>
        %parallel_loop3A_1076 = arith.mulf %parallel_loop3A_1075, %parallel_loop3A_1041 : vector<16xf32>
        %parallel_loop3A_1077 = arith.mulf %parallel_loop3A_1076, %get3A_7 : vector<16xf32>
        %parallel_loop3A_1078 = arith.addf %parallel_loop3A_1077, %get3A_15 : vector<16xf32>
        %parallel_loop3A_1079 = arith.constant 4 : i32
        %parallel_loop3A_1080 = arith.addi %parallel_loop3A_477, %parallel_loop3A_1079 : i32
        %parallel_loop3A_1081 = arith.index_cast %parallel_loop3A_1080 : i32 to index
        %parallel_loop3A_1082 = arith.constant 96 : index
        %parallel_loop3A_1083 = tpu.vector_load %arg12[%parallel_loop3A_1081, %parallel_loop3A_1082] {strides = array<i32>} : memref<200x128xf32, #tpu.memory_space<vmem>>, vector<16xf32>,
        tpu.vector_store %arg12[%parallel_loop3A_1081, %parallel_loop3A_1082], %parallel_loop3A_1078 {strides = array<i32>} : memref<200x128xf32, #tpu.memory_space<vmem>>, vector<16xf32>,
        %parallel_loop3A_1084 = arith.constant 4 : i32
        %parallel_loop3A_1085 = arith.addi %parallel_loop3A_477, %parallel_loop3A_1084 : i32
        %parallel_loop3A_1086 = arith.index_cast %parallel_loop3A_1085 : i32 to index
        %parallel_loop3A_1087 = arith.constant 112 : index
        %parallel_loop3A_1088 = tpu.vector_load %arg12[%parallel_loop3A_1086, %parallel_loop3A_1087] {strides = array<i32>} : memref<200x128xf32, #tpu.memory_space<vmem>>, vector<16xf32>,
        %parallel_loop3A_1089 = arith.subf %parallel_loop3A_1088, %parallel_loop3A_1038 : vector<16xf32>
        %parallel_loop3A_1090 = arith.mulf %parallel_loop3A_1089, %parallel_loop3A_1041 : vector<16xf32>
        %parallel_loop3A_1091 = arith.mulf %parallel_loop3A_1090, %get3A_9 : vector<16xf32>
        %parallel_loop3A_1092 = arith.addf %parallel_loop3A_1091, %get3A_17 : vector<16xf32>
        %parallel_loop3A_1093 = arith.constant 4 : i32
        %parallel_loop3A_1094 = arith.addi %parallel_loop3A_477, %parallel_loop3A_1093 : i32
        %parallel_loop3A_1095 = arith.index_cast %parallel_loop3A_1094 : i32 to index
        %parallel_loop3A_1096 = arith.constant 112 : index
        %parallel_loop3A_1097 = tpu.vector_load %arg12[%parallel_loop3A_1095, %parallel_loop3A_1096] {strides = array<i32>} : memref<200x128xf32, #tpu.memory_space<vmem>>, vector<16xf32>,
        tpu.vector_store %arg12[%parallel_loop3A_1095, %parallel_loop3A_1096], %parallel_loop3A_1092 {strides = array<i32>} : memref<200x128xf32, #tpu.memory_space<vmem>>, vector<16xf32>,
        %parallel_loop3A_1098 = vector.extract_strided_slice %parallel_loop3A_438 {offsets = [10], sizes = [1], strides = [1]} : vector<16xf32> to vector<1xf32>
        %parallel_loop3A_1099 = vector.extract %parallel_loop3A_1098[0] : f32 from vector<1xf32>
        %parallel_loop3A_1100 = vector.broadcast %parallel_loop3A_1099 : f32 to vector<16xf32>
        %parallel_loop3A_1101 = vector.extract_strided_slice %parallel_loop3A_475 {offsets = [10], sizes = [1], strides = [1]} : vector<16xf32> to vector<1xf32>
        %parallel_loop3A_1102 = vector.extract %parallel_loop3A_1101[0] : f32 from vector<1xf32>
        %parallel_loop3A_1103 = vector.broadcast %parallel_loop3A_1102 : f32 to vector<16xf32>
        %parallel_loop3A_1104 = arith.constant 5 : i32
        %parallel_loop3A_1105 = arith.addi %parallel_loop3A_477, %parallel_loop3A_1104 : i32
        %parallel_loop3A_1106 = arith.index_cast %parallel_loop3A_1105 : i32 to index
        %parallel_loop3A_1107 = arith.constant 0 : index
        %parallel_loop3A_1108 = tpu.vector_load %arg12[%parallel_loop3A_1106, %parallel_loop3A_1107] {strides = array<i32>} : memref<200x128xf32, #tpu.memory_space<vmem>>, vector<16xf32>,
        %parallel_loop3A_1109 = arith.subf %parallel_loop3A_1108, %parallel_loop3A_1100 : vector<16xf32>
        %parallel_loop3A_1110 = arith.mulf %parallel_loop3A_1109, %parallel_loop3A_1103 : vector<16xf32>
        %parallel_loop3A_1111 = arith.mulf %parallel_loop3A_1110, %get3A_3 : vector<16xf32>
        %parallel_loop3A_1112 = arith.addf %parallel_loop3A_1111, %get3A_11 : vector<16xf32>
        %parallel_loop3A_1113 = arith.constant 5 : i32
        %parallel_loop3A_1114 = arith.addi %parallel_loop3A_477, %parallel_loop3A_1113 : i32
        %parallel_loop3A_1115 = arith.index_cast %parallel_loop3A_1114 : i32 to index
        %parallel_loop3A_1116 = arith.constant 0 : index
        %parallel_loop3A_1117 = tpu.vector_load %arg12[%parallel_loop3A_1115, %parallel_loop3A_1116] {strides = array<i32>} : memref<200x128xf32, #tpu.memory_space<vmem>>, vector<16xf32>,
        tpu.vector_store %arg12[%parallel_loop3A_1115, %parallel_loop3A_1116], %parallel_loop3A_1112 {strides = array<i32>} : memref<200x128xf32, #tpu.memory_space<vmem>>, vector<16xf32>,
        %parallel_loop3A_1118 = arith.constant 5 : i32
        %parallel_loop3A_1119 = arith.addi %parallel_loop3A_477, %parallel_loop3A_1118 : i32
        %parallel_loop3A_1120 = arith.index_cast %parallel_loop3A_1119 : i32 to index
        %parallel_loop3A_1121 = arith.constant 16 : index
        %parallel_loop3A_1122 = tpu.vector_load %arg12[%parallel_loop3A_1120, %parallel_loop3A_1121] {strides = array<i32>} : memref<200x128xf32, #tpu.memory_space<vmem>>, vector<16xf32>,
        %parallel_loop3A_1123 = arith.subf %parallel_loop3A_1122, %parallel_loop3A_1100 : vector<16xf32>
        %parallel_loop3A_1124 = arith.mulf %parallel_loop3A_1123, %parallel_loop3A_1103 : vector<16xf32>
        %parallel_loop3A_1125 = arith.mulf %parallel_loop3A_1124, %get3A_5 : vector<16xf32>
        %parallel_loop3A_1126 = arith.addf %parallel_loop3A_1125, %get3A_13 : vector<16xf32>
        %parallel_loop3A_1127 = arith.constant 5 : i32
        %parallel_loop3A_1128 = arith.addi %parallel_loop3A_477, %parallel_loop3A_1127 : i32
        %parallel_loop3A_1129 = arith.index_cast %parallel_loop3A_1128 : i32 to index
        %parallel_loop3A_1130 = arith.constant 16 : index
        %parallel_loop3A_1131 = tpu.vector_load %arg12[%parallel_loop3A_1129, %parallel_loop3A_1130] {strides = array<i32>} : memref<200x128xf32, #tpu.memory_space<vmem>>, vector<16xf32>,
        tpu.vector_store %arg12[%parallel_loop3A_1129, %parallel_loop3A_1130], %parallel_loop3A_1126 {strides = array<i32>} : memref<200x128xf32, #tpu.memory_space<vmem>>, vector<16xf32>,
        %parallel_loop3A_1132 = arith.constant 5 : i32
        %parallel_loop3A_1133 = arith.addi %parallel_loop3A_477, %parallel_loop3A_1132 : i32
        %parallel_loop3A_1134 = arith.index_cast %parallel_loop3A_1133 : i32 to index
        %parallel_loop3A_1135 = arith.constant 32 : index
        %parallel_loop3A_1136 = tpu.vector_load %arg12[%parallel_loop3A_1134, %parallel_loop3A_1135] {strides = array<i32>} : memref<200x128xf32, #tpu.memory_space<vmem>>, vector<16xf32>,
        %parallel_loop3A_1137 = arith.subf %parallel_loop3A_1136, %parallel_loop3A_1100 : vector<16xf32>
        %parallel_loop3A_1138 = arith.mulf %parallel_loop3A_1137, %parallel_loop3A_1103 : vector<16xf32>
        %parallel_loop3A_1139 = arith.mulf %parallel_loop3A_1138, %get3A_7 : vector<16xf32>
        %parallel_loop3A_1140 = arith.addf %parallel_loop3A_1139, %get3A_15 : vector<16xf32>
        %parallel_loop3A_1141 = arith.constant 5 : i32
        %parallel_loop3A_1142 = arith.addi %parallel_loop3A_477, %parallel_loop3A_1141 : i32
        %parallel_loop3A_1143 = arith.index_cast %parallel_loop3A_1142 : i32 to index
        %parallel_loop3A_1144 = arith.constant 32 : index
        %parallel_loop3A_1145 = tpu.vector_load %arg12[%parallel_loop3A_1143, %parallel_loop3A_1144] {strides = array<i32>} : memref<200x128xf32, #tpu.memory_space<vmem>>, vector<16xf32>,
        tpu.vector_store %arg12[%parallel_loop3A_1143, %parallel_loop3A_1144], %parallel_loop3A_1140 {strides = array<i32>} : memref<200x128xf32, #tpu.memory_space<vmem>>, vector<16xf32>,
        %parallel_loop3A_1146 = arith.constant 5 : i32
        %parallel_loop3A_1147 = arith.addi %parallel_loop3A_477, %parallel_loop3A_1146 : i32
        %parallel_loop3A_1148 = arith.index_cast %parallel_loop3A_1147 : i32 to index
        %parallel_loop3A_1149 = arith.constant 48 : index
        %parallel_loop3A_1150 = tpu.vector_load %arg12[%parallel_loop3A_1148, %parallel_loop3A_1149] {strides = array<i32>} : memref<200x128xf32, #tpu.memory_space<vmem>>, vector<16xf32>,
        %parallel_loop3A_1151 = arith.subf %parallel_loop3A_1150, %parallel_loop3A_1100 : vector<16xf32>
        %parallel_loop3A_1152 = arith.mulf %parallel_loop3A_1151, %parallel_loop3A_1103 : vector<16xf32>
        %parallel_loop3A_1153 = arith.mulf %parallel_loop3A_1152, %get3A_9 : vector<16xf32>
        %parallel_loop3A_1154 = arith.addf %parallel_loop3A_1153, %get3A_17 : vector<16xf32>
        %parallel_loop3A_1155 = arith.constant 5 : i32
        %parallel_loop3A_1156 = arith.addi %parallel_loop3A_477, %parallel_loop3A_1155 : i32
        %parallel_loop3A_1157 = arith.index_cast %parallel_loop3A_1156 : i32 to index
        %parallel_loop3A_1158 = arith.constant 48 : index
        %parallel_loop3A_1159 = tpu.vector_load %arg12[%parallel_loop3A_1157, %parallel_loop3A_1158] {strides = array<i32>} : memref<200x128xf32, #tpu.memory_space<vmem>>, vector<16xf32>,
        tpu.vector_store %arg12[%parallel_loop3A_1157, %parallel_loop3A_1158], %parallel_loop3A_1154 {strides = array<i32>} : memref<200x128xf32, #tpu.memory_space<vmem>>, vector<16xf32>,
        %parallel_loop3A_1160 = vector.extract_strided_slice %parallel_loop3A_438 {offsets = [11], sizes = [1], strides = [1]} : vector<16xf32> to vector<1xf32>
        %parallel_loop3A_1161 = vector.extract %parallel_loop3A_1160[0] : f32 from vector<1xf32>
        %parallel_loop3A_1162 = vector.broadcast %parallel_loop3A_1161 : f32 to vector<16xf32>
        %parallel_loop3A_1163 = vector.extract_strided_slice %parallel_loop3A_475 {offsets = [11], sizes = [1], strides = [1]} : vector<16xf32> to vector<1xf32>
        %parallel_loop3A_1164 = vector.extract %parallel_loop3A_1163[0] : f32 from vector<1xf32>
        %parallel_loop3A_1165 = vector.broadcast %parallel_loop3A_1164 : f32 to vector<16xf32>
        %parallel_loop3A_1166 = arith.constant 5 : i32
        %parallel_loop3A_1167 = arith.addi %parallel_loop3A_477, %parallel_loop3A_1166 : i32
        %parallel_loop3A_1168 = arith.index_cast %parallel_loop3A_1167 : i32 to index
        %parallel_loop3A_1169 = arith.constant 64 : index
        %parallel_loop3A_1170 = tpu.vector_load %arg12[%parallel_loop3A_1168, %parallel_loop3A_1169] {strides = array<i32>} : memref<200x128xf32, #tpu.memory_space<vmem>>, vector<16xf32>,
        %parallel_loop3A_1171 = arith.subf %parallel_loop3A_1170, %parallel_loop3A_1162 : vector<16xf32>
        %parallel_loop3A_1172 = arith.mulf %parallel_loop3A_1171, %parallel_loop3A_1165 : vector<16xf32>
        %parallel_loop3A_1173 = arith.mulf %parallel_loop3A_1172, %get3A_3 : vector<16xf32>
        %parallel_loop3A_1174 = arith.addf %parallel_loop3A_1173, %get3A_11 : vector<16xf32>
        %parallel_loop3A_1175 = arith.constant 5 : i32
        %parallel_loop3A_1176 = arith.addi %parallel_loop3A_477, %parallel_loop3A_1175 : i32
        %parallel_loop3A_1177 = arith.index_cast %parallel_loop3A_1176 : i32 to index
        %parallel_loop3A_1178 = arith.constant 64 : index
        %parallel_loop3A_1179 = tpu.vector_load %arg12[%parallel_loop3A_1177, %parallel_loop3A_1178] {strides = array<i32>} : memref<200x128xf32, #tpu.memory_space<vmem>>, vector<16xf32>,
        tpu.vector_store %arg12[%parallel_loop3A_1177, %parallel_loop3A_1178], %parallel_loop3A_1174 {strides = array<i32>} : memref<200x128xf32, #tpu.memory_space<vmem>>, vector<16xf32>,
        %parallel_loop3A_1180 = arith.constant 5 : i32
        %parallel_loop3A_1181 = arith.addi %parallel_loop3A_477, %parallel_loop3A_1180 : i32
        %parallel_loop3A_1182 = arith.index_cast %parallel_loop3A_1181 : i32 to index
        %parallel_loop3A_1183 = arith.constant 80 : index
        %parallel_loop3A_1184 = tpu.vector_load %arg12[%parallel_loop3A_1182, %parallel_loop3A_1183] {strides = array<i32>} : memref<200x128xf32, #tpu.memory_space<vmem>>, vector<16xf32>,
        %parallel_loop3A_1185 = arith.subf %parallel_loop3A_1184, %parallel_loop3A_1162 : vector<16xf32>
        %parallel_loop3A_1186 = arith.mulf %parallel_loop3A_1185, %parallel_loop3A_1165 : vector<16xf32>
        %parallel_loop3A_1187 = arith.mulf %parallel_loop3A_1186, %get3A_5 : vector<16xf32>
        %parallel_loop3A_1188 = arith.addf %parallel_loop3A_1187, %get3A_13 : vector<16xf32>
        %parallel_loop3A_1189 = arith.constant 5 : i32
        %parallel_loop3A_1190 = arith.addi %parallel_loop3A_477, %parallel_loop3A_1189 : i32
        %parallel_loop3A_1191 = arith.index_cast %parallel_loop3A_1190 : i32 to index
        %parallel_loop3A_1192 = arith.constant 80 : index
        %parallel_loop3A_1193 = tpu.vector_load %arg12[%parallel_loop3A_1191, %parallel_loop3A_1192] {strides = array<i32>} : memref<200x128xf32, #tpu.memory_space<vmem>>, vector<16xf32>,
        tpu.vector_store %arg12[%parallel_loop3A_1191, %parallel_loop3A_1192], %parallel_loop3A_1188 {strides = array<i32>} : memref<200x128xf32, #tpu.memory_space<vmem>>, vector<16xf32>,
        %parallel_loop3A_1194 = arith.constant 5 : i32
        %parallel_loop3A_1195 = arith.addi %parallel_loop3A_477, %parallel_loop3A_1194 : i32
        %parallel_loop3A_1196 = arith.index_cast %parallel_loop3A_1195 : i32 to index
        %parallel_loop3A_1197 = arith.constant 96 : index
        %parallel_loop3A_1198 = tpu.vector_load %arg12[%parallel_loop3A_1196, %parallel_loop3A_1197] {strides = array<i32>} : memref<200x128xf32, #tpu.memory_space<vmem>>, vector<16xf32>,
        %parallel_loop3A_1199 = arith.subf %parallel_loop3A_1198, %parallel_loop3A_1162 : vector<16xf32>
        %parallel_loop3A_1200 = arith.mulf %parallel_loop3A_1199, %parallel_loop3A_1165 : vector<16xf32>
        %parallel_loop3A_1201 = arith.mulf %parallel_loop3A_1200, %get3A_7 : vector<16xf32>
        %parallel_loop3A_1202 = arith.addf %parallel_loop3A_1201, %get3A_15 : vector<16xf32>
        %parallel_loop3A_1203 = arith.constant 5 : i32
        %parallel_loop3A_1204 = arith.addi %parallel_loop3A_477, %parallel_loop3A_1203 : i32
        %parallel_loop3A_1205 = arith.index_cast %parallel_loop3A_1204 : i32 to index
        %parallel_loop3A_1206 = arith.constant 96 : index
        %parallel_loop3A_1207 = tpu.vector_load %arg12[%parallel_loop3A_1205, %parallel_loop3A_1206] {strides = array<i32>} : memref<200x128xf32, #tpu.memory_space<vmem>>, vector<16xf32>,
        tpu.vector_store %arg12[%parallel_loop3A_1205, %parallel_loop3A_1206], %parallel_loop3A_1202 {strides = array<i32>} : memref<200x128xf32, #tpu.memory_space<vmem>>, vector<16xf32>,
        %parallel_loop3A_1208 = arith.constant 5 : i32
        %parallel_loop3A_1209 = arith.addi %parallel_loop3A_477, %parallel_loop3A_1208 : i32
        %parallel_loop3A_1210 = arith.index_cast %parallel_loop3A_1209 : i32 to index
        %parallel_loop3A_1211 = arith.constant 112 : index
        %parallel_loop3A_1212 = tpu.vector_load %arg12[%parallel_loop3A_1210, %parallel_loop3A_1211] {strides = array<i32>} : memref<200x128xf32, #tpu.memory_space<vmem>>, vector<16xf32>,
        %parallel_loop3A_1213 = arith.subf %parallel_loop3A_1212, %parallel_loop3A_1162 : vector<16xf32>
        %parallel_loop3A_1214 = arith.mulf %parallel_loop3A_1213, %parallel_loop3A_1165 : vector<16xf32>
        %parallel_loop3A_1215 = arith.mulf %parallel_loop3A_1214, %get3A_9 : vector<16xf32>
        %parallel_loop3A_1216 = arith.addf %parallel_loop3A_1215, %get3A_17 : vector<16xf32>
        %parallel_loop3A_1217 = arith.constant 5 : i32
        %parallel_loop3A_1218 = arith.addi %parallel_loop3A_477, %parallel_loop3A_1217 : i32
        %parallel_loop3A_1219 = arith.index_cast %parallel_loop3A_1218 : i32 to index
        %parallel_loop3A_1220 = arith.constant 112 : index
        %parallel_loop3A_1221 = tpu.vector_load %arg12[%parallel_loop3A_1219, %parallel_loop3A_1220] {strides = array<i32>} : memref<200x128xf32, #tpu.memory_space<vmem>>, vector<16xf32>,
        tpu.vector_store %arg12[%parallel_loop3A_1219, %parallel_loop3A_1220], %parallel_loop3A_1216 {strides = array<i32>} : memref<200x128xf32, #tpu.memory_space<vmem>>, vector<16xf32>,
        %parallel_loop3A_1222 = vector.extract_strided_slice %parallel_loop3A_438 {offsets = [12], sizes = [1], strides = [1]} : vector<16xf32> to vector<1xf32>
        %parallel_loop3A_1223 = vector.extract %parallel_loop3A_1222[0] : f32 from vector<1xf32>
        %parallel_loop3A_1224 = vector.broadcast %parallel_loop3A_1223 : f32 to vector<16xf32>
        %parallel_loop3A_1225 = vector.extract_strided_slice %parallel_loop3A_475 {offsets = [12], sizes = [1], strides = [1]} : vector<16xf32> to vector<1xf32>
        %parallel_loop3A_1226 = vector.extract %parallel_loop3A_1225[0] : f32 from vector<1xf32>
        %parallel_loop3A_1227 = vector.broadcast %parallel_loop3A_1226 : f32 to vector<16xf32>
        %parallel_loop3A_1228 = arith.constant 6 : i32
        %parallel_loop3A_1229 = arith.addi %parallel_loop3A_477, %parallel_loop3A_1228 : i32
        %parallel_loop3A_1230 = arith.index_cast %parallel_loop3A_1229 : i32 to index
        %parallel_loop3A_1231 = arith.constant 0 : index
        %parallel_loop3A_1232 = tpu.vector_load %arg12[%parallel_loop3A_1230, %parallel_loop3A_1231] {strides = array<i32>} : memref<200x128xf32, #tpu.memory_space<vmem>>, vector<16xf32>,
        %parallel_loop3A_1233 = arith.subf %parallel_loop3A_1232, %parallel_loop3A_1224 : vector<16xf32>
        %parallel_loop3A_1234 = arith.mulf %parallel_loop3A_1233, %parallel_loop3A_1227 : vector<16xf32>
        %parallel_loop3A_1235 = arith.mulf %parallel_loop3A_1234, %get3A_3 : vector<16xf32>
        %parallel_loop3A_1236 = arith.addf %parallel_loop3A_1235, %get3A_11 : vector<16xf32>
        %parallel_loop3A_1237 = arith.constant 6 : i32
        %parallel_loop3A_1238 = arith.addi %parallel_loop3A_477, %parallel_loop3A_1237 : i32
        %parallel_loop3A_1239 = arith.index_cast %parallel_loop3A_1238 : i32 to index
        %parallel_loop3A_1240 = arith.constant 0 : index
        %parallel_loop3A_1241 = tpu.vector_load %arg12[%parallel_loop3A_1239, %parallel_loop3A_1240] {strides = array<i32>} : memref<200x128xf32, #tpu.memory_space<vmem>>, vector<16xf32>,
        tpu.vector_store %arg12[%parallel_loop3A_1239, %parallel_loop3A_1240], %parallel_loop3A_1236 {strides = array<i32>} : memref<200x128xf32, #tpu.memory_space<vmem>>, vector<16xf32>,
        %parallel_loop3A_1242 = arith.constant 6 : i32
        %parallel_loop3A_1243 = arith.addi %parallel_loop3A_477, %parallel_loop3A_1242 : i32
        %parallel_loop3A_1244 = arith.index_cast %parallel_loop3A_1243 : i32 to index
        %parallel_loop3A_1245 = arith.constant 16 : index
        %parallel_loop3A_1246 = tpu.vector_load %arg12[%parallel_loop3A_1244, %parallel_loop3A_1245] {strides = array<i32>} : memref<200x128xf32, #tpu.memory_space<vmem>>, vector<16xf32>,
        %parallel_loop3A_1247 = arith.subf %parallel_loop3A_1246, %parallel_loop3A_1224 : vector<16xf32>
        %parallel_loop3A_1248 = arith.mulf %parallel_loop3A_1247, %parallel_loop3A_1227 : vector<16xf32>
        %parallel_loop3A_1249 = arith.mulf %parallel_loop3A_1248, %get3A_5 : vector<16xf32>
        %parallel_loop3A_1250 = arith.addf %parallel_loop3A_1249, %get3A_13 : vector<16xf32>
        %parallel_loop3A_1251 = arith.constant 6 : i32
        %parallel_loop3A_1252 = arith.addi %parallel_loop3A_477, %parallel_loop3A_1251 : i32
        %parallel_loop3A_1253 = arith.index_cast %parallel_loop3A_1252 : i32 to index
        %parallel_loop3A_1254 = arith.constant 16 : index
        %parallel_loop3A_1255 = tpu.vector_load %arg12[%parallel_loop3A_1253, %parallel_loop3A_1254] {strides = array<i32>} : memref<200x128xf32, #tpu.memory_space<vmem>>, vector<16xf32>,
        tpu.vector_store %arg12[%parallel_loop3A_1253, %parallel_loop3A_1254], %parallel_loop3A_1250 {strides = array<i32>} : memref<200x128xf32, #tpu.memory_space<vmem>>, vector<16xf32>,
        %parallel_loop3A_1256 = arith.constant 6 : i32
        %parallel_loop3A_1257 = arith.addi %parallel_loop3A_477, %parallel_loop3A_1256 : i32
        %parallel_loop3A_1258 = arith.index_cast %parallel_loop3A_1257 : i32 to index
        %parallel_loop3A_1259 = arith.constant 32 : index
        %parallel_loop3A_1260 = tpu.vector_load %arg12[%parallel_loop3A_1258, %parallel_loop3A_1259] {strides = array<i32>} : memref<200x128xf32, #tpu.memory_space<vmem>>, vector<16xf32>,
        %parallel_loop3A_1261 = arith.subf %parallel_loop3A_1260, %parallel_loop3A_1224 : vector<16xf32>
        %parallel_loop3A_1262 = arith.mulf %parallel_loop3A_1261, %parallel_loop3A_1227 : vector<16xf32>
        %parallel_loop3A_1263 = arith.mulf %parallel_loop3A_1262, %get3A_7 : vector<16xf32>
        %parallel_loop3A_1264 = arith.addf %parallel_loop3A_1263, %get3A_15 : vector<16xf32>
        %parallel_loop3A_1265 = arith.constant 6 : i32
        %parallel_loop3A_1266 = arith.addi %parallel_loop3A_477, %parallel_loop3A_1265 : i32
        %parallel_loop3A_1267 = arith.index_cast %parallel_loop3A_1266 : i32 to index
        %parallel_loop3A_1268 = arith.constant 32 : index
        %parallel_loop3A_1269 = tpu.vector_load %arg12[%parallel_loop3A_1267, %parallel_loop3A_1268] {strides = array<i32>} : memref<200x128xf32, #tpu.memory_space<vmem>>, vector<16xf32>,
        tpu.vector_store %arg12[%parallel_loop3A_1267, %parallel_loop3A_1268], %parallel_loop3A_1264 {strides = array<i32>} : memref<200x128xf32, #tpu.memory_space<vmem>>, vector<16xf32>,
        %parallel_loop3A_1270 = arith.constant 6 : i32
        %parallel_loop3A_1271 = arith.addi %parallel_loop3A_477, %parallel_loop3A_1270 : i32
        %parallel_loop3A_1272 = arith.index_cast %parallel_loop3A_1271 : i32 to index
        %parallel_loop3A_1273 = arith.constant 48 : index
        %parallel_loop3A_1274 = tpu.vector_load %arg12[%parallel_loop3A_1272, %parallel_loop3A_1273] {strides = array<i32>} : memref<200x128xf32, #tpu.memory_space<vmem>>, vector<16xf32>,
        %parallel_loop3A_1275 = arith.subf %parallel_loop3A_1274, %parallel_loop3A_1224 : vector<16xf32>
        %parallel_loop3A_1276 = arith.mulf %parallel_loop3A_1275, %parallel_loop3A_1227 : vector<16xf32>
        %parallel_loop3A_1277 = arith.mulf %parallel_loop3A_1276, %get3A_9 : vector<16xf32>
        %parallel_loop3A_1278 = arith.addf %parallel_loop3A_1277, %get3A_17 : vector<16xf32>
        %parallel_loop3A_1279 = arith.constant 6 : i32
        %parallel_loop3A_1280 = arith.addi %parallel_loop3A_477, %parallel_loop3A_1279 : i32
        %parallel_loop3A_1281 = arith.index_cast %parallel_loop3A_1280 : i32 to index
        %parallel_loop3A_1282 = arith.constant 48 : index
        %parallel_loop3A_1283 = tpu.vector_load %arg12[%parallel_loop3A_1281, %parallel_loop3A_1282] {strides = array<i32>} : memref<200x128xf32, #tpu.memory_space<vmem>>, vector<16xf32>,
        tpu.vector_store %arg12[%parallel_loop3A_1281, %parallel_loop3A_1282], %parallel_loop3A_1278 {strides = array<i32>} : memref<200x128xf32, #tpu.memory_space<vmem>>, vector<16xf32>,
        %parallel_loop3A_1284 = vector.extract_strided_slice %parallel_loop3A_438 {offsets = [13], sizes = [1], strides = [1]} : vector<16xf32> to vector<1xf32>
        %parallel_loop3A_1285 = vector.extract %parallel_loop3A_1284[0] : f32 from vector<1xf32>
        %parallel_loop3A_1286 = vector.broadcast %parallel_loop3A_1285 : f32 to vector<16xf32>
        %parallel_loop3A_1287 = vector.extract_strided_slice %parallel_loop3A_475 {offsets = [13], sizes = [1], strides = [1]} : vector<16xf32> to vector<1xf32>
        %parallel_loop3A_1288 = vector.extract %parallel_loop3A_1287[0] : f32 from vector<1xf32>
        %parallel_loop3A_1289 = vector.broadcast %parallel_loop3A_1288 : f32 to vector<16xf32>
        %parallel_loop3A_1290 = arith.constant 6 : i32
        %parallel_loop3A_1291 = arith.addi %parallel_loop3A_477, %parallel_loop3A_1290 : i32
        %parallel_loop3A_1292 = arith.index_cast %parallel_loop3A_1291 : i32 to index
        %parallel_loop3A_1293 = arith.constant 64 : index
        %parallel_loop3A_1294 = tpu.vector_load %arg12[%parallel_loop3A_1292, %parallel_loop3A_1293] {strides = array<i32>} : memref<200x128xf32, #tpu.memory_space<vmem>>, vector<16xf32>,
        %parallel_loop3A_1295 = arith.subf %parallel_loop3A_1294, %parallel_loop3A_1286 : vector<16xf32>
        %parallel_loop3A_1296 = arith.mulf %parallel_loop3A_1295, %parallel_loop3A_1289 : vector<16xf32>
        %parallel_loop3A_1297 = arith.mulf %parallel_loop3A_1296, %get3A_3 : vector<16xf32>
        %parallel_loop3A_1298 = arith.addf %parallel_loop3A_1297, %get3A_11 : vector<16xf32>
        %parallel_loop3A_1299 = arith.constant 6 : i32
        %parallel_loop3A_1300 = arith.addi %parallel_loop3A_477, %parallel_loop3A_1299 : i32
        %parallel_loop3A_1301 = arith.index_cast %parallel_loop3A_1300 : i32 to index
        %parallel_loop3A_1302 = arith.constant 64 : index
        %parallel_loop3A_1303 = tpu.vector_load %arg12[%parallel_loop3A_1301, %parallel_loop3A_1302] {strides = array<i32>} : memref<200x128xf32, #tpu.memory_space<vmem>>, vector<16xf32>,
        tpu.vector_store %arg12[%parallel_loop3A_1301, %parallel_loop3A_1302], %parallel_loop3A_1298 {strides = array<i32>} : memref<200x128xf32, #tpu.memory_space<vmem>>, vector<16xf32>,
        %parallel_loop3A_1304 = arith.constant 6 : i32
        %parallel_loop3A_1305 = arith.addi %parallel_loop3A_477, %parallel_loop3A_1304 : i32
        %parallel_loop3A_1306 = arith.index_cast %parallel_loop3A_1305 : i32 to index
        %parallel_loop3A_1307 = arith.constant 80 : index
        %parallel_loop3A_1308 = tpu.vector_load %arg12[%parallel_loop3A_1306, %parallel_loop3A_1307] {strides = array<i32>} : memref<200x128xf32, #tpu.memory_space<vmem>>, vector<16xf32>,
        %parallel_loop3A_1309 = arith.subf %parallel_loop3A_1308, %parallel_loop3A_1286 : vector<16xf32>
        %parallel_loop3A_1310 = arith.mulf %parallel_loop3A_1309, %parallel_loop3A_1289 : vector<16xf32>
        %parallel_loop3A_1311 = arith.mulf %parallel_loop3A_1310, %get3A_5 : vector<16xf32>
        %parallel_loop3A_1312 = arith.addf %parallel_loop3A_1311, %get3A_13 : vector<16xf32>
        %parallel_loop3A_1313 = arith.constant 6 : i32
        %parallel_loop3A_1314 = arith.addi %parallel_loop3A_477, %parallel_loop3A_1313 : i32
        %parallel_loop3A_1315 = arith.index_cast %parallel_loop3A_1314 : i32 to index
        %parallel_loop3A_1316 = arith.constant 80 : index
        %parallel_loop3A_1317 = tpu.vector_load %arg12[%parallel_loop3A_1315, %parallel_loop3A_1316] {strides = array<i32>} : memref<200x128xf32, #tpu.memory_space<vmem>>, vector<16xf32>,
        tpu.vector_store %arg12[%parallel_loop3A_1315, %parallel_loop3A_1316], %parallel_loop3A_1312 {strides = array<i32>} : memref<200x128xf32, #tpu.memory_space<vmem>>, vector<16xf32>,
        %parallel_loop3A_1318 = arith.constant 6 : i32
        %parallel_loop3A_1319 = arith.addi %parallel_loop3A_477, %parallel_loop3A_1318 : i32
        %parallel_loop3A_1320 = arith.index_cast %parallel_loop3A_1319 : i32 to index
        %parallel_loop3A_1321 = arith.constant 96 : index
        %parallel_loop3A_1322 = tpu.vector_load %arg12[%parallel_loop3A_1320, %parallel_loop3A_1321] {strides = array<i32>} : memref<200x128xf32, #tpu.memory_space<vmem>>, vector<16xf32>,
        %parallel_loop3A_1323 = arith.subf %parallel_loop3A_1322, %parallel_loop3A_1286 : vector<16xf32>
        %parallel_loop3A_1324 = arith.mulf %parallel_loop3A_1323, %parallel_loop3A_1289 : vector<16xf32>
        %parallel_loop3A_1325 = arith.mulf %parallel_loop3A_1324, %get3A_7 : vector<16xf32>
        %parallel_loop3A_1326 = arith.addf %parallel_loop3A_1325, %get3A_15 : vector<16xf32>
        %parallel_loop3A_1327 = arith.constant 6 : i32
        %parallel_loop3A_1328 = arith.addi %parallel_loop3A_477, %parallel_loop3A_1327 : i32
        %parallel_loop3A_1329 = arith.index_cast %parallel_loop3A_1328 : i32 to index
        %parallel_loop3A_1330 = arith.constant 96 : index
        %parallel_loop3A_1331 = tpu.vector_load %arg12[%parallel_loop3A_1329, %parallel_loop3A_1330] {strides = array<i32>} : memref<200x128xf32, #tpu.memory_space<vmem>>, vector<16xf32>,
        tpu.vector_store %arg12[%parallel_loop3A_1329, %parallel_loop3A_1330], %parallel_loop3A_1326 {strides = array<i32>} : memref<200x128xf32, #tpu.memory_space<vmem>>, vector<16xf32>,
        %parallel_loop3A_1332 = arith.constant 6 : i32
        %parallel_loop3A_1333 = arith.addi %parallel_loop3A_477, %parallel_loop3A_1332 : i32
        %parallel_loop3A_1334 = arith.index_cast %parallel_loop3A_1333 : i32 to index
        %parallel_loop3A_1335 = arith.constant 112 : index
        %parallel_loop3A_1336 = tpu.vector_load %arg12[%parallel_loop3A_1334, %parallel_loop3A_1335] {strides = array<i32>} : memref<200x128xf32, #tpu.memory_space<vmem>>, vector<16xf32>,
        %parallel_loop3A_1337 = arith.subf %parallel_loop3A_1336, %parallel_loop3A_1286 : vector<16xf32>
        %parallel_loop3A_1338 = arith.mulf %parallel_loop3A_1337, %parallel_loop3A_1289 : vector<16xf32>
        %parallel_loop3A_1339 = arith.mulf %parallel_loop3A_1338, %get3A_9 : vector<16xf32>
        %parallel_loop3A_1340 = arith.addf %parallel_loop3A_1339, %get3A_17 : vector<16xf32>
        %parallel_loop3A_1341 = arith.constant 6 : i32
        %parallel_loop3A_1342 = arith.addi %parallel_loop3A_477, %parallel_loop3A_1341 : i32
        %parallel_loop3A_1343 = arith.index_cast %parallel_loop3A_1342 : i32 to index
        %parallel_loop3A_1344 = arith.constant 112 : index
        %parallel_loop3A_1345 = tpu.vector_load %arg12[%parallel_loop3A_1343, %parallel_loop3A_1344] {strides = array<i32>} : memref<200x128xf32, #tpu.memory_space<vmem>>, vector<16xf32>,
        tpu.vector_store %arg12[%parallel_loop3A_1343, %parallel_loop3A_1344], %parallel_loop3A_1340 {strides = array<i32>} : memref<200x128xf32, #tpu.memory_space<vmem>>, vector<16xf32>,
        %parallel_loop3A_1346 = vector.extract_strided_slice %parallel_loop3A_438 {offsets = [14], sizes = [1], strides = [1]} : vector<16xf32> to vector<1xf32>
        %parallel_loop3A_1347 = vector.extract %parallel_loop3A_1346[0] : f32 from vector<1xf32>
        %parallel_loop3A_1348 = vector.broadcast %parallel_loop3A_1347 : f32 to vector<16xf32>
        %parallel_loop3A_1349 = vector.extract_strided_slice %parallel_loop3A_475 {offsets = [14], sizes = [1], strides = [1]} : vector<16xf32> to vector<1xf32>
        %parallel_loop3A_1350 = vector.extract %parallel_loop3A_1349[0] : f32 from vector<1xf32>
        %parallel_loop3A_1351 = vector.broadcast %parallel_loop3A_1350 : f32 to vector<16xf32>
        %parallel_loop3A_1352 = arith.constant 7 : i32
        %parallel_loop3A_1353 = arith.addi %parallel_loop3A_477, %parallel_loop3A_1352 : i32
        %parallel_loop3A_1354 = arith.index_cast %parallel_loop3A_1353 : i32 to index
        %parallel_loop3A_1355 = arith.constant 0 : index
        %parallel_loop3A_1356 = tpu.vector_load %arg12[%parallel_loop3A_1354, %parallel_loop3A_1355] {strides = array<i32>} : memref<200x128xf32, #tpu.memory_space<vmem>>, vector<16xf32>,
        %parallel_loop3A_1357 = arith.subf %parallel_loop3A_1356, %parallel_loop3A_1348 : vector<16xf32>
        %parallel_loop3A_1358 = arith.mulf %parallel_loop3A_1357, %parallel_loop3A_1351 : vector<16xf32>
        %parallel_loop3A_1359 = arith.mulf %parallel_loop3A_1358, %get3A_3 : vector<16xf32>
        %parallel_loop3A_1360 = arith.addf %parallel_loop3A_1359, %get3A_11 : vector<16xf32>
        %parallel_loop3A_1361 = arith.constant 7 : i32
        %parallel_loop3A_1362 = arith.addi %parallel_loop3A_477, %parallel_loop3A_1361 : i32
        %parallel_loop3A_1363 = arith.index_cast %parallel_loop3A_1362 : i32 to index
        %parallel_loop3A_1364 = arith.constant 0 : index
        %parallel_loop3A_1365 = tpu.vector_load %arg12[%parallel_loop3A_1363, %parallel_loop3A_1364] {strides = array<i32>} : memref<200x128xf32, #tpu.memory_space<vmem>>, vector<16xf32>,
        tpu.vector_store %arg12[%parallel_loop3A_1363, %parallel_loop3A_1364], %parallel_loop3A_1360 {strides = array<i32>} : memref<200x128xf32, #tpu.memory_space<vmem>>, vector<16xf32>,
        %parallel_loop3A_1366 = arith.constant 7 : i32
        %parallel_loop3A_1367 = arith.addi %parallel_loop3A_477, %parallel_loop3A_1366 : i32
        %parallel_loop3A_1368 = arith.index_cast %parallel_loop3A_1367 : i32 to index
        %parallel_loop3A_1369 = arith.constant 16 : index
        %parallel_loop3A_1370 = tpu.vector_load %arg12[%parallel_loop3A_1368, %parallel_loop3A_1369] {strides = array<i32>} : memref<200x128xf32, #tpu.memory_space<vmem>>, vector<16xf32>,
        %parallel_loop3A_1371 = arith.subf %parallel_loop3A_1370, %parallel_loop3A_1348 : vector<16xf32>
        %parallel_loop3A_1372 = arith.mulf %parallel_loop3A_1371, %parallel_loop3A_1351 : vector<16xf32>
        %parallel_loop3A_1373 = arith.mulf %parallel_loop3A_1372, %get3A_5 : vector<16xf32>
        %parallel_loop3A_1374 = arith.addf %parallel_loop3A_1373, %get3A_13 : vector<16xf32>
        %parallel_loop3A_1375 = arith.constant 7 : i32
        %parallel_loop3A_1376 = arith.addi %parallel_loop3A_477, %parallel_loop3A_1375 : i32
        %parallel_loop3A_1377 = arith.index_cast %parallel_loop3A_1376 : i32 to index
        %parallel_loop3A_1378 = arith.constant 16 : index
        %parallel_loop3A_1379 = tpu.vector_load %arg12[%parallel_loop3A_1377, %parallel_loop3A_1378] {strides = array<i32>} : memref<200x128xf32, #tpu.memory_space<vmem>>, vector<16xf32>,
        tpu.vector_store %arg12[%parallel_loop3A_1377, %parallel_loop3A_1378], %parallel_loop3A_1374 {strides = array<i32>} : memref<200x128xf32, #tpu.memory_space<vmem>>, vector<16xf32>,
        %parallel_loop3A_1380 = arith.constant 7 : i32
        %parallel_loop3A_1381 = arith.addi %parallel_loop3A_477, %parallel_loop3A_1380 : i32
        %parallel_loop3A_1382 = arith.index_cast %parallel_loop3A_1381 : i32 to index
        %parallel_loop3A_1383 = arith.constant 32 : index
        %parallel_loop3A_1384 = tpu.vector_load %arg12[%parallel_loop3A_1382, %parallel_loop3A_1383] {strides = array<i32>} : memref<200x128xf32, #tpu.memory_space<vmem>>, vector<16xf32>,
        %parallel_loop3A_1385 = arith.subf %parallel_loop3A_1384, %parallel_loop3A_1348 : vector<16xf32>
        %parallel_loop3A_1386 = arith.mulf %parallel_loop3A_1385, %parallel_loop3A_1351 : vector<16xf32>
        %parallel_loop3A_1387 = arith.mulf %parallel_loop3A_1386, %get3A_7 : vector<16xf32>
        %parallel_loop3A_1388 = arith.addf %parallel_loop3A_1387, %get3A_15 : vector<16xf32>
        %parallel_loop3A_1389 = arith.constant 7 : i32
        %parallel_loop3A_1390 = arith.addi %parallel_loop3A_477, %parallel_loop3A_1389 : i32
        %parallel_loop3A_1391 = arith.index_cast %parallel_loop3A_1390 : i32 to index
        %parallel_loop3A_1392 = arith.constant 32 : index
        %parallel_loop3A_1393 = tpu.vector_load %arg12[%parallel_loop3A_1391, %parallel_loop3A_1392] {strides = array<i32>} : memref<200x128xf32, #tpu.memory_space<vmem>>, vector<16xf32>,
        tpu.vector_store %arg12[%parallel_loop3A_1391, %parallel_loop3A_1392], %parallel_loop3A_1388 {strides = array<i32>} : memref<200x128xf32, #tpu.memory_space<vmem>>, vector<16xf32>,
        %parallel_loop3A_1394 = arith.constant 7 : i32
        %parallel_loop3A_1395 = arith.addi %parallel_loop3A_477, %parallel_loop3A_1394 : i32
        %parallel_loop3A_1396 = arith.index_cast %parallel_loop3A_1395 : i32 to index
        %parallel_loop3A_1397 = arith.constant 48 : index
        %parallel_loop3A_1398 = tpu.vector_load %arg12[%parallel_loop3A_1396, %parallel_loop3A_1397] {strides = array<i32>} : memref<200x128xf32, #tpu.memory_space<vmem>>, vector<16xf32>,
        %parallel_loop3A_1399 = arith.subf %parallel_loop3A_1398, %parallel_loop3A_1348 : vector<16xf32>
        %parallel_loop3A_1400 = arith.mulf %parallel_loop3A_1399, %parallel_loop3A_1351 : vector<16xf32>
        %parallel_loop3A_1401 = arith.mulf %parallel_loop3A_1400, %get3A_9 : vector<16xf32>
        %parallel_loop3A_1402 = arith.addf %parallel_loop3A_1401, %get3A_17 : vector<16xf32>
        %parallel_loop3A_1403 = arith.constant 7 : i32
        %parallel_loop3A_1404 = arith.addi %parallel_loop3A_477, %parallel_loop3A_1403 : i32
        %parallel_loop3A_1405 = arith.index_cast %parallel_loop3A_1404 : i32 to index
        %parallel_loop3A_1406 = arith.constant 48 : index
        %parallel_loop3A_1407 = tpu.vector_load %arg12[%parallel_loop3A_1405, %parallel_loop3A_1406] {strides = array<i32>} : memref<200x128xf32, #tpu.memory_space<vmem>>, vector<16xf32>,
        tpu.vector_store %arg12[%parallel_loop3A_1405, %parallel_loop3A_1406], %parallel_loop3A_1402 {strides = array<i32>} : memref<200x128xf32, #tpu.memory_space<vmem>>, vector<16xf32>,
        %parallel_loop3A_1408 = vector.extract_strided_slice %parallel_loop3A_438 {offsets = [15], sizes = [1], strides = [1]} : vector<16xf32> to vector<1xf32>
        %parallel_loop3A_1409 = vector.extract %parallel_loop3A_1408[0] : f32 from vector<1xf32>
        %parallel_loop3A_1410 = vector.broadcast %parallel_loop3A_1409 : f32 to vector<16xf32>
        %parallel_loop3A_1411 = vector.extract_strided_slice %parallel_loop3A_475 {offsets = [15], sizes = [1], strides = [1]} : vector<16xf32> to vector<1xf32>
        %parallel_loop3A_1412 = vector.extract %parallel_loop3A_1411[0] : f32 from vector<1xf32>
        %parallel_loop3A_1413 = vector.broadcast %parallel_loop3A_1412 : f32 to vector<16xf32>
        %parallel_loop3A_1414 = arith.constant 7 : i32
        %parallel_loop3A_1415 = arith.addi %parallel_loop3A_477, %parallel_loop3A_1414 : i32
        %parallel_loop3A_1416 = arith.index_cast %parallel_loop3A_1415 : i32 to index
        %parallel_loop3A_1417 = arith.constant 64 : index
        %parallel_loop3A_1418 = tpu.vector_load %arg12[%parallel_loop3A_1416, %parallel_loop3A_1417] {strides = array<i32>} : memref<200x128xf32, #tpu.memory_space<vmem>>, vector<16xf32>,
        %parallel_loop3A_1419 = arith.subf %parallel_loop3A_1418, %parallel_loop3A_1410 : vector<16xf32>
        %parallel_loop3A_1420 = arith.mulf %parallel_loop3A_1419, %parallel_loop3A_1413 : vector<16xf32>
        %parallel_loop3A_1421 = arith.mulf %parallel_loop3A_1420, %get3A_3 : vector<16xf32>
        %parallel_loop3A_1422 = arith.addf %parallel_loop3A_1421, %get3A_11 : vector<16xf32>
        %parallel_loop3A_1423 = arith.constant 7 : i32
        %parallel_loop3A_1424 = arith.addi %parallel_loop3A_477, %parallel_loop3A_1423 : i32
        %parallel_loop3A_1425 = arith.index_cast %parallel_loop3A_1424 : i32 to index
        %parallel_loop3A_1426 = arith.constant 64 : index
        %parallel_loop3A_1427 = tpu.vector_load %arg12[%parallel_loop3A_1425, %parallel_loop3A_1426] {strides = array<i32>} : memref<200x128xf32, #tpu.memory_space<vmem>>, vector<16xf32>,
        tpu.vector_store %arg12[%parallel_loop3A_1425, %parallel_loop3A_1426], %parallel_loop3A_1422 {strides = array<i32>} : memref<200x128xf32, #tpu.memory_space<vmem>>, vector<16xf32>,
        %parallel_loop3A_1428 = arith.constant 7 : i32
        %parallel_loop3A_1429 = arith.addi %parallel_loop3A_477, %parallel_loop3A_1428 : i32
        %parallel_loop3A_1430 = arith.index_cast %parallel_loop3A_1429 : i32 to index
        %parallel_loop3A_1431 = arith.constant 80 : index
        %parallel_loop3A_1432 = tpu.vector_load %arg12[%parallel_loop3A_1430, %parallel_loop3A_1431] {strides = array<i32>} : memref<200x128xf32, #tpu.memory_space<vmem>>, vector<16xf32>,
        %parallel_loop3A_1433 = arith.subf %parallel_loop3A_1432, %parallel_loop3A_1410 : vector<16xf32>
        %parallel_loop3A_1434 = arith.mulf %parallel_loop3A_1433, %parallel_loop3A_1413 : vector<16xf32>
        %parallel_loop3A_1435 = arith.mulf %parallel_loop3A_1434, %get3A_5 : vector<16xf32>
        %parallel_loop3A_1436 = arith.addf %parallel_loop3A_1435, %get3A_13 : vector<16xf32>
        %parallel_loop3A_1437 = arith.constant 7 : i32
        %parallel_loop3A_1438 = arith.addi %parallel_loop3A_477, %parallel_loop3A_1437 : i32
        %parallel_loop3A_1439 = arith.index_cast %parallel_loop3A_1438 : i32 to index
        %parallel_loop3A_1440 = arith.constant 80 : index
        %parallel_loop3A_1441 = tpu.vector_load %arg12[%parallel_loop3A_1439, %parallel_loop3A_1440] {strides = array<i32>} : memref<200x128xf32, #tpu.memory_space<vmem>>, vector<16xf32>,
        tpu.vector_store %arg12[%parallel_loop3A_1439, %parallel_loop3A_1440], %parallel_loop3A_1436 {strides = array<i32>} : memref<200x128xf32, #tpu.memory_space<vmem>>, vector<16xf32>,
        %parallel_loop3A_1442 = arith.constant 7 : i32
        %parallel_loop3A_1443 = arith.addi %parallel_loop3A_477, %parallel_loop3A_1442 : i32
        %parallel_loop3A_1444 = arith.index_cast %parallel_loop3A_1443 : i32 to index
        %parallel_loop3A_1445 = arith.constant 96 : index
        %parallel_loop3A_1446 = tpu.vector_load %arg12[%parallel_loop3A_1444, %parallel_loop3A_1445] {strides = array<i32>} : memref<200x128xf32, #tpu.memory_space<vmem>>, vector<16xf32>,
        %parallel_loop3A_1447 = arith.subf %parallel_loop3A_1446, %parallel_loop3A_1410 : vector<16xf32>
        %parallel_loop3A_1448 = arith.mulf %parallel_loop3A_1447, %parallel_loop3A_1413 : vector<16xf32>
        %parallel_loop3A_1449 = arith.mulf %parallel_loop3A_1448, %get3A_7 : vector<16xf32>
        %parallel_loop3A_1450 = arith.addf %parallel_loop3A_1449, %get3A_15 : vector<16xf32>
        %parallel_loop3A_1451 = arith.constant 7 : i32
        %parallel_loop3A_1452 = arith.addi %parallel_loop3A_477, %parallel_loop3A_1451 : i32
        %parallel_loop3A_1453 = arith.index_cast %parallel_loop3A_1452 : i32 to index
        %parallel_loop3A_1454 = arith.constant 96 : index
        %parallel_loop3A_1455 = tpu.vector_load %arg12[%parallel_loop3A_1453, %parallel_loop3A_1454] {strides = array<i32>} : memref<200x128xf32, #tpu.memory_space<vmem>>, vector<16xf32>,
        tpu.vector_store %arg12[%parallel_loop3A_1453, %parallel_loop3A_1454], %parallel_loop3A_1450 {strides = array<i32>} : memref<200x128xf32, #tpu.memory_space<vmem>>, vector<16xf32>,
        %parallel_loop3A_1456 = arith.constant 7 : i32
        %parallel_loop3A_1457 = arith.addi %parallel_loop3A_477, %parallel_loop3A_1456 : i32
        %parallel_loop3A_1458 = arith.index_cast %parallel_loop3A_1457 : i32 to index
        %parallel_loop3A_1459 = arith.constant 112 : index
        %parallel_loop3A_1460 = tpu.vector_load %arg12[%parallel_loop3A_1458, %parallel_loop3A_1459] {strides = array<i32>} : memref<200x128xf32, #tpu.memory_space<vmem>>, vector<16xf32>,
        %parallel_loop3A_1461 = arith.subf %parallel_loop3A_1460, %parallel_loop3A_1410 : vector<16xf32>
        %parallel_loop3A_1462 = arith.mulf %parallel_loop3A_1461, %parallel_loop3A_1413 : vector<16xf32>
        %parallel_loop3A_1463 = arith.mulf %parallel_loop3A_1462, %get3A_9 : vector<16xf32>
        %parallel_loop3A_1464 = arith.addf %parallel_loop3A_1463, %get3A_17 : vector<16xf32>
        %parallel_loop3A_1465 = arith.constant 7 : i32
        %parallel_loop3A_1466 = arith.addi %parallel_loop3A_477, %parallel_loop3A_1465 : i32
        %parallel_loop3A_1467 = arith.index_cast %parallel_loop3A_1466 : i32 to index
        %parallel_loop3A_1468 = arith.constant 112 : index
        %parallel_loop3A_1469 = tpu.vector_load %arg12[%parallel_loop3A_1467, %parallel_loop3A_1468] {strides = array<i32>} : memref<200x128xf32, #tpu.memory_space<vmem>>, vector<16xf32>,
        tpu.vector_store %arg12[%parallel_loop3A_1467, %parallel_loop3A_1468], %parallel_loop3A_1464 {strides = array<i32>} : memref<200x128xf32, #tpu.memory_space<vmem>>, vector<16xf32>,
      } {sc.loop_unroll_factor = 2 : i64, sc.parallel_access}
      %dma_start3A_271 = arith.constant 0 : i32
      %dma_start3A_272 = arith.constant 0 : i32
      %dma_start3A_273 = tpu.memref_slice %arg7[%add3A_102, %dma_start3A_271, %dma_start3A_272] : memref<2048x200x128xf32, #tpu.memory_space<hbm>> -> memref<1x200x128xf32, #tpu.memory_space<hbm>>
      %dma_start3A_274 = tpu.memref_squeeze %dma_start3A_273 : memref<1x200x128xf32, #tpu.memory_space<hbm>> -> memref<200x128xf32, #tpu.memory_space<hbm>>
      %dma_start3A_275 = arith.constant 0 : i32
      %dma_start3A_276 = arith.constant 0 : i32
      %dma_start3A_277 = tpu.memref_slice %arg7[%add3A_102, %dma_start3A_275, %dma_start3A_276] : memref<2048x200x128xf32, #tpu.memory_space<hbm>> -> memref<1x200x128xf32, #tpu.memory_space<hbm>>
      %dma_start3A_278 = tpu.memref_squeeze %dma_start3A_277 : memref<1x200x128xf32, #tpu.memory_space<hbm>> -> memref<200x128xf32, #tpu.memory_space<hbm>>
      tpu.enqueue_dma source(%arg12 : memref<200x128xf32, #tpu.memory_space<vmem>>) target(%dma_start3A_278 : memref<200x128xf32, #tpu.memory_space<hbm>>) target_semaphore(%arg20 : memref<!tpu.dma_semaphore, #tpu.memory_space<semaphore_mem>>)
    }
    %scan3A_74 = arith.constant 32 : i32
    %add3A_75 = arith.constant 64 : i32
    %add3A_76 = arith.addi %mul3A_2, %add3A_75 : i32
    %sub3A = arith.constant 2 : i32
    %sub3A_77 = arith.subi %add3A_76, %sub3A : i32
    %dma_wait3A = arith.constant 0 : i32
    %dma_wait3A_78 = arith.constant 0 : i32
    %dma_wait3A_79 = tpu.memref_slice %arg7[%sub3A_77, %dma_wait3A, %dma_wait3A_78] : memref<2048x200x128xf32, #tpu.memory_space<hbm>> -> memref<1x200x128xf32, #tpu.memory_space<hbm>>
    %dma_wait3A_80 = tpu.memref_squeeze %dma_wait3A_79 : memref<1x200x128xf32, #tpu.memory_space<hbm>> -> memref<200x128xf32, #tpu.memory_space<hbm>>
    %dma_wait3A_81 = arith.constant 0 : i32
    %dma_wait3A_82 = arith.constant 0 : i32
    %dma_wait3A_83 = tpu.memref_slice %arg7[%sub3A_77, %dma_wait3A_81, %dma_wait3A_82] : memref<2048x200x128xf32, #tpu.memory_space<hbm>> -> memref<1x200x128xf32, #tpu.memory_space<hbm>>
    %dma_wait3A_84 = tpu.memref_squeeze %dma_wait3A_83 : memref<1x200x128xf32, #tpu.memory_space<hbm>> -> memref<200x128xf32, #tpu.memory_space<hbm>>
    tpu.wait_dma2 semaphore(%arg19 : memref<!tpu.dma_semaphore, #tpu.memory_space<semaphore_mem>>) src(%arg11 : memref<200x128xf32, #tpu.memory_space<vmem>>) dst(%dma_wait3A_84 : memref<200x128xf32, #tpu.memory_space<hbm>>)
    %add3A_85 = arith.constant 64 : i32
    %add3A_86 = arith.addi %mul3A_2, %add3A_85 : i32
    %sub3A_87 = arith.constant 1 : i32
    %sub3A_88 = arith.subi %add3A_86, %sub3A_87 : i32
    %dma_wait3A_89 = arith.constant 0 : i32
    %dma_wait3A_90 = arith.constant 0 : i32
    %dma_wait3A_91 = tpu.memref_slice %arg7[%sub3A_88, %dma_wait3A_89, %dma_wait3A_90] : memref<2048x200x128xf32, #tpu.memory_space<hbm>> -> memref<1x200x128xf32, #tpu.memory_space<hbm>>
    %dma_wait3A_92 = tpu.memref_squeeze %dma_wait3A_91 : memref<1x200x128xf32, #tpu.memory_space<hbm>> -> memref<200x128xf32, #tpu.memory_space<hbm>>
    %dma_wait3A_93 = arith.constant 0 : i32
    %dma_wait3A_94 = arith.constant 0 : i32
    %dma_wait3A_95 = tpu.memref_slice %arg7[%sub3A_88, %dma_wait3A_93, %dma_wait3A_94] : memref<2048x200x128xf32, #tpu.memory_space<hbm>> -> memref<1x200x128xf32, #tpu.memory_space<hbm>>
    %dma_wait3A_96 = tpu.memref_squeeze %dma_wait3A_95 : memref<1x200x128xf32, #tpu.memory_space<hbm>> -> memref<200x128xf32, #tpu.memory_space<hbm>>
    tpu.wait_dma2 semaphore(%arg20 : memref<!tpu.dma_semaphore, #tpu.memory_space<semaphore_mem>>) src(%arg12 : memref<200x128xf32, #tpu.memory_space<vmem>>) dst(%dma_wait3A_96 : memref<200x128xf32, #tpu.memory_space<hbm>>)
    return
  }
}

</mosaic_0001>

<sc_bundles>
// kernel: kernel.3.cloned.1.call-start
scs
__scs_entry_jumppad:
0x0: {  	(pc) =	sbr.rel $0x88, $3  }
0x1: {  	(tag) =	ssettag $0x0;
	lr =	simm.s32 $0x1  }
0x2: {  	[smem:$0x3F9C] =	sst lr;
	_ =	strace $0xD0000000  }
0x3: {  	_ = 	snop  }
0x4: {  	_ = 	snop  }
0x5: {  	_ = 	snop  }
0x6: {  	_ = 	snop  }
0x7: {  	_ = 	snop  }
__scs_overlays_trampoline_lowered:
0x8: {  	[smem:$0x3FAB] =	sst s0  }
0x9: {  	[smem:$0x3FAC] =	sst s1  }
0xa: {  	[smem:$0x3FAD] =	sst s2  }
0xb: {  	[smem:$0x3FAE] =	sst s3  }
0xc: {  	[smem:$0x3FAF] =	sst s4  }
0xd: {  	[smem:$0x3FB0] =	sst s5  }
0xe: {  	[smem:$0x3FB1] =	sst s6  }
0xf: {  	[smem:$0x3FB2] =	sst s7  }
0x10: {  	[smem:$0x3FB3] =	sst s8  }
0x11: {  	[smem:$0x3FB4] =	sst s9;
	s0 =	simm.s32 @!p0 $0x0  }
0x12: {  	s1 =	sld [smem:$0x3F9A];
	s0 =	simm.s32 @p0 $0x1  }
0x13: {  	[smem:$0x3FB5] =	sst s0;
	s0 =	simm.s32 @!p1 $0x0  }
0x14: {  	s2 =	sld [smem:$0x3F99];
	s0 =	simm.s32 @p1 $0x1  }
0x15: {  	[smem:$0x3FB6] =	sst s0;
	s0 =	simm.s32 @!p2 $0x0  }
0x16: {  	s3 =	sld [smem:$0x3FDB];
	s0 =	simm.s32 @p2 $0x1  }
0x17: {  	s4 =	simm.s32 $0x1BF5;
	[smem:$0x3FB8] =	sst s0  }
0x18: {  	s0 =	sld [smem:$0x3F9B];
	_ =	swait.ge [sflag:s4], $0x0  }
0x19: {  	s7 =	sld [smem:$0x3F9C]  }
0x1a: {  	s8 =	sadd.s32 $0xFFFFE003, lr  }
0x1b: {  	s9 =	sadd.s32 $0xFFFFFEF7, lr;
	s5 =	simm.s32 $0xFFFFFFFF;
	p2 =	slt.u32 s8, $0xFFFFF086  }
0x1c: {  	p1 =	slt.u32 s9, $0xF7A;
	s5 =	simm.s32 @!p2 $0x0  }
0x1d: {  	s5 =	simm.s32 @p1 $0x1;
	p0 =	seq.s32 s7, s2  }
0x1e: {  	s7 =	smul.u32 @!p0 $0xF7A, s2;
	p2 =	seq.s32 @!p0 s5, $0x0  }
0x1f: {  	s9 =	smul.u32 $0xF7A, s1;
	s8 =	simm.s32 @!p0 $0x1BF5;
	p2 =	por !p2, p0  }
0x20: {  	[sflag:s8] =	ssyncset.s32 @!p0 $0xFFFFF086;
	s6 =	sadd.s32 @!p0 s3, s7;
	s7 =	simm.s32 @!p0 $0x108  }
0x21: {  	s3 =	sadd.s32 s3, s9;
	s6 =	sadd.s32 @!p0 $0x88, s6;
	s7 =	simm.s32 @p2 $0x1082  }
0x22: {  	[simem:s7], [sflag:s8] =	dma.local @!p0 [hbm:s6], $0xF7A  }
0x23: {  	s9 =	sor.u32 $0xD0000000, s2;
	s6 =	simm.s32 $0x108;
	_ =	swait.ge @!p0 [sflag:s8], $0x0  }
0x24: {  	s3 =	sadd.s32 $0x88, s3;
	s6 =	simm.s32 @!p1 $0x1082;
	[sflag:s4] =	ssyncset.s32 $0xFFFFF086  }
0x25: {  	[simem:s6], [sflag:s4] =	dma.local [hbm:s3], $0xF7A  }
0x26: {  	[smem:$0x3F9C] =	sst s1;
	(tag) =	ssettag s2;
	_ =	strace s9  }
0x27: {  	s1 =	sld [smem:$0x3FAC]  }
0x28: {  	s2 =	sld [smem:$0x3FAD]  }
0x29: {  	s4 =	sld [smem:$0x3FAF]  }
0x2a: {  	p0 =	seq.s32 s5, $0x0;
	s5 =	sld [smem:$0x3FB0]  }
0x2b: {  	s6 =	sld [smem:$0x3FB1]  }
0x2c: {  	s7 =	sld [smem:$0x3FB2]  }
0x2d: {  	s3 =	simm.s32 $0x108;
	s8 =	sld [smem:$0x3FB3]  }
0x2e: {  	s3 =	simm.s32 @!p0 $0x1082;
	s9 =	sld [smem:$0x3FB4]  }
0x2f: {  	lr =	sadd.s32 s0, s3;
	s0 =	sld [smem:$0x3FAB]  }
0x30: {  	s3 =	sld [smem:$0x3FAE]  }
0x31: {  	[smem:$0x3FB7] =	sst s10  }
0x32: {  	s10 =	sld [smem:$0x3FB5];
	_ =	sdelay $0x3  }
0x33: {  	p0 =	seq.s32 s10, $0x1;
	s10 =	sld [smem:$0x3FB7];
	_ =	sdelay $0x3  }
0x34: {  	[smem:$0x3FB7] =	sst s10  }
0x35: {  	s10 =	sld [smem:$0x3FB6];
	_ =	sdelay $0x3  }
0x36: {  	p1 =	seq.s32 s10, $0x1;
	s10 =	sld [smem:$0x3FB7];
	_ =	sdelay $0x3  }
0x37: {  	[smem:$0x3FB7] =	sst s10  }
0x38: {  	s10 =	sld [smem:$0x3FB8]  }
0x39: {  	_ = 	snop;
	(pc) =	sbr.ind lr, $3  }
0x3a: {  	_ = 	snop  }
0x3b: {  	_ = 	snop  }
0x3c: {  	p2 =	seq.s32 s10, $0x1;
	s10 =	sld [smem:$0x3FB7]  }
0x3d: {  	_ =	shalt  }
0x3e: {  	_ =	shalt  }
0x3f: {  	_ =	shalt  }
0x40: {  	_ =	shalt  }
0x41: {  	_ =	shalt  }
0x42: {  	_ =	shalt  }
0x43: {  	_ =	shalt  }
0x44: {  	_ =	shalt  }
0x45: {  	_ =	shalt  }
0x46: {  	_ =	shalt  }
0x47: {  	_ =	shalt  }
0x48: {  	_ =	shalt  }
0x49: {  	_ =	shalt  }
0x4a: {  	_ =	shalt  }
0x4b: {  	_ =	shalt  }
0x4c: {  	_ =	shalt  }
0x4d: {  	_ =	shalt  }
0x4e: {  	_ =	shalt  }
0x4f: {  	_ =	shalt  }
0x50: {  	_ =	shalt  }
0x51: {  	_ =	shalt  }
0x52: {  	_ =	shalt  }
0x53: {  	_ =	shalt  }
0x54: {  	_ =	shalt  }
0x55: {  	_ =	shalt  }
0x56: {  	_ =	shalt  }
0x57: {  	_ =	shalt  }
0x58: {  	_ =	shalt  }
0x59: {  	_ =	shalt  }
0x5a: {  	_ =	shalt  }
0x5b: {  	_ =	shalt  }
0x5c: {  	_ =	shalt  }
0x5d: {  	_ =	shalt  }
0x5e: {  	_ =	shalt  }
0x5f: {  	_ =	shalt  }
0x60: {  	_ =	shalt  }
0x61: {  	_ =	shalt  }
0x62: {  	_ =	shalt  }
0x63: {  	_ =	shalt  }
0x64: {  	_ =	shalt  }
0x65: {  	_ =	shalt  }
0x66: {  	_ =	shalt  }
0x67: {  	_ =	shalt  }
0x68: {  	_ =	shalt  }
0x69: {  	_ =	shalt  }
0x6a: {  	_ =	shalt  }
0x6b: {  	_ =	shalt  }
0x6c: {  	_ =	shalt  }
0x6d: {  	_ =	shalt  }
0x6e: {  	_ =	shalt  }
0x6f: {  	_ =	shalt  }
0x70: {  	_ =	shalt  }
0x71: {  	_ =	shalt  }
0x72: {  	_ =	shalt  }
0x73: {  	_ =	shalt  }
0x74: {  	_ =	shalt  }
0x75: {  	_ =	shalt  }
0x76: {  	_ =	shalt  }
0x77: {  	_ =	shalt  }
0x78: {  	_ =	shalt  }
0x79: {  	_ =	shalt  }
0x7a: {  	_ =	shalt  }
0x7b: {  	_ =	shalt  }
0x7c: {  	_ =	shalt  }
0x7d: {  	_ =	shalt  }
0x7e: {  	_ =	shalt  }
0x7f: {  	_ =	shalt  }
0x80: {  	_ =	shalt  }
0x81: {  	_ =	shalt  }
0x82: {  	_ =	shalt  }
0x83: {  	_ =	shalt  }
0x84: {  	_ =	shalt  }
0x85: {  	_ =	shalt  }
0x86: {  	_ =	shalt  }
0x87: {  	_ =	shalt  }
.Lfunc_end0:
.L_simem_size_0:
called_computation.1_lowered:
.L_overlay_start_0:
0x88: {  	s2 =	sld [smem:$0x3FD9]  }
0x89: {  	s3 =	sld [smem:$0x3FFE];
	_ =	sdelay $0x1  }
0x8a: {  	s1 =	srdreg.scid  }
0x8b: {  	s0 =	sand.u32 $0x1, s1  }
0x8c: {  	s17 =	sshll.u32 s0, $0xA;
	s2 =	sadd.s32 s3, s2  }
0x8d: {  	s2 =	sadd.s32 s2, s17  }
0x8e: {  	[smem:$0x3FC3] =	sst s2  }
0x8f: {  	_ = 	snop  }
0x90: {  	s2 =	sld [smem:$0x3FC6]  }
0x91: {  	s18 =	sld [smem:$0x3FC5]  }
0x92: {  	s4 =	sld [smem:$0x3FD0];
	(tm) =	ssettm $0x1  }
0x93: {  	s5 =	sld [smem:$0x3FFB];
	_ =	sdelay $0x3  }
0x94: {  	_ =	strace s5  }
0x95: {  	s5 =	sld [smem:$0x3FFC];
	_ =	sdelay $0x3  }
0x96: {  	_ =	strace s5  }
0x97: {  	s5 =	sld [smem:$0x3FFD];
	_ =	sdelay $0x3  }
0x98: {  	_ =	strace s5  }
0x99: {  	_ =	strace $0x8FFFFFFF  }
0x9a: {  	s19 =	sld [smem:$0x3FDB];
	_ =	sdelay $0x1  }
0x9b: {  	s6 =	simm.s32 $_scs_section_size  }
0x9c: {  	s7 =	simm.s32 $_size__tile_overlayer_lowered;
	s8 =	simm.s32 $_tile_overlayer_lowered  }
0x9d: {  	s22 =	simm.s32 $0x1BFF;
	s21 =	sshll.u32 s8, $0x1;
	s5 =	sadd.s32 s6, s19  }
0x9e: {  	s9 =	simm.s32 $0x0;
	s20 =	sshll.u32 s7, $0x1;
	s7 =	sadd.s32 s21, s5  }
0x9f: {  	[timem:s9], [sflag:s22] =	dma.local [hbm:s7], s20  }
0xa0: {  	_ =	swait.ge [sflag:s22], s20  }
0xa1: {  	s6 =	ssub.s32 $0x0, s20;
	[sflag:s22] =	ssyncset.done $0x0  }
0xa2: {  	[sflag:s22] =	ssyncadd.s32 s6;
	_ =	sdelay $0x1  }
0xa3: {  	s23 =	simm.s32 $0x1B8B  }
0xa4: {  	_ =	swait.ge [sflag:s23], $0x1  }
0xa5: {  	[sflag:s23] =	ssyncset.done $0x0  }
0xa6: {  	s25 =	simm.s32 $0x1B8E;
	s24 =	sld [smem:$0x3FFE];
	[sflag:s23] =	ssyncadd.s32 $0xFFFFFFFF  }
0xa7: {  	s26 =	simm.s32 $execute0_lowered;
	[smem:$0x3FD2] =	sst s25  }
0xa8: {  	s7 =	sshll.u32 s26, $0x1;
	_ =	strace $0x80000046;
	[dreg:$0x1] =	wrdreg $0xFFFFFFFF  }
0xa9: {  	s28 =	simm.s32 $_size_execute0_lowered;
	s5 =	sadd.s32 s5, s7;
	[dreg:$0x0] =	wrdreg $0x0  }
0xaa: {  	s7 =	sshll.u32 s28, $0x1;
	[dreg:$0x2] =	wrdreg s5  }
0xab: {  	[dreg:$0x3] =	wrdreg s7  }
0xac: {  	[dreg:$0x4] =	wrdreg $0xC0  }
0xad: {  	_ =	task [dreg:s9], $0x5FFFF  }
0xae: {  	[dreg:$0x1] =	wrdreg $0xFFFFFFFF  }
0xaf: {  	[dreg:$0x0] =	wrdreg $0x60  }
0xb0: {  	[dreg:$0x2] =	wrdreg s24  }
0xb1: {  	[dreg:$0x3] =	wrdreg s2  }
0xb2: {  	[dreg:$0x4] =	wrdreg s18  }
0xb3: {  	[dreg:$0x5] =	wrdreg s4  }
0xb4: {  	[dreg:$0x6] =	wrdreg $0x9  }
0xb5: {  	_ =	task.clear_ibuf [dreg:s9], $0x7FFFF;
	_ =	strace $0x90000046  }
0xb6: {  	s29 =	simm.s32 $0x9;
	_ =	strace $0x80000048  }
0xb7: {  	_ =	swait.ge [sflag:s29], $0x1  }
0xb8: {  	[sflag:s29] =	ssyncadd.s32 $0xFFFFFFFF  }
0xb9: {  	_ =	strace $0x90000048  }
0xba: {  	_ =	sfence  }
0xbb: {  	s30 =	sld [smem:$0x0];
	_ =	sdelay $0x2  }
0xbc: {  	s31 =	sshll.u32 s1, $0xD;
	s1 =	sshrl.u32 s1, $0x2  }
0xbd: {  	s3 =	sand.u32 $0x4000, s31;
	s1 =	sadd.s32 s1, s30  }
0xbe: {  	s0 =	sor.u32 s3, s0;
	s1 =	sshll.u32 s1, $0x11  }
0xbf: {  	s0 =	sor.u32 s1, s0  }
0xc0: {  	s0 =	sadd.s32 $0x8F2B, s0  }
0xc1: {  	[sflag:s0] =	ssyncadd.remote.s32 $0x1  }
0xc2: {  	_ =	sfence.sel $0xFFFF  }
0xc3: {  	[dreg:$0x0] =	wrdreg $0xFFFFFFFF;
	(pc) =	sbr.abs _section_cstart, $3  }
0xc4: {  	[dreg:$0x1] =	wrdreg $0xFFFFFFFF  }
0xc5: {  	_ =	task.clear_ibuf [dreg:s9], $0x2FFFF;
	_ =	strace $0x9FFFFFFF  }
0xc6: {  	(tm) =	ssettm $0x7FFFFFFF  }
0xc7: {  	_ =	shalt  }
tec
execute0_lowered:
.L_overlay_start_1:
0x0: {  	(tag) =	ssettag $0x1  }
0x1: {  	s0 =	rddreg [dreg:$0x0];
	s5 =	simm.s32 $0x0;
	v1 =	vlaneseq.u32;
	v2 =	vimm.s32 $0x7654321  }
0x2: {  	s16 =	simm.s32 $0x64;
	s17 =	simm.s32 $0x340;
	[smem:$0x7FF] =	sst s5;
	v41 =	vmul.u32 $0x11, v1;
	v0 =	vand.u32 $0x7, v1  }
0x3: {  	s4 =	rddreg [dreg:$0x3];
	v56 =	vimm.s32 $0x21076543;
	_ =	strace $0x80000047;
	[tilespmem:$0x1FFF0] =	vst v0  }
0x4: {  	s1 =	srdreg.scid;
	s19 =	simm.s32 $0x1C40;
	s21 =	simm.s32 $0x3540;
	v4 =	vimm.s32 $0x54321076;
	v1 =	vunpack.c.l.s4.s8 v56;
	v6 =	vadd.s32 $0x3, v41;
	[tilespmem:$0x1FFA0] =	vst v41  }
0x5: {  	s2 =	stileid.u32;
	s24 =	simm.s32 $0x4E40;
	s25 =	simm.s32 $0x1A0;
	v5 =	vimm.s32 $0x65432107;
	v4 =	vunpack.c.l.s4.s8 v4;
	v62 =	vadd.s32 $0x1, v41;
	[tilespmem:$0x1FF40] =	vst v6  }
0x6: {  	s28 =	simm.s32 $0x5;
	s31 =	simm.s32 $0x2D8;
	s13 =	simm.s32 $0x2;
	v5 =	vunpack.c.l.s4.s8 v5;
	v44 =	vadd.s32 $0x2, v41;
	v1 =	vunpack.c.0.s8.s32 v1;
	[tilespmem:$0x1FFB0] =	vst v62  }
0x7: {  	v3 =	vimm.s32 $0x10765432;
	s11 =	simm.s32 $0x0;
	s1 =	sand.u32 $0x1, s1;
	s2 =	sshll.u32 s2, $0x7;
	v2 =	vunpack.c.l.s4.s8 v2;
	v61 =	vunpack.c.0.s8.s32 v4;
	[tilespmem:$0x1FFD0] =	vst v44  }
0x8: {  	v57 =	vimm.s32 $0x32107654;
	s7 =	sadd.s32 $0x1200, s0;
	v3 =	vunpack.c.l.s4.s8 v3;
	s3 =	sshll.u32 s1, $0x6;
	s1 =	ssub.s32 $0x2, s1;
	v63 =	vunpack.c.0.s8.s32 v5;
	[tilespmem:$0x1FF50] =	vst v1  }
0x9: {  	v58 =	vimm.s32 $0x43210765;
	s8 =	sadd.s32 $0x1B200, s0;
	s6 =	sor.u32 s3, s2;
	s26 =	sshrl.u32 s1, $0x1;
	v43 =	vunpack.c.0.s8.s32 v2;
	v2 =	vunpack.c.l.s4.s8 v57;
	[tilespmem:$0x1FF80] =	vst v61  }
0xa: {  	s0 =	sadd.s32 $0xA00, s0;
	v51 =	vunpack.c.0.s8.s32 v3;
	v3 =	vunpack.c.l.s4.s8 v58;
	s2 =	smul.u32 $0x34, s6;
	s29 =	ssub.s32 s1, s26;
	[tilespmem:$0x1FF90] =	vst v63  }
0xb: {  	[dreg:$0x5] =	wrdreg s0;
	s3 =	simm.s32 $0xCB40;
	s0 =	smax.u32 s29, $0x1;
	v59 =	vunpack.c.0.s8.s32 v2;
	[tilespmem:$0x1FFC0] =	vst v43  }
0xc: {  	s26 =	simm.s32 $0x1;
	v60 =	vunpack.c.0.s8.s32 v3;
	[tilespmem:$0x1FFE0] =	vst v51;
	s30 =	sadd.s32 s7, s2;
	[dreg:$0x8] =	wrdreg s0  }
0xd: {  	s0 =	simm.s32 $0x161C0;
	[dreg:$0x6] =	wrdreg s30;
	s1 =	sadd.s32 $0x34, s30;
	[tilespmem:$0x1FF60] =	vst v59  }
0xe: {  	s2 =	simm.s32 $0x17C50;
	[tilespmem:$0x1FF70] =	vst v60;
	[dreg:$0x7] =	wrdreg s1;
	s1 =	simm.s32 $0x6740  }
.LBB2_1:
0xf: {  	[dreg:$0x9] =	wrdreg s11  }
0x10: {  	s9 =	rddreg [dreg:$0x5];
	s10 =	simm.s32 $0x12F40;
	s30 =	simm.s32 $0x6  }
0x11: {  	[tilespmem:s10], [sflag:$0x6] =	stream.linear.gather [hbm4b:s9+s5], $0x3200, $0x38;
	[tilespmem:$0x196E0] =	vst v63  }
0x12: {  	_ =	swait.ge [sflag:s30], $0x3200  }
0x13: {  	[sflag:s30] =	ssyncset.done $0x0  }
0x14: {  	[sflag:s30] =	ssyncadd.s32 $0xFFFFCE00  }
0x15: {  	s14 =	simm.s32 $0x16140;
	s12 =	rddreg [dreg:$0x1]  }
0x16: {  	[tilespmem:s14], [sflag:$0x6] =	stream.linear.gather [hbm4b:s12+s5], $0x40, $0x38;
	[tilespmem:$0x196E0] =	vst v63  }
0x17: {  	_ =	swait.ge [sflag:s30], $0x40  }
0x18: {  	[sflag:s30] =	ssyncset.done $0x0  }
0x19: {  	[sflag:s30] =	ssyncadd.s32 $0xFFFFFFC0  }
0x1a: {  	s18 =	simm.s32 $0x16180;
	s15 =	rddreg [dreg:$0x2]  }
0x1b: {  	[tilespmem:s18], [sflag:$0x6] =	stream.linear.gather [hbm4b:s15+s5], $0x40, $0x38;
	[tilespmem:$0x196E0] =	vst v63  }
0x1c: {  	_ =	swait.ge [sflag:s30], $0x40  }
0x1d: {  	[sflag:s30] =	ssyncset.done $0x0  }
0x1e: {  	[sflag:s30] =	ssyncadd.s32 $0xFFFFFFC0  }
0x1f: {  	v1 =	vld [tilespmem:$0x16150]  }
0x20: {  	v58 =	vld [tilespmem:$0x16160]  }
0x21: {  	v59 =	vld [tilespmem:$0x16170]  }
0x22: {  	v60 =	vld [tilespmem:$0x16180]  }
0x23: {  	v61 =	vld [tilespmem:$0x16190]  }
0x24: {  	v63 =	vld [tilespmem:$0x161A0];
	[tilespmem:$0x1FED0] =	vst v1  }
0x25: {  	[tilespmem:$0x1FEE0] =	vst v58  }
0x26: {  	[tilespmem:$0x1FEF0] =	vst v59  }
0x27: {  	[tilespmem:$0x1FF00] =	vst v60  }
0x28: {  	s20 =	rddreg [dreg:$0x6];
	v13 =	vld [tilespmem:$0x16140];
	[tilespmem:$0x1FF10] =	vst v61  }
0x29: {  	[tilespmem:$0x1FF20] =	vst v63;
	v60 =	vld [tilespmem:$0x161B0];
	[tilespmem:s5], [sflag:$0x6] =	stream.linear.gather [hbm4b:s20+s5], $0x1A0, $0x38  }
0x2a: {  	_ =	swait.ge [sflag:s30], $0x1A0  }
0x2b: {  	[sflag:s30] =	ssyncset.done $0x0  }
0x2c: {  	[sflag:s30] =	ssyncadd.s32 $0xFFFFFE60  }
0x2d: {  	[tilespmem:s17], [sflag:$0x1] =	stream.indirect.gather [hbm4b:s8+s16], $0x40, s5, s16, $0xb8;
	[tilespmem:$0x196E0] =	vst v63  }
0x2e: {  	s22 =	simm.s32 $0x68  }
0x2f: {  	[tilespmem:s19], [sflag:$0x1] =	stream.indirect.gather [hbm4b:s8+s16], $0x40, s22, s16, $0xb8;
	[tilespmem:$0x196E0] =	vst v63  }
0x30: {  	s23 =	simm.s32 $0xD0  }
0x31: {  	[tilespmem:s21], [sflag:$0x1] =	stream.indirect.gather [hbm4b:s8+s16], $0x40, s23, s16, $0xb8;
	[tilespmem:$0x196E0] =	vst v63  }
0x32: {  	s29 =	simm.s32 $0x138  }
0x33: {  	[tilespmem:s24], [sflag:$0x1] =	stream.indirect.gather [hbm4b:s8+s16], $0x40, s29, s16, $0xb8;
	[tilespmem:$0x196E0] =	vst v63  }
0x34: {  	s18 =	simm.s32 $0x0;
	s30 =	rddreg [dreg:$0x7];
	[tilespmem:$0x1FF30] =	vst v60  }
0x35: {  	[tilespmem:s25], [sflag:$0x5] =	stream.linear.gather [hbm4b:s30+s5], $0x1A0, $0x38;
	[tilespmem:$0x196E0] =	vst v63  }
.LBB2_2:
0x36: {  	_ =	swait.ge [sflag:s26], $0x1900  }
0x37: {  	[sflag:s26] =	ssyncset.done $0x0  }
0x38: {  	[sflag:s26] =	ssyncadd.s32 $0xFFFFE700  }
0x39: {  	_ =	swait.ge [sflag:s26], $0x1900  }
0x3a: {  	[sflag:s26] =	ssyncset.done $0x0  }
0x3b: {  	s9 =	sshll.u32 s18, $0x1;
	p0 =	seq.s32 s18, $0x1F;
	[sflag:s26] =	ssyncadd.s32 $0xFFFFE700  }
0x3c: {  	s20 =	sadd.s32 s6, s9;
	p1 =	seq.s32 @!p0 s18, $0x0;
	_ =	swait.ge [sflag:s26], $0x1900  }
0x3d: {  	s9 =	smul.u32 @!p0 $0x1A0, s20;
	p1 =	por p0, !p1;
	[sflag:s26] =	ssyncset.done $0x0  }
.Ltmp0:
0x3e: {  	[sflag:s26] =	ssyncadd.s32 $0xFFFFE700;
	(pc) =	sbr.rel @!p1 .LBB2_3-.Ltmp0, $4  }
0x3f: {  	s9 =	sshrl.u32 @!p0 s9, $0x3;
	_ =	swait.ge [sflag:s26], $0x1900  }
0x40: {  	s22 =	sadd.s32 @!p0 s7, s9;
	[sflag:s26] =	ssyncset.done $0x0  }
0x41: {  	s10 =	simm.s32 @!p0 $0x0;
	s9 =	sadd.s32 @!p0 $0x68, s22;
	[sflag:s26] =	ssyncadd.s32 $0xFFFFE700  }
0x42: {  	[tilespmem:s10], [sflag:$0x4] =	stream.linear.gather @!p0 [hbm4b:s9+s10], $0x1A0, $0x38;
	[tilespmem:$0x196E0] =	vst v63  }
.Ltmp1:
0x43: {  	(pc) =	sbr.rel .LBB2_5-.Ltmp1, $4  }
0x44: {  	_ = 	snop  }
0x45: {  	_ =	swait.ge [sflag:s13], $0x6400  }
0x46: {  	[sflag:s13] =	ssyncset.done $0x0  }
0x47: {  	p1 =	por $0x0, $0x0;
	[sflag:s13] =	ssyncadd.s32 $0xFFFF9C00  }
.LBB2_3:
0x48: {  	p1 =	por @!p0 $0x1, $0x1  }
.LBB2_5:
0x49: {  	s15 =	simm.s32 $0x3630  }
0x4a: {  	s9 =	simm.s32 $0x12FC0;
	v1 =	vld [tilespmem:s15+$0xFFFFCDF0]  }
0x4b: {  	v3 =	vld [tilespmem:s9+$0x10]  }
0x4c: {  	v5 =	vld [tilespmem:s9+$0x20]  }
0x4d: {  	v4 =	vld [tilespmem:s9+$0x30]  }
0x4e: {  	v2 =	vld [tilespmem:s15+$0xFFFFCD90]  }
0x4f: {  	v7 =	vld [tilespmem:s15+$0xFFFFCDA0]  }
0x50: {  	v6 =	vld [tilespmem:s15+$0xFFFFCDC0]  }
0x51: {  	v8 =	vld [tilespmem:s15+$0xFFFFCDB0]  }
0x52: {  	v9 =	vld [tilespmem:s9+$0x40]  }
0x53: {  	v10 =	vld [tilespmem:s9+$0x50]  }
0x54: {  	v11 =	vld [tilespmem:s9+$0x60]  }
0x55: {  	v20 =	vld [tilespmem:s9+$0x70]  }
0x56: {  	v21 =	vld [tilespmem:s15+$0xFFFFCDE0]  }
0x57: {  	v22 =	vld [tilespmem:s15+$0xFFFFCE00]  }
0x58: {  	v23 =	vld [tilespmem:s15+$0xFFFFCDD0]  }
0x59: {  	v24 =	vld [tilespmem:s9+$0x0]  }
0x5a: {  	v25 =	vld [tilespmem:s15+$0xFFFFCD80]  }
0x5b: {  	v26 =	vld [tilespmem:s15+$0xFFFFCD70]  }
0x5c: {  	v27 =	vld [tilespmem:s15+$0xFFFFCD60]  }
0x5d: {  	v29 =	vld [tilespmem:s15+$0xFFFFCD50]  }
0x5e: {  	v30 =	vld [tilespmem:s9+$0xFFFFFFF0]  }
0x5f: {  	v33 =	vld [tilespmem:s9+$0xFFFFFFE0]  }
0x60: {  	v36 =	vld [tilespmem:s9+$0xFFFFFFD0];
	v1 =	vadd.f32 v1, v11  }
0x61: {  	v39 =	vld [tilespmem:s9+$0xFFFFFFC0];
	v28 =	vadd.f32 v6, v4;
	v21 =	vadd.f32 v21, v10  }
0x62: {  	s11 =	simm.s32 $0x9A30;
	v8 =	vadd.f32 v8, v5;
	v22 =	vadd.f32 v22, v20  }
0x63: {  	v23 =	vadd.f32 v23, v9;
	v34 =	vadd.f32 v2, v24;
	[tilespmem:s11+$0xFFFFCDF0] =	vst v1  }
0x64: {  	v7 =	vadd.f32 v7, v3;
	v26 =	vadd.f32 v26, v33;
	[tilespmem:s11+$0xFFFFCE00] =	vst v22  }
0x65: {  	v27 =	vadd.f32 v27, v36;
	v25 =	vadd.f32 v25, v30;
	[tilespmem:s11+$0xFFFFCDD0] =	vst v23  }
0x66: {  	v63 =	vld [tilespmem:s15+$0xFFFFCD30];
	v29 =	vadd.f32 v29, v39;
	v31 =	vmul.f32 v1, v1;
	v32 =	vmul.f32 v21, v21;
	[tilespmem:s11+$0xFFFFCD90] =	vst v34  }
0x67: {  	v16 =	vld [tilespmem:s15+$0xFFFFCD10];
	v2 =	vmul.f32 v8, v8;
	v35 =	vmul.f32 v28, v28;
	v1 =	vadd.f32 v22, v1;
	[tilespmem:s11+$0xFFFFCDB0] =	vst v8  }
0x68: {  	v6 =	vld [tilespmem:s9+$0xFFFFFF80];
	v37 =	vadd.f32 v21, v23;
	v38 =	vmul.f32 v23, v23;
	[tilespmem:s11+$0xFFFFCDE0] =	vst v21;
	v17 =	vmul.f32 v26, v26  }
0x69: {  	v21 =	vld [tilespmem:s15+$0xFFFFCD20];
	[tilespmem:s11+$0xFFFFCD60] =	vst v27;
	v46 =	vadd.f32 v25, v26;
	v23 =	vadd.f32 v35, v2;
	v2 =	vmul.f32 v22, v22  }
0x6a: {  	v45 =	vmul.f32 v25, v25;
	v40 =	vadd.f32 v27, v29;
	[tilespmem:s11+$0xFFFFCD80] =	vst v25;
	v25 =	vld [tilespmem:s9+$0xFFFFFF90];
	v1 =	vadd.f32 v1, v37  }
0x6b: {  	[tilespmem:s11+$0xFFFFCD50] =	vst v29;
	v29 =	vmul.f32 v29, v29;
	v22 =	vld [tilespmem:s15+$0xFFFFCD40];
	v32 =	vadd.f32 v32, v38;
	v31 =	vadd.f32 v2, v31  }
0x6c: {  	s12 =	simm.s32 $0x16F3B;
	v8 =	vadd.f32 v28, v8;
	v27 =	vmul.f32 v27, v27;
	v47 =	vmul.f32 v7, v7;
	[tilespmem:s11+$0xFFFFCDA0] =	vst v7;
	v2 =	vld [tilespmem:s9+$0xFFFFFFB0]  }
0x6d: {  	v7 =	vadd.f32 v7, v34;
	v34 =	vmul.f32 v34, v34;
	[tilespmem:s12+$0xFFFFF2B8] =	vst v1;
	v1 =	vld [tilespmem:s9+$0xFFFFFFA0];
	v31 =	vadd.f32 v31, v32  }
0x6e: {  	s10 =	simm.s32 $0x189CB;
	[tilespmem:s11+$0xFFFFCDC0] =	vst v28;
	v38 =	vadd.f32 v46, v40;
	v27 =	vadd.f32 v27, v29  }
0x6f: {  	v48 =	vadd.f32 v47, v34;
	v32 =	vadd.f32 v45, v17;
	[tilespmem:s10+$0xFFFFF2B8] =	vst v31  }
0x70: {  	[tilespmem:s11+$0xFFFFCD70] =	vst v26;
	v7 =	vadd.f32 v8, v7;
	v28 =	vadd.f32 v16, v6;
	v26 =	vld [tilespmem:s15+$0xFFFFFFD0]  }
0x71: {  	[tilespmem:s12+$0xFFFFF296] =	vst v38;
	v21 =	vadd.f32 v21, v25;
	v27 =	vadd.f32 v32, v27;
	v50 =	vld [tilespmem:s15+$0xFFFFFFE0]  }
0x72: {  	[tilespmem:s12+$0xFFFFF2A7] =	vst v7;
	v22 =	vadd.f32 v22, v2;
	v49 =	vadd.f32 v63, v1;
	v52 =	vld [tilespmem:s15+$0xFFFFFFF0]  }
0x73: {  	v8 =	vmul.f32 v28, v28;
	v55 =	vld [tilespmem:s15+$0x0];
	[tilespmem:s10+$0xFFFFF296] =	vst v27;
	v27 =	vmul.f32 v21, v21  }
0x74: {  	v23 =	vadd.f32 v23, v48;
	[tilespmem:s11+$0xFFFFCD10] =	vst v28;
	v53 =	vmul.f32 v49, v49;
	v54 =	vmul.f32 v22, v22  }
0x75: {  	[tilespmem:s11+$0xFFFFCD40] =	vst v22;
	v38 =	vld [tilespmem:s15+$0xFFFFFF50];
	v22 =	vadd.f32 v22, v49;
	v8 =	vadd.f32 v27, v8  }
0x76: {  	[tilespmem:s10+$0xFFFFF2A7] =	vst v23;
	v56 =	vld [tilespmem:s15+$0xFFFFFF60];
	v27 =	vadd.f32 v21, v28;
	v29 =	vadd.f32 v54, v53  }
0x77: {  	[tilespmem:s11+$0xFFFFCD20] =	vst v21;
	v23 =	vld [tilespmem:s15+$0xFFFFFF70];
	v7 =	vadd.f32 v50, v10;
	v9 =	vadd.f32 v26, v9  }
0x78: {  	[tilespmem:s11+$0xFFFFCD30] =	vst v49;
	v10 =	vld [tilespmem:s15+$0xFFFFFF80];
	v11 =	vadd.f32 v52, v11;
	v20 =	vadd.f32 v55, v20  }
0x79: {  	v26 =	vld [tilespmem:s15+$0xFFFFFF90];
	v22 =	vadd.f32 v22, v27;
	v8 =	vadd.f32 v29, v8;
	[tilespmem:s11+$0xFFFFFFE0] =	vst v7  }
0x7a: {  	v27 =	vld [tilespmem:s15+$0xFFFFFFB0];
	v21 =	vadd.f32 v7, v9;
	v57 =	vadd.f32 v38, v39;
	[tilespmem:s11+$0xFFFFFFD0] =	vst v9  }
0x7b: {  	v59 =	vld [tilespmem:s15+$0xFFFFFFC0];
	v9 =	vmul.f32 v9, v9;
	[tilespmem:s11+$0x0] =	vst v20;
	v58 =	vadd.f32 v20, v11;
	v7 =	vmul.f32 v7, v7  }
0x7c: {  	v23 =	vadd.f32 v23, v33;
	[tilespmem:s12+$0xFFFFF285] =	vst v22;
	v22 =	vadd.f32 v56, v36;
	v60 =	vmul.f32 v57, v57  }
0x7d: {  	[tilespmem:s11+$0xFFFFFFF0] =	vst v11;
	v7 =	vadd.f32 v7, v9;
	v9 =	vmul.f32 v11, v11;
	v11 =	vmul.f32 v20, v20  }
0x7e: {  	[tilespmem:s10+$0xFFFFF285] =	vst v8;
	v20 =	vld [tilespmem:s15+$0xFFFFFFA0];
	v8 =	vmul.f32 v23, v23;
	v28 =	vadd.f32 v22, v57;
	v10 =	vadd.f32 v10, v30  }
0x7f: {  	[tilespmem:s11+$0xFFFFFF60] =	vst v22;
	v22 =	vmul.f32 v22, v22;
	v24 =	vadd.f32 v26, v24;
	v27 =	vadd.f32 v27, v5;
	v5 =	vld [tilespmem:s15+$0xFFFFFF10]  }
0x80: {  	v30 =	vadd.f32 v59, v4;
	v9 =	vadd.f32 v11, v9;
	v61 =	vmul.f32 v10, v10  }
0x81: {  	[tilespmem:s11+$0xFFFFFF50] =	vst v57;
	v63 =	vld [tilespmem:s15+$0xFFFFFF20];
	v22 =	vadd.f32 v22, v60;
	v26 =	vadd.f32 v10, v23  }
0x82: {  	[tilespmem:s11+$0xFFFFFF70] =	vst v23;
	v7 =	vadd.f32 v9, v7;
	v31 =	vadd.f32 v61, v8  }
0x83: {  	[tilespmem:s11+$0xFFFFFF90] =	vst v24;
	v8 =	vadd.f32 v58, v21;
	v21 =	vadd.f32 v20, v3;
	v20 =	vld [tilespmem:s15+$0xFFFFFF30]  }
0x84: {  	[tilespmem:s11+$0xFFFFFFB0] =	vst v27;
	v9 =	vadd.f32 v31, v22;
	v22 =	vadd.f32 v5, v6;
	v6 =	vld [tilespmem:s15+$0xFFFFFF40]  }
0x85: {  	v4 =	vmul.f32 v24, v24;
	[tilespmem:s11+$0xFFFFFFC0] =	vst v30;
	v26 =	vadd.f32 v26, v28  }
0x86: {  	s14 =	simm.s32 $0x0;
	s23 =	simm.s32 $0x18A0F;
	v11 =	vmul.f32 v30, v30;
	[tilespmem:s11+$0xFFFFFF80] =	vst v10;
	v3 =	vmul.f32 v27, v27;
	v23 =	vadd.f32 v63, v25  }
0x87: {  	s29 =	simm.s32 $0x16F7F;
	s30 =	simm.s32 $0x9A30;
	v5 =	vadd.f32 v30, v27;
	[tilespmem:s12+$0xFFFFFFDE] =	vst v26;
	v10 =	vadd.f32 v21, v24;
	v24 =	vmul.f32 v21, v21;
	s15 =	simm.s32 $0x3730  }
.LBB2_6:
0x88: {  	v25 =	vld [tilespmem:s15+$0xFFFFCDF0];
	s14 =	sadd.s32 $0x4, s14;
	[tilespmem:s11+$0xFFFFFF10] =	vst v22;
	v26 =	vmul.f32 v22, v22;
	v11 =	vadd.f32 v11, v3;
	s9 =	sadd.s32 $0x100, s9;
	s30 =	sadd.s32 $0x100, s30  }
0x89: {  	v1 =	vadd.f32 v20, v1;
	v3 =	vld [tilespmem:s9+$0x10];
	p2 =	slt.u32 s14, $0xC4;
	v2 =	vadd.f32 v6, v2;
	[tilespmem:s11+$0xFFFFFF20] =	vst v23;
	v20 =	vmul.f32 v23, v23  }
0x8a: {  	v22 =	vadd.f32 v23, v22;
	v6 =	vld [tilespmem:s9+$0x20];
	[tilespmem:s11+$0xFFFFFFA0] =	vst v21;
	v21 =	vadd.f32 v24, v4  }
0x8b: {  	v4 =	vld [tilespmem:s9+$0x30];
	[tilespmem:s11+$0xFFFFFF30] =	vst v1;
	v23 =	vadd.f32 v2, v1;
	v20 =	vadd.f32 v20, v26;
	v1 =	vmul.f32 v1, v1  }
0x8c: {  	v26 =	vmul.f32 v2, v2;
	v24 =	vld [tilespmem:s15+$0xFFFFCD90];
	[tilespmem:s10+$0xFFFFFFDE] =	vst v9;
	v9 =	vadd.f32 v5, v10;
	v10 =	vadd.f32 v11, v21  }
0x8d: {  	v21 =	vld [tilespmem:s15+$0xFFFFCDA0];
	[tilespmem:s11+$0xFFFFFF40] =	vst v2;
	v2 =	vadd.f32 v23, v22;
	s11 =	smov.u32 s30  }
0x8e: {  	v1 =	vadd.f32 v26, v1;
	v22 =	vld [tilespmem:s15+$0xFFFFCDC0];
	[tilespmem:s12+$0x0] =	vst v8  }
0x8f: {  	v23 =	vld [tilespmem:s15+$0xFFFFCDB0];
	[tilespmem:s12+$0xFFFFFFCD] =	vst v2  }
0x90: {  	v1 =	vadd.f32 v1, v20;
	v5 =	vld [tilespmem:s9+$0xFFFFFF80];
	[tilespmem:s12+$0xFFFFFFEF] =	vst v9;
	s12 =	smov.u32 s29  }
0x91: {  	v8 =	vld [tilespmem:s9+$0x40];
	[tilespmem:s10+$0xFFFFFFEF] =	vst v10  }
0x92: {  	v11 =	vld [tilespmem:s9+$0x50];
	[tilespmem:s10+$0x0] =	vst v7  }
0x93: {  	v10 =	vld [tilespmem:s9+$0x60];
	[tilespmem:s10+$0xFFFFFFCD] =	vst v1;
	s10 =	smov.u32 s23  }
0x94: {  	v9 =	vld [tilespmem:s9+$0x70]  }
0x95: {  	v1 =	vld [tilespmem:s15+$0xFFFFCDE0]  }
0x96: {  	v2 =	vld [tilespmem:s15+$0xFFFFCE00]  }
0x97: {  	v20 =	vld [tilespmem:s15+$0xFFFFCDD0]  }
0x98: {  	v7 =	vld [tilespmem:s9+$0x0];
	v25 =	vadd.f32 v25, v10  }
0x99: {  	v26 =	vld [tilespmem:s15+$0xFFFFCD80]  }
0x9a: {  	v22 =	vadd.f32 v22, v4;
	v27 =	vld [tilespmem:s15+$0xFFFFCD70];
	v1 =	vadd.f32 v1, v11;
	[tilespmem:s30+$0xFFFFCDF0] =	vst v25  }
0x9b: {  	v23 =	vadd.f32 v23, v6;
	v29 =	vmul.f32 v25, v25;
	v28 =	vld [tilespmem:s15+$0xFFFFCD60];
	v2 =	vadd.f32 v2, v9  }
0x9c: {  	v21 =	vadd.f32 v21, v3;
	v30 =	vld [tilespmem:s15+$0xFFFFCD50];
	[tilespmem:s30+$0xFFFFCDC0] =	vst v22;
	v20 =	vadd.f32 v20, v8;
	v31 =	vmul.f32 v1, v1  }
0x9d: {  	v33 =	vmul.f32 v23, v23;
	v32 =	vld [tilespmem:s9+$0xFFFFFFF0];
	v24 =	vadd.f32 v24, v7;
	[tilespmem:s30+$0xFFFFCE00] =	vst v2;
	v25 =	vadd.f32 v2, v25  }
0x9e: {  	v35 =	vmul.f32 v21, v21;
	v36 =	vmul.f32 v22, v22;
	v34 =	vld [tilespmem:s9+$0xFFFFFFE0];
	[tilespmem:s30+$0xFFFFCDD0] =	vst v20;
	v37 =	vadd.f32 v1, v20  }
0x9f: {  	v20 =	vmul.f32 v20, v20;
	v38 =	vld [tilespmem:s9+$0xFFFFFFD0];
	[tilespmem:s30+$0xFFFFCD90] =	vst v24;
	v39 =	vadd.f32 v21, v24;
	v24 =	vmul.f32 v24, v24  }
0xa0: {  	v33 =	vadd.f32 v36, v33;
	v2 =	vmul.f32 v2, v2;
	v40 =	vld [tilespmem:s9+$0xFFFFFFC0];
	[tilespmem:s30+$0xFFFFCDB0] =	vst v23;
	v25 =	vadd.f32 v25, v37  }
0xa1: {  	v22 =	vadd.f32 v22, v23;
	v36 =	vld [tilespmem:s15+$0xFFFFCD40];
	v23 =	vadd.f32 v35, v24;
	[tilespmem:s30+$0xFFFFCDE0] =	vst v1  }
0xa2: {  	v1 =	vadd.f32 v31, v20;
	v20 =	vadd.f32 v2, v29;
	v24 =	vld [tilespmem:s15+$0xFFFFCD30];
	[tilespmem:s30+$0xFFFFCDA0] =	vst v21  }
0xa3: {  	v21 =	vld [tilespmem:s15+$0xFFFFCD20];
	v27 =	vadd.f32 v27, v34;
	v23 =	vadd.f32 v33, v23;
	[tilespmem:s29+$0xFFFFF2B8] =	vst v25  }
0xa4: {  	v26 =	vadd.f32 v26, v32;
	v25 =	vld [tilespmem:s15+$0xFFFFCD10];
	v28 =	vadd.f32 v28, v38  }
0xa5: {  	v20 =	vadd.f32 v20, v1;
	v2 =	vld [tilespmem:s9+$0xFFFFFFB0];
	v29 =	vadd.f32 v30, v40;
	v30 =	vmul.f32 v27, v27  }
0xa6: {  	v22 =	vadd.f32 v22, v39;
	v33 =	vmul.f32 v26, v26;
	v31 =	vadd.f32 v26, v27;
	v1 =	vld [tilespmem:s9+$0xFFFFFFA0];
	[tilespmem:s30+$0xFFFFCD60] =	vst v28  }
0xa7: {  	v35 =	vld [tilespmem:s9+$0xFFFFFF90];
	[tilespmem:s30+$0xFFFFCD50] =	vst v29;
	v37 =	vadd.f32 v28, v29;
	v29 =	vmul.f32 v29, v29;
	v28 =	vmul.f32 v28, v28  }
0xa8: {  	[tilespmem:s30+$0xFFFFCD80] =	vst v26;
	v26 =	vadd.f32 v33, v30  }
0xa9: {  	v30 =	vadd.f32 v31, v37;
	v28 =	vadd.f32 v28, v29;
	[tilespmem:s23+$0xFFFFF2B8] =	vst v20  }
0xaa: {  	v20 =	vadd.f32 v25, v5;
	v25 =	vadd.f32 v36, v2;
	[tilespmem:s30+$0xFFFFCD70] =	vst v27;
	v27 =	vld [tilespmem:s15+$0xFFFFFFD0]  }
0xab: {  	v24 =	vadd.f32 v24, v1;
	v26 =	vadd.f32 v26, v28;
	[tilespmem:s29+$0xFFFFF296] =	vst v30;
	v28 =	vld [tilespmem:s15+$0xFFFFFFE0]  }
0xac: {  	v29 =	vmul.f32 v20, v20;
	v21 =	vadd.f32 v21, v35;
	[tilespmem:s30+$0xFFFFCD40] =	vst v25;
	v30 =	vld [tilespmem:s15+$0xFFFFFFF0]  }
0xad: {  	[tilespmem:s30+$0xFFFFCD30] =	vst v24;
	v31 =	vadd.f32 v25, v24;
	v24 =	vmul.f32 v24, v24;
	v25 =	vmul.f32 v25, v25;
	v33 =	vld [tilespmem:s15+$0x0]  }
0xae: {  	v36 =	vadd.f32 v21, v20;
	v37 =	vmul.f32 v21, v21;
	[tilespmem:s23+$0xFFFFF296] =	vst v26  }
0xaf: {  	[tilespmem:s30+$0xFFFFCD10] =	vst v20;
	v20 =	vadd.f32 v25, v24;
	v24 =	vld [tilespmem:s15+$0xFFFFFF50]  }
0xb0: {  	v25 =	vadd.f32 v37, v29;
	v26 =	vld [tilespmem:s15+$0xFFFFFF60];
	[tilespmem:s29+$0xFFFFF2A7] =	vst v22;
	v11 =	vadd.f32 v28, v11  }
0xb1: {  	v8 =	vadd.f32 v27, v8;
	v22 =	vld [tilespmem:s15+$0xFFFFFF80];
	[tilespmem:s23+$0xFFFFF2A7] =	vst v23;
	v10 =	vadd.f32 v30, v10  }
0xb2: {  	v20 =	vadd.f32 v20, v25;
	v23 =	vld [tilespmem:s15+$0xFFFFFF70];
	[tilespmem:s30+$0xFFFFFFE0] =	vst v11  }
0xb3: {  	v27 =	vmul.f32 v8, v8;
	v9 =	vadd.f32 v33, v9;
	v25 =	vadd.f32 v11, v8;
	[tilespmem:s30+$0xFFFFCD20] =	vst v21;
	v21 =	vld [tilespmem:s15+$0xFFFFFF90]  }
0xb4: {  	v24 =	vadd.f32 v24, v40;
	v28 =	vld [tilespmem:s15+$0xFFFFFFA0];
	[tilespmem:s30+$0xFFFFFFD0] =	vst v8  }
0xb5: {  	v8 =	vadd.f32 v31, v36;
	v30 =	vadd.f32 v9, v10;
	v29 =	vld [tilespmem:s15+$0xFFFFFFB0];
	[tilespmem:s30+$0x0] =	vst v9  }
0xb6: {  	v22 =	vadd.f32 v22, v32;
	v31 =	vld [tilespmem:s15+$0xFFFFFFC0];
	[tilespmem:s30+$0xFFFFFFF0] =	vst v10  }
0xb7: {  	v11 =	vmul.f32 v11, v11;
	v32 =	vmul.f32 v24, v24;
	v23 =	vadd.f32 v23, v34  }
0xb8: {  	[tilespmem:s29+$0xFFFFF285] =	vst v8;
	v8 =	vadd.f32 v26, v38;
	v26 =	vmul.f32 v22, v22;
	v33 =	vadd.f32 v21, v7  }
0xb9: {  	v9 =	vmul.f32 v9, v9;
	v10 =	vmul.f32 v10, v10;
	v7 =	vadd.f32 v11, v27;
	[tilespmem:s30+$0xFFFFFF50] =	vst v24  }
0xba: {  	v21 =	vadd.f32 v22, v23;
	v11 =	vmul.f32 v23, v23;
	[tilespmem:s23+$0xFFFFF285] =	vst v20;
	v27 =	vadd.f32 v29, v6  }
0xbb: {  	v24 =	vadd.f32 v8, v24;
	v6 =	vmul.f32 v8, v8;
	v29 =	vld [tilespmem:s15+$0xFFFFFF10];
	[tilespmem:s30+$0xFFFFFF60] =	vst v8;
	v31 =	vadd.f32 v31, v4  }
0xbc: {  	v9 =	vadd.f32 v9, v10;
	v26 =	vadd.f32 v26, v11;
	v4 =	vmul.f32 v33, v33;
	v34 =	vld [tilespmem:s15+$0xFFFFFF20];
	[tilespmem:s30+$0xFFFFFF90] =	vst v33  }
.Ltmp2:
0xbd: {  	v8 =	vadd.f32 v30, v25;
	v10 =	vadd.f32 v6, v32;
	v20 =	vld [tilespmem:s15+$0xFFFFFF30];
	[tilespmem:s30+$0xFFFFFFB0] =	vst v27;
	v11 =	vmul.f32 v31, v31;
	(pc) =	sbr.rel @p2 .LBB2_6-.Ltmp2, $4  }
0xbe: {  	v7 =	vadd.f32 v9, v7;
	v24 =	vadd.f32 v21, v24;
	v6 =	vld [tilespmem:s15+$0xFFFFFF40];
	[tilespmem:s30+$0xFFFFFFC0] =	vst v31  }
0xbf: {  	v21 =	vadd.f32 v28, v3;
	v9 =	vadd.f32 v26, v10;
	[tilespmem:s30+$0xFFFFFF80] =	vst v22  }
0xc0: {  	v3 =	vmul.f32 v27, v27;
	v22 =	vadd.f32 v29, v5;
	[tilespmem:s30+$0xFFFFFF70] =	vst v23;
	v5 =	vadd.f32 v31, v27  }
0xc1: {  	s29 =	sadd.s32 $0x44, s29;
	s23 =	sadd.s32 $0x44, s23;
	v10 =	vadd.f32 v21, v33;
	s15 =	sadd.s32 $0x100, s15;
	v23 =	vadd.f32 v34, v35;
	[tilespmem:s12+$0xFFFFFFDE] =	vst v24;
	v24 =	vmul.f32 v21, v21  }
0xc2: {  	[tilespmem:s11+$0xFFFFFF10] =	vst v22  }
0xc3: {  	[tilespmem:s11+$0xFFFFFFA0] =	vst v21  }
0xc4: {  	v1 =	vadd.f32 v20, v1;
	[tilespmem:s10+$0xFFFFFFDE] =	vst v9  }
0xc5: {  	v57 =	vmul.f32 v22, v22;
	v3 =	vadd.f32 v11, v3;
	[tilespmem:s12+$0x0] =	vst v8;
	v2 =	vadd.f32 v6, v2  }
0xc6: {  	[tilespmem:s11+$0xFFFFFF20] =	vst v23;
	v58 =	vadd.f32 v23, v22;
	v60 =	vmul.f32 v23, v23;
	v4 =	vadd.f32 v24, v4  }
0xc7: {  	[tilespmem:s11+$0xFFFFFF30] =	vst v1;
	v59 =	vadd.f32 v2, v1;
	v1 =	vmul.f32 v1, v1;
	v61 =	vmul.f32 v2, v2  }
0xc8: {  	v5 =	vadd.f32 v5, v10;
	[tilespmem:s10+$0x0] =	vst v7;
	v6 =	vadd.f32 v60, v57  }
0xc9: {  	[tilespmem:s11+$0xFFFFFF40] =	vst v2;
	v3 =	vadd.f32 v3, v4;
	v1 =	vadd.f32 v61, v1  }
0xca: {  	[tilespmem:s12+$0xFFFFFFEF] =	vst v5;
	v63 =	vadd.f32 v59, v58  }
0xcb: {  	[tilespmem:s10+$0xFFFFFFEF] =	vst v3;
	v1 =	vadd.f32 v1, v6  }
0xcc: {  	[tilespmem:s12+$0xFFFFFFCD] =	vst v63  }
0xcd: {  	[tilespmem:s10+$0xFFFFFFCD] =	vst v1  }
0xce: {  	_ =	swait.ge [sflag:s28], $0x1A0  }
0xcf: {  	[sflag:s28] =	ssyncset.done $0x0  }
0xd0: {  	[sflag:s28] =	ssyncadd.s32 $0xFFFFFE60  }
0xd1: {  	[tilespmem:s17], [sflag:$0x1] =	stream.indirect.gather [hbm4b:s8+s16], $0x40, s25, s16, $0xb8;
	[tilespmem:$0x196E0] =	vst v63  }
0xd2: {  	s9 =	simm.s32 $0x208  }
0xd3: {  	[tilespmem:s19], [sflag:$0x1] =	stream.indirect.gather [hbm4b:s8+s16], $0x40, s9, s16, $0xb8;
	[tilespmem:$0x196E0] =	vst v63  }
0xd4: {  	s30 =	simm.s32 $0x270  }
0xd5: {  	[tilespmem:s21], [sflag:$0x1] =	stream.indirect.gather [hbm4b:s8+s16], $0x40, s30, s16, $0xb8;
	[tilespmem:$0x196E0] =	vst v63  }
0xd6: {  	s9 =	simm.s32 $0x0  }
0xd7: {  	[tilespmem:s24], [sflag:$0x1] =	stream.indirect.gather [hbm4b:s8+s16], $0x40, s31, s16, $0xb8;
	[tilespmem:$0x196E0] =	vst v63  }
.LBB2_8:
0xd8: {  	_ = 	snop  }
0xd9: {  	v12 =	vld [tilespmem:$0x1FFF0]  }
0xda: {  	s10 =	smul.u32 $0x110, s9;
	_ =	sdelay $0x1  }
0xdb: {  	v1 =	vadd.s32 s10, v41  }
0xdc: {  	v0 =	vld [tilespmem:$0x1FF40];
	v1 =	vand.u32 $0x3FF8, v1  }
0xdd: {  	v14 =	vld [tilespmem:$0x1FF50];
	v2 =	vadd.s32 s10, v62;
	v1 =	vor.u32 v12, v1  }
0xde: {  	v15 =	vld [tilespmem:$0x1FF60];
	v2 =	vand.u32 $0x3FF8, v2  }
0xdf: {  	v16 =	vld [tilespmem:$0x1FF70];
	v3 =	vadd.s32 s10, v44;
	v2 =	vor.u32 v43, v2  }
0xe0: {  	v17 =	vld [tilespmem:$0x1FF80];
	v3 =	vand.u32 $0x3FF8, v3  }
0xe1: {  	v18 =	vld [tilespmem:$0x1FF90];
	v4 =	vadd.s32 s10, v0;
	v3 =	vor.u32 v51, v3  }
0xe2: {  	v19 =	vadd.s32 $0x4, v41;
	v4 =	vand.u32 $0x3FF8, v4;
	v5 =	vld.idx.msk [tilespmem:v1+s0+$0x0], $0xffff  }
0xe3: {  	v6 =	vadd.s32 s10, v19;
	v4 =	vor.u32 v14, v4;
	v1 =	vld.idx.msk [tilespmem:v1+s2+$0x0], $0xffff  }
0xe4: {  	v28 =	vadd.s32 $0x5, v41;
	v6 =	vand.u32 $0x3FF8, v6;
	v7 =	vld.idx.msk [tilespmem:v2+s0+$0x0], $0xffff  }
0xe5: {  	v8 =	vadd.s32 s10, v28;
	v6 =	vor.u32 v15, v6;
	v2 =	vld.idx.msk [tilespmem:v2+s2+$0x0], $0xffff  }
0xe6: {  	v29 =	vadd.s32 $0x6, v41;
	v8 =	vand.u32 $0x3FF8, v8;
	v9 =	vld.idx.msk [tilespmem:v3+s0+$0x0], $0xffff  }
0xe7: {  	v10 =	vadd.s32 s10, v29;
	v8 =	vor.u32 v16, v8;
	v3 =	vld.idx.msk [tilespmem:v3+s2+$0x0], $0xffff  }
0xe8: {  	v30 =	vadd.s32 $0x7, v41;
	v31 =	vadd.s32 $0x8, v41;
	v10 =	vand.u32 $0x3FF8, v10;
	v11 =	vld.idx.msk [tilespmem:v4+s0+$0x0], $0xffff  }
0xe9: {  	v60 =	vadd.s32 s10, v30;
	v59 =	vor.u32 v17, v10;
	v4 =	vld.idx.msk [tilespmem:v4+s2+$0x0], $0xffff;
	v5 =	vadd.f32 v7, v5  }
0xea: {  	v35 =	vadd.s32 $0x9, v41;
	v20 =	vadd.s32 s10, v31;
	v10 =	vand.u32 $0x3FF8, v60;
	v61 =	vld.idx.msk [tilespmem:v6+s0+$0x0], $0xffff  }
0xeb: {  	v63 =	vor.u32 v18, v10;
	v6 =	vld.idx.msk [tilespmem:v6+s2+$0x0], $0xffff;
	v1 =	vadd.f32 v2, v1;
	v5 =	vadd.f32 v9, v5  }
0xec: {  	v36 =	vadd.s32 $0xA, v41;
	v22 =	vadd.s32 s10, v35;
	v10 =	vand.u32 $0x3FF8, v20;
	v21 =	vld.idx.msk [tilespmem:v8+s0+$0x0], $0xffff  }
0xed: {  	v10 =	vor.u32 v12, v10;
	v8 =	vld.idx.msk [tilespmem:v8+s2+$0x0], $0xffff;
	v1 =	vadd.f32 v3, v1;
	v5 =	vadd.f32 v11, v5  }
0xee: {  	v38 =	vadd.s32 $0xB, v41;
	v26 =	vadd.s32 s10, v36;
	v23 =	vld.idx.msk [tilespmem:v59+s0+$0x0], $0xffff;
	v11 =	vand.u32 $0x3FF8, v22  }
0xef: {  	v24 =	vld.idx.msk [tilespmem:v59+s2+$0x0], $0xffff;
	v1 =	vadd.f32 v4, v1;
	v25 =	vor.u32 v43, v11;
	v2 =	vadd.f32 v61, v5  }
0xf0: {  	v49 =	vadd.s32 $0xC, v41;
	v34 =	vadd.s32 s10, v38;
	v27 =	vld.idx.msk [tilespmem:v63+s0+$0x0], $0xffff;
	v11 =	vand.u32 $0x3FF8, v26  }
0xf1: {  	v32 =	vld.idx.msk [tilespmem:v63+s2+$0x0], $0xffff;
	v1 =	vadd.f32 v6, v1;
	v33 =	vor.u32 v51, v11;
	v2 =	vadd.f32 v21, v2  }
0xf2: {  	v37 =	vmovc v44;
	v44 =	vadd.s32 $0xD, v41;
	v53 =	vadd.s32 s10, v49;
	v39 =	vld.idx.msk [tilespmem:v10+s0+$0x0], $0xffff;
	v11 =	vand.u32 $0x3FF8, v34  }
0xf3: {  	v50 =	vld.idx.msk [tilespmem:v10+s2+$0x0], $0xffff;
	v52 =	vor.u32 v14, v11;
	v1 =	vadd.f32 v8, v1;
	v2 =	vadd.f32 v23, v2  }
0xf4: {  	v42 =	vadd.s32 $0xE, v41;
	v57 =	vadd.s32 s10, v44;
	v11 =	vand.u32 $0x3FF8, v53;
	v54 =	vld.idx.msk [tilespmem:v25+s0+$0x0], $0xffff  }
0xf5: {  	v56 =	vor.u32 v15, v11;
	v1 =	vadd.f32 v24, v1;
	v55 =	vld.idx.msk [tilespmem:v25+s2+$0x0], $0xffff;
	v2 =	vadd.f32 v27, v2  }
0xf6: {  	v40 =	vmovc v13;
	v13 =	vadd.s32 $0xF, v41;
	v61 =	vadd.s32 s10, v42;
	v11 =	vand.u32 $0x3FF8, v57;
	v58 =	vld.idx.msk [tilespmem:v33+s0+$0x0], $0xffff  }
0xf7: {  	v60 =	vor.u32 v16, v11;
	v59 =	vld.idx.msk [tilespmem:v33+s2+$0x0], $0xffff;
	v1 =	vadd.f32 v32, v1;
	v2 =	vadd.f32 v39, v2  }
0xf8: {  	v26 =	vadd.s32 s10, v13;
	v11 =	vand.u32 $0x3FF8, v61;
	v63 =	vld.idx.msk [tilespmem:v52+s0+$0x0], $0xffff  }
0xf9: {  	v25 =	vor.u32 v17, v11;
	v24 =	vld.idx.msk [tilespmem:v52+s2+$0x0], $0xffff;
	v1 =	vadd.f32 v50, v1;
	v2 =	vadd.f32 v54, v2  }
0xfa: {  	v11 =	vand.u32 $0x3FF8, v26;
	v20 =	vld.idx.msk [tilespmem:v56+s0+$0x0], $0xffff  }
0xfb: {  	v32 =	vor.u32 v18, v11;
	v27 =	vld.idx.msk [tilespmem:v56+s2+$0x0], $0xffff;
	v1 =	vadd.f32 v55, v1;
	v2 =	vadd.f32 v58, v2  }
0xfc: {  	v33 =	vld.idx.msk [tilespmem:v60+s0+$0x0], $0xffff  }
0xfd: {  	v34 =	vld.idx.msk [tilespmem:v60+s2+$0x0], $0xffff;
	v1 =	vadd.f32 v59, v1;
	v2 =	vadd.f32 v63, v2  }
0xfe: {  	v39 =	vld.idx.msk [tilespmem:v25+s0+$0x0], $0xffff  }
0xff: {  	v45 =	vld.idx.msk [tilespmem:v25+s2+$0x0], $0xffff;
	v1 =	vadd.f32 v24, v1;
	v2 =	vadd.f32 v20, v2  }
0x100: {  	v46 =	vld.idx.msk [tilespmem:v32+s0+$0x0], $0xffff  }
0x101: {  	v1 =	vadd.f32 v27, v1;
	v2 =	vadd.f32 v33, v2  }
0x102: {  	v47 =	vld.idx.msk [tilespmem:v32+s2+$0x0], $0xffff  }
0x103: {  	v1 =	vadd.f32 v34, v1;
	v2 =	vadd.f32 v39, v2;
	_ =	sdelay $0x1  }
0x104: {  	v1 =	vadd.f32 v45, v1;
	v2 =	vadd.f32 v46, v2;
	_ =	sdelay $0x1  }
0x105: {  	v1 =	vadd.f32 v47, v1;
	v33 =	vmul.f32 $1.562500000e-02, v2;
	_ =	sdelay $0x1  }
0x106: {  	v1 =	vmul.f32 $1.562500000e-02, v1;
	v2 =	vmul.f32 v33, v33;
	_ =	sdelay $0x1  }
0x107: {  	v1 =	vsub.f32 v1, v2;
	_ =	sdelay $0x1  }
0x108: {  	v1 =	vadd.f32 $9.999999960e-13, v1;
	_ =	sdelay $0x1  }
0x109: {  	v48 =	vshra.s32 v1, $0x1;
	v1 =	vmul.f32 $5.000000000e-01, v1  }
0x10a: {  	v2 =	vsub.s32 $0x5F3759DF, v48  }
0x10b: {  	v50 =	vmul.f32 v2, v1;
	_ =	sdelay $0x1  }
0x10c: {  	s15 =	sshll.u32 s9, $0xA;
	v3 =	vmul.f32 v2, v50  }
0x10d: {  	s11 =	sand.u32 $0x3FFFFC00, s15  }
0x10e: {  	v22 =	vld [tilespmem:s11+$0x67F0];
	v3 =	vsub.f32 $1.500000000e+00, v3  }
0x10f: {  	v57 =	vld [tilespmem:s11+$0x6780]  }
0x110: {  	v21 =	vld [tilespmem:s11+$0x67E0];
	v2 =	vmul.f32 v2, v3  }
0x111: {  	v23 =	vld [tilespmem:s11+$0x6800]  }
0x112: {  	v26 =	vld [tilespmem:s11+$0x6830];
	v53 =	vmul.f32 v2, v1  }
0x113: {  	v52 =	vld [tilespmem:s11+$0x6740]  }
0x114: {  	v11 =	vld [tilespmem:s11+$0x67C0];
	v4 =	vmul.f32 v53, v2  }
0x115: {  	v56 =	vld [tilespmem:s11+$0x6770]  }
0x116: {  	v60 =	vld [tilespmem:s11+$0x67D0];
	v4 =	vsub.f32 $1.500000000e+00, v4  }
0x117: {  	v25 =	vld [tilespmem:s11+$0x6820]  }
0x118: {  	v54 =	vld [tilespmem:s11+$0x6750];
	v2 =	vmul.f32 v4, v2  }
0x119: {  	v55 =	vld [tilespmem:s11+$0x6760]  }
0x11a: {  	v58 =	vld [tilespmem:s11+$0x6790];
	v1 =	vmul.f32 v2, v1  }
0x11b: {  	v59 =	vld [tilespmem:s11+$0x67A0]  }
0x11c: {  	v24 =	vld [tilespmem:s11+$0x6810];
	v1 =	vmul.f32 v1, v2  }
0x11d: {  	v27 =	vld [tilespmem:s11+$0x6840];
	v61 =	vbroadcast v33, $0x0  }
0x11e: {  	v45 =	vld [tilespmem:s11+$0x6850];
	v1 =	vsub.f32 $1.500000000e+00, v1  }
0x11f: {  	v63 =	vbroadcast v33, $0x1;
	v5 =	vsub.f32 v54, v61;
	v54 =	vld [tilespmem:s11+$0x6880]  }
0x120: {  	s12 =	sor.u32 $0x1, s9;
	v7 =	vbroadcast v33, $0x3;
	v6 =	vsub.f32 v55, v61;
	v4 =	vld [tilespmem:s11+$0x67B0];
	v34 =	vmul.f32 v1, v2  }
0x121: {  	s23 =	smul.u32 $0x110, s12;
	v46 =	vsub.f32 v57, v63;
	v47 =	vsub.f32 v58, v63;
	v55 =	vld [tilespmem:s11+$0x6890]  }
0x122: {  	v57 =	vld [tilespmem:s11+$0x68B0];
	v20 =	vsub.f32 v23, v7;
	v3 =	vsub.f32 v52, v61;
	v2 =	vbroadcast v34, $0x0  }
0x123: {  	v58 =	vld [tilespmem:s11+$0x68C0];
	v23 =	vadd.s32 s23, v41;
	v48 =	vsub.f32 v59, v63;
	v50 =	vbroadcast v33, $0x2  }
0x124: {  	v59 =	vld [tilespmem:s11+$0x68D0];
	v1 =	vsub.f32 v56, v61;
	v39 =	vbroadcast v34, $0x1;
	v3 =	vmul.f32 v2, v3  }
0x125: {  	v52 =	vld [tilespmem:s11+$0x6860];
	v10 =	vsub.f32 v4, v63;
	v63 =	vbroadcast v34, $0x3;
	v32 =	vmul.f32 v2, v6  }
0x126: {  	v41 =	vadd.s32 s23, v37;
	v53 =	vld [tilespmem:s11+$0x6870];
	v5 =	vmul.f32 v2, v5;
	v1 =	vmul.f32 v2, v1;
	[tilespmem:$0x1FD20] =	vst v3  }
0x127: {  	v11 =	vsub.f32 v11, v50;
	v56 =	vld [tilespmem:s11+$0x68A0];
	v6 =	vmul.f32 v39, v46;
	v2 =	vmul.f32 v39, v10;
	[tilespmem:$0x1FD40] =	vst v32  }
0x128: {  	v61 =	vld [tilespmem:s11+$0x68F0];
	v9 =	vmul.f32 v39, v47;
	[tilespmem:$0x1FD50] =	vst v1;
	v1 =	vmul.f32 v39, v48;
	v32 =	vsub.f32 v60, v50  }
0x129: {  	v10 =	vbroadcast v33, $0x4;
	[tilespmem:$0x1FD90] =	vst v2;
	v39 =	vsub.f32 v21, v50;
	v60 =	vld [tilespmem:s11+$0x68E0];
	v50 =	vsub.f32 v22, v50  }
0x12a: {  	v21 =	vsub.f32 v24, v7;
	v22 =	vsub.f32 v25, v7;
	v2 =	vld [tilespmem:s11+$0x6930];
	[tilespmem:$0x1FD80] =	vst v1;
	v1 =	vbroadcast v34, $0x2  }
0x12b: {  	[tilespmem:$0x1FD30] =	vst v5;
	v24 =	vmul.f32 v20, v63;
	v25 =	vand.u32 $0x7FF8, v23;
	v7 =	vsub.f32 v26, v7;
	v26 =	vld [tilespmem:s11+$0x6950]  }
0x12c: {  	[tilespmem:$0x1FD70] =	vst v9;
	v9 =	vor.u32 v12, v25;
	v46 =	vmul.f32 v1, v11;
	v4 =	vmul.f32 v50, v1;
	v50 =	vld [tilespmem:s11+$0x6960]  }
0x12d: {  	[tilespmem:$0x1FD60] =	vst v6;
	v47 =	vmul.f32 v1, v32;
	v48 =	vmul.f32 v39, v1;
	v39 =	vadd.s32 s23, v62;
	v1 =	vld [tilespmem:s11+$0x6970]  }
0x12e: {  	v3 =	vadd.s32 s23, v19;
	v5 =	vsub.f32 v52, v10;
	v8 =	vand.u32 $0x7FF8, v39;
	[tilespmem:$0x1FDA0] =	vst v46;
	v46 =	vld [tilespmem:s11+$0x6900]  }
0x12f: {  	v6 =	vmul.f32 v21, v63;
	v32 =	vmul.f32 v22, v63;
	[tilespmem:$0x1FDB0] =	vst v47;
	v47 =	vld [tilespmem:s11+$0x6910];
	v20 =	vor.u32 v43, v8  }
0x130: {  	v21 =	vsub.f32 v27, v10;
	v11 =	vbroadcast v34, $0x4;
	[tilespmem:$0x1FDC0] =	vst v48;
	v48 =	vld [tilespmem:s11+$0x6920];
	v8 =	vand.u32 $0x7FF8, v41  }
0x131: {  	v39 =	vmul.f32 v7, v63;
	v63 =	vadd.s32 s23, v0;
	[tilespmem:$0x1FDE0] =	vst v32;
	v32 =	vld [tilespmem:s11+$0x6940];
	v23 =	vor.u32 v51, v8  }
0x132: {  	[tilespmem:$0x1FDD0] =	vst v24;
	v24 =	vbroadcast v33, $0x5;
	v37 =	vmul.f32 v21, v11;
	v21 =	vld.idx.msk [tilespmem:v9+s0+$0x0], $0xffff;
	v0 =	vand.u32 $0x7FF8, v63  }
0x133: {  	v62 =	vsub.f32 v45, v10;
	v10 =	vsub.f32 v53, v10;
	v25 =	vld.idx.msk [tilespmem:v9+s2+$0x0], $0xffff;
	v22 =	vor.u32 v14, v0  }
0x134: {  	[tilespmem:$0x1FC60] =	vst v19;
	v53 =	vbroadcast v34, $0x5;
	v19 =	vsub.f32 v55, v24;
	v9 =	vand.u32 $0x7FF8, v3;
	v52 =	vld.idx.msk [tilespmem:v20+s0+$0x0], $0xffff  }
0x135: {  	v7 =	vsub.f32 v54, v24;
	v41 =	vadd.s32 s23, v28;
	v54 =	vor.u32 v15, v9;
	v20 =	vld.idx.msk [tilespmem:v20+s2+$0x0], $0xffff  }
0x136: {  	v63 =	vmul.f32 v19, v53;
	v8 =	vmul.f32 v62, v11;
	v62 =	vand.u32 $0x7FF8, v41;
	v55 =	vld.idx.msk [tilespmem:v23+s0+$0x0], $0xffff  }
0x137: {  	v56 =	vsub.f32 v56, v24;
	v62 =	vor.u32 v16, v62;
	v23 =	vld.idx.msk [tilespmem:v23+s2+$0x0], $0xffff  }
0x138: {  	v10 =	vmul.f32 v10, v11;
	v9 =	vmul.f32 v5, v11;
	[tilespmem:$0x1FDF0] =	vst v63;
	v63 =	vadd.s32 s23, v29;
	v5 =	vld.idx.msk [tilespmem:v22+s0+$0x0], $0xffff  }
0x139: {  	v3 =	vadd.s32 s23, v35;
	v11 =	vmul.f32 v7, v53;
	v7 =	vand.u32 $0x7FF8, v63;
	v22 =	vld.idx.msk [tilespmem:v22+s2+$0x0], $0xffff  }
0x13a: {  	v19 =	vld.idx.msk [tilespmem:v54+s0+$0x0], $0xffff;
	v21 =	vadd.f32 v52, v21;
	v25 =	vadd.f32 v20, v25;
	v52 =	vor.u32 v17, v7  }
0x13b: {  	v24 =	vsub.f32 v57, v24;
	v54 =	vld.idx.msk [tilespmem:v54+s2+$0x0], $0xffff;
	v7 =	vand.u32 $0x7FF8, v3  }
0x13c: {  	v45 =	vmul.f32 v56, v53;
	v27 =	vld.idx.msk [tilespmem:v62+s0+$0x0], $0xffff;
	v56 =	vor.u32 v43, v7;
	v23 =	vadd.f32 v23, v25  }
0x13d: {  	[tilespmem:$0x1FC70] =	vst v28;
	v57 =	vbroadcast v33, $0x6;
	v41 =	vadd.s32 s23, v30;
	v21 =	vadd.f32 v55, v21;
	v55 =	vld [tilespmem:s11+$0x6980]  }
0x13e: {  	[tilespmem:$0x1FC80] =	vst v29;
	v0 =	vadd.s32 s23, v31;
	v28 =	vand.u32 $0x7FF8, v41;
	v22 =	vadd.f32 v22, v23;
	v23 =	vld.idx.msk [tilespmem:v62+s2+$0x0], $0xffff  }
0x13f: {  	[tilespmem:$0x1FCB0] =	vst v35;
	v35 =	vsub.f32 v58, v57;
	v29 =	vbroadcast v34, $0x6;
	v25 =	vor.u32 v18, v28;
	v63 =	vld.idx.msk [tilespmem:v52+s0+$0x0], $0xffff  }
0x140: {  	v28 =	vand.u32 $0x7FF8, v0;
	v52 =	vld.idx.msk [tilespmem:v52+s2+$0x0], $0xffff  }
0x141: {  	v28 =	vor.u32 v12, v28;
	v62 =	vmul.f32 v35, v29;
	v35 =	vld.idx.msk [tilespmem:v56+s0+$0x0], $0xffff  }
0x142: {  	v0 =	vadd.s32 s23, v44;
	v21 =	vadd.f32 v5, v21;
	v56 =	vld.idx.msk [tilespmem:v56+s2+$0x0], $0xffff  }
0x143: {  	v60 =	vsub.f32 v60, v57;
	v3 =	vand.u32 $0x7FF8, v0;
	[tilespmem:$0x1FE10] =	vst v62;
	v62 =	vld [tilespmem:s11+$0x69A0]  }
0x144: {  	[tilespmem:$0x1FC90] =	vst v30;
	v5 =	vadd.f32 v19, v21;
	v54 =	vadd.f32 v54, v22;
	v19 =	vadd.s32 s23, v36;
	v30 =	vld.idx.msk [tilespmem:v25+s0+$0x0], $0xffff  }
0x145: {  	[tilespmem:$0x1FCC0] =	vst v36;
	v36 =	vand.u32 $0x7FF8, v19;
	v25 =	vld.idx.msk [tilespmem:v25+s2+$0x0], $0xffff;
	v19 =	vsub.f32 v59, v57;
	v59 =	vor.u32 v16, v3  }
0x146: {  	v41 =	vmul.f32 v24, v53;
	v43 =	vadd.f32 v27, v5;
	v27 =	vor.u32 v51, v36;
	v5 =	vld.idx.msk [tilespmem:v28+s0+$0x0], $0xffff  }
0x147: {  	v7 =	vadd.s32 s23, v38;
	v28 =	vld.idx.msk [tilespmem:v28+s2+$0x0], $0xffff;
	v36 =	vadd.s32 s23, v49;
	v23 =	vadd.f32 v23, v54  }
0x148: {  	[tilespmem:$0x1FCD0] =	vst v38;
	v51 =	vld [tilespmem:s11+$0x6A40];
	v54 =	vand.u32 $0x7FF8, v7;
	v38 =	vand.u32 $0x7FF8, v36;
	v7 =	vadd.s32 s23, v42  }
0x149: {  	[tilespmem:$0x1FCE0] =	vst v49;
	v54 =	vor.u32 v14, v54;
	v49 =	vor.u32 v15, v38;
	v38 =	vmul.f32 v60, v29;
	v60 =	vld [tilespmem:s11+$0x6990]  }
0x14a: {  	v24 =	vadd.f32 v63, v43;
	v22 =	vand.u32 $0x7FF8, v7;
	v7 =	vld.idx.msk [tilespmem:v59+s2+$0x0], $0xffff  }
0x14b: {  	[tilespmem:$0x1FE00] =	vst v41;
	v16 =	vadd.s32 s23, v13;
	v41 =	vmul.f32 v19, v29;
	v52 =	vadd.f32 v52, v23;
	v43 =	vld.idx.msk [tilespmem:v27+s0+$0x0], $0xffff  }
0x14c: {  	v20 =	vbroadcast v33, $0x7;
	v36 =	vand.u32 $0x7FF8, v16;
	v30 =	vadd.f32 v30, v24;
	v27 =	vld.idx.msk [tilespmem:v27+s2+$0x0], $0xffff  }
0x14d: {  	v57 =	vsub.f32 v61, v57;
	[tilespmem:$0x1FE20] =	vst v41;
	v41 =	vor.u32 v18, v36;
	v25 =	vadd.f32 v25, v52;
	v52 =	vld [tilespmem:$0x1FEE0]  }
0x14e: {  	[tilespmem:$0x1FD00] =	vst v42;
	v46 =	vsub.f32 v46, v20;
	v42 =	vbroadcast v33, $0x8;
	v30 =	vadd.f32 v5, v30;
	v5 =	vld.idx.msk [tilespmem:v54+s0+$0x0], $0xffff  }
0x14f: {  	v47 =	vsub.f32 v47, v20;
	v19 =	vmul.f32 v57, v29;
	v28 =	vadd.f32 v28, v25;
	v54 =	vld.idx.msk [tilespmem:v54+s2+$0x0], $0xffff  }
0x150: {  	[tilespmem:$0x1FCA0] =	vst v31;
	v29 =	vsub.f32 v2, v20;
	v23 =	vbroadcast v34, $0x7;
	v32 =	vsub.f32 v32, v42;
	v21 =	vld.idx.msk [tilespmem:v49+s0+$0x0], $0xffff  }
0x151: {  	v58 =	vld.idx.msk [tilespmem:v49+s2+$0x0], $0xffff;
	v30 =	vadd.f32 v35, v30;
	v28 =	vadd.f32 v56, v28;
	v56 =	vor.u32 v17, v22  }
0x152: {  	[tilespmem:$0x1FE30] =	vst v19;
	v19 =	vbroadcast v34, $0x8;
	v26 =	vsub.f32 v26, v42;
	v31 =	vsub.f32 v1, v42;
	v36 =	vld.idx.msk [tilespmem:v41+s2+$0x0], $0xffff  }
0x153: {  	v35 =	vsub.f32 v48, v20;
	v48 =	vmul.f32 v47, v23;
	v30 =	vadd.f32 v43, v30;
	v43 =	vld.idx.msk [tilespmem:v59+s0+$0x0], $0xffff  }
0x154: {  	v47 =	vmul.f32 v29, v23;
	v17 =	vmul.f32 v46, v23;
	v59 =	vld [tilespmem:s11+$0x69B0];
	v27 =	vadd.f32 v27, v28  }
0x155: {  	v22 =	vbroadcast v33, $0x9;
	v16 =	vmul.f32 v35, v23;
	v23 =	vld.idx.msk [tilespmem:v41+s0+$0x0], $0xffff;
	v5 =	vadd.f32 v5, v30  }
0x156: {  	v20 =	vsub.f32 v50, v42;
	v46 =	vmul.f32 v32, v19;
	v27 =	vadd.f32 v54, v27;
	v18 =	vld.idx.msk [tilespmem:v56+s0+$0x0], $0xffff  }
0x157: {  	[tilespmem:$0x1FCF0] =	vst v44;
	v41 =	vbroadcast v34, $0x9;
	v44 =	vsub.f32 v60, v22;
	v28 =	vadd.f32 v21, v5;
	v21 =	vld.idx.msk [tilespmem:v56+s2+$0x0], $0xffff  }
0x158: {  	v49 =	vld [tilespmem:s11+$0x69D0];
	v35 =	vmul.f32 v26, v19;
	v50 =	vmul.f32 v20, v19;
	v27 =	vadd.f32 v58, v27  }
0x159: {  	[tilespmem:$0x1FE40] =	vst v16;
	v16 =	vmul.f32 v44, v41;
	v56 =	vmul.f32 v31, v19;
	v19 =	vld [tilespmem:s11+$0x69F0];
	v0 =	vadd.f32 v43, v28  }
0x15a: {  	v42 =	vsub.f32 v55, v22;
	v43 =	vld [tilespmem:s11+$0x69C0];
	v27 =	vadd.f32 v7, v27  }
0x15b: {  	[tilespmem:$0x1FE70] =	vst v16;
	v20 =	vsub.f32 v59, v22;
	v16 =	vld [tilespmem:s11+$0x6A50];
	v0 =	vadd.f32 v18, v0  }
0x15c: {  	v27 =	vadd.f32 v21, v27;
	v18 =	vsub.f32 v62, v22;
	v22 =	vld [tilespmem:s11+$0x6A00]  }
0x15d: {  	v21 =	vbroadcast v33, $0xA;
	v0 =	vadd.f32 v23, v0;
	v23 =	vld [tilespmem:s11+$0x6A10]  }
0x15e: {  	v57 =	vbroadcast v33, $0xD;
	v54 =	vbroadcast v33, $0xC;
	v26 =	vadd.f32 v36, v27;
	v36 =	vld [tilespmem:s11+$0x6A20]  }
0x15f: {  	[tilespmem:$0x1FE50] =	vst v35;
	v5 =	vmul.f32 v42, v41;
	v59 =	vmul.f32 v20, v41;
	v35 =	vsub.f32 v43, v21;
	v43 =	vld [tilespmem:s11+$0x6A30]  }
0x160: {  	v7 =	vld [tilespmem:s11+$0x69E0];
	v53 =	vmul.f32 v18, v41;
	v41 =	vsub.f32 v49, v21;
	v49 =	vbroadcast v33, $0xB  }
0x161: {  	v45 =	vmul.f32 v45, v52;
	v38 =	vmul.f32 v38, v52;
	v61 =	vsub.f32 v51, v54;
	v51 =	vld [tilespmem:s11+$0x6AB0]  }
0x162: {  	v42 =	vbroadcast v34, $0xA;
	[tilespmem:$0x1FE60] =	vst v5;
	v5 =	vld [tilespmem:s11+$0x6A80];
	v18 =	vbroadcast v34, $0xB;
	v62 =	vsub.f32 v22, v49  }
0x163: {  	v55 =	vsub.f32 v19, v21;
	v32 =	vmul.f32 $1.562500000e-02, v0;
	v1 =	vsub.f32 v23, v49  }
0x164: {  	v28 =	vsub.f32 v36, v49;
	v30 =	vsub.f32 v43, v49;
	v25 =	vmul.f32 v62, v18  }
0x165: {  	v19 =	vld [tilespmem:s11+$0x6A70];
	v31 =	vsub.f32 v7, v21;
	v49 =	vbroadcast v34, $0xC;
	v24 =	vmul.f32 v1, v18  }
0x166: {  	v0 =	vsub.f32 v16, v54;
	v23 =	vmul.f32 v28, v18;
	v30 =	vmul.f32 v30, v18;
	v18 =	vld [tilespmem:$0x1FD20]  }
0x167: {  	v7 =	vld [tilespmem:s11+$0x6A90];
	v62 =	vsub.f32 v5, v57;
	v5 =	vbroadcast v34, $0xD;
	v1 =	vsub.f32 v51, v57  }
0x168: {  	v26 =	vmul.f32 $1.562500000e-02, v26;
	v16 =	vld [tilespmem:s11+$0x6AA0];
	v44 =	vmul.f32 v32, v32  }
0x169: {  	v12 =	vld [tilespmem:s11+$0x6A60];
	v20 =	vmul.f32 v0, v49;
	v0 =	vmul.f32 v1, v5  }
0x16a: {  	v63 =	vld [tilespmem:$0x1FD50];
	v50 =	vmul.f32 v50, v52;
	v35 =	vmul.f32 v35, v42  }
0x16b: {  	v58 =	vmul.f32 v31, v42;
	v26 =	vsub.f32 v26, v44;
	[tilespmem:$0x1FE80] =	vst v0;
	v0 =	vmul.f32 v18, v40;
	v18 =	vld [tilespmem:$0x1FEF0]  }
0x16c: {  	v31 =	vmul.f32 v55, v42;
	v55 =	vsub.f32 v19, v54;
	v19 =	vld [tilespmem:$0x1FD30];
	v28 =	vsub.f32 v7, v57  }
0x16d: {  	v27 =	vmul.f32 v41, v42;
	v7 =	vsub.f32 v16, v57;
	v57 =	vld [tilespmem:$0x1FED0];
	v26 =	vadd.f32 $9.999999960e-13, v26  }
0x16e: {  	v12 =	vsub.f32 v12, v54;
	v53 =	vmul.f32 v53, v52;
	v54 =	vld [tilespmem:$0x1FF00];
	v61 =	vmul.f32 v61, v49  }
0x16f: {  	v44 =	vmul.f32 v28, v5;
	v28 =	vld [tilespmem:$0x1FD40];
	v36 =	vshra.s32 v26, $0x1;
	v26 =	vmul.f32 $5.000000000e-01, v26  }
0x170: {  	v22 =	vmul.f32 v62, v5;
	v42 =	vsub.s32 $0x5F3759DF, v36;
	v36 =	vld [tilespmem:$0x1FF10];
	v62 =	vmul.f32 v63, v18;
	v63 =	vmovc v40  }
0x171: {  	v3 =	vmul.f32 v42, v26;
	v17 =	vmul.f32 v17, v63  }
0x172: {  	v21 =	vmul.f32 v12, v49;
	v1 =	vmul.f32 v19, v57;
	v19 =	vld [tilespmem:$0x1FF20]  }
0x173: {  	v41 =	vmul.f32 v55, v49;
	v60 =	vmul.f32 v42, v3;
	v17 =	vadd.f32 v17, v54  }
0x174: {  	v48 =	vmul.f32 v48, v57;
	v29 =	vmul.f32 v28, v52;
	v0 =	vadd.f32 v0, v54;
	v28 =	vld [tilespmem:$0x1FD70]  }
0x175: {  	v16 =	vsub.f32 $1.500000000e+00, v60;
	v60 =	vmul.f32 v7, v5;
	v1 =	vadd.f32 v1, v36;
	[tilespmem:$0x1FE90] =	vst v17;
	v17 =	vld [tilespmem:$0x1FE40]  }
0x176: {  	v49 =	vld [tilespmem:$0x1FF30];
	v48 =	vadd.f32 v48, v36;
	v39 =	vmul.f32 v39, v18;
	v47 =	vmul.f32 v47, v18  }
0x177: {  	[tilespmem:s11+$0x6740] =	vst v0;
	v0 =	vld [tilespmem:$0x1FE70];
	v38 =	vadd.f32 v38, v19;
	v56 =	vmul.f32 v56, v18;
	v59 =	vmul.f32 v59, v18  }
0x178: {  	v50 =	vadd.f32 v50, v19;
	v55 =	vmul.f32 v42, v16;
	v16 =	vld [tilespmem:$0x1FD90];
	v37 =	vmul.f32 v37, v63  }
0x179: {  	v5 =	vld [tilespmem:$0x1FD60];
	v53 =	vadd.f32 v53, v19;
	v46 =	vmul.f32 v46, v63;
	v35 =	vmul.f32 v35, v63  }
0x17a: {  	v42 =	vadd.f32 v29, v19;
	v29 =	vmul.f32 v28, v57;
	v17 =	vmul.f32 v17, v52  }
0x17b: {  	v60 =	vmul.f32 v60, v52;
	v62 =	vadd.f32 v62, v49;
	v39 =	vadd.f32 v39, v49  }
0x17c: {  	v3 =	vadd.f32 v29, v36;
	v29 =	vld [tilespmem:$0x1FDA0];
	v0 =	vmul.f32 v0, v57;
	v17 =	vadd.f32 v17, v19  }
0x17d: {  	v47 =	vadd.f32 v47, v49;
	v56 =	vadd.f32 v56, v49;
	[tilespmem:s11+$0x6760] =	vst v42;
	v28 =	vmul.f32 v16, v18;
	v16 =	vld [tilespmem:$0x1FDC0]  }
0x17e: {  	v59 =	vadd.f32 v59, v49;
	v7 =	vmul.f32 v5, v40;
	v42 =	vadd.f32 v0, v36;
	[tilespmem:$0x1FEA0] =	vst v17;
	v17 =	vld [tilespmem:$0x1FE50]  }
0x17f: {  	v0 =	vmul.f32 v27, v57;
	v27 =	vadd.f32 v35, v54;
	v35 =	vmul.f32 v58, v52  }
0x180: {  	v2 =	vadd.f32 v7, v54;
	v7 =	vld [tilespmem:$0x1FD80];
	v58 =	vmul.f32 v31, v18;
	[tilespmem:s11+$0x6790] =	vst v3;
	v3 =	vmul.f32 v21, v52  }
0x181: {  	[tilespmem:$0x1FD10] =	vst v13;
	v43 =	vadd.f32 v28, v49;
	v28 =	vmul.f32 v4, v18;
	v13 =	vmul.f32 v29, v40;
	v40 =	vld [tilespmem:$0x1FDB0]  }
0x182: {  	v31 =	vadd.f32 v35, v19;
	v35 =	vmul.f32 v23, v52;
	v15 =	vmul.f32 v16, v52;
	v16 =	vld [tilespmem:$0x1FDE0]  }
0x183: {  	v46 =	vadd.f32 v46, v54;
	v23 =	vmul.f32 v30, v18;
	v17 =	vmul.f32 v17, v57  }
0x184: {  	[tilespmem:s11+$0x6770] =	vst v62;
	v62 =	vadd.f32 v0, v36;
	v0 =	vmul.f32 v22, v63;
	v22 =	vmul.f32 v44, v57  }
0x185: {  	[tilespmem:s11+$0x6750] =	vst v1;
	v1 =	vadd.f32 v35, v19;
	v35 =	vmul.f32 v55, v26;
	v17 =	vadd.f32 v17, v36  }
0x186: {  	v29 =	vld [tilespmem:$0x1FDD0];
	v51 =	vmul.f32 v7, v52;
	v5 =	vadd.f32 v15, v19;
	v15 =	vmul.f32 v6, v57  }
0x187: {  	v14 =	vmul.f32 v40, v57;
	v40 =	vadd.f32 v28, v49;
	v28 =	vmul.f32 v16, v52;
	[tilespmem:$0x1FEB0] =	vst v17;
	v17 =	vld [tilespmem:$0x1FE60]  }
0x188: {  	v13 =	vadd.f32 v13, v54;
	v35 =	vmul.f32 v35, v55;
	v51 =	vadd.f32 v51, v19  }
0x189: {  	v6 =	vadd.f32 v15, v36;
	v15 =	vmul.f32 v8, v57;
	v7 =	vadd.f32 v28, v19;
	v28 =	vld [tilespmem:$0x1FDF0]  }
0x18a: {  	v8 =	vadd.f32 v37, v54;
	v37 =	vmul.f32 v11, v63;
	[tilespmem:s11+$0x67A0] =	vst v51;
	v51 =	vadd.f32 v58, v49  }
0x18b: {  	v4 =	vadd.f32 v14, v36;
	v14 =	vmul.f32 v29, v63;
	v29 =	vmul.f32 v9, v52  }
0x18c: {  	v9 =	vadd.f32 v15, v36;
	v12 =	vadd.f32 v37, v54;
	v17 =	vmul.f32 v17, v63  }
0x18d: {  	v21 =	vld [tilespmem:s11+$0x6AD0];
	v15 =	vmul.f32 v10, v18;
	[tilespmem:s11+$0x6840] =	vst v8;
	v8 =	vadd.f32 v60, v19;
	v14 =	vadd.f32 v14, v54  }
0x18e: {  	v37 =	vld [tilespmem:$0x1FE10];
	v10 =	vadd.f32 v29, v19;
	[tilespmem:s11+$0x67D0] =	vst v4;
	v29 =	vmul.f32 v28, v57;
	v17 =	vadd.f32 v17, v54  }
0x18f: {  	v4 =	vmul.f32 v41, v18;
	v11 =	vadd.f32 v15, v49;
	v15 =	vld [tilespmem:$0x1FE00];
	[tilespmem:s11+$0x6800] =	vst v14;
	v14 =	vadd.f32 v3, v19  }
0x190: {  	v16 =	vadd.f32 v29, v36;
	v29 =	vadd.f32 v45, v19;
	v45 =	vld [tilespmem:$0x1FE20];
	[tilespmem:$0x1FEC0] =	vst v17;
	v17 =	vmul.f32 v25, v63  }
0x191: {  	[tilespmem:s11+$0x67C0] =	vst v13;
	v25 =	vmul.f32 v24, v57;
	v24 =	vmul.f32 v61, v63;
	v61 =	vadd.f32 v23, v49;
	v23 =	vld [tilespmem:s11+$0x6AE0]  }
0x192: {  	[tilespmem:s11+$0x67F0] =	vst v40;
	v40 =	vbroadcast v34, $0xE;
	v13 =	vadd.f32 v4, v49;
	v58 =	vadd.f32 v17, v54;
	v17 =	vld [tilespmem:s11+$0x6AC0]  }
0x193: {  	v30 =	vadd.f32 v25, v36;
	v25 =	vmul.f32 v20, v57;
	v20 =	vbroadcast v33, $0xE  }
0x194: {  	v3 =	vadd.f32 v0, v54;
	v4 =	vsub.f32 $1.500000000e+00, v35;
	v35 =	vld [tilespmem:$0x1FE80];
	[tilespmem:s11+$0x6870] =	vst v11;
	v11 =	vbroadcast v34, $0xF  }
0x195: {  	[tilespmem:s11+$0x6780] =	vst v2;
	v37 =	vmul.f32 v37, v63;
	v2 =	vadd.f32 v24, v54;
	v24 =	vld [tilespmem:s11+$0x6B00];
	v21 =	vsub.f32 v21, v20  }
0x196: {  	v15 =	vmul.f32 v15, v18;
	v28 =	vmul.f32 v45, v57;
	v45 =	vld [tilespmem:$0x1FE30];
	v23 =	vsub.f32 v23, v20  }
0x197: {  	[tilespmem:s11+$0x6910] =	vst v48;
	v60 =	vmul.f32 v21, v40;
	v21 =	vmul.f32 v4, v55;
	v17 =	vsub.f32 v17, v20  }
0x198: {  	[tilespmem:s11+$0x67E0] =	vst v5;
	v5 =	vadd.f32 v25, v36;
	v25 =	vmul.f32 v23, v40;
	v23 =	vbroadcast v33, $0xF  }
0x199: {  	[tilespmem:s11+$0x6810] =	vst v6;
	v0 =	vadd.f32 v22, v36;
	v55 =	vmul.f32 v21, v26;
	v6 =	vmul.f32 v17, v40;
	v17 =	vld [tilespmem:s11+$0x6AF0]  }
0x19a: {  	s29 =	sshll.u32 s12, $0xA;
	[tilespmem:s11+$0x6830] =	vst v39;
	v37 =	vadd.f32 v37, v54;
	v39 =	vmul.f32 v35, v18;
	v24 =	vsub.f32 v24, v23  }
0x19b: {  	s12 =	sand.u32 $0x3FFFFC00, s29;
	[tilespmem:s11+$0x6880] =	vst v12;
	v35 =	vld [tilespmem:s11+$0x6B10];
	v15 =	vadd.f32 v15, v49;
	v45 =	vmul.f32 v45, v18;
	v12 =	vmul.f32 v55, v21  }
0x19c: {  	v28 =	vadd.f32 v28, v36;
	[tilespmem:s11+$0x6A10] =	vst v30;
	v30 =	vbroadcast v32, $0x4;
	v22 =	vmul.f32 v24, v11;
	v24 =	vld [tilespmem:s12+$0x6750]  }
0x19d: {  	[tilespmem:s11+$0x6850] =	vst v9;
	v45 =	vadd.f32 v45, v49;
	v9 =	vmul.f32 v25, v52;
	v55 =	vsub.f32 $1.500000000e+00, v12  }
0x19e: {  	[tilespmem:s11+$0x6820] =	vst v7;
	v4 =	vadd.f32 v39, v49;
	v7 =	vmul.f32 v60, v57;
	v60 =	vld [tilespmem:s11+$0x6B30];
	v39 =	vsub.f32 v17, v20  }
0x19f: {  	[tilespmem:s11+$0x68E0] =	vst v38;
	v34 =	vadd.f32 v9, v19;
	v9 =	vbroadcast v32, $0x0;
	v17 =	vld [tilespmem:s11+$0x6B20];
	v33 =	vmul.f32 v55, v21  }
0x1a0: {  	[tilespmem:s11+$0x6860] =	vst v10;
	v26 =	vadd.f32 v7, v36;
	v6 =	vmul.f32 v6, v63;
	v20 =	vld [tilespmem:s12+$0x6740];
	v10 =	vmul.f32 v39, v40  }
0x1a1: {  	[tilespmem:s11+$0x6960] =	vst v50;
	v39 =	vsub.f32 v35, v23;
	v25 =	vbroadcast v33, $0x0;
	v35 =	vsub.f32 v24, v9  }
0x1a2: {  	[tilespmem:s11+$0x6940] =	vst v46;
	v6 =	vadd.f32 v6, v54;
	v7 =	vmul.f32 v22, v63;
	v21 =	vld [tilespmem:s12+$0x6770];
	v40 =	vmul.f32 v10, v18  }
0x1a3: {  	[tilespmem:s11+$0x6A70] =	vst v13;
	v60 =	vsub.f32 v60, v23;
	v12 =	vmul.f32 v39, v11;
	v10 =	vld [tilespmem:s12+$0x6760];
	v55 =	vmul.f32 v25, v35  }
0x1a4: {  	[tilespmem:s11+$0x68B0] =	vst v15;
	v24 =	vbroadcast v32, $0x1;
	v13 =	vbroadcast v33, $0x4;
	v39 =	vld [tilespmem:$0x1FE90];
	v15 =	vsub.f32 v17, v23  }
0x1a5: {  	[tilespmem:s11+$0x6890] =	vst v16;
	v35 =	vld [tilespmem:s12+$0x67A0];
	v20 =	vsub.f32 v20, v9;
	v16 =	vmul.f32 v12, v57;
	v17 =	vmul.f32 v55, v57  }
0x1a6: {  	[tilespmem:s11+$0x68C0] =	vst v37;
	v37 =	vadd.f32 v40, v49;
	v55 =	vbroadcast v33, $0x1;
	v15 =	vmul.f32 v15, v11  }
0x1a7: {  	[tilespmem:s11+$0x68A0] =	vst v29;
	v12 =	vadd.f32 v7, v54;
	v11 =	vmul.f32 v60, v11;
	v40 =	vmul.f32 v25, v20;
	v60 =	vld [tilespmem:s12+$0x6790]  }
0x1a8: {  	[tilespmem:s11+$0x68D0] =	vst v28;
	v28 =	vadd.f32 v16, v36;
	v46 =	vadd.f32 v17, v36;
	v38 =	vmul.f32 v15, v52;
	v15 =	vld [tilespmem:s12+$0x6780]  }
0x1a9: {  	v17 =	vbroadcast v33, $0x2;
	[tilespmem:s11+$0x6900] =	vst v39;
	v29 =	vmul.f32 v11, v18;
	v10 =	vsub.f32 v10, v9;
	v39 =	vld [tilespmem:s12+$0x67B0]  }
0x1aa: {  	[tilespmem:s11+$0x68F0] =	vst v45;
	v16 =	vmul.f32 v40, v63;
	v9 =	vsub.f32 v21, v9;
	v40 =	vld [tilespmem:$0x1FEB0];
	v11 =	vsub.f32 v35, v24  }
0x1ab: {  	v21 =	vbroadcast v32, $0x2;
	[tilespmem:s12+$0x6750] =	vst v46;
	v46 =	vbroadcast v32, $0x7;
	v45 =	vadd.f32 v38, v19;
	v38 =	vld [tilespmem:$0x1FEA0]  }
0x1ac: {  	[tilespmem:s11+$0x69A0] =	vst v53;
	v48 =	vadd.f32 v29, v49;
	v23 =	vmul.f32 v25, v10;
	v9 =	vmul.f32 v25, v9;
	v25 =	vld [tilespmem:s12+$0x67C0]  }
0x1ad: {  	[tilespmem:s11+$0x6930] =	vst v47;
	v47 =	vadd.f32 v16, v54;
	v11 =	vmul.f32 v55, v11;
	v20 =	vsub.f32 v60, v24;
	v60 =	vld [tilespmem:s12+$0x67D0]  }
0x1ae: {  	v50 =	vld [tilespmem:s12+$0x67F0];
	[tilespmem:s11+$0x6970] =	vst v56;
	v7 =	vmul.f32 v23, v52;
	v9 =	vmul.f32 v9, v18;
	v15 =	vsub.f32 v15, v24  }
0x1af: {  	[tilespmem:s11+$0x69B0] =	vst v59;
	v29 =	vld [tilespmem:$0x1FEC0];
	v11 =	vmul.f32 v11, v52;
	v10 =	vsub.f32 v39, v24;
	v35 =	vmul.f32 v55, v20  }
0x1b0: {  	[tilespmem:s11+$0x6950] =	vst v40;
	v39 =	vadd.f32 v7, v19;
	v40 =	vadd.f32 v9, v49;
	v9 =	vld [tilespmem:s12+$0x6810];
	v15 =	vmul.f32 v55, v15  }
0x1b1: {  	[tilespmem:s11+$0x6920] =	vst v38;
	v38 =	vld [tilespmem:s12+$0x67E0];
	v10 =	vmul.f32 v55, v10;
	v16 =	vsub.f32 v25, v21;
	v7 =	vmul.f32 v35, v57  }
0x1b2: {  	[tilespmem:s11+$0x6990] =	vst v42;
	v35 =	vld [tilespmem:s12+$0x6800];
	v25 =	vbroadcast v32, $0x3;
	v56 =	vsub.f32 v60, v21;
	v55 =	vmul.f32 v15, v63  }
0x1b3: {  	[tilespmem:s11+$0x69C0] =	vst v27;
	v23 =	vadd.f32 v11, v19;
	v15 =	vmul.f32 v17, v16;
	v59 =	vmul.f32 v10, v18  }
0x1b4: {  	[tilespmem:s11+$0x67B0] =	vst v43;
	v24 =	vadd.f32 v7, v36;
	v42 =	vmul.f32 v17, v56;
	v56 =	vsub.f32 v50, v21;
	v50 =	vld [tilespmem:s12+$0x6840]  }
0x1b5: {  	[tilespmem:s11+$0x6980] =	vst v29;
	v27 =	vadd.f32 v55, v54;
	v29 =	vmul.f32 v15, v63;
	v15 =	vld [tilespmem:s12+$0x6820];
	v22 =	vadd.f32 v59, v49  }
0x1b6: {  	[tilespmem:s11+$0x69E0] =	vst v31;
	v16 =	vbroadcast v33, $0x3;
	v9 =	vsub.f32 v9, v25;
	v55 =	vsub.f32 v38, v21;
	v38 =	vld [tilespmem:s12+$0x6830]  }
0x1b7: {  	[tilespmem:s11+$0x6A20] =	vst v1;
	v59 =	vmul.f32 v42, v57;
	v35 =	vsub.f32 v35, v25;
	v42 =	vmul.f32 v56, v17;
	v56 =	vld [tilespmem:s12+$0x6850]  }
0x1b8: {  	[tilespmem:s11+$0x6A60] =	vst v14;
	v21 =	vadd.f32 v29, v54;
	v9 =	vmul.f32 v9, v16;
	v60 =	vmul.f32 v55, v17  }
0x1b9: {  	[tilespmem:s11+$0x6A30] =	vst v61;
	v11 =	vadd.f32 v59, v36;
	v55 =	vmul.f32 v35, v16;
	v7 =	vmul.f32 v42, v18  }
0x1ba: {  	[tilespmem:s11+$0x6A00] =	vst v58;
	v58 =	vld [tilespmem:s12+$0x6860];
	v61 =	vmul.f32 v9, v57;
	v31 =	vsub.f32 v50, v30;
	v15 =	vsub.f32 v15, v25  }
0x1bb: {  	[tilespmem:s11+$0x6A50] =	vst v5;
	v53 =	vmul.f32 v60, v52;
	v59 =	vmul.f32 v55, v63;
	v25 =	vsub.f32 v38, v25  }
0x1bc: {  	[tilespmem:s12+$0x6740] =	vst v47;
	v47 =	vld [tilespmem:s12+$0x6920];
	v5 =	vadd.f32 v7, v49;
	v35 =	vsub.f32 v56, v30;
	v60 =	vmul.f32 v15, v16  }
0x1bd: {  	[tilespmem:s11+$0x6A80] =	vst v3;
	v1 =	vadd.f32 v53, v19;
	v15 =	vld [tilespmem:s12+$0x6870];
	v53 =	vmul.f32 v31, v13;
	v14 =	vmul.f32 v25, v16  }
0x1be: {  	[tilespmem:s11+$0x6A40] =	vst v2;
	v38 =	vld [tilespmem:s12+$0x6880];
	v2 =	vadd.f32 v59, v54;
	v55 =	vmul.f32 v35, v13;
	v10 =	vmul.f32 v60, v52  }
0x1bf: {  	[tilespmem:s11+$0x6A90] =	vst v0;
	v50 =	vld [tilespmem:s12+$0x6890];
	v59 =	vmul.f32 v53, v63;
	v42 =	vmul.f32 v14, v18;
	v14 =	vsub.f32 v58, v30  }
0x1c0: {  	[tilespmem:s11+$0x6AB0] =	vst v4;
	v3 =	vadd.f32 v61, v36;
	v58 =	vld [tilespmem:s12+$0x68A0];
	v60 =	vmul.f32 v55, v57;
	v0 =	vadd.f32 v10, v19  }
0x1c1: {  	[tilespmem:s11+$0x6AF0] =	vst v37;
	v37 =	vld [tilespmem:s12+$0x68E0];
	v4 =	vadd.f32 v59, v54;
	v56 =	vmul.f32 v14, v13;
	v14 =	vbroadcast v32, $0x5  }
0x1c2: {  	[tilespmem:s11+$0x69D0] =	vst v62;
	v29 =	vbroadcast v33, $0x5;
	v7 =	vadd.f32 v42, v49;
	v9 =	vsub.f32 v15, v30;
	v15 =	vld [tilespmem:s12+$0x68B0]  }
0x1c3: {  	[tilespmem:s11+$0x69F0] =	vst v51;
	v10 =	vadd.f32 v60, v36;
	v42 =	vld [tilespmem:s12+$0x6900];
	v61 =	vmul.f32 v56, v52;
	v30 =	vsub.f32 v38, v14  }
0x1c4: {  	[tilespmem:s11+$0x6AC0] =	vst v6;
	v31 =	vld [tilespmem:s12+$0x68C0];
	v9 =	vmul.f32 v9, v13;
	v13 =	vsub.f32 v50, v14;
	v50 =	vbroadcast v33, $0x7  }
0x1c5: {  	[tilespmem:s11+$0x6B00] =	vst v12;
	v35 =	vld [tilespmem:s12+$0x68D0];
	v17 =	vsub.f32 v58, v14;
	v58 =	vsub.f32 v47, v46;
	v16 =	vmul.f32 v30, v29  }
0x1c6: {  	[tilespmem:s11+$0x6B10] =	vst v28;
	v38 =	vld [tilespmem:s12+$0x68F0];
	v6 =	vadd.f32 v61, v19;
	v9 =	vmul.f32 v9, v18;
	v13 =	vmul.f32 v13, v29  }
0x1c7: {  	[tilespmem:s11+$0x6B30] =	vst v48;
	v48 =	vld [tilespmem:s12+$0x6930];
	v14 =	vsub.f32 v15, v14;
	v15 =	vbroadcast v32, $0x6;
	v17 =	vmul.f32 v17, v29  }
0x1c8: {  	[tilespmem:s11+$0x6B20] =	vst v45;
	v45 =	vld [tilespmem:s12+$0x6910];
	v28 =	vsub.f32 v42, v46;
	v12 =	vmul.f32 v16, v63;
	v13 =	vmul.f32 v13, v57  }
0x1c9: {  	[tilespmem:s11+$0x6AA0] =	vst v8;
	v9 =	vadd.f32 v9, v49;
	v8 =	vmul.f32 v14, v29;
	v14 =	vbroadcast v33, $0x6  }
0x1ca: {  	[tilespmem:s11+$0x6AD0] =	vst v26;
	v20 =	vsub.f32 v31, v15;
	v17 =	vmul.f32 v17, v52;
	v25 =	vsub.f32 v35, v15  }
0x1cb: {  	[tilespmem:s11+$0x6AE0] =	vst v34;
	v59 =	vld [tilespmem:s12+$0x6960];
	v16 =	vsub.f32 v37, v15;
	v15 =	vsub.f32 v38, v15;
	v53 =	vmul.f32 v28, v50  }
0x1cc: {  	[tilespmem:s12+$0x6760] =	vst v39;
	v56 =	vld [tilespmem:s12+$0x6950];
	v31 =	vsub.f32 v48, v46;
	v35 =	vbroadcast v32, $0x8;
	v48 =	vbroadcast v32, $0x9  }
0x1cd: {  	[tilespmem:s12+$0x6770] =	vst v40;
	v29 =	vsub.f32 v45, v46;
	v8 =	vmul.f32 v8, v18;
	v20 =	vmul.f32 v20, v14  }
0x1ce: {  	[tilespmem:s12+$0x67A0] =	vst v23;
	v12 =	vadd.f32 v12, v54;
	v25 =	vmul.f32 v25, v14;
	v16 =	vmul.f32 v16, v14  }
0x1cf: {  	[tilespmem:s12+$0x6790] =	vst v24;
	v13 =	vadd.f32 v13, v36;
	v14 =	vmul.f32 v15, v14;
	v55 =	vmul.f32 v29, v50  }
0x1d0: {  	[tilespmem:s12+$0x6780] =	vst v27;
	v17 =	vadd.f32 v17, v19;
	v60 =	vmul.f32 v53, v63;
	v37 =	vmul.f32 v31, v50  }
0x1d1: {  	[tilespmem:s12+$0x67B0] =	vst v22;
	v15 =	vld [tilespmem:s12+$0x6940];
	v42 =	vsub.f32 v56, v35;
	v45 =	vsub.f32 v59, v35;
	v20 =	vmul.f32 v20, v63  }
0x1d2: {  	[tilespmem:s12+$0x67C0] =	vst v21;
	v8 =	vadd.f32 v8, v49;
	v14 =	vmul.f32 v14, v18;
	v61 =	vmul.f32 v55, v57;
	v55 =	vld [tilespmem:s12+$0x69A0]  }
0x1d3: {  	v34 =	vld [tilespmem:s12+$0x6970];
	[tilespmem:s12+$0x67E0] =	vst v1;
	v25 =	vmul.f32 v25, v57;
	v16 =	vmul.f32 v16, v52;
	v1 =	vadd.f32 v60, v54  }
0x1d4: {  	[tilespmem:s12+$0x67D0] =	vst v11;
	v20 =	vadd.f32 v20, v54;
	v11 =	vadd.f32 v14, v49;
	v14 =	vmul.f32 v58, v50  }
0x1d5: {  	v38 =	vld [tilespmem:s12+$0x6980];
	[tilespmem:s12+$0x6890] =	vst v13;
	v13 =	vbroadcast v33, $0xA;
	v23 =	vadd.f32 v25, v36;
	v16 =	vadd.f32 v16, v19  }
0x1d6: {  	[tilespmem:s12+$0x67F0] =	vst v5;
	v46 =	vld [tilespmem:s12+$0x6990];
	v15 =	vsub.f32 v15, v35;
	v39 =	vmul.f32 v14, v52;
	v14 =	vbroadcast v33, $0x8  }
0x1d7: {  	[tilespmem:s12+$0x6880] =	vst v12;
	v40 =	vmul.f32 v37, v18;
	v21 =	vadd.f32 v61, v36;
	v58 =	vld [tilespmem:s12+$0x69B0];
	v12 =	vsub.f32 v55, v48  }
0x1d8: {  	[tilespmem:s12+$0x6810] =	vst v3;
	v28 =	vld [tilespmem:s12+$0x69C0];
	v55 =	vbroadcast v33, $0xB;
	v47 =	vmul.f32 v15, v14;
	v15 =	vsub.f32 v34, v35  }
0x1d9: {  	[tilespmem:s12+$0x6800] =	vst v2;
	v30 =	vld [tilespmem:s12+$0x69D0];
	v2 =	vadd.f32 v40, v49;
	v50 =	vmul.f32 v42, v14;
	v53 =	vmul.f32 v45, v14  }
0x1da: {  	[tilespmem:s12+$0x6820] =	vst v0;
	v37 =	vld [tilespmem:s12+$0x69F0];
	v0 =	vadd.f32 v39, v19;
	v35 =	vbroadcast v32, $0xA;
	v56 =	vmul.f32 v15, v14  }
0x1db: {  	[tilespmem:s12+$0x6840] =	vst v4;
	v14 =	vbroadcast v33, $0x9;
	v15 =	vsub.f32 v38, v48;
	v3 =	vmul.f32 v47, v63  }
0x1dc: {  	[tilespmem:s12+$0x6830] =	vst v7;
	v22 =	vsub.f32 v58, v48;
	v59 =	vmul.f32 v50, v57;
	v60 =	vmul.f32 v53, v52  }
0x1dd: {  	[tilespmem:s12+$0x6850] =	vst v10;
	v38 =	vsub.f32 v28, v35;
	v61 =	vmul.f32 v15, v14;
	v15 =	vsub.f32 v46, v48  }
0x1de: {  	[tilespmem:s12+$0x6860] =	vst v6;
	v42 =	vld [tilespmem:s12+$0x6A10];
	v7 =	vsub.f32 v30, v35;
	v29 =	vmul.f32 v56, v18;
	v12 =	vmul.f32 v12, v14  }
0x1df: {  	[tilespmem:s12+$0x6870] =	vst v9;
	v45 =	vsub.f32 v37, v35;
	v40 =	vmul.f32 v22, v14;
	v34 =	vmul.f32 v15, v14;
	v15 =	vld [tilespmem:s12+$0x69E0]  }
0x1e0: {  	[tilespmem:s12+$0x68A0] =	vst v17;
	v53 =	vld [tilespmem:s12+$0x6A30];
	v3 =	vadd.f32 v3, v54;
	v17 =	vmul.f32 v38, v13;
	v7 =	vmul.f32 v7, v13  }
0x1e1: {  	[tilespmem:s12+$0x68B0] =	vst v8;
	v4 =	vadd.f32 v59, v36;
	v48 =	vbroadcast v32, $0xB;
	v22 =	vbroadcast v33, $0xE  }
0x1e2: {  	[tilespmem:s12+$0x6900] =	vst v1;
	v5 =	vadd.f32 v60, v19;
	v31 =	vmul.f32 v61, v63;
	v12 =	vmul.f32 v12, v52  }
0x1e3: {  	[tilespmem:s12+$0x68C0] =	vst v20;
	v6 =	vadd.f32 v29, v49;
	v14 =	vld [tilespmem:s12+$0x6A00];
	v47 =	vmul.f32 v17, v63;
	v7 =	vmul.f32 v7, v57  }
0x1e4: {  	[tilespmem:s12+$0x68D0] =	vst v23;
	v46 =	vld [tilespmem:s12+$0x6A20];
	v20 =	vsub.f32 v42, v48;
	v29 =	vbroadcast v33, $0xC;
	v15 =	vsub.f32 v15, v35  }
0x1e5: {  	[tilespmem:s12+$0x68F0] =	vst v11;
	v11 =	vsub.f32 v53, v48;
	v9 =	vadd.f32 v31, v54;
	v10 =	vmul.f32 v34, v57  }
0x1e6: {  	[tilespmem:s12+$0x68E0] =	vst v16;
	v12 =	vadd.f32 v12, v19;
	v50 =	vadd.f32 v47, v54;
	v15 =	vmul.f32 v15, v13  }
0x1e7: {  	v26 =	vld [tilespmem:s12+$0x6A60];
	[tilespmem:s12+$0x6910] =	vst v21;
	v31 =	vmul.f32 v11, v55;
	v39 =	vadd.f32 v10, v36;
	v13 =	vmul.f32 v45, v13  }
0x1e8: {  	[tilespmem:s12+$0x6930] =	vst v2;
	v56 =	vld [tilespmem:s12+$0x6A40];
	v10 =	vmul.f32 v40, v18;
	v14 =	vsub.f32 v14, v48;
	v15 =	vmul.f32 v15, v52  }
0x1e9: {  	v60 =	vld [tilespmem:s12+$0x6A50];
	[tilespmem:s12+$0x6970] =	vst v6;
	v6 =	vmul.f32 v31, v18;
	v59 =	vmul.f32 v13, v18;
	v13 =	vsub.f32 v46, v48  }
0x1ea: {  	[tilespmem:s12+$0x6920] =	vst v0;
	v14 =	vmul.f32 v14, v55;
	v61 =	vadd.f32 v15, v19;
	v15 =	vmul.f32 v20, v55  }
0x1eb: {  	[tilespmem:s12+$0x6940] =	vst v3;
	v58 =	vadd.f32 v7, v36;
	v25 =	vmul.f32 v13, v55;
	v13 =	vbroadcast v32, $0xC  }
0x1ec: {  	[tilespmem:s12+$0x6950] =	vst v4;
	v53 =	vld [tilespmem:s12+$0x6AD0];
	v10 =	vadd.f32 v10, v49;
	v6 =	vadd.f32 v6, v49;
	v27 =	vmul.f32 v14, v63  }
0x1ed: {  	[tilespmem:s12+$0x6960] =	vst v5;
	v24 =	vadd.f32 v59, v49;
	v14 =	vmul.f32 v15, v57;
	v15 =	vld [tilespmem:s12+$0x6A70];
	v30 =	vsub.f32 v56, v13  }
0x1ee: {  	v47 =	vbroadcast v33, $0xD;
	[tilespmem:s12+$0x6980] =	vst v9;
	v34 =	vsub.f32 v60, v13;
	v40 =	vsub.f32 v26, v13;
	v26 =	vld [tilespmem:s12+$0x6B20]  }
0x1ef: {  	v38 =	vld [tilespmem:s12+$0x6A90];
	v4 =	vadd.f32 v27, v54;
	v28 =	vmul.f32 v25, v52;
	[tilespmem:s12+$0x69E0] =	vst v61;
	v61 =	vbroadcast v32, $0xE  }
0x1f0: {  	[tilespmem:s12+$0x6990] =	vst v39;
	v45 =	vld [tilespmem:s12+$0x6AB0];
	v37 =	vadd.f32 v14, v36;
	v14 =	vmul.f32 v30, v29;
	v39 =	vmul.f32 v34, v29  }
0x1f1: {  	[tilespmem:s12+$0x69A0] =	vst v12;
	v35 =	vld [tilespmem:s12+$0x6A80];
	v5 =	vadd.f32 v28, v19;
	v42 =	vmul.f32 v40, v29;
	v30 =	vbroadcast v32, $0xF  }
0x1f2: {  	[tilespmem:s12+$0x69C0] =	vst v50;
	v16 =	vsub.f32 v53, v61;
	v12 =	vmul.f32 v14, v63;
	v14 =	vbroadcast v32, $0xD  }
0x1f3: {  	[tilespmem:s12+$0x69D0] =	vst v58;
	v8 =	vmul.f32 v39, v57;
	v13 =	vsub.f32 v15, v13;
	v15 =	vld [tilespmem:s12+$0x6AA0];
	v39 =	vsub.f32 v26, v30  }
0x1f4: {  	v48 =	vld [tilespmem:s12+$0x6AC0];
	[tilespmem:s12+$0x6A10] =	vst v37;
	v37 =	vbroadcast v33, $0xF;
	v50 =	vadd.f32 v12, v54;
	v12 =	vsub.f32 v38, v14  }
0x1f5: {  	v23 =	vld [tilespmem:s12+$0x6B10];
	[tilespmem:s12+$0x69B0] =	vst v10;
	v10 =	vmul.f32 v42, v52;
	v55 =	vadd.f32 v8, v36;
	v11 =	vsub.f32 v45, v14  }
0x1f6: {  	[tilespmem:s12+$0x6A30] =	vst v6;
	v46 =	vmul.f32 v13, v29;
	v13 =	vsub.f32 v35, v14;
	v53 =	vmul.f32 v39, v37  }
0x1f7: {  	[tilespmem:s12+$0x69F0] =	vst v24;
	v58 =	vadd.f32 v10, v19;
	v59 =	vmul.f32 v12, v47;
	v7 =	vmul.f32 v11, v47  }
0x1f8: {  	[tilespmem:s12+$0x6A00] =	vst v4;
	v1 =	vmul.f32 v46, v18;
	v56 =	vmul.f32 v13, v47;
	v13 =	vld [tilespmem:s12+$0x6AE0];
	v12 =	vsub.f32 v15, v14  }
0x1f9: {  	[tilespmem:s12+$0x6A20] =	vst v5;
	v15 =	vld [tilespmem:s12+$0x6AF0];
	v20 =	vmul.f32 v59, v57;
	v14 =	vsub.f32 v48, v61;
	v34 =	vmul.f32 v7, v18  }
0x1fa: {  	v38 =	vsub.f32 v23, v30;
	[tilespmem:s12+$0x6A40] =	vst v50;
	v59 =	vmul.f32 v53, v52;
	v60 =	vmul.f32 v56, v63  }
0x1fb: {  	[tilespmem:s12+$0x6A50] =	vst v55;
	v1 =	vadd.f32 v1, v49;
	v21 =	vmul.f32 v12, v47;
	v12 =	vld [tilespmem:s12+$0x6B00];
	v27 =	vmul.f32 v14, v22  }
0x1fc: {  	[tilespmem:s12+$0x6A60] =	vst v58;
	v14 =	vld [tilespmem:s12+$0x6B30];
	v32 =	vadd.f32 v20, v36;
	v47 =	vmul.f32 v38, v37;
	v28 =	vadd.f32 v60, v54  }
0x1fd: {  	[tilespmem:s12+$0x6A70] =	vst v1;
	v1 =	vadd.f32 v34, v49;
	v24 =	vmul.f32 v21, v52;
	v25 =	vsub.f32 v13, v61  }
0x1fe: {  	v13 =	vmul.f32 v16, v22;
	v0 =	vmul.f32 v27, v63;
	[tilespmem:s12+$0x6A90] =	vst v32;
	v8 =	vsub.f32 v15, v61  }
0x1ff: {  	[tilespmem:s12+$0x6A80] =	vst v28;
	v61 =	vadd.f32 v59, v19;
	v29 =	vmul.f32 v25, v22;
	v6 =	vadd.f32 v24, v19  }
0x200: {  	[tilespmem:s12+$0x6AB0] =	vst v1;
	v42 =	vmul.f32 v13, v57;
	v0 =	vadd.f32 v0, v54;
	v35 =	vsub.f32 v12, v30  }
0x201: {  	v57 =	vmul.f32 v47, v57;
	v31 =	vmul.f32 v8, v22;
	v40 =	vsub.f32 v14, v30;
	[tilespmem:s12+$0x6B20] =	vst v61  }
0x202: {  	[tilespmem:s12+$0x6AA0] =	vst v6;
	v4 =	vmul.f32 v29, v52;
	v46 =	vadd.f32 v42, v36;
	v45 =	vmul.f32 v35, v37  }
0x203: {  	[tilespmem:s12+$0x6AC0] =	vst v0;
	v60 =	vadd.f32 v57, v36;
	v3 =	vmul.f32 v31, v18;
	v55 =	vmul.f32 v40, v37  }
0x204: {  	p2 =	slt.u32 s9, $0x16;
	v48 =	vadd.f32 v4, v19;
	[tilespmem:s12+$0x6AD0] =	vst v46;
	v50 =	vmul.f32 v45, v63  }
.Ltmp3:
0x205: {  	v44 =	vld [tilespmem:$0x1FFD0];
	[tilespmem:s12+$0x6B10] =	vst v60;
	v56 =	vadd.f32 v3, v49;
	v1 =	vmul.f32 v55, v18;
	(pc) =	sbr.rel @p2 .LBB2_8-.Ltmp3, $4  }
0x206: {  	v43 =	vld [tilespmem:$0x1FFC0];
	[tilespmem:s12+$0x6AE0] =	vst v48;
	v58 =	vadd.f32 v50, v54  }
0x207: {  	v62 =	vld [tilespmem:$0x1FFB0];
	[tilespmem:s12+$0x6AF0] =	vst v56;
	v1 =	vadd.f32 v1, v49  }
0x208: {  	s30 =	sadd.s32 $0x2, s9;
	v51 =	vld [tilespmem:$0x1FFE0];
	[tilespmem:s12+$0x6B00] =	vst v58  }
0x209: {  	s9 =	smov.u32 s30;
	v41 =	vld [tilespmem:$0x1FFA0];
	v13 =	vmov v63;
	[tilespmem:s12+$0x6B30] =	vst v1  }
0x20a: {  	_ =	sdelay $0x3  }
0x20b: {  	v1 =	vadd.s32 $0x1980, v41;
	_ =	sdelay $0x1  }
0x20c: {  	v3 =	vadd.s32 $0x1981, v41;
	_ =	sdelay $0x1  }
0x20d: {  	v5 =	vadd.s32 $0x1982, v41  }
0x20e: {  	v0 =	vld.idx.msk [tilespmem:v1+s0+$0x0], $0xffff  }
0x20f: {  	v7 =	vadd.s32 $0x1983, v41;
	[tilespmem:$0x1FB60] =	vst v1;
	v1 =	vld.idx.msk [tilespmem:v1+s2+$0x0], $0xffff  }
0x210: {  	v2 =	vld.idx.msk [tilespmem:v3+s0+$0x0], $0xffff  }
0x211: {  	v10 =	vadd.s32 $0x1984, v41;
	[tilespmem:$0x1FB70] =	vst v3;
	v3 =	vld.idx.msk [tilespmem:v3+s2+$0x0], $0xffff  }
0x212: {  	v4 =	vld.idx.msk [tilespmem:v5+s0+$0x0], $0xffff  }
0x213: {  	v8 =	vadd.s32 $0x1985, v41;
	[tilespmem:$0x1FB80] =	vst v5;
	v5 =	vld.idx.msk [tilespmem:v5+s2+$0x0], $0xffff  }
0x214: {  	v6 =	vld.idx.msk [tilespmem:v7+s0+$0x0], $0xffff  }
0x215: {  	v9 =	vadd.s32 $0x1986, v41;
	v0 =	vadd.f32 v2, v0;
	v2 =	vld.idx.msk [tilespmem:v7+s2+$0x0], $0xffff  }
0x216: {  	[tilespmem:$0x1FB90] =	vst v7;
	v7 =	vld.idx.msk [tilespmem:v10+s0+$0x0], $0xffff  }
0x217: {  	[tilespmem:$0x1FBA0] =	vst v10;
	v1 =	vadd.f32 v3, v1;
	v3 =	vld.idx.msk [tilespmem:v10+s2+$0x0], $0xffff;
	v10 =	vadd.s32 $0x1987, v41;
	v0 =	vadd.f32 v4, v0  }
0x218: {  	v4 =	vld.idx.msk [tilespmem:v8+s0+$0x0], $0xffff  }
0x219: {  	[tilespmem:$0x1FBB0] =	vst v8;
	v1 =	vadd.f32 v5, v1;
	v5 =	vld.idx.msk [tilespmem:v8+s2+$0x0], $0xffff;
	v8 =	vadd.s32 $0x1988, v41;
	v0 =	vadd.f32 v6, v0  }
0x21a: {  	v6 =	vld.idx.msk [tilespmem:v9+s0+$0x0], $0xffff  }
0x21b: {  	[tilespmem:$0x1FBC0] =	vst v9;
	v1 =	vadd.f32 v2, v1;
	v2 =	vld.idx.msk [tilespmem:v9+s2+$0x0], $0xffff;
	v9 =	vadd.s32 $0x1989, v41;
	v0 =	vadd.f32 v7, v0  }
0x21c: {  	v7 =	vld.idx.msk [tilespmem:v10+s0+$0x0], $0xffff  }
0x21d: {  	[tilespmem:$0x1FBD0] =	vst v10;
	v1 =	vadd.f32 v3, v1;
	v3 =	vld.idx.msk [tilespmem:v10+s2+$0x0], $0xffff;
	v10 =	vadd.s32 $0x198A, v41;
	v0 =	vadd.f32 v4, v0  }
0x21e: {  	v4 =	vld.idx.msk [tilespmem:v8+s0+$0x0], $0xffff  }
0x21f: {  	[tilespmem:$0x1FBE0] =	vst v8;
	v1 =	vadd.f32 v5, v1;
	v5 =	vld.idx.msk [tilespmem:v8+s2+$0x0], $0xffff;
	v8 =	vadd.s32 $0x198B, v41;
	v0 =	vadd.f32 v6, v0  }
0x220: {  	v6 =	vld.idx.msk [tilespmem:v9+s0+$0x0], $0xffff  }
0x221: {  	[tilespmem:$0x1FBF0] =	vst v9;
	v1 =	vadd.f32 v2, v1;
	v2 =	vld.idx.msk [tilespmem:v9+s2+$0x0], $0xffff;
	v9 =	vadd.s32 $0x198C, v41;
	v0 =	vadd.f32 v7, v0  }
0x222: {  	v7 =	vld.idx.msk [tilespmem:v10+s0+$0x0], $0xffff  }
0x223: {  	[tilespmem:$0x1FC00] =	vst v10;
	v1 =	vadd.f32 v3, v1;
	v3 =	vld.idx.msk [tilespmem:v10+s2+$0x0], $0xffff;
	v10 =	vadd.s32 $0x198D, v41;
	v0 =	vadd.f32 v4, v0  }
0x224: {  	v4 =	vld.idx.msk [tilespmem:v8+s0+$0x0], $0xffff  }
0x225: {  	[tilespmem:$0x1FC10] =	vst v8;
	v1 =	vadd.f32 v5, v1;
	v5 =	vld.idx.msk [tilespmem:v8+s2+$0x0], $0xffff;
	v8 =	vadd.s32 $0x198E, v41;
	v0 =	vadd.f32 v6, v0  }
0x226: {  	v6 =	vld.idx.msk [tilespmem:v9+s0+$0x0], $0xffff  }
0x227: {  	[tilespmem:$0x1FC20] =	vst v9;
	v1 =	vadd.f32 v2, v1;
	v2 =	vld.idx.msk [tilespmem:v9+s2+$0x0], $0xffff;
	v9 =	vadd.s32 $0x198F, v41;
	v0 =	vadd.f32 v7, v0  }
0x228: {  	v7 =	vld.idx.msk [tilespmem:v10+s0+$0x0], $0xffff  }
0x229: {  	v1 =	vadd.f32 v3, v1;
	v3 =	vld.idx.msk [tilespmem:v10+s2+$0x0], $0xffff;
	v0 =	vadd.f32 v4, v0  }
0x22a: {  	v4 =	vld.idx.msk [tilespmem:v8+s0+$0x0], $0xffff  }
0x22b: {  	v1 =	vadd.f32 v5, v1;
	v5 =	vld.idx.msk [tilespmem:v8+s2+$0x0], $0xffff;
	v0 =	vadd.f32 v6, v0  }
0x22c: {  	v6 =	vld.idx.msk [tilespmem:v9+s0+$0x0], $0xffff  }
0x22d: {  	v1 =	vadd.f32 v2, v1;
	v0 =	vadd.f32 v7, v0  }
0x22e: {  	v2 =	vld.idx.msk [tilespmem:v9+s2+$0x0], $0xffff  }
0x22f: {  	v1 =	vadd.f32 v3, v1;
	v0 =	vadd.f32 v4, v0;
	_ =	sdelay $0x1  }
0x230: {  	v1 =	vadd.f32 v5, v1;
	v0 =	vadd.f32 v6, v0;
	_ =	sdelay $0x1  }
0x231: {  	v1 =	vadd.f32 v2, v1;
	v48 =	vmul.f32 $1.562500000e-02, v0;
	_ =	sdelay $0x1  }
0x232: {  	v0 =	vmul.f32 $1.562500000e-02, v1;
	v1 =	vmul.f32 v48, v48;
	_ =	sdelay $0x1  }
0x233: {  	v0 =	vsub.f32 v0, v1;
	_ =	sdelay $0x1  }
0x234: {  	v0 =	vadd.f32 $9.999999960e-13, v0;
	_ =	sdelay $0x1  }
0x235: {  	v1 =	vshra.s32 v0, $0x1;
	v0 =	vmul.f32 $5.000000000e-01, v0  }
0x236: {  	v1 =	vsub.s32 $0x5F3759DF, v1  }
0x237: {  	v2 =	vmul.f32 v1, v0;
	_ =	sdelay $0x1  }
0x238: {  	v2 =	vmul.f32 v1, v2;
	_ =	sdelay $0x1  }
0x239: {  	v2 =	vsub.f32 $1.500000000e+00, v2;
	_ =	sdelay $0x1  }
0x23a: {  	v1 =	vmul.f32 v1, v2;
	_ =	sdelay $0x1  }
0x23b: {  	v2 =	vmul.f32 v1, v0;
	_ =	sdelay $0x1  }
0x23c: {  	v2 =	vmul.f32 v2, v1;
	_ =	sdelay $0x1  }
0x23d: {  	v2 =	vsub.f32 $1.500000000e+00, v2  }
0x23e: {  	v57 =	vld [tilespmem:$0x1FED0]  }
0x23f: {  	v36 =	vld [tilespmem:$0x1FEE0];
	v1 =	vmul.f32 v2, v1  }
0x240: {  	v11 =	vld [tilespmem:$0xC7C0]  }
0x241: {  	v54 =	vld [tilespmem:$0x1FF00];
	v0 =	vmul.f32 v1, v0  }
0x242: {  	v58 =	vld [tilespmem:$0x1FF10]  }
0x243: {  	v18 =	vld [tilespmem:$0x1FF20];
	v0 =	vmul.f32 v0, v1  }
0x244: {  	v3 =	vld [tilespmem:$0xC750]  }
0x245: {  	v2 =	vld [tilespmem:$0xC740];
	v0 =	vsub.f32 $1.500000000e+00, v0  }
0x246: {  	v4 =	vld [tilespmem:$0xC760]  }
0x247: {  	[tilespmem:$0x1FC40] =	vst v8;
	v8 =	vbroadcast v48, $0x1;
	v35 =	vmul.f32 v0, v1;
	v1 =	vld [tilespmem:$0xC770]  }
0x248: {  	v16 =	vld [tilespmem:$0xC820];
	v17 =	vbroadcast v48, $0x3;
	v0 =	vbroadcast v48, $0x0  }
0x249: {  	v6 =	vld [tilespmem:$0xC780];
	v26 =	vbroadcast v48, $0x5;
	v40 =	vbroadcast v48, $0xB  }
0x24a: {  	[tilespmem:$0x1FC50] =	vst v9;
	v9 =	vld [tilespmem:$0xC7A0];
	v5 =	vbroadcast v35, $0x0;
	v2 =	vsub.f32 v2, v0;
	v3 =	vsub.f32 v3, v0  }
0x24b: {  	[tilespmem:$0x1FC30] =	vst v10;
	v7 =	vld [tilespmem:$0xC790];
	v4 =	vsub.f32 v4, v0;
	v10 =	vbroadcast v35, $0x1;
	v42 =	vbroadcast v35, $0x2  }
0x24c: {  	v20 =	vbroadcast v35, $0x3;
	v23 =	vbroadcast v35, $0x4;
	v0 =	vsub.f32 v1, v0;
	v1 =	vld [tilespmem:$0xC7B0]  }
0x24d: {  	v14 =	vld [tilespmem:$0xC800];
	v28 =	vbroadcast v35, $0x5;
	v31 =	vbroadcast v35, $0x6  }
0x24e: {  	v15 =	vld [tilespmem:$0xC810];
	v6 =	vsub.f32 v6, v8;
	v37 =	vbroadcast v35, $0x9;
	v2 =	vmul.f32 v5, v2  }
0x24f: {  	v24 =	vld [tilespmem:$0xC880];
	v16 =	vsub.f32 v16, v17;
	v3 =	vmul.f32 v5, v3;
	v4 =	vmul.f32 v5, v4  }
0x250: {  	v52 =	vld [tilespmem:$0x1FEF0];
	v0 =	vmul.f32 v5, v0;
	v5 =	vmul.f32 v10, v6;
	v6 =	vsub.f32 v7, v8  }
0x251: {  	v12 =	vld [tilespmem:$0xC7D0];
	v16 =	vmul.f32 v16, v20;
	v7 =	vsub.f32 v9, v8;
	v1 =	vsub.f32 v1, v8  }
0x252: {  	v14 =	vsub.f32 v14, v17;
	v2 =	vmul.f32 v2, v13;
	v6 =	vmul.f32 v10, v6;
	v8 =	vld [tilespmem:$0xC7E0]  }
0x253: {  	v45 =	vsub.f32 v15, v17;
	v7 =	vmul.f32 v10, v7;
	v1 =	vmul.f32 v10, v1;
	v10 =	vld [tilespmem:$0xC7F0]  }
0x254: {  	v24 =	vsub.f32 v24, v26;
	v3 =	vmul.f32 v3, v57;
	v16 =	vmul.f32 v16, v36  }
0x255: {  	v14 =	vmul.f32 v14, v20;
	v9 =	vbroadcast v48, $0x2;
	v2 =	vadd.f32 v2, v54  }
0x256: {  	v33 =	vmovc v13;
	v19 =	vld [tilespmem:$0x1FF30];
	v4 =	vmul.f32 v4, v36;
	v3 =	vadd.f32 v3, v58;
	v16 =	vadd.f32 v16, v18  }
0x257: {  	v14 =	vmul.f32 v14, v33;
	v11 =	vsub.f32 v11, v9;
	v12 =	vsub.f32 v12, v9  }
0x258: {  	v0 =	vmul.f32 v0, v52;
	v8 =	vsub.f32 v8, v9;
	v9 =	vsub.f32 v10, v9;
	v10 =	vld [tilespmem:$0xC830]  }
0x259: {  	v4 =	vadd.f32 v4, v18;
	v5 =	vmul.f32 v5, v13;
	v13 =	vmul.f32 v45, v20  }
0x25a: {  	v14 =	vadd.f32 v14, v54;
	[tilespmem:$0xC820] =	vst v16;
	v16 =	vbroadcast v48, $0x9;
	v6 =	vmul.f32 v6, v57  }
0x25b: {  	v46 =	vld [tilespmem:$0xC840];
	v0 =	vadd.f32 v0, v19;
	v7 =	vmul.f32 v7, v36;
	v11 =	vmul.f32 v42, v11  }
0x25c: {  	v21 =	vld [tilespmem:$0xC850];
	v5 =	vadd.f32 v5, v54;
	v12 =	vmul.f32 v42, v12;
	v13 =	vmul.f32 v13, v57  }
0x25d: {  	v22 =	vld [tilespmem:$0xC860];
	v6 =	vadd.f32 v6, v58;
	v11 =	vmul.f32 v11, v33;
	v10 =	vsub.f32 v10, v17  }
0x25e: {  	v7 =	vadd.f32 v7, v18;
	v12 =	vmul.f32 v12, v57;
	v8 =	vmul.f32 v8, v42  }
0x25f: {  	v13 =	vadd.f32 v13, v58;
	v17 =	vbroadcast v48, $0x4;
	v10 =	vmul.f32 v10, v20;
	v20 =	vld [tilespmem:$0xC870]  }
0x260: {  	v1 =	vmul.f32 v1, v52;
	v11 =	vadd.f32 v11, v54;
	v9 =	vmul.f32 v9, v42  }
0x261: {  	v12 =	vadd.f32 v12, v58;
	v8 =	vmul.f32 v8, v36;
	v15 =	vsub.f32 v46, v17  }
0x262: {  	v25 =	vld [tilespmem:$0xC890];
	v9 =	vmul.f32 v9, v52;
	v21 =	vsub.f32 v21, v17;
	v22 =	vsub.f32 v22, v17  }
0x263: {  	v27 =	vld [tilespmem:$0xC8A0];
	v1 =	vadd.f32 v1, v19;
	v10 =	vmul.f32 v10, v52;
	v15 =	vmul.f32 v15, v23  }
0x264: {  	v21 =	vmul.f32 v21, v23;
	v22 =	vmul.f32 v22, v23;
	v17 =	vsub.f32 v20, v17;
	v20 =	vld [tilespmem:$0xC8B0]  }
0x265: {  	v29 =	vld [tilespmem:$0xC8C0];
	v8 =	vadd.f32 v8, v18;
	v9 =	vadd.f32 v9, v19;
	v15 =	vmul.f32 v15, v33  }
0x266: {  	v10 =	vadd.f32 v10, v19;
	v21 =	vmul.f32 v21, v57;
	v22 =	vmul.f32 v22, v36  }
0x267: {  	v17 =	vmul.f32 v17, v23;
	v23 =	vmul.f32 v24, v28;
	v24 =	vsub.f32 v25, v26  }
0x268: {  	v30 =	vld [tilespmem:$0xC8D0];
	v15 =	vadd.f32 v15, v54;
	v25 =	vsub.f32 v27, v26;
	v27 =	vbroadcast v48, $0x6  }
0x269: {  	v17 =	vmul.f32 v17, v52;
	v24 =	vmul.f32 v24, v28;
	v20 =	vsub.f32 v20, v26;
	v26 =	vld [tilespmem:$0xC8E0]  }
0x26a: {  	v23 =	vmul.f32 v23, v33;
	v25 =	vmul.f32 v25, v28;
	v29 =	vsub.f32 v29, v27  }
0x26b: {  	v47 =	vld [tilespmem:$0xC8F0];
	v21 =	vadd.f32 v21, v58;
	v24 =	vmul.f32 v24, v57;
	v20 =	vmul.f32 v20, v28  }
0x26c: {  	v32 =	vld [tilespmem:$0xC900];
	v22 =	vadd.f32 v22, v18;
	v25 =	vmul.f32 v25, v36;
	v29 =	vmul.f32 v29, v31  }
0x26d: {  	v49 =	vld [tilespmem:$0xC910];
	[tilespmem:$0xC740] =	vst v2;
	v2 =	vadd.f32 v24, v58;
	v24 =	vsub.f32 v30, v27;
	v20 =	vmul.f32 v20, v52  }
0x26e: {  	v50 =	vld [tilespmem:$0xC920];
	[tilespmem:$0xC750] =	vst v3;
	v3 =	vadd.f32 v25, v18;
	v25 =	vmul.f32 v29, v33;
	v26 =	vsub.f32 v26, v27  }
0x26f: {  	[tilespmem:$0xC760] =	vst v4;
	v4 =	vadd.f32 v20, v19;
	v20 =	vmul.f32 v24, v31;
	v24 =	vbroadcast v48, $0x7  }
0x270: {  	[tilespmem:$0xC770] =	vst v0;
	v0 =	vadd.f32 v25, v54;
	v25 =	vmul.f32 v26, v31;
	v26 =	vsub.f32 v47, v27;
	v27 =	vld [tilespmem:$0xC930]  }
0x271: {  	[tilespmem:$0xC780] =	vst v5;
	v5 =	vmul.f32 v20, v57;
	v20 =	vbroadcast v35, $0x7;
	v53 =	vsub.f32 v32, v24  }
0x272: {  	v55 =	vld [tilespmem:$0xC940];
	[tilespmem:$0xC790] =	vst v6;
	v6 =	vmul.f32 v25, v36;
	v25 =	vmul.f32 v26, v31;
	v26 =	vsub.f32 v49, v24  }
0x273: {  	v59 =	vld [tilespmem:$0xC950];
	[tilespmem:$0xC7A0] =	vst v7;
	v17 =	vadd.f32 v17, v19;
	v56 =	vsub.f32 v50, v24;
	v7 =	vmul.f32 v53, v20  }
0x274: {  	[tilespmem:$0xC7B0] =	vst v1;
	v1 =	vadd.f32 v6, v18;
	v6 =	vmul.f32 v25, v52;
	v25 =	vmul.f32 v26, v20  }
0x275: {  	[tilespmem:$0xC7C0] =	vst v11;
	v11 =	vmul.f32 v56, v20;
	v26 =	vld [tilespmem:$0xC960];
	v7 =	vmul.f32 v7, v33;
	v24 =	vsub.f32 v27, v24  }
0x276: {  	[tilespmem:$0xC800] =	vst v14;
	v23 =	vadd.f32 v23, v54;
	v60 =	vmul.f32 v25, v57;
	v25 =	vbroadcast v48, $0x8  }
0x277: {  	[tilespmem:$0xC7E0] =	vst v8;
	v5 =	vadd.f32 v5, v58;
	v8 =	vmul.f32 v11, v36;
	v11 =	vmul.f32 v24, v20;
	v20 =	vld [tilespmem:$0xC970]  }
0x278: {  	v61 =	vld [tilespmem:$0xC980];
	[tilespmem:$0xC7F0] =	vst v9;
	v9 =	vbroadcast v35, $0x8;
	v24 =	vsub.f32 v55, v25;
	v27 =	vsub.f32 v59, v25  }
0x279: {  	[tilespmem:$0xC810] =	vst v13;
	v46 =	vbroadcast v48, $0xC;
	v6 =	vadd.f32 v6, v19;
	v7 =	vadd.f32 v7, v54  }
0x27a: {  	[tilespmem:$0xC7D0] =	vst v12;
	v31 =	vsub.f32 v26, v25;
	v26 =	vld [tilespmem:$0xC990];
	v32 =	vmul.f32 v24, v9;
	v24 =	vmul.f32 v27, v9  }
0x27b: {  	[tilespmem:$0xC860] =	vst v22;
	v22 =	vbroadcast v48, $0xA;
	v8 =	vadd.f32 v8, v18;
	v12 =	vadd.f32 v60, v58;
	v27 =	vld [tilespmem:$0xC9A0]  }
0x27c: {  	[tilespmem:$0xC830] =	vst v10;
	v11 =	vmul.f32 v11, v52;
	v34 =	vmul.f32 v24, v57;
	v20 =	vsub.f32 v20, v25;
	v24 =	vld [tilespmem:$0xC9B0]  }
0x27d: {  	v38 =	vld [tilespmem:$0xC9C0];
	[tilespmem:$0xC840] =	vst v15;
	v55 =	vbroadcast v48, $0xD;
	v14 =	vmul.f32 v31, v9;
	v25 =	vsub.f32 v61, v16  }
0x27e: {  	[tilespmem:$0xC850] =	vst v21;
	v11 =	vadd.f32 v11, v19;
	v10 =	vmul.f32 v32, v33;
	v9 =	vmul.f32 v20, v9  }
0x27f: {  	[tilespmem:$0xC870] =	vst v17;
	v61 =	vbroadcast v48, $0xE;
	v20 =	vmul.f32 v25, v37;
	v21 =	vsub.f32 v26, v16  }
0x280: {  	[tilespmem:$0xC880] =	vst v23;
	v14 =	vmul.f32 v14, v36;
	v25 =	vld [tilespmem:$0xC9D0];
	v17 =	vsub.f32 v27, v16;
	v9 =	vmul.f32 v9, v52  }
0x281: {  	v23 =	vld [tilespmem:$0xC9E0];
	[tilespmem:$0xC890] =	vst v2;
	v20 =	vmul.f32 v20, v33;
	v21 =	vmul.f32 v21, v37;
	v16 =	vsub.f32 v24, v16  }
0x282: {  	[tilespmem:$0xC8A0] =	vst v3;
	v47 =	vld [tilespmem:$0xCA70];
	v2 =	vmul.f32 v17, v37;
	v17 =	vbroadcast v35, $0xA;
	v24 =	vsub.f32 v38, v22  }
0x283: {  	[tilespmem:$0xC8C0] =	vst v0;
	v3 =	vadd.f32 v9, v19;
	v9 =	vmul.f32 v21, v57;
	v15 =	vmul.f32 v16, v37;
	v16 =	vld [tilespmem:$0xC9F0]  }
0x284: {  	[tilespmem:$0xC8B0] =	vst v4;
	v10 =	vadd.f32 v10, v54;
	v4 =	vadd.f32 v20, v54;
	v21 =	vld [tilespmem:$0xCA00];
	v20 =	vmul.f32 v24, v17  }
0x285: {  	[tilespmem:$0xC8D0] =	vst v5;
	v39 =	vsub.f32 v25, v22;
	v24 =	vld [tilespmem:$0xCA10];
	v0 =	vadd.f32 v9, v58;
	v9 =	vmul.f32 v15, v52  }
0x286: {  	[tilespmem:$0xC8E0] =	vst v1;
	v13 =	vadd.f32 v34, v58;
	v5 =	vmul.f32 v20, v33;
	v20 =	vsub.f32 v23, v22  }
0x287: {  	[tilespmem:$0xC8F0] =	vst v6;
	v14 =	vadd.f32 v14, v18;
	v23 =	vld [tilespmem:$0xCA20];
	v1 =	vadd.f32 v9, v19;
	v9 =	vmul.f32 v39, v17  }
0x288: {  	[tilespmem:$0xC950] =	vst v13;
	v13 =	vsub.f32 v47, v46;
	v6 =	vmul.f32 v20, v17;
	v20 =	vld [tilespmem:$0xCA30];
	v16 =	vsub.f32 v16, v22  }
0x289: {  	[tilespmem:$0xC900] =	vst v7;
	v2 =	vmul.f32 v2, v36;
	v21 =	vsub.f32 v21, v40;
	v7 =	vmul.f32 v9, v57  }
0x28a: {  	v22 =	vld [tilespmem:$0xCA50];
	v9 =	vbroadcast v35, $0xB;
	v42 =	vmul.f32 v16, v17;
	v16 =	vsub.f32 v24, v40  }
0x28b: {  	[tilespmem:$0xC970] =	vst v3;
	v3 =	vbroadcast v35, $0xC;
	v2 =	vadd.f32 v2, v18;
	v6 =	vmul.f32 v6, v36;
	v17 =	vld [tilespmem:$0xCA40]  }
0x28c: {  	[tilespmem:$0xC920] =	vst v8;
	v8 =	vmul.f32 v21, v9;
	v21 =	vsub.f32 v23, v40;
	v45 =	vmul.f32 v16, v9;
	v16 =	vld [tilespmem:$0xCA60]  }
0x28d: {  	[tilespmem:$0xC930] =	vst v11;
	v5 =	vadd.f32 v5, v54;
	v11 =	vmul.f32 v42, v52;
	v15 =	vsub.f32 v20, v40  }
0x28e: {  	[tilespmem:$0xC940] =	vst v10;
	v7 =	vadd.f32 v7, v58;
	v6 =	vadd.f32 v6, v18;
	v20 =	vld [tilespmem:$0xCA80];
	v10 =	vmul.f32 v21, v9  }
0x28f: {  	[tilespmem:$0xC910] =	vst v12;
	v8 =	vmul.f32 v8, v33;
	v11 =	vadd.f32 v11, v19;
	v9 =	vmul.f32 v15, v9  }
0x290: {  	[tilespmem:$0xC980] =	vst v4;
	v10 =	vmul.f32 v10, v36;
	v49 =	vsub.f32 v17, v46;
	v17 =	vsub.f32 v22, v46  }
0x291: {  	[tilespmem:$0xC990] =	vst v0;
	v12 =	vmul.f32 v45, v57;
	v9 =	vmul.f32 v9, v52;
	v50 =	vsub.f32 v16, v46;
	v16 =	vld [tilespmem:$0xCA90]  }
0x292: {  	[tilespmem:$0xC9A0] =	vst v2;
	v0 =	vadd.f32 v10, v18;
	v10 =	vmul.f32 v49, v3;
	v53 =	vmul.f32 v17, v3;
	v17 =	vld [tilespmem:$0xCAA0]  }
0x293: {  	[tilespmem:$0xC9B0] =	vst v1;
	v59 =	vsub.f32 v20, v55;
	v20 =	vld [tilespmem:$0xCAC0];
	v2 =	vadd.f32 v9, v19;
	v9 =	vmul.f32 v50, v3  }
0x294: {  	v56 =	vld [tilespmem:$0xCAB0];
	[tilespmem:$0xC9C0] =	vst v5;
	v8 =	vadd.f32 v8, v54;
	v1 =	vmul.f32 v10, v33;
	v10 =	vmul.f32 v53, v57  }
0x295: {  	[tilespmem:$0xC9D0] =	vst v7;
	v4 =	vadd.f32 v12, v58;
	v3 =	vmul.f32 v13, v3;
	v5 =	vmul.f32 v9, v36  }
0x296: {  	[tilespmem:$0xC9E0] =	vst v6;
	v9 =	vbroadcast v35, $0xD;
	v1 =	vadd.f32 v1, v54;
	v7 =	vadd.f32 v10, v58  }
0x297: {  	v60 =	vld [tilespmem:$0xCAD0];
	[tilespmem:$0xC9F0] =	vst v11;
	v10 =	vsub.f32 v16, v55;
	v11 =	vsub.f32 v17, v55  }
0x298: {  	[tilespmem:$0xCA00] =	vst v8;
	v3 =	vmul.f32 v3, v52;
	v28 =	vsub.f32 v20, v61;
	v6 =	vmul.f32 v59, v9  }
0x299: {  	[tilespmem:$0xCA10] =	vst v4;
	v8 =	vmul.f32 v10, v9;
	v10 =	vsub.f32 v56, v55;
	v4 =	vmul.f32 v11, v9  }
0x29a: {  	v29 =	vld [tilespmem:$0xCAE0];
	[tilespmem:$0xC960] =	vst v14;
	v5 =	vadd.f32 v5, v18;
	v11 =	vbroadcast v35, $0xE;
	v6 =	vmul.f32 v6, v33  }
0x29b: {  	[tilespmem:$0xCA20] =	vst v0;
	v0 =	vadd.f32 v3, v19;
	v3 =	vmul.f32 v8, v57;
	v8 =	vmul.f32 v10, v9;
	v9 =	vld [tilespmem:$0xCAF0]  }
0x29c: {  	v30 =	vld [tilespmem:$0xCB00];
	[tilespmem:$0xCA30] =	vst v2;
	v2 =	vmul.f32 v4, v36;
	v4 =	vmul.f32 v28, v11;
	v10 =	vsub.f32 v60, v61  }
0x29d: {  	[tilespmem:$0xCA40] =	vst v1;
	v1 =	vadd.f32 v6, v54;
	v3 =	vadd.f32 v3, v58;
	v6 =	vmul.f32 v8, v52;
	v8 =	vld [tilespmem:$0xCB10]  }
0x29e: {  	[tilespmem:$0xCA50] =	vst v7;
	v2 =	vadd.f32 v2, v18;
	v4 =	vmul.f32 v4, v33;
	v7 =	vmul.f32 v10, v11;
	v10 =	vld [tilespmem:$0xCB20]  }
0x29f: {  	v31 =	vbroadcast v48, $0xF;
	v32 =	vld [tilespmem:$0xCB30];
	[tilespmem:$0xCA60] =	vst v5;
	v5 =	vadd.f32 v6, v19;
	v6 =	vsub.f32 v29, v61  }
0x2a0: {  	[tilespmem:$0xCA70] =	vst v0;
	v0 =	vadd.f32 v4, v54;
	v4 =	vmul.f32 v7, v57;
	v7 =	vsub.f32 v9, v61  }
0x2a1: {  	[tilespmem:$0xCA80] =	vst v1;
	v9 =	vsub.f32 v30, v31;
	v1 =	vmul.f32 v6, v11;
	v6 =	vbroadcast v35, $0xF  }
0x2a2: {  	[tilespmem:$0xCA90] =	vst v3;
	v3 =	vadd.f32 v4, v58;
	v4 =	vmul.f32 v7, v11;
	v7 =	vsub.f32 v8, v31  }
0x2a3: {  	[tilespmem:$0xCAA0] =	vst v2;
	v8 =	vsub.f32 v10, v31;
	v1 =	vmul.f32 v1, v36;
	v2 =	vmul.f32 v9, v6  }
0x2a4: {  	[tilespmem:$0xCAB0] =	vst v5;
	v4 =	vmul.f32 v4, v52;
	v5 =	vmul.f32 v7, v6;
	v7 =	vsub.f32 v32, v31  }
0x2a5: {  	[tilespmem:$0xCAC0] =	vst v0;
	v0 =	vadd.f32 v1, v18;
	v1 =	vmul.f32 v2, v33;
	v2 =	vmul.f32 v8, v6  }
0x2a6: {  	[tilespmem:$0xCAD0] =	vst v3;
	v3 =	vadd.f32 v4, v19;
	v4 =	vmul.f32 v5, v57;
	v5 =	vmul.f32 v7, v6  }
0x2a7: {  	[tilespmem:$0xCAE0] =	vst v0;
	v0 =	vadd.f32 v1, v54;
	v1 =	vmul.f32 v2, v36  }
0x2a8: {  	[tilespmem:$0xCAF0] =	vst v3;
	v2 =	vadd.f32 v4, v58;
	v3 =	vmul.f32 v5, v52  }
0x2a9: {  	[tilespmem:$0xCB00] =	vst v0;
	v0 =	vadd.f32 v1, v18  }
0x2aa: {  	s9 =	smul.u32 $0xC80, s20;
	[tilespmem:$0xCB10] =	vst v2;
	v1 =	vadd.f32 v3, v19  }
0x2ab: {  	[tilespmem:$0xCB20] =	vst v0  }
0x2ac: {  	s9 =	sadd.s32 s4, s9;
	[tilespmem:$0xCB30] =	vst v1  }
0x2ad: {  	[hbm4b:s9+s5] =	stream.linear.scatter [tilespmem:s1], [sflag:$0x2], $0x6400, $0x38;
	[tilespmem:$0x196E0] =	vst v63  }
0x2ae: {  	_ =	swait.ge [sflag:s26], $0x1900  }
0x2af: {  	[sflag:s26] =	ssyncset.done $0x0  }
0x2b0: {  	[sflag:s26] =	ssyncadd.s32 $0xFFFFE700  }
0x2b1: {  	_ =	swait.ge [sflag:s26], $0x1900  }
0x2b2: {  	[sflag:s26] =	ssyncset.done $0x0  }
0x2b3: {  	[sflag:s26] =	ssyncadd.s32 $0xFFFFE700  }
0x2b4: {  	_ =	swait.ge [sflag:s26], $0x1900  }
0x2b5: {  	[sflag:s26] =	ssyncset.done $0x0  }
0x2b6: {  	[sflag:s26] =	ssyncadd.s32 $0xFFFFE700  }
0x2b7: {  	_ =	swait.ge [sflag:s26], $0x1900  }
0x2b8: {  	s10 =	simm.s32 @!p0 $0x0;
	[sflag:s26] =	ssyncset.done $0x0  }
0x2b9: {  	s11 =	simm.s32 @!p0 $0x1A0;
	s9 =	sadd.s32 @!p0 $0x9C, s22;
	[sflag:s26] =	ssyncadd.s32 $0xFFFFE700  }
0x2ba: {  	[tilespmem:s11], [sflag:$0x5] =	stream.linear.gather @!p0 [hbm4b:s9+s10], $0x1A0, $0x38;
	[tilespmem:$0x196E0] =	vst v63  }
0x2bb: {  	s9 =	simm.s32 @!p1 $0x3  }
0x2bc: {  	_ =	swait.ge @!p1 [sflag:s9], $0x6400  }
0x2bd: {  	[sflag:s9] =	ssyncset.done @!p1 $0x0  }
0x2be: {  	s15 =	simm.s32 $0x3630;
	[sflag:s9] =	ssyncadd.s32 @!p1 $0xFFFF9C00  }
0x2bf: {  	s9 =	simm.s32 $0x12FC0;
	v0 =	vld [tilespmem:s15+$0xFFFFCDF0]  }
0x2c0: {  	v3 =	vld [tilespmem:s9+$0x10]  }
0x2c1: {  	v5 =	vld [tilespmem:s9+$0x20]  }
0x2c2: {  	v4 =	vld [tilespmem:s9+$0x30]  }
0x2c3: {  	v1 =	vld [tilespmem:s15+$0xFFFFCD90]  }
0x2c4: {  	v2 =	vld [tilespmem:s15+$0xFFFFCDA0]  }
0x2c5: {  	v6 =	vld [tilespmem:s15+$0xFFFFCDC0]  }
0x2c6: {  	v7 =	vld [tilespmem:s15+$0xFFFFCDB0]  }
0x2c7: {  	v8 =	vld [tilespmem:s9+$0x40]  }
0x2c8: {  	v9 =	vld [tilespmem:s9+$0x50]  }
0x2c9: {  	v10 =	vld [tilespmem:s9+$0x60]  }
0x2ca: {  	v11 =	vld [tilespmem:s9+$0x70]  }
0x2cb: {  	v33 =	vld [tilespmem:s15+$0xFFFFCDE0]  }
0x2cc: {  	v34 =	vld [tilespmem:s15+$0xFFFFCE00]  }
0x2cd: {  	v35 =	vld [tilespmem:s15+$0xFFFFCDD0]  }
0x2ce: {  	v36 =	vld [tilespmem:s9+$0x0]  }
0x2cf: {  	v17 =	vld [tilespmem:s15+$0xFFFFCD70]  }
0x2d0: {  	v20 =	vld [tilespmem:s15+$0xFFFFCD60]  }
0x2d1: {  	v26 =	vld [tilespmem:s9+$0xFFFFFFE0]  }
0x2d2: {  	v38 =	vld [tilespmem:s9+$0xFFFFFFD0];
	v0 =	vadd.f32 v0, v10  }
0x2d3: {  	s11 =	simm.s32 $0xFE30;
	v16 =	vld [tilespmem:s15+$0xFFFFCD80];
	v21 =	vadd.f32 v6, v4;
	v12 =	vadd.f32 v33, v9  }
0x2d4: {  	v22 =	vld [tilespmem:s15+$0xFFFFCD50];
	v7 =	vadd.f32 v7, v5;
	v13 =	vadd.f32 v34, v11;
	[tilespmem:s11+$0xFFFFCDF0] =	vst v0  }
0x2d5: {  	v42 =	vld [tilespmem:s9+$0xFFFFFFC0];
	v14 =	vadd.f32 v35, v8;
	v27 =	vadd.f32 v1, v36;
	[tilespmem:s11+$0xFFFFCDC0] =	vst v21  }
0x2d6: {  	v23 =	vld [tilespmem:s9+$0xFFFFFFF0];
	v45 =	vadd.f32 v2, v3;
	v17 =	vadd.f32 v17, v26;
	[tilespmem:s11+$0xFFFFCE00] =	vst v13  }
0x2d7: {  	v20 =	vadd.f32 v20, v38;
	v24 =	vmul.f32 v0, v0;
	v25 =	vmul.f32 v12, v12;
	[tilespmem:s11+$0xFFFFCDD0] =	vst v14  }
0x2d8: {  	v47 =	vld [tilespmem:s15+$0xFFFFCD40];
	v1 =	vmul.f32 v7, v7;
	v37 =	vmul.f32 v21, v21;
	v0 =	vadd.f32 v13, v0;
	[tilespmem:s11+$0xFFFFCD90] =	vst v27  }
0x2d9: {  	v48 =	vld [tilespmem:s15+$0xFFFFCD30];
	v39 =	vadd.f32 v12, v14;
	v40 =	vmul.f32 v14, v14;
	[tilespmem:s11+$0xFFFFCDB0] =	vst v7;
	v7 =	vadd.f32 v21, v7  }
0x2da: {  	v49 =	vld [tilespmem:s15+$0xFFFFCD20];
	[tilespmem:s11+$0xFFFFCDE0] =	vst v12;
	v21 =	vadd.f32 v22, v42;
	v46 =	vadd.f32 v37, v1;
	v1 =	vmul.f32 v13, v13  }
0x2db: {  	v6 =	vld [tilespmem:s9+$0xFFFFFF80];
	v16 =	vadd.f32 v16, v23;
	[tilespmem:s11+$0xFFFFCD60] =	vst v20;
	v0 =	vadd.f32 v0, v39  }
0x2dc: {  	s12 =	simm.s32 $0x16F3B;
	v2 =	vld [tilespmem:s9+$0xFFFFFFB0];
	v22 =	vmul.f32 v17, v17;
	v25 =	vadd.f32 v25, v40;
	[tilespmem:s11+$0xFFFFCD50] =	vst v21;
	v1 =	vadd.f32 v1, v24  }
0x2dd: {  	v50 =	vadd.f32 v16, v17;
	v53 =	vadd.f32 v20, v21;
	v21 =	vmul.f32 v21, v21;
	[tilespmem:s12+$0xFFFFF2B8] =	vst v0;
	v0 =	vld [tilespmem:s15+$0xFFFFCD10]  }
0x2de: {  	[tilespmem:s11+$0xFFFFCD80] =	vst v16;
	v20 =	vmul.f32 v20, v20;
	v24 =	vadd.f32 v1, v25;
	v25 =	vmul.f32 v16, v16;
	v1 =	vld [tilespmem:s9+$0xFFFFFFA0]  }
0x2df: {  	s10 =	simm.s32 $0x189CB;
	[tilespmem:s11+$0xFFFFCDA0] =	vst v45;
	v33 =	vadd.f32 v45, v27;
	v27 =	vmul.f32 v27, v27;
	v30 =	vadd.f32 v50, v53;
	v16 =	vld [tilespmem:s9+$0xFFFFFF90]  }
0x2e0: {  	v20 =	vadd.f32 v20, v21;
	v22 =	vadd.f32 v25, v22;
	v25 =	vmul.f32 v45, v45;
	[tilespmem:s10+$0xFFFFF2B8] =	vst v24  }
0x2e1: {  	[tilespmem:s11+$0xFFFFCD70] =	vst v17;
	v7 =	vadd.f32 v7, v33;
	v13 =	vadd.f32 v47, v2;
	v17 =	vld [tilespmem:s15+$0xFFFFFFD0]  }
0x2e2: {  	[tilespmem:s12+$0xFFFFF296] =	vst v30;
	v54 =	vld [tilespmem:s15+$0x0];
	v21 =	vadd.f32 v25, v27;
	v20 =	vadd.f32 v22, v20  }
0x2e3: {  	[tilespmem:s11+$0xFFFFCD40] =	vst v13;
	v0 =	vadd.f32 v0, v6;
	v22 =	vld [tilespmem:s15+$0xFFFFFFE0];
	v24 =	vadd.f32 v48, v1  }
0x2e4: {  	v25 =	vld [tilespmem:s15+$0xFFFFFFF0];
	v27 =	vmul.f32 v13, v13;
	v12 =	vadd.f32 v49, v16;
	v14 =	vadd.f32 v46, v21;
	[tilespmem:s10+$0xFFFFF296] =	vst v20  }
0x2e5: {  	[tilespmem:s11+$0xFFFFCD10] =	vst v0;
	v20 =	vmul.f32 v0, v0;
	v21 =	vmul.f32 v24, v24;
	v56 =	vld [tilespmem:s15+$0xFFFFFF50];
	v13 =	vadd.f32 v13, v24  }
0x2e6: {  	[tilespmem:s11+$0xFFFFCD30] =	vst v24;
	v55 =	vmul.f32 v12, v12;
	v24 =	vld [tilespmem:s15+$0xFFFFFF60];
	v0 =	vadd.f32 v12, v0;
	v8 =	vadd.f32 v17, v8  }
0x2e7: {  	[tilespmem:s12+$0xFFFFF2A7] =	vst v7;
	v57 =	vld [tilespmem:s15+$0xFFFFFF70];
	v11 =	vadd.f32 v54, v11;
	v21 =	vadd.f32 v27, v21  }
0x2e8: {  	[tilespmem:s10+$0xFFFFF2A7] =	vst v14;
	v20 =	vadd.f32 v55, v20;
	v7 =	vadd.f32 v22, v9;
	v9 =	vld [tilespmem:s15+$0xFFFFFF80]  }
0x2e9: {  	[tilespmem:s11+$0xFFFFCD20] =	vst v12;
	v10 =	vadd.f32 v25, v10;
	v0 =	vadd.f32 v13, v0;
	v60 =	vld [tilespmem:s15+$0xFFFFFFB0]  }
0x2ea: {  	[tilespmem:s11+$0xFFFFFFD0] =	vst v8;
	v17 =	vadd.f32 v21, v20;
	v20 =	vld [tilespmem:s15+$0xFFFFFF90];
	v59 =	vadd.f32 v7, v8;
	v8 =	vmul.f32 v8, v8  }
0x2eb: {  	[tilespmem:s11+$0xFFFFFFE0] =	vst v7;
	v22 =	vadd.f32 v11, v10;
	v7 =	vmul.f32 v7, v7;
	v21 =	vadd.f32 v56, v42  }
0x2ec: {  	[tilespmem:s12+$0xFFFFF285] =	vst v0;
	v14 =	vadd.f32 v57, v26;
	v0 =	vadd.f32 v24, v38  }
0x2ed: {  	v7 =	vadd.f32 v7, v8;
	v8 =	vmul.f32 v10, v10;
	[tilespmem:s10+$0xFFFFF285] =	vst v17;
	v9 =	vadd.f32 v9, v23;
	v23 =	vld [tilespmem:s15+$0xFFFFFFC0]  }
0x2ee: {  	[tilespmem:s11+$0xFFFFFFF0] =	vst v10;
	v10 =	vmul.f32 v11, v11;
	v25 =	vmul.f32 v21, v21;
	v13 =	vadd.f32 v60, v5;
	v5 =	vld [tilespmem:s15+$0xFFFFFF10]  }
0x2ef: {  	[tilespmem:s11+$0xFFFFFF50] =	vst v21;
	v17 =	vmul.f32 v14, v14;
	v21 =	vadd.f32 v0, v21;
	v15 =	vadd.f32 v20, v36;
	v20 =	vld [tilespmem:s15+$0xFFFFFFA0]  }
0x2f0: {  	[tilespmem:s11+$0xFFFFFF60] =	vst v0;
	v0 =	vmul.f32 v0, v0;
	v10 =	vadd.f32 v10, v8;
	v24 =	vmul.f32 v9, v9  }
0x2f1: {  	[tilespmem:s11+$0x0] =	vst v11;
	v8 =	vadd.f32 v22, v59;
	v11 =	vadd.f32 v9, v14  }
0x2f2: {  	v26 =	vld [tilespmem:s15+$0xFFFFFF20];
	[tilespmem:s11+$0xFFFFFF70] =	vst v14;
	v0 =	vadd.f32 v0, v25;
	v17 =	vadd.f32 v24, v17  }
0x2f3: {  	[tilespmem:s11+$0xFFFFFFB0] =	vst v13;
	v61 =	vadd.f32 v11, v21;
	v22 =	vadd.f32 v5, v6;
	v6 =	vld [tilespmem:s15+$0xFFFFFF40]  }
0x2f4: {  	v35 =	vmovc v52;
	[tilespmem:s11+$0xFFFFFF80] =	vst v9;
	v36 =	vmov v58;
	v23 =	vadd.f32 v23, v4;
	v21 =	vadd.f32 v20, v3;
	v20 =	vld [tilespmem:s15+$0xFFFFFF30]  }
0x2f5: {  	v7 =	vadd.f32 v10, v7;
	[tilespmem:s11+$0xFFFFFF90] =	vst v15;
	v4 =	vmul.f32 v15, v15;
	v9 =	vadd.f32 v17, v0  }
0x2f6: {  	s14 =	simm.s32 $0x0;
	s23 =	simm.s32 $0x16F7F;
	[tilespmem:s12+$0xFFFFFFDE] =	vst v61;
	v11 =	vmul.f32 v23, v23;
	v5 =	vadd.f32 v23, v13;
	v3 =	vmul.f32 v13, v13  }
0x2f7: {  	s29 =	simm.s32 $0xFE30;
	s22 =	simm.s32 $0x18A0F;
	[tilespmem:s11+$0xFFFFFFC0] =	vst v23;
	v23 =	vadd.f32 v26, v16;
	s15 =	simm.s32 $0x3730;
	v10 =	vadd.f32 v21, v15;
	v24 =	vmul.f32 v21, v21  }
.LBB2_10:
0x2f8: {  	v0 =	vld [tilespmem:s15+$0xFFFFCDF0];
	s14 =	sadd.s32 $0x4, s14;
	[tilespmem:s11+$0xFFFFFF10] =	vst v22;
	v12 =	vmul.f32 v22, v22;
	v11 =	vadd.f32 v11, v3;
	s9 =	sadd.s32 $0x100, s9;
	s29 =	sadd.s32 $0x100, s29  }
0x2f9: {  	v1 =	vadd.f32 v20, v1;
	v3 =	vld [tilespmem:s9+$0x10];
	p1 =	slt.u32 s14, $0xC4;
	v2 =	vadd.f32 v6, v2;
	[tilespmem:s11+$0xFFFFFF20] =	vst v23;
	v13 =	vmul.f32 v23, v23  }
0x2fa: {  	v14 =	vadd.f32 v23, v22;
	v15 =	vadd.f32 v24, v4;
	v6 =	vld [tilespmem:s9+$0x20];
	[tilespmem:s11+$0xFFFFFFA0] =	vst v21  }
0x2fb: {  	v4 =	vld [tilespmem:s9+$0x30];
	[tilespmem:s11+$0xFFFFFF30] =	vst v1;
	v16 =	vadd.f32 v2, v1;
	v12 =	vadd.f32 v13, v12;
	v1 =	vmul.f32 v1, v1  }
0x2fc: {  	v17 =	vmul.f32 v2, v2;
	v13 =	vld [tilespmem:s15+$0xFFFFCD90];
	[tilespmem:s10+$0xFFFFFFDE] =	vst v9;
	v9 =	vadd.f32 v5, v10;
	v10 =	vadd.f32 v11, v15  }
0x2fd: {  	v15 =	vld [tilespmem:s15+$0xFFFFCDA0];
	[tilespmem:s11+$0xFFFFFF40] =	vst v2;
	v2 =	vadd.f32 v16, v14;
	s11 =	smov.u32 s29  }
0x2fe: {  	v1 =	vadd.f32 v17, v1;
	v14 =	vld [tilespmem:s15+$0xFFFFCDC0];
	[tilespmem:s12+$0x0] =	vst v8  }
0x2ff: {  	v16 =	vld [tilespmem:s15+$0xFFFFCDB0];
	[tilespmem:s12+$0xFFFFFFCD] =	vst v2  }
0x300: {  	v1 =	vadd.f32 v1, v12;
	v5 =	vld [tilespmem:s9+$0xFFFFFF80];
	[tilespmem:s12+$0xFFFFFFEF] =	vst v9;
	s12 =	smov.u32 s23  }
0x301: {  	v8 =	vld [tilespmem:s9+$0x40];
	[tilespmem:s10+$0xFFFFFFEF] =	vst v10  }
0x302: {  	v11 =	vld [tilespmem:s9+$0x50];
	[tilespmem:s10+$0x0] =	vst v7  }
0x303: {  	v10 =	vld [tilespmem:s9+$0x60];
	[tilespmem:s10+$0xFFFFFFCD] =	vst v1;
	s10 =	smov.u32 s22  }
0x304: {  	v9 =	vld [tilespmem:s9+$0x70]  }
0x305: {  	v1 =	vld [tilespmem:s15+$0xFFFFCDE0]  }
0x306: {  	v2 =	vld [tilespmem:s15+$0xFFFFCE00]  }
0x307: {  	v12 =	vld [tilespmem:s15+$0xFFFFCDD0]  }
0x308: {  	v7 =	vld [tilespmem:s9+$0x0];
	v0 =	vadd.f32 v0, v10  }
0x309: {  	v17 =	vld [tilespmem:s15+$0xFFFFCD80]  }
0x30a: {  	v14 =	vadd.f32 v14, v4;
	v20 =	vld [tilespmem:s15+$0xFFFFCD70];
	v1 =	vadd.f32 v1, v11;
	[tilespmem:s29+$0xFFFFCDF0] =	vst v0  }
0x30b: {  	v16 =	vadd.f32 v16, v6;
	v22 =	vmul.f32 v0, v0;
	v21 =	vld [tilespmem:s15+$0xFFFFCD60];
	v2 =	vadd.f32 v2, v9  }
0x30c: {  	v15 =	vadd.f32 v15, v3;
	v23 =	vld [tilespmem:s15+$0xFFFFCD50];
	[tilespmem:s29+$0xFFFFCDC0] =	vst v14;
	v12 =	vadd.f32 v12, v8;
	v24 =	vmul.f32 v1, v1  }
0x30d: {  	v26 =	vmul.f32 v16, v16;
	v25 =	vld [tilespmem:s9+$0xFFFFFFF0];
	v13 =	vadd.f32 v13, v7;
	[tilespmem:s29+$0xFFFFCE00] =	vst v2;
	v0 =	vadd.f32 v2, v0  }
0x30e: {  	v28 =	vmul.f32 v15, v15;
	v29 =	vmul.f32 v14, v14;
	v27 =	vld [tilespmem:s9+$0xFFFFFFE0];
	[tilespmem:s29+$0xFFFFCDD0] =	vst v12;
	v30 =	vadd.f32 v1, v12  }
0x30f: {  	v12 =	vmul.f32 v12, v12;
	v31 =	vld [tilespmem:s9+$0xFFFFFFD0];
	[tilespmem:s29+$0xFFFFCD90] =	vst v13;
	v32 =	vadd.f32 v15, v13;
	v13 =	vmul.f32 v13, v13  }
0x310: {  	v26 =	vadd.f32 v29, v26;
	v2 =	vmul.f32 v2, v2;
	v33 =	vld [tilespmem:s9+$0xFFFFFFC0];
	[tilespmem:s29+$0xFFFFCDB0] =	vst v16;
	v0 =	vadd.f32 v0, v30  }
0x311: {  	v14 =	vadd.f32 v14, v16;
	v29 =	vld [tilespmem:s15+$0xFFFFCD40];
	v13 =	vadd.f32 v28, v13;
	[tilespmem:s29+$0xFFFFCDE0] =	vst v1  }
0x312: {  	v1 =	vadd.f32 v24, v12;
	v12 =	vadd.f32 v2, v22;
	v16 =	vld [tilespmem:s15+$0xFFFFCD30];
	[tilespmem:s29+$0xFFFFCDA0] =	vst v15  }
0x313: {  	v15 =	vld [tilespmem:s15+$0xFFFFCD20];
	v20 =	vadd.f32 v20, v27;
	v13 =	vadd.f32 v26, v13;
	[tilespmem:s23+$0xFFFFF2B8] =	vst v0  }
0x314: {  	v17 =	vadd.f32 v17, v25;
	v0 =	vld [tilespmem:s15+$0xFFFFCD10];
	v21 =	vadd.f32 v21, v31  }
0x315: {  	v12 =	vadd.f32 v12, v1;
	v2 =	vld [tilespmem:s9+$0xFFFFFFB0];
	v22 =	vadd.f32 v23, v33;
	v23 =	vmul.f32 v20, v20  }
0x316: {  	v14 =	vadd.f32 v14, v32;
	v26 =	vmul.f32 v17, v17;
	v24 =	vadd.f32 v17, v20;
	v1 =	vld [tilespmem:s9+$0xFFFFFFA0];
	[tilespmem:s29+$0xFFFFCD60] =	vst v21  }
0x317: {  	v28 =	vld [tilespmem:s9+$0xFFFFFF90];
	[tilespmem:s29+$0xFFFFCD50] =	vst v22;
	v30 =	vadd.f32 v21, v22;
	v22 =	vmul.f32 v22, v22;
	v21 =	vmul.f32 v21, v21  }
0x318: {  	[tilespmem:s29+$0xFFFFCD80] =	vst v17;
	v17 =	vadd.f32 v26, v23  }
0x319: {  	v23 =	vadd.f32 v24, v30;
	v21 =	vadd.f32 v21, v22;
	[tilespmem:s22+$0xFFFFF2B8] =	vst v12  }
0x31a: {  	v0 =	vadd.f32 v0, v5;
	v12 =	vadd.f32 v29, v2;
	[tilespmem:s29+$0xFFFFCD70] =	vst v20;
	v20 =	vld [tilespmem:s15+$0xFFFFFFD0]  }
0x31b: {  	v16 =	vadd.f32 v16, v1;
	v17 =	vadd.f32 v17, v21;
	[tilespmem:s23+$0xFFFFF296] =	vst v23;
	v21 =	vld [tilespmem:s15+$0xFFFFFFE0]  }
0x31c: {  	v22 =	vmul.f32 v0, v0;
	v15 =	vadd.f32 v15, v28;
	[tilespmem:s29+$0xFFFFCD40] =	vst v12;
	v23 =	vld [tilespmem:s15+$0xFFFFFFF0]  }
0x31d: {  	[tilespmem:s29+$0xFFFFCD30] =	vst v16;
	v24 =	vadd.f32 v12, v16;
	v16 =	vmul.f32 v16, v16;
	v12 =	vmul.f32 v12, v12;
	v26 =	vld [tilespmem:s15+$0x0]  }
0x31e: {  	v29 =	vadd.f32 v15, v0;
	v30 =	vmul.f32 v15, v15;
	[tilespmem:s22+$0xFFFFF296] =	vst v17  }
0x31f: {  	[tilespmem:s29+$0xFFFFCD10] =	vst v0;
	v0 =	vadd.f32 v12, v16;
	v12 =	vld [tilespmem:s15+$0xFFFFFF50]  }
0x320: {  	v16 =	vadd.f32 v30, v22;
	v17 =	vld [tilespmem:s15+$0xFFFFFF60];
	[tilespmem:s23+$0xFFFFF2A7] =	vst v14;
	v11 =	vadd.f32 v21, v11  }
0x321: {  	v8 =	vadd.f32 v20, v8;
	v14 =	vld [tilespmem:s15+$0xFFFFFF80];
	[tilespmem:s22+$0xFFFFF2A7] =	vst v13;
	v10 =	vadd.f32 v23, v10  }
0x322: {  	v0 =	vadd.f32 v0, v16;
	v13 =	vld [tilespmem:s15+$0xFFFFFF70];
	[tilespmem:s29+$0xFFFFFFE0] =	vst v11  }
0x323: {  	v20 =	vmul.f32 v8, v8;
	v9 =	vadd.f32 v26, v9;
	v16 =	vadd.f32 v11, v8;
	[tilespmem:s29+$0xFFFFCD20] =	vst v15;
	v15 =	vld [tilespmem:s15+$0xFFFFFF90]  }
0x324: {  	v12 =	vadd.f32 v12, v33;
	v21 =	vld [tilespmem:s15+$0xFFFFFFA0];
	[tilespmem:s29+$0xFFFFFFD0] =	vst v8  }
0x325: {  	v8 =	vadd.f32 v24, v29;
	v23 =	vadd.f32 v9, v10;
	v22 =	vld [tilespmem:s15+$0xFFFFFFB0];
	[tilespmem:s29+$0x0] =	vst v9  }
0x326: {  	v14 =	vadd.f32 v14, v25;
	v24 =	vld [tilespmem:s15+$0xFFFFFFC0];
	[tilespmem:s29+$0xFFFFFFF0] =	vst v10  }
0x327: {  	v11 =	vmul.f32 v11, v11;
	v25 =	vmul.f32 v12, v12;
	v13 =	vadd.f32 v13, v27  }
0x328: {  	[tilespmem:s23+$0xFFFFF285] =	vst v8;
	v8 =	vadd.f32 v17, v31;
	v17 =	vmul.f32 v14, v14;
	v15 =	vadd.f32 v15, v7  }
0x329: {  	v9 =	vmul.f32 v9, v9;
	v10 =	vmul.f32 v10, v10;
	v7 =	vadd.f32 v11, v20;
	[tilespmem:s29+$0xFFFFFF50] =	vst v12  }
0x32a: {  	v11 =	vmul.f32 v13, v13;
	[tilespmem:s22+$0xFFFFF285] =	vst v0;
	v0 =	vadd.f32 v14, v13;
	v26 =	vadd.f32 v22, v6  }
0x32b: {  	v12 =	vadd.f32 v8, v12;
	v6 =	vmul.f32 v8, v8;
	v22 =	vld [tilespmem:s15+$0xFFFFFF10];
	[tilespmem:s29+$0xFFFFFF60] =	vst v8;
	v24 =	vadd.f32 v24, v4  }
0x32c: {  	v9 =	vadd.f32 v9, v10;
	v17 =	vadd.f32 v17, v11;
	v4 =	vmul.f32 v15, v15;
	v27 =	vld [tilespmem:s15+$0xFFFFFF20];
	[tilespmem:s29+$0xFFFFFF90] =	vst v15  }
.Ltmp4:
0x32d: {  	v8 =	vadd.f32 v23, v16;
	v10 =	vadd.f32 v6, v25;
	v20 =	vld [tilespmem:s15+$0xFFFFFF30];
	[tilespmem:s29+$0xFFFFFFB0] =	vst v26;
	v11 =	vmul.f32 v24, v24;
	(pc) =	sbr.rel @p1 .LBB2_10-.Ltmp4, $4  }
0x32e: {  	v7 =	vadd.f32 v9, v7;
	v0 =	vadd.f32 v0, v12;
	v6 =	vld [tilespmem:s15+$0xFFFFFF40];
	[tilespmem:s29+$0xFFFFFFC0] =	vst v24  }
0x32f: {  	v21 =	vadd.f32 v21, v3;
	v9 =	vadd.f32 v17, v10;
	[tilespmem:s29+$0xFFFFFF80] =	vst v14  }
0x330: {  	v3 =	vmul.f32 v26, v26;
	v22 =	vadd.f32 v22, v5;
	[tilespmem:s29+$0xFFFFFF70] =	vst v13;
	v5 =	vadd.f32 v24, v26  }
0x331: {  	s23 =	sadd.s32 $0x44, s23;
	s22 =	sadd.s32 $0x44, s22;
	v10 =	vadd.f32 v21, v15;
	s15 =	sadd.s32 $0x100, s15;
	v24 =	vmul.f32 v21, v21;
	v23 =	vadd.f32 v27, v28;
	[tilespmem:s12+$0xFFFFFFDE] =	vst v0  }
0x332: {  	[tilespmem:s11+$0xFFFFFF10] =	vst v22  }
0x333: {  	[tilespmem:s11+$0xFFFFFFA0] =	vst v21  }
0x334: {  	v0 =	vadd.f32 v20, v1;
	[tilespmem:s10+$0xFFFFFFDE] =	vst v9  }
0x335: {  	v57 =	vmul.f32 v22, v22;
	v3 =	vadd.f32 v11, v3;
	[tilespmem:s12+$0x0] =	vst v8;
	v56 =	vadd.f32 v6, v2  }
0x336: {  	[tilespmem:s11+$0xFFFFFF20] =	vst v23;
	v58 =	vadd.f32 v23, v22;
	v59 =	vmul.f32 v23, v23;
	v4 =	vadd.f32 v24, v4  }
0x337: {  	[tilespmem:s11+$0xFFFFFF30] =	vst v0;
	v12 =	vadd.f32 v56, v0;
	v0 =	vmul.f32 v0, v0;
	v60 =	vmul.f32 v56, v56  }
0x338: {  	v5 =	vadd.f32 v5, v10;
	[tilespmem:s10+$0x0] =	vst v7;
	v2 =	vadd.f32 v59, v57  }
0x339: {  	[tilespmem:s11+$0xFFFFFF40] =	vst v56;
	v3 =	vadd.f32 v3, v4;
	v0 =	vadd.f32 v60, v0  }
0x33a: {  	[tilespmem:s12+$0xFFFFFFEF] =	vst v5;
	v61 =	vadd.f32 v12, v58  }
0x33b: {  	[tilespmem:s10+$0xFFFFFFEF] =	vst v3;
	v0 =	vadd.f32 v0, v2  }
0x33c: {  	[tilespmem:s12+$0xFFFFFFCD] =	vst v61  }
0x33d: {  	s9 =	simm.s32 @!p0 $0x4;
	[tilespmem:s10+$0xFFFFFFCD] =	vst v0  }
0x33e: {  	_ =	swait.ge @!p0 [sflag:s9], $0x1A0  }
0x33f: {  	s11 =	simm.s32 @!p0 $0x340;
	[sflag:s9] =	ssyncset.done @!p0 $0x0  }
0x340: {  	s10 =	simm.s32 @!p0 $0x0;
	[sflag:s9] =	ssyncadd.s32 @!p0 $0xFFFFFE60;
	s9 =	simm.s32 @!p0 $0x64  }
0x341: {  	[tilespmem:s11], [sflag:$0x1] =	stream.indirect.gather @!p0 [hbm4b:s8+s9], $0x40, s10, s9, $0xb8;
	[tilespmem:$0x196E0] =	vst v63  }
0x342: {  	s10 =	simm.s32 @!p0 $0x68;
	s11 =	simm.s32 @!p0 $0x1C40  }
0x343: {  	[tilespmem:s11], [sflag:$0x1] =	stream.indirect.gather @!p0 [hbm4b:s8+s9], $0x40, s10, s9, $0xb8;
	[tilespmem:$0x196E0] =	vst v63  }
0x344: {  	s10 =	simm.s32 @!p0 $0xD0;
	s11 =	simm.s32 @!p0 $0x3540  }
0x345: {  	v58 =	vld [tilespmem:$0x1FED0];
	[tilespmem:s11], [sflag:$0x1] =	stream.indirect.gather @!p0 [hbm4b:s8+s9], $0x40, s10, s9, $0xb8  }
0x346: {  	v59 =	vld [tilespmem:$0x1FEE0];
	s10 =	simm.s32 @!p0 $0x138;
	s11 =	simm.s32 @!p0 $0x4E40  }
0x347: {  	v19 =	vld [tilespmem:$0x1FF00];
	[tilespmem:s11], [sflag:$0x1] =	stream.indirect.gather @!p0 [hbm4b:s8+s9], $0x40, s10, s9, $0xb8  }
0x348: {  	v60 =	vld [tilespmem:$0x1FF30];
	s9 =	simm.s32 $0x0  }
.LBB2_12:
0x349: {  	v28 =	vld [tilespmem:$0x1FFF0]  }
0x34a: {  	v20 =	vld [tilespmem:$0x1FF40]  }
0x34b: {  	v32 =	vld [tilespmem:$0x1FF50]  }
0x34c: {  	v21 =	vld [tilespmem:$0x1FC60]  }
0x34d: {  	v33 =	vld [tilespmem:$0x1FF60]  }
0x34e: {  	v25 =	vld [tilespmem:$0x1FC70]  }
0x34f: {  	v34 =	vld [tilespmem:$0x1FF70]  }
0x350: {  	v26 =	vld [tilespmem:$0x1FC80]  }
0x351: {  	v48 =	vld [tilespmem:$0x1FF80]  }
0x352: {  	s10 =	smul.u32 $0x110, s9;
	v27 =	vld [tilespmem:$0x1FC90]  }
0x353: {  	v52 =	vld [tilespmem:$0x1FF90]  }
0x354: {  	v29 =	vld [tilespmem:$0x1FCA0];
	v0 =	vadd.s32 s10, v41  }
0x355: {  	v30 =	vld [tilespmem:$0x1FCB0];
	v0 =	vand.u32 $0x3FF8, v0  }
0x356: {  	v31 =	vld [tilespmem:$0x1FCC0];
	v1 =	vadd.s32 s10, v62;
	v0 =	vor.u32 v28, v0  }
0x357: {  	v37 =	vld [tilespmem:$0x1FCD0];
	v1 =	vand.u32 $0x3FF8, v1  }
0x358: {  	v38 =	vld [tilespmem:$0x1FCE0];
	v2 =	vadd.s32 s10, v44;
	v1 =	vor.u32 v43, v1  }
0x359: {  	v39 =	vld [tilespmem:$0x1FCF0];
	v2 =	vand.u32 $0x3FF8, v2  }
0x35a: {  	v40 =	vld [tilespmem:$0x1FD00];
	v3 =	vadd.s32 s10, v20;
	v2 =	vor.u32 v51, v2  }
0x35b: {  	v3 =	vand.u32 $0x3FF8, v3;
	v4 =	vld.idx.msk [tilespmem:v0+s0+$0x0], $0xffff  }
0x35c: {  	v5 =	vadd.s32 s10, v21;
	v3 =	vor.u32 v32, v3;
	v0 =	vld.idx.msk [tilespmem:v0+s2+$0x0], $0xffff  }
0x35d: {  	v5 =	vand.u32 $0x3FF8, v5;
	v6 =	vld.idx.msk [tilespmem:v1+s0+$0x0], $0xffff  }
0x35e: {  	v7 =	vadd.s32 s10, v25;
	v5 =	vor.u32 v33, v5;
	v1 =	vld.idx.msk [tilespmem:v1+s2+$0x0], $0xffff  }
0x35f: {  	v7 =	vand.u32 $0x3FF8, v7;
	v8 =	vld.idx.msk [tilespmem:v2+s0+$0x0], $0xffff  }
0x360: {  	v9 =	vadd.s32 s10, v26;
	v7 =	vor.u32 v34, v7;
	v2 =	vld.idx.msk [tilespmem:v2+s2+$0x0], $0xffff  }
0x361: {  	v9 =	vand.u32 $0x3FF8, v9;
	v10 =	vld.idx.msk [tilespmem:v3+s0+$0x0], $0xffff  }
0x362: {  	v49 =	vadd.s32 s10, v27;
	v47 =	vor.u32 v48, v9;
	v3 =	vld.idx.msk [tilespmem:v3+s2+$0x0], $0xffff  }
0x363: {  	v9 =	vand.u32 $0x3FF8, v49;
	v50 =	vld.idx.msk [tilespmem:v5+s0+$0x0], $0xffff;
	v4 =	vadd.f32 v6, v4  }
0x364: {  	v57 =	vadd.s32 s10, v29;
	v56 =	vor.u32 v52, v9;
	v5 =	vld.idx.msk [tilespmem:v5+s2+$0x0], $0xffff;
	v0 =	vadd.f32 v1, v0  }
0x365: {  	v9 =	vand.u32 $0x3FF8, v57;
	v61 =	vld.idx.msk [tilespmem:v7+s0+$0x0], $0xffff;
	v4 =	vadd.f32 v8, v4  }
0x366: {  	v9 =	vor.u32 v28, v9;
	v7 =	vld.idx.msk [tilespmem:v7+s2+$0x0], $0xffff;
	v0 =	vadd.f32 v2, v0  }
0x367: {  	v12 =	vadd.s32 s10, v30;
	v13 =	vld.idx.msk [tilespmem:v47+s0+$0x0], $0xffff;
	v4 =	vadd.f32 v10, v4  }
0x368: {  	v14 =	vld.idx.msk [tilespmem:v47+s2+$0x0], $0xffff;
	v0 =	vadd.f32 v3, v0;
	v10 =	vand.u32 $0x3FF8, v12  }
0x369: {  	v22 =	vadd.s32 s10, v31;
	v23 =	vld.idx.msk [tilespmem:v56+s0+$0x0], $0xffff;
	v15 =	vor.u32 v43, v10;
	v1 =	vadd.f32 v50, v4  }
0x36a: {  	v24 =	vld.idx.msk [tilespmem:v56+s2+$0x0], $0xffff;
	v10 =	vand.u32 $0x3FF8, v22;
	v43 =	vadd.s32 s10, v37;
	v0 =	vadd.f32 v5, v0  }
0x36b: {  	v45 =	vld.idx.msk [tilespmem:v9+s0+$0x0], $0xffff;
	v42 =	vor.u32 v51, v10;
	v10 =	vand.u32 $0x3FF8, v43;
	v1 =	vadd.f32 v61, v1  }
0x36c: {  	v49 =	vadd.s32 s10, v38;
	v46 =	vld.idx.msk [tilespmem:v9+s2+$0x0], $0xffff;
	v47 =	vor.u32 v32, v10  }
0x36d: {  	v43 =	vld [tilespmem:$0x1FD10];
	v10 =	vand.u32 $0x3FF8, v49;
	v0 =	vadd.f32 v7, v0;
	v1 =	vadd.f32 v13, v1  }
0x36e: {  	v54 =	vadd.s32 s10, v39;
	v53 =	vor.u32 v33, v10;
	v50 =	vld.idx.msk [tilespmem:v15+s0+$0x0], $0xffff  }
0x36f: {  	v10 =	vand.u32 $0x3FF8, v54;
	v0 =	vadd.f32 v14, v0;
	v51 =	vld.idx.msk [tilespmem:v15+s2+$0x0], $0xffff;
	v1 =	vadd.f32 v23, v1  }
0x370: {  	v61 =	vadd.s32 s10, v40;
	v57 =	vor.u32 v34, v10;
	v55 =	vld.idx.msk [tilespmem:v42+s0+$0x0], $0xffff  }
0x371: {  	v10 =	vand.u32 $0x3FF8, v61;
	v56 =	vld.idx.msk [tilespmem:v42+s2+$0x0], $0xffff;
	v0 =	vadd.f32 v24, v0;
	v1 =	vadd.f32 v45, v1  }
0x372: {  	v14 =	vor.u32 v48, v10;
	v12 =	vld.idx.msk [tilespmem:v47+s0+$0x0], $0xffff  }
0x373: {  	v15 =	vadd.s32 s10, v43;
	v13 =	vld.idx.msk [tilespmem:v47+s2+$0x0], $0xffff;
	v0 =	vadd.f32 v46, v0;
	v1 =	vadd.f32 v50, v1  }
0x374: {  	v10 =	vand.u32 $0x3FF8, v15;
	v11 =	vld.idx.msk [tilespmem:v53+s0+$0x0], $0xffff  }
0x375: {  	v22 =	vld.idx.msk [tilespmem:v53+s2+$0x0], $0xffff;
	v23 =	vor.u32 v52, v10;
	v0 =	vadd.f32 v51, v0;
	v1 =	vadd.f32 v55, v1  }
0x376: {  	v24 =	vld.idx.msk [tilespmem:v57+s0+$0x0], $0xffff  }
0x377: {  	v42 =	vld.idx.msk [tilespmem:v57+s2+$0x0], $0xffff;
	v0 =	vadd.f32 v56, v0;
	v1 =	vadd.f32 v12, v1  }
0x378: {  	v45 =	vld.idx.msk [tilespmem:v14+s0+$0x0], $0xffff  }
0x379: {  	v46 =	vld.idx.msk [tilespmem:v14+s2+$0x0], $0xffff;
	v0 =	vadd.f32 v13, v0;
	v1 =	vadd.f32 v11, v1  }
0x37a: {  	v47 =	vld.idx.msk [tilespmem:v23+s0+$0x0], $0xffff  }
0x37b: {  	v0 =	vadd.f32 v22, v0;
	v1 =	vadd.f32 v24, v1  }
0x37c: {  	v49 =	vld.idx.msk [tilespmem:v23+s2+$0x0], $0xffff  }
0x37d: {  	v0 =	vadd.f32 v42, v0;
	v1 =	vadd.f32 v45, v1;
	_ =	sdelay $0x1  }
0x37e: {  	v0 =	vadd.f32 v46, v0;
	v1 =	vadd.f32 v47, v1;
	_ =	sdelay $0x1  }
0x37f: {  	v0 =	vadd.f32 v49, v0;
	v49 =	vmul.f32 $1.562500000e-02, v1;
	_ =	sdelay $0x1  }
0x380: {  	v0 =	vmul.f32 $1.562500000e-02, v0;
	v1 =	vmul.f32 v49, v49;
	_ =	sdelay $0x1  }
0x381: {  	v0 =	vsub.f32 v0, v1;
	_ =	sdelay $0x1  }
0x382: {  	v0 =	vadd.f32 $9.999999960e-13, v0;
	_ =	sdelay $0x1  }
0x383: {  	v50 =	vshra.s32 v0, $0x1;
	v0 =	vmul.f32 $5.000000000e-01, v0  }
0x384: {  	v1 =	vsub.s32 $0x5F3759DF, v50  }
0x385: {  	v51 =	vmul.f32 v1, v0;
	_ =	sdelay $0x1  }
0x386: {  	v2 =	vmul.f32 v1, v51;
	_ =	sdelay $0x1  }
0x387: {  	v2 =	vsub.f32 $1.500000000e+00, v2;
	_ =	sdelay $0x1  }
0x388: {  	v1 =	vmul.f32 v1, v2;
	_ =	sdelay $0x1  }
0x389: {  	v2 =	vmul.f32 v1, v0;
	_ =	sdelay $0x1  }
0x38a: {  	v2 =	vmul.f32 v2, v1;
	_ =	sdelay $0x1  }
0x38b: {  	v2 =	vsub.f32 $1.500000000e+00, v2;
	_ =	sdelay $0x1  }
0x38c: {  	v1 =	vmul.f32 v2, v1  }
0x38d: {  	s22 =	sshll.u32 s9, $0xA  }
0x38e: {  	s12 =	sor.u32 $0x1, s9;
	s11 =	sand.u32 $0x3FFFFC00, s22;
	v0 =	vmul.f32 v1, v0  }
0x38f: {  	s23 =	smul.u32 $0x110, s12;
	v54 =	vld [tilespmem:s11+$0xCB50]  }
0x390: {  	v53 =	vld [tilespmem:s11+$0xCB40];
	v0 =	vmul.f32 v0, v1  }
0x391: {  	v9 =	vadd.s32 s23, v39;
	v6 =	vadd.s32 s23, v62;
	v8 =	vadd.s32 s23, v27;
	v57 =	vld [tilespmem:s11+$0xCB70]  }
0x392: {  	v4 =	vadd.s32 s23, v44;
	v5 =	vadd.s32 s23, v40;
	v56 =	vld [tilespmem:s11+$0xCB60];
	v0 =	vsub.f32 $1.500000000e+00, v0  }
0x393: {  	v7 =	vadd.s32 s23, v31;
	v10 =	vadd.s32 s23, v38;
	v55 =	vbroadcast v49, $0x0  }
0x394: {  	v61 =	vld [tilespmem:s11+$0xCB80];
	v23 =	vadd.s32 s23, v41;
	v11 =	vadd.s32 s23, v37;
	v50 =	vmul.f32 v0, v1  }
0x395: {  	v62 =	vld [tilespmem:s11+$0xCB90];
	v14 =	vbroadcast v49, $0x1;
	v45 =	vbroadcast v49, $0x2;
	v3 =	vsub.f32 v54, v55  }
0x396: {  	v2 =	vsub.f32 v53, v55;
	v53 =	vadd.s32 s23, v43;
	v43 =	vld [tilespmem:s11+$0xCBE0];
	v12 =	vbroadcast v50, $0x0  }
0x397: {  	v37 =	vld [tilespmem:s11+$0xCBB0];
	v31 =	vbroadcast v49, $0x3;
	v1 =	vsub.f32 v56, v55;
	v0 =	vsub.f32 v57, v55  }
0x398: {  	v2 =	vmul.f32 v12, v2;
	v15 =	vmul.f32 v12, v3;
	v3 =	vadd.s32 s23, v29;
	v29 =	vld [tilespmem:s11+$0xCBA0]  }
0x399: {  	v39 =	vld [tilespmem:s11+$0xCBC0];
	v24 =	vsub.f32 v61, v14;
	v17 =	vbroadcast v50, $0x1;
	v16 =	vmul.f32 v12, v1  }
0x39a: {  	v41 =	vld [tilespmem:s11+$0xCBD0];
	v40 =	vsub.f32 v62, v14;
	v0 =	vmul.f32 v12, v0;
	v13 =	vmul.f32 v2, v63  }
0x39b: {  	v61 =	vsub.f32 v43, v45;
	v38 =	vmul.f32 v16, v59;
	v16 =	vmul.f32 v17, v24  }
0x39c: {  	v47 =	vld [tilespmem:s11+$0xCBF0];
	v44 =	vmul.f32 v17, v40;
	v12 =	vsub.f32 v37, v14;
	v0 =	vmul.f32 v0, v35  }
0x39d: {  	v13 =	vadd.f32 v13, v19;
	v42 =	vmul.f32 v16, v63;
	v16 =	vsub.f32 v29, v14  }
0x39e: {  	v24 =	vsub.f32 v39, v45;
	v12 =	vmul.f32 v17, v12;
	v0 =	vadd.f32 v0, v60  }
0x39f: {  	[tilespmem:$0x1FAC0] =	vst v13;
	v46 =	vmul.f32 v17, v16;
	v16 =	vbroadcast v50, $0x2;
	v17 =	vsub.f32 v41, v45  }
0x3a0: {  	v1 =	vadd.s32 s23, v30;
	v13 =	vadd.f32 v38, v18;
	[tilespmem:$0x1FAF0] =	vst v0;
	v0 =	vmul.f32 v44, v58  }
0x3a1: {  	v14 =	vsub.f32 v47, v45;
	v57 =	vmul.f32 v16, v24;
	v29 =	vmul.f32 v16, v17;
	v17 =	vld [tilespmem:s11+$0xCC20]  }
0x3a2: {  	v12 =	vmul.f32 v12, v35;
	[tilespmem:$0x1FAE0] =	vst v13;
	v13 =	vadd.f32 v42, v19;
	v24 =	vmul.f32 v61, v16  }
0x3a3: {  	v27 =	vld [tilespmem:s11+$0xCCD0];
	v56 =	vadd.f32 v0, v36;
	v14 =	vmul.f32 v14, v16;
	v0 =	vmul.f32 v57, v63  }
0x3a4: {  	v62 =	vld [tilespmem:s11+$0xCC10];
	v55 =	vadd.f32 v12, v60;
	v16 =	vbroadcast v50, $0x3;
	v30 =	vmul.f32 v29, v58  }
0x3a5: {  	v51 =	vld [tilespmem:s11+$0xCC00];
	[tilespmem:$0x1FB00] =	vst v13;
	v13 =	vmul.f32 v46, v59;
	v39 =	vmul.f32 v24, v59;
	v0 =	vadd.f32 v0, v19  }
0x3a6: {  	v43 =	vld [tilespmem:s11+$0xCC40];
	v45 =	vmul.f32 v14, v35;
	v12 =	vadd.f32 v30, v36;
	v46 =	vsub.f32 v17, v31  }
0x3a7: {  	v54 =	vld [tilespmem:s11+$0xCC60];
	v15 =	vmul.f32 v15, v58;
	[tilespmem:$0x1FB20] =	vst v0  }
0x3a8: {  	[tilespmem:$0x1FB30] =	vst v12;
	v0 =	vadd.f32 v39, v18;
	v12 =	vadd.f32 v45, v60;
	v39 =	vld [tilespmem:s11+$0xCC70];
	v37 =	vmul.f32 v46, v16  }
0x3a9: {  	v22 =	vadd.s32 s23, v21;
	v40 =	vld [tilespmem:s11+$0xCC30];
	v2 =	vadd.s32 s23, v20;
	v38 =	vbroadcast v49, $0x4  }
0x3aa: {  	v15 =	vadd.f32 v15, v36;
	v44 =	vld [tilespmem:s11+$0xCC80];
	v41 =	vsub.f32 v51, v31;
	[tilespmem:$0x1FB50] =	vst v12;
	v12 =	vmul.f32 v37, v59  }
0x3ab: {  	v20 =	vadd.s32 s23, v26;
	v42 =	vsub.f32 v62, v31;
	v26 =	vsub.f32 v43, v38;
	v17 =	vld [tilespmem:s11+$0xCC50]  }
0x3ac: {  	v21 =	vadd.s32 s23, v25;
	v13 =	vadd.f32 v13, v18;
	v62 =	vadd.f32 v12, v18;
	v18 =	vld [tilespmem:$0x1FEF0]  }
0x3ad: {  	v25 =	vld [tilespmem:s11+$0xCD20];
	v47 =	vmul.f32 v41, v16;
	v29 =	vbroadcast v50, $0x4;
	v14 =	vsub.f32 v39, v38  }
0x3ae: {  	v51 =	vmul.f32 v42, v16;
	v42 =	vbroadcast v49, $0x5;
	[tilespmem:$0x1FB10] =	vst v13;
	v13 =	vsub.f32 v40, v31;
	v45 =	vld [tilespmem:s11+$0xCC90]  }
0x3af: {  	v41 =	vsub.f32 v54, v38;
	[tilespmem:$0x1FB40] =	vst v0;
	v0 =	vmul.f32 v47, v63;
	v47 =	vld [tilespmem:s11+$0xCCA0];
	v14 =	vmul.f32 v14, v29  }
0x3b0: {  	v24 =	vmul.f32 v51, v58;
	v46 =	vmul.f32 v13, v16;
	v16 =	vsub.f32 v17, v38;
	v17 =	vld [tilespmem:s11+$0xCCB0]  }
0x3b1: {  	[tilespmem:$0x1FAD0] =	vst v15;
	v51 =	vbroadcast v50, $0x5;
	v15 =	vsub.f32 v44, v42;
	v14 =	vmul.f32 v14, v18;
	v18 =	vld [tilespmem:$0x1FF00]  }
0x3b2: {  	v43 =	vld [tilespmem:s11+$0xCCC0];
	v40 =	vmul.f32 v26, v29;
	v61 =	vadd.f32 v24, v36;
	v24 =	vmul.f32 v41, v29  }
0x3b3: {  	v44 =	vld [tilespmem:s11+$0xCCE0];
	v15 =	vmul.f32 v15, v51;
	v57 =	vadd.f32 v0, v19;
	v0 =	vmul.f32 v46, v35  }
0x3b4: {  	v46 =	vld [tilespmem:s11+$0xCD00];
	v12 =	vmul.f32 v40, v63;
	v45 =	vsub.f32 v45, v42;
	v39 =	vbroadcast v50, $0x6  }
0x3b5: {  	v38 =	vld [tilespmem:s11+$0xCD10];
	v16 =	vmul.f32 v16, v29;
	v13 =	vsub.f32 v47, v42;
	v17 =	vsub.f32 v17, v42  }
0x3b6: {  	v47 =	vbroadcast v49, $0x6;
	v29 =	vmul.f32 v45, v51;
	v35 =	vadd.f32 v12, v18;
	v18 =	vld [tilespmem:$0x1FF10]  }
0x3b7: {  	v40 =	vld [tilespmem:s11+$0xCD30];
	v54 =	vadd.f32 v0, v60;
	v12 =	vmul.f32 v17, v51;
	v17 =	vbroadcast v49, $0x7  }
0x3b8: {  	v0 =	vmul.f32 v16, v58;
	v16 =	vld [tilespmem:s11+$0xCCF0];
	v13 =	vmul.f32 v13, v51;
	v51 =	vsub.f32 v44, v47  }
0x3b9: {  	v30 =	vsub.f32 v46, v17;
	v46 =	vld [tilespmem:s11+$0xCDB0]  }
0x3ba: {  	v27 =	vsub.f32 v27, v47;
	v41 =	vmul.f32 v51, v39;
	v51 =	vld [tilespmem:$0x1FFC0]  }
0x3bb: {  	v6 =	vand.u32 $0x7FF8, v6;
	v26 =	vsub.f32 v43, v47;
	v36 =	vadd.f32 v0, v18;
	v18 =	vld [tilespmem:$0x1FF20]  }
0x3bc: {  	v43 =	vbroadcast v50, $0x7;
	v38 =	vsub.f32 v38, v17;
	v0 =	vmul.f32 v27, v39;
	v27 =	vld [tilespmem:s11+$0xCD70]  }
0x3bd: {  	v24 =	vmul.f32 v24, v59;
	v45 =	vbroadcast v49, $0x8;
	v16 =	vsub.f32 v16, v47  }
0x3be: {  	v25 =	vsub.f32 v25, v17;
	v17 =	vsub.f32 v40, v17;
	v47 =	vmul.f32 v38, v43  }
0x3bf: {  	v38 =	vadd.f32 v14, v60;
	v51 =	vor.u32 v51, v6;
	v6 =	vbroadcast v49, $0x9  }
0x3c0: {  	v14 =	vmul.f32 v25, v43;
	v17 =	vmul.f32 v17, v43;
	v37 =	vadd.f32 v24, v18  }
0x3c1: {  	v24 =	vmul.f32 v30, v43;
	v43 =	vsub.f32 v27, v45;
	v27 =	vsub.f32 v46, v6;
	v46 =	vld [tilespmem:$0x1FFE0];
	_ =	sdelay $0x2  }
0x3c2: {  	v31 =	vld [tilespmem:s11+$0xCD40]  }
0x3c3: {  	v4 =	vand.u32 $0x7FF8, v4;
	v42 =	vld [tilespmem:s11+$0xCD50]  }
0x3c4: {  	v46 =	vor.u32 v46, v4;
	v4 =	vld [tilespmem:$0x1FEF0]  }
0x3c5: {  	v44 =	vld [tilespmem:s11+$0xCD60]  }
0x3c6: {  	v40 =	vld [tilespmem:s11+$0xCDA0]  }
0x3c7: {  	v26 =	vmul.f32 v26, v39;
	v16 =	vmul.f32 v16, v39;
	v39 =	vld [tilespmem:s11+$0xCD90]  }
0x3c8: {  	v30 =	vld [tilespmem:s11+$0xCD80]  }
0x3c9: {  	v12 =	vmul.f32 v12, v4;
	v4 =	vld [tilespmem:$0x1FF00];
	_ =	sdelay $0x1  }
0x3ca: {  	v25 =	vsub.f32 v31, v45  }
0x3cb: {  	v15 =	vmul.f32 v15, v63;
	v31 =	vsub.f32 v42, v45;
	v42 =	vsub.f32 v44, v45  }
0x3cc: {  	v40 =	vsub.f32 v40, v6;
	v44 =	vsub.f32 v39, v6  }
0x3cd: {  	v23 =	vand.u32 $0x7FF8, v23;
	v30 =	vsub.f32 v30, v6;
	v6 =	vadd.f32 v15, v4;
	v15 =	vld [tilespmem:$0x1FF10]  }
0x3ce: {  	v23 =	vor.u32 v28, v23;
	_ =	sdelay $0x1  }
0x3cf: {  	v29 =	vmul.f32 v29, v58;
	_ =	sdelay $0x1  }
0x3d0: {  	v4 =	vadd.f32 v29, v15;
	v15 =	vld [tilespmem:$0x1FF20]  }
0x3d1: {  	v39 =	vld.idx.msk [tilespmem:v23+s0+$0x0], $0xffff  }
0x3d2: {  	v18 =	vld [tilespmem:$0x1FF00]  }
0x3d3: {  	v13 =	vmul.f32 v13, v59;
	v45 =	vld.idx.msk [tilespmem:v51+s0+$0x0], $0xffff  }
0x3d4: {  	v2 =	vand.u32 $0x7FF8, v2;
	v29 =	vld.idx.msk [tilespmem:v51+s2+$0x0], $0xffff  }
0x3d5: {  	v51 =	vor.u32 v32, v2;
	v2 =	vadd.f32 v13, v15;
	v15 =	vadd.f32 v12, v60;
	v12 =	vld [tilespmem:$0x1FF20];
	_ =	sdelay $0x1  }
0x3d6: {  	v26 =	vmul.f32 v26, v63  }
0x3d7: {  	v13 =	vmul.f32 v41, v59  }
0x3d8: {  	v41 =	vadd.f32 v26, v18;
	v26 =	vadd.f32 v45, v39;
	v45 =	vld [tilespmem:$0x1FF10]  }
0x3d9: {  	v13 =	vadd.f32 v13, v12;
	v12 =	vld [tilespmem:$0x1FEF0];
	_ =	sdelay $0x2  }
0x3da: {  	v0 =	vmul.f32 v0, v58;
	v23 =	vld.idx.msk [tilespmem:v23+s2+$0x0], $0xffff  }
0x3db: {  	v39 =	vld.idx.msk [tilespmem:v46+s0+$0x0], $0xffff  }
0x3dc: {  	v45 =	vadd.f32 v0, v45;
	v0 =	vmul.f32 v16, v12;
	v16 =	vld.idx.msk [tilespmem:v46+s2+$0x0], $0xffff  }
0x3dd: {  	v12 =	vmul.f32 v24, v63;
	v24 =	vld.idx.msk [tilespmem:v51+s0+$0x0], $0xffff  }
0x3de: {  	v46 =	vmul.f32 v47, v58;
	v47 =	vld.idx.msk [tilespmem:v51+s2+$0x0], $0xffff  }
0x3df: {  	v51 =	vld [tilespmem:$0x1FF00];
	_ =	sdelay $0x3  }
0x3e0: {  	v22 =	vand.u32 $0x7FF8, v22;
	v23 =	vadd.f32 v29, v23  }
0x3e1: {  	v22 =	vor.u32 v33, v22;
	v29 =	vadd.f32 v0, v60;
	v0 =	vadd.f32 v12, v51;
	v51 =	vld [tilespmem:$0x1FF10]  }
0x3e2: {  	v18 =	vld [tilespmem:$0x1FF20];
	_ =	sdelay $0x2  }
0x3e3: {  	v14 =	vmul.f32 v14, v59  }
0x3e4: {  	v12 =	vadd.f32 v46, v51;
	v46 =	vld.idx.msk [tilespmem:v22+s0+$0x0], $0xffff  }
0x3e5: {  	v21 =	vand.u32 $0x7FF8, v21;
	v26 =	vadd.f32 v39, v26;
	v39 =	vadd.f32 v14, v18;
	v18 =	vld [tilespmem:$0x1FEF0]  }
0x3e6: {  	v11 =	vand.u32 $0x7FF8, v11;
	v21 =	vor.u32 v34, v21;
	v20 =	vand.u32 $0x7FF8, v20  }
0x3e7: {  	v11 =	vor.u32 v32, v11;
	v20 =	vor.u32 v48, v20;
	v32 =	vld [tilespmem:$0x1FF10];
	v51 =	vadd.f32 v24, v26  }
0x3e8: {  	v14 =	vadd.f32 v16, v23;
	v16 =	vbroadcast v50, $0x8;
	v22 =	vld.idx.msk [tilespmem:v22+s2+$0x0], $0xffff  }
0x3e9: {  	v23 =	vadd.f32 v46, v51;
	v51 =	vld [tilespmem:$0x1FF00]  }
0x3ea: {  	v8 =	vand.u32 $0x7FF8, v8;
	v17 =	vmul.f32 v17, v18;
	v18 =	vld [tilespmem:$0x1FF10];
	v25 =	vmul.f32 v25, v16  }
0x3eb: {  	v8 =	vor.u32 v52, v8;
	v3 =	vand.u32 $0x7FF8, v3;
	v14 =	vadd.f32 v47, v14;
	v26 =	vld.idx.msk [tilespmem:v21+s0+$0x0], $0xffff  }
0x3ec: {  	v47 =	vadd.f32 v17, v60;
	v17 =	vmul.f32 v31, v16;
	v31 =	vld.idx.msk [tilespmem:v20+s0+$0x0], $0xffff;
	v25 =	vmul.f32 v25, v63  }
0x3ed: {  	v20 =	vld.idx.msk [tilespmem:v20+s2+$0x0], $0xffff;
	v46 =	vor.u32 v28, v3  }
0x3ee: {  	v14 =	vadd.f32 v22, v14;
	v22 =	vand.u32 $0x7FF8, v1;
	v1 =	vadd.f32 v25, v51;
	v51 =	vld [tilespmem:$0x1FFC0]  }
0x3ef: {  	v21 =	vld.idx.msk [tilespmem:v21+s2+$0x0], $0xffff  }
0x3f0: {  	v28 =	vmul.f32 v42, v16;
	v16 =	vmul.f32 v43, v16;
	v43 =	vld [tilespmem:$0x1FF20];
	v23 =	vadd.f32 v26, v23  }
0x3f1: {  	v26 =	vld.idx.msk [tilespmem:v8+s0+$0x0], $0xffff  }
0x3f2: {  	v23 =	vadd.f32 v31, v23;
	v31 =	vld.idx.msk [tilespmem:v46+s0+$0x0], $0xffff  }
0x3f3: {  	v22 =	vor.u32 v51, v22;
	v51 =	vld.idx.msk [tilespmem:v46+s2+$0x0], $0xffff  }
0x3f4: {  	v46 =	vld [tilespmem:$0x1FFE0]  }
0x3f5: {  	v25 =	vmul.f32 v28, v59;
	v28 =	vld [tilespmem:$0x1FEF0]  }
0x3f6: {  	v3 =	vmul.f32 v17, v58;
	v42 =	vld.idx.msk [tilespmem:v8+s2+$0x0], $0xffff  }
0x3f7: {  	v24 =	vld [tilespmem:s11+$0xCDC0];
	v14 =	vadd.f32 v21, v14  }
0x3f8: {  	v7 =	vand.u32 $0x7FF8, v7;
	v10 =	vand.u32 $0x7FF8, v10;
	v17 =	vld [tilespmem:s11+$0xCDD0];
	v3 =	vadd.f32 v3, v18  }
0x3f9: {  	v18 =	vld [tilespmem:$0x1FEF0];
	v14 =	vadd.f32 v20, v14;
	v8 =	vadd.f32 v25, v43;
	v43 =	vor.u32 v46, v7  }
0x3fa: {  	v21 =	vbroadcast v50, $0x9;
	v23 =	vadd.f32 v26, v23;
	v26 =	vld [tilespmem:s11+$0xCDE0];
	v16 =	vmul.f32 v16, v28  }
0x3fb: {  	v9 =	vand.u32 $0x7FF8, v9;
	v10 =	vor.u32 v33, v10;
	v14 =	vadd.f32 v42, v14;
	v20 =	vld.idx.msk [tilespmem:v22+s0+$0x0], $0xffff  }
0x3fc: {  	v40 =	vmul.f32 v40, v21;
	v25 =	vmul.f32 v30, v21;
	v7 =	vadd.f32 v16, v60;
	v22 =	vld.idx.msk [tilespmem:v22+s2+$0x0], $0xffff  }
0x3fd: {  	v16 =	vmul.f32 v44, v21;
	v21 =	vmul.f32 v27, v21;
	v14 =	vadd.f32 v51, v14;
	v51 =	vld [tilespmem:$0x1FF00]  }
0x3fe: {  	v33 =	vand.u32 $0x7FF8, v53;
	v23 =	vadd.f32 v31, v23;
	v27 =	vbroadcast v49, $0xA;
	v31 =	vld.idx.msk [tilespmem:v43+s0+$0x0], $0xffff  }
0x3ff: {  	v44 =	vor.u32 v34, v9;
	v16 =	vmul.f32 v16, v58;
	v34 =	vmul.f32 v21, v18;
	v18 =	vld [tilespmem:$0x1FF20]  }
0x400: {  	v24 =	vsub.f32 v24, v27;
	v20 =	vadd.f32 v20, v23;
	v23 =	vbroadcast v50, $0xA;
	v43 =	vld.idx.msk [tilespmem:v43+s2+$0x0], $0xffff  }
0x401: {  	v40 =	vmul.f32 v40, v59;
	v28 =	vand.u32 $0x7FF8, v5;
	v14 =	vadd.f32 v22, v14;
	v22 =	vld.idx.msk [tilespmem:v11+s0+$0x0], $0xffff  }
0x402: {  	v17 =	vsub.f32 v17, v27;
	v5 =	vadd.f32 v16, v32;
	v11 =	vld.idx.msk [tilespmem:v11+s2+$0x0], $0xffff;
	v16 =	vmul.f32 v24, v23  }
0x403: {  	v25 =	vmul.f32 v25, v63;
	v20 =	vadd.f32 v31, v20;
	v31 =	vor.u32 v52, v33;
	v33 =	vld [tilespmem:$0x1FF10]  }
0x404: {  	v21 =	vadd.f32 v40, v18;
	v18 =	vld [tilespmem:$0x1FF00];
	v52 =	vmul.f32 v16, v63;
	v16 =	vmul.f32 v17, v23  }
0x405: {  	v14 =	vadd.f32 v43, v14  }
0x406: {  	v9 =	vadd.f32 v25, v51;
	v25 =	vld.idx.msk [tilespmem:v10+s0+$0x0], $0xffff;
	v16 =	vmul.f32 v16, v58  }
0x407: {  	v24 =	vor.u32 v48, v28;
	v48 =	vld.idx.msk [tilespmem:v10+s2+$0x0], $0xffff;
	v14 =	vadd.f32 v11, v14  }
0x408: {  	v17 =	vld.idx.msk [tilespmem:v44+s0+$0x0], $0xffff;
	v11 =	vadd.f32 v16, v33;
	v16 =	vsub.f32 v26, v27  }
0x409: {  	v10 =	vadd.f32 v52, v18;
	v18 =	vld [tilespmem:$0x1FF20]  }
0x40a: {  	v42 =	vld [tilespmem:s11+$0xCDF0];
	v22 =	vadd.f32 v22, v20;
	v16 =	vmul.f32 v16, v23;
	_ =	sdelay $0x1  }
0x40b: {  	v30 =	vld [tilespmem:s11+$0xCE00];
	v22 =	vadd.f32 v25, v22;
	v16 =	vmul.f32 v16, v59  }
0x40c: {  	v53 =	vld.idx.msk [tilespmem:v24+s0+$0x0], $0xffff  }
0x40d: {  	v17 =	vadd.f32 v17, v22;
	v22 =	vadd.f32 v16, v18;
	v18 =	vld [tilespmem:$0x1FEF0]  }
0x40e: {  	v51 =	vsub.f32 v42, v27  }
0x40f: {  	v27 =	vbroadcast v49, $0xB  }
0x410: {  	v46 =	vld [tilespmem:s11+$0xCE10];
	v20 =	vadd.f32 v34, v60;
	v23 =	vmul.f32 v51, v23  }
0x411: {  	v34 =	vld.idx.msk [tilespmem:v31+s0+$0x0], $0xffff;
	v30 =	vsub.f32 v30, v27;
	v17 =	vadd.f32 v53, v17;
	v53 =	vbroadcast v50, $0xB  }
0x412: {  	v23 =	vmul.f32 v23, v18;
	v18 =	vld [tilespmem:$0x1FF00]  }
0x413: {  	v16 =	vmul.f32 v30, v53  }
0x414: {  	v40 =	vld.idx.msk [tilespmem:v44+s2+$0x0], $0xffff  }
0x415: {  	v24 =	vld.idx.msk [tilespmem:v24+s2+$0x0], $0xffff;
	v16 =	vmul.f32 v16, v63  }
0x416: {  	v52 =	vld [tilespmem:s11+$0xCE20];
	v17 =	vadd.f32 v34, v17;
	v34 =	vsub.f32 v46, v27  }
0x417: {  	v25 =	vadd.f32 v16, v18;
	v18 =	vld [tilespmem:$0x1FF10]  }
0x418: {  	v14 =	vadd.f32 v48, v14;
	v48 =	vmul.f32 $1.562500000e-02, v17;
	v17 =	vmul.f32 v34, v53;
	_ =	sdelay $0x1  }
0x419: {  	v14 =	vadd.f32 v40, v14;
	v17 =	vmul.f32 v17, v58  }
0x41a: {  	v44 =	vsub.f32 v52, v27  }
0x41b: {  	v14 =	vadd.f32 v24, v14;
	v24 =	vadd.f32 v17, v18;
	v18 =	vld [tilespmem:$0x1FF20]  }
0x41c: {  	v42 =	vmul.f32 v44, v53;
	_ =	sdelay $0x1  }
0x41d: {  	v17 =	vmul.f32 v42, v59;
	_ =	sdelay $0x1  }
0x41e: {  	v26 =	vadd.f32 v17, v18;
	v18 =	vld [tilespmem:$0x1FAC0];
	_ =	sdelay $0x4  }
0x41f: {  	[tilespmem:s11+$0xCB40] =	vst v18;
	v18 =	vld [tilespmem:$0x1FAD0];
	_ =	sdelay $0x4  }
0x420: {  	[tilespmem:s11+$0xCB50] =	vst v18;
	v18 =	vld [tilespmem:$0x1FAE0];
	_ =	sdelay $0x4  }
0x421: {  	[tilespmem:s11+$0xCB60] =	vst v18;
	v18 =	vld [tilespmem:$0x1FAF0];
	_ =	sdelay $0x3  }
0x422: {  	v46 =	vld [tilespmem:s11+$0xCE40]  }
0x423: {  	[tilespmem:s11+$0xCB70] =	vst v18;
	v18 =	vld [tilespmem:$0x1FB00];
	_ =	sdelay $0x1  }
0x424: {  	v31 =	vld.idx.msk [tilespmem:v31+s2+$0x0], $0xffff;
	v16 =	vbroadcast v49, $0xC;
	_ =	sdelay $0x1  }
0x425: {  	v33 =	vld [tilespmem:s11+$0xCE30];
	v40 =	vbroadcast v50, $0xC;
	v32 =	vsub.f32 v46, v16  }
0x426: {  	[tilespmem:s11+$0xCB80] =	vst v18;
	v18 =	vld [tilespmem:$0x1FF00]  }
0x427: {  	v34 =	vmul.f32 v32, v40  }
0x428: {  	v14 =	vadd.f32 v31, v14  }
0x429: {  	v51 =	vld [tilespmem:s11+$0xCE50];
	v30 =	vmul.f32 v34, v63  }
0x42a: {  	v14 =	vmul.f32 $1.562500000e-02, v14;
	v52 =	vmul.f32 v48, v48;
	v17 =	vld [tilespmem:$0x1FEF0]  }
0x42b: {  	v27 =	vsub.f32 v33, v27;
	v28 =	vadd.f32 v30, v18;
	v18 =	vld [tilespmem:$0x1FB10]  }
0x42c: {  	v14 =	vsub.f32 v14, v52  }
0x42d: {  	v27 =	vmul.f32 v27, v53  }
0x42e: {  	v53 =	vld [tilespmem:s11+$0xCE60];
	v14 =	vadd.f32 $9.999999960e-13, v14  }
0x42f: {  	v33 =	vsub.f32 v51, v16;
	v17 =	vmul.f32 v27, v17  }
0x430: {  	v52 =	vshra.s32 v14, $0x1;
	[tilespmem:s11+$0xCBA0] =	vst v18;
	v18 =	vld [tilespmem:$0x1FF10]  }
0x431: {  	v14 =	vmul.f32 $5.000000000e-01, v14;
	v19 =	vadd.f32 v17, v60;
	v17 =	vmul.f32 v33, v40  }
0x432: {  	v44 =	vsub.s32 $0x5F3759DF, v52  }
0x433: {  	v31 =	vsub.f32 v53, v16;
	v53 =	vmul.f32 v44, v14;
	v17 =	vmul.f32 v17, v58;
	_ =	sdelay $0x1  }
0x434: {  	v46 =	vmul.f32 v44, v53;
	v53 =	vadd.f32 v17, v18;
	v18 =	vld [tilespmem:$0x1FB20];
	_ =	sdelay $0x4  }
0x435: {  	[tilespmem:s11+$0xCBC0] =	vst v18;
	v18 =	vld [tilespmem:$0x1FF20]  }
0x436: {  	v33 =	vmul.f32 v31, v40;
	_ =	sdelay $0x1  }
0x437: {  	v30 =	vmul.f32 v33, v59;
	_ =	sdelay $0x1  }
0x438: {  	[tilespmem:s11+$0xCBB0] =	vst v55;
	v55 =	vadd.f32 v30, v18;
	v18 =	vld [tilespmem:$0x1FB30];
	_ =	sdelay $0x4  }
0x439: {  	[tilespmem:s11+$0xCBD0] =	vst v18;
	v18 =	vld [tilespmem:$0x1FB40];
	_ =	sdelay $0x1  }
0x43a: {  	v43 =	vld [tilespmem:s11+$0xCE70];
	_ =	sdelay $0x1  }
0x43b: {  	v51 =	vld [tilespmem:s11+$0xCE80]  }
0x43c: {  	[tilespmem:s11+$0xCBE0] =	vst v18;
	v18 =	vld [tilespmem:$0x1FB50]  }
0x43d: {  	v17 =	vld [tilespmem:$0x1FEF0]  }
0x43e: {  	v16 =	vsub.f32 v43, v16;
	v43 =	vbroadcast v49, $0xD  }
0x43f: {  	v27 =	vld [tilespmem:s11+$0xCE90]  }
0x440: {  	v16 =	vmul.f32 v16, v40;
	v42 =	vsub.f32 v51, v43;
	v40 =	vbroadcast v50, $0xD;
	v33 =	vld [tilespmem:s11+$0xCEC0]  }
0x441: {  	[tilespmem:s11+$0xCBF0] =	vst v18;
	v18 =	vld [tilespmem:$0x1FF00]  }
0x442: {  	v16 =	vmul.f32 v16, v17;
	v17 =	vmul.f32 v42, v40;
	_ =	sdelay $0x1  }
0x443: {  	v34 =	vld [tilespmem:s11+$0xCEB0];
	v52 =	vadd.f32 v16, v60;
	v16 =	vmul.f32 v17, v63;
	v17 =	vbroadcast v49, $0xE  }
0x444: {  	v31 =	vld [tilespmem:s11+$0xCEA0];
	v27 =	vsub.f32 v27, v43  }
0x445: {  	[tilespmem:s11+$0xCB90] =	vst v56;
	v56 =	vsub.f32 v33, v17;
	v33 =	vadd.f32 v16, v18;
	v18 =	vld [tilespmem:$0x1FF10]  }
0x446: {  	v27 =	vmul.f32 v27, v40  }
0x447: {  	v46 =	vsub.f32 $1.500000000e+00, v46  }
0x448: {  	v27 =	vmul.f32 v27, v58  }
0x449: {  	v31 =	vsub.f32 v31, v43;
	v30 =	vmul.f32 v44, v46  }
0x44a: {  	v43 =	vsub.f32 v34, v43;
	v32 =	vadd.f32 v27, v18;
	v18 =	vld [tilespmem:$0x1FEF0]  }
0x44b: {  	v46 =	vmul.f32 v30, v14  }
0x44c: {  	[tilespmem:s11+$0xCC10] =	vst v61;
	v61 =	vld [tilespmem:s11+$0xCEF0];
	v34 =	vmul.f32 v43, v40  }
0x44d: {  	v42 =	vld [tilespmem:s11+$0xCED0];
	v16 =	vmul.f32 v31, v40;
	v31 =	vmul.f32 v46, v30  }
0x44e: {  	v44 =	vld [tilespmem:s11+$0xCEE0]  }
0x44f: {  	s29 =	sshll.u32 s12, $0xA;
	[tilespmem:s11+$0xCC20] =	vst v62;
	v31 =	vsub.f32 $1.500000000e+00, v31;
	v27 =	vmul.f32 v34, v18;
	v18 =	vld [tilespmem:$0x1FF20]  }
0x450: {  	s12 =	sand.u32 $0x3FFFFC00, s29;
	v62 =	vld [tilespmem:s11+$0xCF00];
	[tilespmem:s11+$0xCC30] =	vst v54;
	v51 =	vbroadcast v50, $0xE  }
0x451: {  	v54 =	vld [tilespmem:s12+$0xCB50];
	[tilespmem:s11+$0xCC70] =	vst v38;
	v38 =	vbroadcast v50, $0xF;
	v30 =	vmul.f32 v31, v30  }
0x452: {  	[tilespmem:s11+$0xCC00] =	vst v57;
	v50 =	vld [tilespmem:$0x1FF10];
	v42 =	vsub.f32 v42, v17;
	v57 =	vmul.f32 v56, v51;
	v16 =	vmul.f32 v16, v59  }
0x453: {  	v56 =	vld [tilespmem:s11+$0xCF10];
	v44 =	vsub.f32 v44, v17;
	v17 =	vsub.f32 v61, v17;
	v14 =	vmul.f32 v30, v14  }
0x454: {  	v34 =	vadd.f32 v16, v18;
	v16 =	vmul.f32 v42, v51;
	v42 =	vbroadcast v49, $0xF;
	v49 =	vld [tilespmem:$0x1FF00]  }
0x455: {  	v14 =	vmul.f32 v14, v30;
	v18 =	vld [tilespmem:$0x1FEF0]  }
0x456: {  	v17 =	vmul.f32 v17, v51;
	v46 =	vld [tilespmem:s11+$0xCF30]  }
0x457: {  	v61 =	vld [tilespmem:s11+$0xCF20];
	v40 =	vmul.f32 v57, v63;
	v57 =	vmul.f32 v44, v51;
	v14 =	vsub.f32 $1.500000000e+00, v14  }
0x458: {  	[tilespmem:s11+$0xCC40] =	vst v35;
	v16 =	vmul.f32 v16, v58;
	v62 =	vsub.f32 v62, v42;
	v31 =	vsub.f32 v56, v42;
	v56 =	vld [tilespmem:$0x1FF20]  }
0x459: {  	[tilespmem:s11+$0xCC80] =	vst v6;
	v35 =	vadd.f32 v27, v60;
	v27 =	vmul.f32 v57, v59;
	v6 =	vadd.f32 v40, v49;
	v40 =	vld [tilespmem:s12+$0xCB40]  }
0x45a: {  	[tilespmem:s11+$0xCC90] =	vst v4;
	v4 =	vadd.f32 v16, v50;
	v16 =	vmul.f32 v62, v38;
	v17 =	vmul.f32 v17, v18;
	v18 =	vld [tilespmem:$0x1FF00]  }
0x45b: {  	[tilespmem:s11+$0xCCF0] =	vst v29;
	v29 =	vld [tilespmem:s12+$0xCB80];
	v46 =	vsub.f32 v46, v42;
	v49 =	vmul.f32 v14, v30;
	v14 =	vbroadcast v48, $0x0  }
0x45c: {  	[tilespmem:s11+$0xCC50] =	vst v36;
	v57 =	vmul.f32 v16, v63;
	v16 =	vmul.f32 v31, v38;
	v31 =	vsub.f32 v61, v42;
	v42 =	vld [tilespmem:$0x1FEF0]  }
0x45d: {  	[tilespmem:s11+$0xCCA0] =	vst v2;
	v2 =	vadd.f32 v27, v56;
	v36 =	vadd.f32 v17, v60;
	v17 =	vld [tilespmem:s12+$0xCB60]  }
0x45e: {  	[tilespmem:s11+$0xCCE0] =	vst v13;
	v13 =	vbroadcast v49, $0x0;
	v27 =	vmul.f32 v31, v38;
	v31 =	vld [tilespmem:s12+$0xCB70];
	v40 =	vsub.f32 v40, v14  }
0x45f: {  	[tilespmem:s11+$0xCC60] =	vst v37;
	v37 =	vadd.f32 v57, v18;
	v57 =	vld [tilespmem:$0x1FF10]  }
0x460: {  	v61 =	vmul.f32 v13, v40;
	v40 =	vld [tilespmem:$0x1FF20]  }
0x461: {  	v30 =	vld [tilespmem:s12+$0xCB90]  }
0x462: {  	[tilespmem:s11+$0xCCD0] =	vst v45;
	v56 =	vmul.f32 v46, v38;
	v16 =	vmul.f32 v16, v58;
	v45 =	vsub.f32 v17, v14;
	v17 =	vld [tilespmem:s12+$0xCBA0]  }
0x463: {  	v50 =	vsub.f32 v54, v14;
	v54 =	vmul.f32 v27, v59;
	v14 =	vsub.f32 v31, v14;
	v31 =	vld [tilespmem:s12+$0xCBB0]  }
0x464: {  	[tilespmem:s11+$0xCD10] =	vst v12;
	v12 =	vmul.f32 v56, v42;
	v56 =	vld [tilespmem:$0x1FF10];
	v38 =	vadd.f32 v16, v57  }
0x465: {  	v16 =	vmul.f32 v13, v50;
	v50 =	vbroadcast v48, $0x1;
	v40 =	vadd.f32 v54, v40;
	v54 =	vld [tilespmem:$0x1FF00];
	_ =	sdelay $0x1  }
0x466: {  	[tilespmem:s11+$0xCD30] =	vst v47;
	v42 =	vld [tilespmem:$0x1FEF0];
	v47 =	vmul.f32 v13, v45;
	v16 =	vmul.f32 v16, v58;
	v45 =	vsub.f32 v30, v50  }
0x467: {  	[tilespmem:s11+$0xCCB0] =	vst v15;
	v46 =	vmul.f32 v61, v63;
	v17 =	vsub.f32 v17, v50;
	v15 =	vsub.f32 v31, v50  }
0x468: {  	[tilespmem:s11+$0xCD40] =	vst v1;
	v1 =	vadd.f32 v16, v56;
	v16 =	vsub.f32 v29, v50;
	v50 =	vld [tilespmem:$0x1FF20]  }
0x469: {  	[tilespmem:s11+$0xCD20] =	vst v39;
	v61 =	vbroadcast v49, $0x1;
	v13 =	vmul.f32 v13, v14;
	v39 =	vadd.f32 v46, v54;
	v46 =	vld [tilespmem:s12+$0xCBD0]  }
0x46a: {  	v57 =	vmul.f32 v47, v59  }
0x46b: {  	[tilespmem:s11+$0xCD60] =	vst v8;
	v8 =	vmul.f32 v13, v42;
	v54 =	vmul.f32 v61, v45;
	v45 =	vld [tilespmem:$0x1FF10]  }
0x46c: {  	v47 =	vmul.f32 v61, v16;
	v16 =	vbroadcast v48, $0x2  }
0x46d: {  	[tilespmem:s11+$0xCD00] =	vst v0;
	v18 =	vld [tilespmem:$0x1FF10];
	v0 =	vadd.f32 v12, v60;
	v12 =	vmul.f32 v61, v15;
	v15 =	vbroadcast v49, $0x2  }
0x46e: {  	[tilespmem:s11+$0xCD50] =	vst v3;
	v14 =	vld [tilespmem:s12+$0xCBC0];
	v3 =	vadd.f32 v57, v50;
	v57 =	vmul.f32 v54, v58;
	v31 =	vsub.f32 v46, v16  }
0x46f: {  	v56 =	vmul.f32 v61, v17;
	v17 =	vld [tilespmem:s12+$0xCBE0]  }
0x470: {  	[tilespmem:s11+$0xCD90] =	vst v5;
	v29 =	vld [tilespmem:s12+$0xCBF0];
	v5 =	vadd.f32 v8, v60;
	v8 =	vadd.f32 v57, v45;
	v57 =	vmul.f32 v15, v31  }
0x471: {  	v46 =	vld [tilespmem:$0x1FEF0]  }
0x472: {  	v45 =	vmul.f32 v57, v58;
	_ =	sdelay $0x1  }
0x473: {  	[tilespmem:s11+$0xCDC0] =	vst v10;
	v14 =	vsub.f32 v14, v16;
	v10 =	vadd.f32 v45, v18;
	v18 =	vld [tilespmem:$0x1FEF0]  }
0x474: {  	[tilespmem:s11+$0xCD70] =	vst v7;
	v7 =	vmul.f32 v47, v63;
	v17 =	vsub.f32 v17, v16;
	v16 =	vsub.f32 v29, v16  }
0x475: {  	v42 =	vld [tilespmem:$0x1FF00];
	v30 =	vmul.f32 v15, v14;
	v47 =	vmul.f32 v12, v46  }
0x476: {  	[tilespmem:s11+$0xCDA0] =	vst v21;
	v21 =	vld [tilespmem:s12+$0xCC00];
	v46 =	vmul.f32 v17, v15;
	v15 =	vmul.f32 v16, v15  }
0x477: {  	v54 =	vld [tilespmem:$0x1FF20]  }
0x478: {  	v15 =	vmul.f32 v15, v18;
	v18 =	vld [tilespmem:$0x1FF20]  }
0x479: {  	[tilespmem:s11+$0xCE50] =	vst v53;
	v53 =	vld [tilespmem:$0x1FF00];
	v61 =	vmul.f32 v56, v59  }
0x47a: {  	[tilespmem:s11+$0xCDB0] =	vst v20;
	v20 =	vadd.f32 v7, v42;
	v42 =	vld [tilespmem:$0x1FF00];
	v56 =	vmul.f32 v30, v63;
	v30 =	vbroadcast v48, $0x3  }
0x47b: {  	v50 =	vld [tilespmem:s12+$0xCC10];
	v13 =	vmul.f32 v46, v59  }
0x47c: {  	v7 =	vadd.f32 v61, v54;
	v61 =	vld [tilespmem:s12+$0xCC20];
	v21 =	vsub.f32 v21, v30;
	v17 =	vbroadcast v49, $0x3  }
0x47d: {  	[tilespmem:s11+$0xCCC0] =	vst v41;
	v13 =	vadd.f32 v13, v18;
	v18 =	vld [tilespmem:$0x1FF00]  }
0x47e: {  	[tilespmem:s11+$0xCD80] =	vst v9;
	v31 =	vld [tilespmem:s12+$0xCC30];
	v21 =	vmul.f32 v21, v17  }
0x47f: {  	[tilespmem:s11+$0xCDD0] =	vst v11;
	v23 =	vadd.f32 v23, v60;
	v9 =	vadd.f32 v56, v42;
	v56 =	vld [tilespmem:s12+$0xCC70]  }
0x480: {  	[tilespmem:s11+$0xCDE0] =	vst v22;
	v16 =	vld [tilespmem:s12+$0xCC40];
	v21 =	vmul.f32 v21, v63  }
0x481: {  	[tilespmem:s11+$0xCDF0] =	vst v23;
	v12 =	vsub.f32 v50, v30;
	v50 =	vld [tilespmem:s12+$0xCC60]  }
0x482: {  	[tilespmem:s11+$0xCE00] =	vst v25;
	v21 =	vadd.f32 v21, v18;
	v18 =	vld [tilespmem:$0x1FF10]  }
0x483: {  	[tilespmem:s11+$0xCE70] =	vst v52;
	v11 =	vadd.f32 v47, v60;
	v47 =	vld [tilespmem:s12+$0xCC50];
	v12 =	vmul.f32 v12, v17  }
0x484: {  	v52 =	vbroadcast v49, $0x5;
	[tilespmem:s12+$0xCB80] =	vst v20;
	v20 =	vbroadcast v49, $0x7;
	v42 =	vld [tilespmem:s12+$0xCC90]  }
0x485: {  	[tilespmem:s11+$0xCE10] =	vst v24;
	v54 =	vbroadcast v48, $0x4;
	v14 =	vsub.f32 v61, v30;
	v61 =	vld [tilespmem:s12+$0xCC80];
	v12 =	vmul.f32 v12, v58  }
0x486: {  	[tilespmem:s11+$0xCE20] =	vst v26;
	v29 =	vbroadcast v48, $0xA;
	v57 =	vbroadcast v49, $0x4;
	v22 =	vsub.f32 v31, v30;
	v46 =	vld [tilespmem:s12+$0xCCA0]  }
0x487: {  	[tilespmem:s11+$0xCE30] =	vst v19;
	v14 =	vmul.f32 v14, v17;
	v16 =	vsub.f32 v16, v54;
	v12 =	vadd.f32 v12, v18;
	v18 =	vld [tilespmem:$0x1FEF0]  }
0x488: {  	[tilespmem:s11+$0xCE40] =	vst v28;
	v45 =	vbroadcast v48, $0x5;
	v24 =	vsub.f32 v50, v54;
	v23 =	vsub.f32 v47, v54;
	v47 =	vld [tilespmem:s12+$0xCCB0]  }
0x489: {  	[tilespmem:s11+$0xCE60] =	vst v55;
	v55 =	vld [tilespmem:s12+$0xCCC0];
	v17 =	vmul.f32 v22, v17;
	v14 =	vmul.f32 v14, v59  }
0x48a: {  	[tilespmem:s11+$0xCEB0] =	vst v35;
	v35 =	vld [tilespmem:$0x1FEF0];
	v22 =	vsub.f32 v56, v54;
	v16 =	vmul.f32 v16, v57;
	v24 =	vmul.f32 v24, v57  }
0x48b: {  	[tilespmem:s11+$0xCE80] =	vst v33;
	v56 =	vld [tilespmem:$0x1FF10];
	v54 =	vsub.f32 v42, v45;
	v42 =	vsub.f32 v46, v45;
	v23 =	vmul.f32 v23, v57  }
0x48c: {  	[tilespmem:s11+$0xCE90] =	vst v32;
	v27 =	vsub.f32 v61, v45;
	v16 =	vmul.f32 v16, v63;
	v17 =	vmul.f32 v17, v18;
	v18 =	vld [tilespmem:$0x1FF20]  }
0x48d: {  	[tilespmem:s11+$0xCEA0] =	vst v34;
	v61 =	vld [tilespmem:s12+$0xCCD0];
	v50 =	vmul.f32 v24, v59;
	v28 =	vmul.f32 v42, v52;
	v25 =	vsub.f32 v47, v45  }
0x48e: {  	[tilespmem:s11+$0xCED0] =	vst v4;
	v46 =	vld [tilespmem:s12+$0xCCE0];
	v4 =	vadd.f32 v16, v53;
	v16 =	vmul.f32 v22, v57;
	v57 =	vmul.f32 v27, v52  }
0x48f: {  	[tilespmem:s11+$0xCEC0] =	vst v6;
	v22 =	vmul.f32 v54, v52;
	v24 =	vmul.f32 v25, v52;
	v52 =	vld [tilespmem:s12+$0xCD00]  }
0x490: {  	[tilespmem:s11+$0xCEE0] =	vst v2;
	v31 =	vbroadcast v49, $0xA;
	v54 =	vld [tilespmem:s12+$0xCD10];
	v45 =	vbroadcast v48, $0x6  }
0x491: {  	[tilespmem:s11+$0xCEF0] =	vst v36;
	v15 =	vadd.f32 v15, v60;
	v23 =	vmul.f32 v23, v58;
	v14 =	vadd.f32 v14, v18;
	v18 =	vld [tilespmem:$0x1FF20]  }
0x492: {  	[tilespmem:s11+$0xCF00] =	vst v37;
	v53 =	vmul.f32 v28, v59;
	v47 =	vld [tilespmem:s12+$0xCCF0];
	v27 =	vsub.f32 v61, v45;
	v61 =	vbroadcast v48, $0x7  }
0x493: {  	v19 =	vld [tilespmem:$0x1FF00];
	[tilespmem:s11+$0xCF30] =	vst v0;
	v2 =	vadd.f32 v23, v56;
	v16 =	vmul.f32 v16, v35;
	v26 =	vsub.f32 v55, v45  }
0x494: {  	v36 =	vld [tilespmem:$0x1FF10];
	[tilespmem:s11+$0xCF20] =	vst v40;
	v23 =	vmul.f32 v57, v63;
	v56 =	vsub.f32 v46, v45;
	v40 =	vsub.f32 v52, v61  }
0x495: {  	[tilespmem:s11+$0xCF10] =	vst v38;
	v22 =	vmul.f32 v22, v58;
	v16 =	vadd.f32 v16, v60;
	v28 =	vsub.f32 v54, v61  }
0x496: {  	[tilespmem:s12+$0xCB50] =	vst v1;
	v46 =	vmul.f32 v40, v20;
	v6 =	vadd.f32 v50, v18;
	v50 =	vbroadcast v49, $0x6  }
0x497: {  	[tilespmem:s12+$0xCB40] =	vst v39;
	v39 =	vld [tilespmem:s12+$0xCD30];
	v24 =	vmul.f32 v24, v35;
	v38 =	vsub.f32 v47, v45;
	v47 =	vmul.f32 v28, v20  }
0x498: {  	[tilespmem:s12+$0xCBA0] =	vst v7;
	v0 =	vadd.f32 v23, v19;
	v7 =	vmul.f32 v46, v63;
	v18 =	vld [tilespmem:$0x1FF20];
	v26 =	vmul.f32 v26, v50  }
0x499: {  	v33 =	vld [tilespmem:s12+$0xCD20];
	[tilespmem:s12+$0xCB70] =	vst v5;
	v22 =	vadd.f32 v22, v36;
	v55 =	vmul.f32 v27, v50;
	v37 =	vmul.f32 v56, v50  }
0x49a: {  	[tilespmem:s12+$0xCB60] =	vst v3;
	v3 =	vadd.f32 v24, v60;
	v42 =	vmul.f32 v38, v50;
	v57 =	vmul.f32 v26, v63  }
0x49b: {  	[tilespmem:s12+$0xCB90] =	vst v8;
	v45 =	vld [tilespmem:s12+$0xCD40];
	v7 =	vadd.f32 v7, v19;
	v34 =	vmul.f32 v55, v58;
	v23 =	vmul.f32 v37, v59  }
0x49c: {  	[tilespmem:s12+$0xCBC0] =	vst v9;
	v17 =	vadd.f32 v17, v60;
	v50 =	vld [tilespmem:s12+$0xCD50];
	v52 =	vmul.f32 v42, v35;
	v55 =	vmul.f32 v47, v58  }
0x49d: {  	[tilespmem:s12+$0xCBD0] =	vst v10;
	v54 =	vld [tilespmem:s12+$0xCD60];
	v26 =	vsub.f32 v39, v61;
	v42 =	vbroadcast v48, $0x9;
	v1 =	vadd.f32 v53, v18  }
0x49e: {  	[tilespmem:s12+$0xCBB0] =	vst v11;
	v56 =	vld [tilespmem:s12+$0xCD70];
	v53 =	vsub.f32 v33, v61;
	v61 =	vbroadcast v48, $0x8;
	v8 =	vadd.f32 v57, v19  }
0x49f: {  	[tilespmem:s12+$0xCBF0] =	vst v15;
	v5 =	vadd.f32 v34, v36;
	v11 =	vadd.f32 v23, v18;
	v32 =	vmul.f32 v26, v20  }
0x4a0: {  	[tilespmem:s12+$0xCBE0] =	vst v13;
	v47 =	vld [tilespmem:s12+$0xCDA0];
	v10 =	vadd.f32 v52, v60;
	v34 =	vbroadcast v49, $0x8;
	v26 =	vbroadcast v49, $0xC  }
0x4a1: {  	[tilespmem:s12+$0xCC40] =	vst v4;
	v57 =	vmul.f32 v53, v20;
	v20 =	vld [tilespmem:s12+$0xCD80];
	v25 =	vsub.f32 v45, v61;
	v37 =	vsub.f32 v50, v61  }
0x4a2: {  	[tilespmem:s12+$0xCC50] =	vst v2;
	v52 =	vld [tilespmem:s12+$0xCDB0];
	v38 =	vsub.f32 v54, v61;
	v50 =	vbroadcast v49, $0x9;
	v13 =	vmul.f32 v32, v35  }
0x4a3: {  	[tilespmem:s12+$0xCC70] =	vst v16;
	v39 =	vld [tilespmem:s12+$0xCD90];
	v24 =	vsub.f32 v56, v61;
	v33 =	vmul.f32 v57, v59;
	v40 =	vmul.f32 v25, v34  }
0x4a4: {  	[tilespmem:s12+$0xCC10] =	vst v12;
	v9 =	vadd.f32 v55, v36;
	v56 =	vld [tilespmem:s12+$0xCDC0];
	v45 =	vmul.f32 v37, v34;
	v46 =	vmul.f32 v38, v34  }
0x4a5: {  	[tilespmem:s12+$0xCC30] =	vst v17;
	v17 =	vmul.f32 v24, v34;
	v28 =	vsub.f32 v47, v42;
	v4 =	vadd.f32 v13, v60  }
0x4a6: {  	[tilespmem:s12+$0xCC20] =	vst v14;
	v14 =	vadd.f32 v33, v18;
	v12 =	vmul.f32 v40, v63;
	v20 =	vsub.f32 v20, v42  }
0x4a7: {  	[tilespmem:s12+$0xCC80] =	vst v0;
	v54 =	vmul.f32 v46, v59;
	v61 =	vmul.f32 v17, v35;
	v24 =	vsub.f32 v52, v42  }
0x4a8: {  	[tilespmem:s12+$0xCC90] =	vst v22;
	v17 =	vld [tilespmem:s12+$0xCDD0];
	v0 =	vmul.f32 v28, v50;
	v55 =	vmul.f32 v20, v50;
	v20 =	vsub.f32 v39, v42  }
0x4a9: {  	[tilespmem:s12+$0xCC00] =	vst v21;
	v53 =	vmul.f32 v45, v58;
	v21 =	vsub.f32 v56, v29;
	v57 =	vadd.f32 v12, v19  }
0x4aa: {  	[tilespmem:s12+$0xCCB0] =	vst v3;
	v2 =	vadd.f32 v54, v18;
	v0 =	vmul.f32 v0, v59;
	v16 =	vmul.f32 v20, v50;
	v20 =	vld [tilespmem:s12+$0xCDE0]  }
0x4ab: {  	[tilespmem:s12+$0xCD00] =	vst v7;
	v13 =	vadd.f32 v61, v60;
	v54 =	vld [tilespmem:s12+$0xCE50];
	v61 =	vbroadcast v48, $0xC;
	v34 =	vmul.f32 v21, v31  }
0x4ac: {  	v30 =	vld [tilespmem:s12+$0xCDF0];
	[tilespmem:s12+$0xCC60] =	vst v6;
	v12 =	vadd.f32 v53, v36;
	v15 =	vmul.f32 v55, v63;
	v16 =	vmul.f32 v16, v58  }
0x4ad: {  	[tilespmem:s12+$0xCCC0] =	vst v8;
	v28 =	vld [tilespmem:s12+$0xCE80];
	v0 =	vadd.f32 v0, v18;
	v17 =	vsub.f32 v17, v29;
	v8 =	vmul.f32 v34, v63  }
0x4ae: {  	[tilespmem:s12+$0xCCA0] =	vst v1;
	v37 =	vld [tilespmem:s12+$0xCE10];
	v15 =	vadd.f32 v15, v19;
	v32 =	vadd.f32 v16, v36;
	v16 =	vmul.f32 v24, v50  }
0x4af: {  	[tilespmem:s12+$0xCCD0] =	vst v5;
	v33 =	vld [tilespmem:s12+$0xCE00];
	v34 =	vbroadcast v48, $0xD;
	v45 =	vadd.f32 v8, v19;
	v20 =	vsub.f32 v20, v29  }
0x4b0: {  	[tilespmem:s12+$0xCCE0] =	vst v11;
	v39 =	vld [tilespmem:s12+$0xCE20];
	v27 =	vsub.f32 v54, v61;
	v38 =	vmul.f32 v16, v35;
	v16 =	vmul.f32 v17, v31  }
0x4b1: {  	[tilespmem:s12+$0xCCF0] =	vst v10;
	v47 =	vld [tilespmem:s12+$0xCE30];
	v50 =	vbroadcast v49, $0xB;
	v17 =	vsub.f32 v30, v29;
	v40 =	vmul.f32 v20, v31  }
0x4b2: {  	[tilespmem:s12+$0xCD70] =	vst v13;
	v13 =	vsub.f32 v28, v34;
	v42 =	vmul.f32 v16, v58;
	v16 =	vbroadcast v48, $0xB  }
0x4b3: {  	[tilespmem:s12+$0xCD10] =	vst v9;
	v5 =	vadd.f32 v38, v60;
	v1 =	vmul.f32 v17, v31;
	v31 =	vmul.f32 v27, v26  }
0x4b4: {  	[tilespmem:s12+$0xCD30] =	vst v4;
	v46 =	vmul.f32 v40, v59;
	v40 =	vbroadcast v49, $0xD;
	v17 =	vsub.f32 v33, v16  }
0x4b5: {  	v52 =	vld [tilespmem:s12+$0xCE40];
	[tilespmem:s12+$0xCD20] =	vst v14;
	v20 =	vsub.f32 v37, v16;
	v1 =	vmul.f32 v1, v35;
	v53 =	vsub.f32 v39, v16  }
0x4b6: {  	[tilespmem:s12+$0xCD40] =	vst v57;
	v11 =	vsub.f32 v47, v16;
	v16 =	vld [tilespmem:s12+$0xCE70];
	v37 =	vmul.f32 v31, v58;
	v56 =	vmul.f32 v17, v50  }
0x4b7: {  	[tilespmem:s12+$0xCD50] =	vst v12;
	v10 =	vadd.f32 v42, v36;
	v39 =	vld [tilespmem:s12+$0xCEB0];
	v17 =	vmul.f32 v20, v50;
	v57 =	vmul.f32 v53, v50  }
0x4b8: {  	[tilespmem:s12+$0xCD60] =	vst v2;
	v55 =	vadd.f32 v46, v18;
	v9 =	vmul.f32 v11, v50;
	v50 =	vmul.f32 v13, v40  }
0x4b9: {  	[tilespmem:s12+$0xCDA0] =	vst v0;
	v20 =	vld [tilespmem:s12+$0xCE60];
	v46 =	vadd.f32 v37, v36;
	v37 =	vbroadcast v49, $0xF;
	v8 =	vmul.f32 v56, v63  }
0x4ba: {  	[tilespmem:s12+$0xCD80] =	vst v15;
	v1 =	vadd.f32 v1, v60;
	v24 =	vmul.f32 v17, v58;
	v25 =	vmul.f32 v57, v59  }
0x4bb: {  	[tilespmem:s12+$0xCDC0] =	vst v45;
	v42 =	vld [tilespmem:s12+$0xCEC0];
	v17 =	vsub.f32 v52, v61;
	v30 =	vmul.f32 v9, v35;
	v14 =	vsub.f32 v16, v61  }
0x4bc: {  	[tilespmem:s12+$0xCD90] =	vst v32;
	v52 =	vld [tilespmem:s12+$0xCEE0];
	v56 =	vbroadcast v48, $0xE;
	v11 =	vsub.f32 v39, v34;
	v8 =	vadd.f32 v8, v19  }
0x4bd: {  	[tilespmem:s12+$0xCDB0] =	vst v5;
	v12 =	vadd.f32 v24, v36;
	v29 =	vmul.f32 v17, v26;
	v17 =	vld [tilespmem:s12+$0xCE90];
	v3 =	vadd.f32 v30, v60  }
0x4be: {  	[tilespmem:s12+$0xCDD0] =	vst v10;
	v16 =	vld [tilespmem:s12+$0xCEA0];
	v30 =	vbroadcast v48, $0xF;
	v32 =	vsub.f32 v20, v61;
	v6 =	vmul.f32 v14, v26  }
0x4bf: {  	[tilespmem:s12+$0xCDE0] =	vst v55;
	v57 =	vld [tilespmem:s12+$0xCF00];
	v2 =	vadd.f32 v25, v18;
	v61 =	vbroadcast v49, $0xE;
	v7 =	vmul.f32 v11, v40  }
0x4c0: {  	[tilespmem:s12+$0xCDF0] =	vst v1;
	v24 =	vld [tilespmem:s12+$0xCF20];
	v14 =	vsub.f32 v42, v56;
	v33 =	vmul.f32 v29, v63;
	v38 =	vmul.f32 v32, v26  }
0x4c1: {  	v27 =	vld [tilespmem:s12+$0xCF30];
	[tilespmem:s12+$0xCE50] =	vst v46;
	v47 =	vmul.f32 v6, v35;
	v6 =	vmul.f32 v50, v63;
	v23 =	vsub.f32 v52, v56  }
0x4c2: {  	[tilespmem:s12+$0xCE00] =	vst v8;
	v25 =	vmul.f32 v14, v61;
	v0 =	vadd.f32 v33, v19;
	v45 =	vsub.f32 v17, v34;
	v17 =	vld [tilespmem:s12+$0xCED0]  }
0x4c3: {  	[tilespmem:s12+$0xCE10] =	vst v12;
	v55 =	vsub.f32 v16, v34;
	v33 =	vmul.f32 v7, v35;
	v9 =	vmul.f32 v38, v59  }
0x4c4: {  	[tilespmem:s12+$0xCE20] =	vst v2;
	v5 =	vadd.f32 v47, v60;
	v28 =	vadd.f32 v6, v19;
	v29 =	vmul.f32 v23, v61  }
0x4c5: {  	[tilespmem:s12+$0xCE30] =	vst v3;
	v16 =	vld [tilespmem:s12+$0xCEF0];
	v34 =	vsub.f32 v57, v30;
	v39 =	vsub.f32 v24, v30;
	v10 =	vmul.f32 v55, v40  }
0x4c6: {  	[tilespmem:s12+$0xCE40] =	vst v0;
	v0 =	vmul.f32 v25, v63;
	v53 =	vadd.f32 v9, v18;
	v54 =	vmul.f32 v45, v40  }
0x4c7: {  	[tilespmem:s12+$0xCE70] =	vst v5;
	v40 =	vsub.f32 v27, v30;
	v45 =	vmul.f32 v29, v59;
	v21 =	vsub.f32 v17, v56;
	v17 =	vld [tilespmem:s12+$0xCF10]  }
0x4c8: {  	[tilespmem:s12+$0xCE80] =	vst v28;
	v5 =	vadd.f32 v33, v60;
	v46 =	vmul.f32 v34, v37;
	v52 =	vmul.f32 v39, v37  }
0x4c9: {  	v22 =	vmul.f32 v10, v59;
	v0 =	vadd.f32 v0, v19;
	v9 =	vmul.f32 v54, v58;
	[tilespmem:s12+$0xCE60] =	vst v53  }
0x4ca: {  	v8 =	vsub.f32 v16, v56;
	[tilespmem:s12+$0xCEB0] =	vst v5;
	v49 =	vadd.f32 v45, v18;
	v50 =	vmul.f32 v46, v63  }
0x4cb: {  	v2 =	vmul.f32 v40, v37;
	v55 =	vmul.f32 v52, v59;
	v3 =	vadd.f32 v22, v18;
	[tilespmem:s12+$0xCEC0] =	vst v0  }
0x4cc: {  	v31 =	vmul.f32 v8, v61;
	v32 =	vadd.f32 v9, v36;
	[tilespmem:s12+$0xCEE0] =	vst v49;
	v38 =	vsub.f32 v17, v30  }
0x4cd: {  	v54 =	vadd.f32 v50, v19;
	v2 =	vmul.f32 v2, v35;
	v26 =	vmul.f32 v21, v61;
	[tilespmem:s12+$0xCEA0] =	vst v3  }
0x4ce: {  	v57 =	vadd.f32 v55, v18;
	[tilespmem:s12+$0xCE90] =	vst v32;
	v1 =	vmul.f32 v31, v35;
	v48 =	vmul.f32 v38, v37  }
0x4cf: {  	p0 =	slt.u32 s9, $0x16;
	[tilespmem:s12+$0xCF00] =	vst v54;
	v61 =	vadd.f32 v2, v60;
	v42 =	vmul.f32 v26, v58  }
.Ltmp5:
0x4d0: {  	v41 =	vld [tilespmem:$0x1FFA0];
	[tilespmem:s12+$0xCF20] =	vst v57;
	v1 =	vadd.f32 v1, v60;
	v53 =	vmul.f32 v48, v58;
	(pc) =	sbr.rel @p0 .LBB2_12-.Ltmp5, $4  }
0x4d1: {  	v43 =	vld [tilespmem:$0x1FFC0];
	[tilespmem:s12+$0xCF30] =	vst v61;
	v47 =	vadd.f32 v42, v36  }
0x4d2: {  	v44 =	vld [tilespmem:$0x1FFD0];
	[tilespmem:s12+$0xCEF0] =	vst v1;
	v56 =	vadd.f32 v53, v36  }
0x4d3: {  	s30 =	sadd.s32 $0x2, s9;
	v51 =	vld [tilespmem:$0x1FFE0];
	[tilespmem:s12+$0xCED0] =	vst v47  }
0x4d4: {  	s9 =	smov.u32 s30;
	v62 =	vld [tilespmem:$0x1FFB0];
	[tilespmem:s12+$0xCF10] =	vst v56  }
0x4d5: {  	v1 =	vld [tilespmem:$0x1FB60]  }
0x4d6: {  	v3 =	vld [tilespmem:$0x1FB70]  }
0x4d7: {  	v5 =	vld [tilespmem:$0x1FB80]  }
0x4d8: {  	v7 =	vld [tilespmem:$0x1FB90]  }
0x4d9: {  	v8 =	vld [tilespmem:$0x1FBA0]  }
0x4da: {  	v23 =	vld [tilespmem:$0x1FBB0]  }
0x4db: {  	v26 =	vld [tilespmem:$0x1FBC0]  }
0x4dc: {  	v29 =	vld [tilespmem:$0x1FBD0]  }
0x4dd: {  	v32 =	vld [tilespmem:$0x1FBE0]  }
0x4de: {  	v37 =	vld [tilespmem:$0x1FBF0]  }
0x4df: {  	v40 =	vld [tilespmem:$0x1FC00]  }
0x4e0: {  	v46 =	vld [tilespmem:$0x1FC10]  }
0x4e1: {  	v49 =	vld [tilespmem:$0x1FC20]  }
0x4e2: {  	v53 =	vld [tilespmem:$0x1FC30]  }
0x4e3: {  	v56 =	vld [tilespmem:$0x1FC40]  }
0x4e4: {  	v16 =	vld [tilespmem:$0x1FC50]  }
0x4e5: {  	v0 =	vld.idx.msk [tilespmem:v1+s0+$0x0], $0xffff  }
0x4e6: {  	v1 =	vld.idx.msk [tilespmem:v1+s2+$0x0], $0xffff  }
0x4e7: {  	v2 =	vld.idx.msk [tilespmem:v3+s0+$0x0], $0xffff  }
0x4e8: {  	v3 =	vld.idx.msk [tilespmem:v3+s2+$0x0], $0xffff  }
0x4e9: {  	v4 =	vld.idx.msk [tilespmem:v5+s0+$0x0], $0xffff  }
0x4ea: {  	v5 =	vld.idx.msk [tilespmem:v5+s2+$0x0], $0xffff  }
0x4eb: {  	v6 =	vld.idx.msk [tilespmem:v7+s0+$0x0], $0xffff  }
0x4ec: {  	v20 =	vld.idx.msk [tilespmem:v7+s2+$0x0], $0xffff;
	v0 =	vadd.f32 v2, v0  }
0x4ed: {  	v21 =	vld.idx.msk [tilespmem:v8+s0+$0x0], $0xffff  }
0x4ee: {  	v22 =	vld.idx.msk [tilespmem:v8+s2+$0x0], $0xffff;
	v1 =	vadd.f32 v3, v1;
	v0 =	vadd.f32 v4, v0  }
0x4ef: {  	v24 =	vld.idx.msk [tilespmem:v23+s0+$0x0], $0xffff  }
0x4f0: {  	v25 =	vld.idx.msk [tilespmem:v23+s2+$0x0], $0xffff;
	v1 =	vadd.f32 v5, v1;
	v0 =	vadd.f32 v6, v0  }
0x4f1: {  	v27 =	vld.idx.msk [tilespmem:v26+s0+$0x0], $0xffff  }
0x4f2: {  	v28 =	vld.idx.msk [tilespmem:v26+s2+$0x0], $0xffff;
	v1 =	vadd.f32 v20, v1;
	v0 =	vadd.f32 v21, v0  }
0x4f3: {  	v30 =	vld.idx.msk [tilespmem:v29+s0+$0x0], $0xffff  }
0x4f4: {  	v31 =	vld.idx.msk [tilespmem:v29+s2+$0x0], $0xffff;
	v1 =	vadd.f32 v22, v1;
	v0 =	vadd.f32 v24, v0  }
0x4f5: {  	v33 =	vld.idx.msk [tilespmem:v32+s0+$0x0], $0xffff  }
0x4f6: {  	v34 =	vld.idx.msk [tilespmem:v32+s2+$0x0], $0xffff;
	v1 =	vadd.f32 v25, v1;
	v0 =	vadd.f32 v27, v0  }
0x4f7: {  	v38 =	vld.idx.msk [tilespmem:v37+s0+$0x0], $0xffff  }
0x4f8: {  	v39 =	vld.idx.msk [tilespmem:v37+s2+$0x0], $0xffff;
	v1 =	vadd.f32 v28, v1;
	v0 =	vadd.f32 v30, v0  }
0x4f9: {  	v42 =	vld.idx.msk [tilespmem:v40+s0+$0x0], $0xffff  }
0x4fa: {  	v45 =	vld.idx.msk [tilespmem:v40+s2+$0x0], $0xffff;
	v1 =	vadd.f32 v31, v1;
	v0 =	vadd.f32 v33, v0  }
0x4fb: {  	v47 =	vld.idx.msk [tilespmem:v46+s0+$0x0], $0xffff  }
0x4fc: {  	v48 =	vld.idx.msk [tilespmem:v46+s2+$0x0], $0xffff;
	v1 =	vadd.f32 v34, v1;
	v0 =	vadd.f32 v38, v0  }
0x4fd: {  	v50 =	vld.idx.msk [tilespmem:v49+s0+$0x0], $0xffff  }
0x4fe: {  	v52 =	vld.idx.msk [tilespmem:v49+s2+$0x0], $0xffff;
	v1 =	vadd.f32 v39, v1;
	v0 =	vadd.f32 v42, v0  }
0x4ff: {  	v54 =	vld.idx.msk [tilespmem:v53+s0+$0x0], $0xffff  }
0x500: {  	v55 =	vld.idx.msk [tilespmem:v53+s2+$0x0], $0xffff;
	v1 =	vadd.f32 v45, v1;
	v0 =	vadd.f32 v47, v0  }
0x501: {  	v57 =	vld.idx.msk [tilespmem:v56+s0+$0x0], $0xffff  }
0x502: {  	v61 =	vld.idx.msk [tilespmem:v56+s2+$0x0], $0xffff;
	v1 =	vadd.f32 v48, v1;
	v0 =	vadd.f32 v50, v0  }
0x503: {  	v17 =	vld.idx.msk [tilespmem:v16+s0+$0x0], $0xffff  }
0x504: {  	v1 =	vadd.f32 v52, v1;
	v0 =	vadd.f32 v54, v0  }
0x505: {  	v20 =	vld.idx.msk [tilespmem:v16+s2+$0x0], $0xffff  }
0x506: {  	v1 =	vadd.f32 v55, v1;
	v0 =	vadd.f32 v57, v0;
	_ =	sdelay $0x1  }
0x507: {  	v1 =	vadd.f32 v61, v1;
	v0 =	vadd.f32 v17, v0;
	_ =	sdelay $0x1  }
0x508: {  	v1 =	vadd.f32 v20, v1;
	v20 =	vmul.f32 $1.562500000e-02, v0;
	_ =	sdelay $0x1  }
0x509: {  	v21 =	vmul.f32 $1.562500000e-02, v1;
	v22 =	vmul.f32 v20, v20;
	_ =	sdelay $0x1  }
0x50a: {  	v0 =	vsub.f32 v21, v22;
	_ =	sdelay $0x1  }
0x50b: {  	v0 =	vadd.f32 $9.999999960e-13, v0;
	_ =	sdelay $0x1  }
0x50c: {  	v23 =	vshra.s32 v0, $0x1;
	v0 =	vmul.f32 $5.000000000e-01, v0  }
0x50d: {  	v1 =	vsub.s32 $0x5F3759DF, v23  }
0x50e: {  	v24 =	vmul.f32 v1, v0;
	_ =	sdelay $0x1  }
0x50f: {  	v2 =	vmul.f32 v1, v24;
	_ =	sdelay $0x1  }
0x510: {  	v2 =	vsub.f32 $1.500000000e+00, v2;
	_ =	sdelay $0x1  }
0x511: {  	v1 =	vmul.f32 v1, v2;
	_ =	sdelay $0x1  }
0x512: {  	v2 =	vmul.f32 v1, v0;
	_ =	sdelay $0x1  }
0x513: {  	v2 =	vmul.f32 v2, v1  }
0x514: {  	v10 =	vld [tilespmem:$0x12BC0]  }
0x515: {  	v11 =	vld [tilespmem:$0x12BD0];
	v2 =	vsub.f32 $1.500000000e+00, v2  }
0x516: {  	v26 =	vld [tilespmem:$0x12B50]  }
0x517: {  	v27 =	vld [tilespmem:$0x12B60];
	v1 =	vmul.f32 v2, v1  }
0x518: {  	v31 =	vld [tilespmem:$0x12B80]  }
0x519: {  	v32 =	vld [tilespmem:$0x12B90];
	v0 =	vmul.f32 v1, v0  }
0x51a: {  	v13 =	vld [tilespmem:$0x12BE0];
	v28 =	vbroadcast v20, $0x0  }
0x51b: {  	v25 =	vld [tilespmem:$0x12B40];
	v37 =	vbroadcast v20, $0x1;
	v0 =	vmul.f32 v0, v1  }
0x51c: {  	v39 =	vld [tilespmem:$0x12BF0];
	v12 =	vbroadcast v20, $0x2;
	v3 =	vsub.f32 v26, v28;
	v4 =	vsub.f32 v27, v28  }
0x51d: {  	v6 =	vsub.f32 v31, v37;
	v23 =	vld [tilespmem:$0x12C50];
	v0 =	vsub.f32 $1.500000000e+00, v0  }
0x51e: {  	v47 =	vld [tilespmem:$0x12C80];
	v48 =	vbroadcast v20, $0x5;
	v7 =	vsub.f32 v32, v37;
	v10 =	vsub.f32 v10, v12  }
0x51f: {  	v29 =	vld [tilespmem:$0x12B70];
	v42 =	vsub.f32 v11, v12;
	v45 =	vsub.f32 v13, v12;
	v21 =	vmul.f32 v0, v1  }
0x520: {  	v33 =	vld [tilespmem:$0x12BA0];
	v13 =	vbroadcast v20, $0x3;
	v2 =	vsub.f32 v25, v28;
	v25 =	vbroadcast v20, $0x4  }
0x521: {  	v15 =	vld [tilespmem:$0x12C00];
	v5 =	vsub.f32 v39, v12;
	v32 =	vbroadcast v20, $0x6;
	v30 =	vbroadcast v21, $0x0  }
0x522: {  	v16 =	vld [tilespmem:$0x12C10];
	v46 =	vsub.f32 v23, v25;
	v9 =	vbroadcast v21, $0x1;
	v14 =	vbroadcast v21, $0x2  }
0x523: {  	v12 =	vld [tilespmem:$0x12C20];
	v23 =	vsub.f32 v47, v48;
	v17 =	vbroadcast v21, $0x3;
	v26 =	vbroadcast v21, $0x4  }
0x524: {  	v22 =	vld [tilespmem:$0x12C40];
	v0 =	vsub.f32 v29, v28;
	v29 =	vbroadcast v21, $0x5;
	v47 =	vbroadcast v21, $0x7  }
0x525: {  	v8 =	vsub.f32 v33, v37;
	v24 =	vld [tilespmem:$0x12C60];
	v2 =	vmul.f32 v30, v2;
	v3 =	vmul.f32 v30, v3  }
0x526: {  	v27 =	vld [tilespmem:$0x12C90];
	v15 =	vsub.f32 v15, v13;
	v4 =	vmul.f32 v30, v4;
	v0 =	vmul.f32 v30, v0  }
0x527: {  	v16 =	vsub.f32 v16, v13;
	v6 =	vmul.f32 v9, v6;
	v7 =	vmul.f32 v9, v7  }
0x528: {  	v12 =	vsub.f32 v12, v13;
	v8 =	vmul.f32 v9, v8;
	v40 =	vmul.f32 v14, v10  }
0x529: {  	v22 =	vsub.f32 v22, v25;
	v10 =	vmul.f32 v14, v42;
	v11 =	vmul.f32 v45, v14  }
0x52a: {  	v24 =	vsub.f32 v24, v25;
	v5 =	vmul.f32 v5, v14;
	v15 =	vmul.f32 v15, v17  }
0x52b: {  	v27 =	vsub.f32 v27, v48;
	v16 =	vmul.f32 v16, v17;
	v12 =	vmul.f32 v12, v17  }
0x52c: {  	v31 =	vld [tilespmem:$0x12CD0];
	v22 =	vmul.f32 v22, v26;
	v24 =	vmul.f32 v24, v26  }
0x52d: {  	v33 =	vld [tilespmem:$0x12CE0];
	v23 =	vmul.f32 v23, v29;
	v27 =	vmul.f32 v27, v29  }
0x52e: {  	v28 =	vld [tilespmem:$0x12CA0];
	v2 =	vmul.f32 v2, v63;
	v34 =	vmul.f32 v3, v58  }
0x52f: {  	v38 =	vld [tilespmem:$0x12BB0];
	v4 =	vmul.f32 v4, v59;
	v0 =	vmul.f32 v0, v35  }
0x530: {  	v6 =	vmul.f32 v6, v63;
	v7 =	vmul.f32 v7, v58  }
0x531: {  	v52 =	vsub.f32 v31, v32;
	v8 =	vmul.f32 v8, v59;
	v10 =	vmul.f32 v10, v58  }
0x532: {  	v61 =	vsub.f32 v33, v32;
	v11 =	vmul.f32 v11, v59;
	v5 =	vmul.f32 v5, v35  }
0x533: {  	v28 =	vsub.f32 v28, v48;
	v15 =	vmul.f32 v15, v63;
	v16 =	vmul.f32 v16, v58  }
0x534: {  	v3 =	vsub.f32 v38, v37;
	v12 =	vmul.f32 v12, v59;
	v22 =	vmul.f32 v22, v63  }
0x535: {  	v24 =	vmul.f32 v24, v59;
	v2 =	vadd.f32 v2, v19;
	v1 =	vadd.f32 v34, v36  }
0x536: {  	v23 =	vmul.f32 v23, v63;
	v4 =	vadd.f32 v4, v18;
	v0 =	vadd.f32 v0, v60  }
0x537: {  	v27 =	vmul.f32 v27, v58;
	v6 =	vadd.f32 v6, v19;
	v7 =	vadd.f32 v7, v36  }
0x538: {  	v53 =	vld [tilespmem:$0x12D00];
	v38 =	vbroadcast v20, $0x7;
	v8 =	vadd.f32 v8, v18;
	v10 =	vadd.f32 v10, v36  }
0x539: {  	v14 =	vld [tilespmem:$0x12C30];
	v28 =	vmul.f32 v28, v29;
	v11 =	vadd.f32 v11, v18;
	v5 =	vadd.f32 v5, v60  }
0x53a: {  	v30 =	vld [tilespmem:$0x12CC0];
	v3 =	vmul.f32 v9, v3;
	v15 =	vadd.f32 v15, v19;
	v16 =	vadd.f32 v16, v36  }
0x53b: {  	v9 =	vmul.f32 v40, v63;
	v12 =	vadd.f32 v12, v18;
	v22 =	vadd.f32 v22, v19  }
0x53c: {  	v24 =	vadd.f32 v24, v18;
	v34 =	vbroadcast v21, $0x6;
	v23 =	vadd.f32 v23, v19  }
0x53d: {  	v31 =	vsub.f32 v53, v38;
	v28 =	vmul.f32 v28, v59;
	v3 =	vmul.f32 v3, v35  }
0x53e: {  	v49 =	vld [tilespmem:$0x12CB0];
	v13 =	vsub.f32 v14, v13;
	v57 =	vmul.f32 v52, v34;
	v42 =	vmul.f32 v61, v34  }
0x53f: {  	v14 =	vld [tilespmem:$0x12C70];
	v30 =	vsub.f32 v30, v32;
	v53 =	vmul.f32 v31, v47;
	v31 =	vbroadcast v20, $0xA  }
0x540: {  	v50 =	vld [tilespmem:$0x12CF0];
	v9 =	vadd.f32 v9, v19;
	[tilespmem:$0x12C40] =	vst v22;
	v22 =	vbroadcast v21, $0xE;
	v13 =	vmul.f32 v13, v17  }
0x541: {  	v55 =	vld [tilespmem:$0x12D10];
	[tilespmem:$0x12B40] =	vst v2;
	v2 =	vadd.f32 v27, v36;
	v17 =	vmul.f32 v46, v26;
	v54 =	vmul.f32 v30, v34  }
0x542: {  	[tilespmem:$0x12BA0] =	vst v8;
	v27 =	vadd.f32 v28, v18;
	v40 =	vmul.f32 v57, v58;
	v8 =	vmul.f32 v53, v63;
	v53 =	vld [tilespmem:$0x12DC0]  }
0x543: {  	v39 =	vld [tilespmem:$0x12D20];
	v3 =	vadd.f32 v3, v60;
	v13 =	vmul.f32 v13, v35;
	v37 =	vmul.f32 v54, v63  }
0x544: {  	[tilespmem:$0x12B50] =	vst v1;
	v17 =	vmul.f32 v17, v58;
	v14 =	vsub.f32 v14, v25;
	v25 =	vsub.f32 v49, v48  }
0x545: {  	v45 =	vld [tilespmem:$0x12D30];
	[tilespmem:$0x12B60] =	vst v4;
	v49 =	vmul.f32 v42, v59;
	v1 =	vadd.f32 v40, v36;
	v4 =	vadd.f32 v37, v19  }
0x546: {  	v52 =	vld [tilespmem:$0x12D50];
	v14 =	vmul.f32 v14, v26;
	v25 =	vmul.f32 v25, v29;
	v26 =	vsub.f32 v50, v32  }
0x547: {  	[tilespmem:$0x12BE0] =	vst v11;
	v57 =	vld [tilespmem:$0x12D60];
	v50 =	vsub.f32 v55, v38;
	v11 =	vsub.f32 v53, v31;
	v53 =	vbroadcast v20, $0xB  }
0x548: {  	[tilespmem:$0x12B70] =	vst v0;
	v48 =	vld [tilespmem:$0x12D40];
	v55 =	vsub.f32 v39, v38;
	v14 =	vmul.f32 v14, v35;
	v56 =	vmul.f32 v25, v35  }
0x549: {  	[tilespmem:$0x12BB0] =	vst v3;
	v37 =	vld [tilespmem:$0x12D70];
	v3 =	vadd.f32 v49, v18;
	v46 =	vmul.f32 v26, v34;
	v54 =	vmul.f32 v50, v47  }
0x54a: {  	[tilespmem:$0x12B80] =	vst v6;
	v49 =	vld [tilespmem:$0x12DA0];
	v61 =	vmul.f32 v55, v47;
	v34 =	vsub.f32 v45, v38;
	v38 =	vbroadcast v21, $0x8  }
0x54b: {  	[tilespmem:$0x12B90] =	vst v7;
	v45 =	vld [tilespmem:$0x12D80];
	v0 =	vadd.f32 v56, v60;
	v6 =	vmul.f32 v46, v35;
	v56 =	vbroadcast v20, $0x8  }
0x54c: {  	[tilespmem:$0x12BF0] =	vst v5;
	v5 =	vadd.f32 v8, v19;
	v50 =	vld [tilespmem:$0x12DB0];
	v7 =	vmul.f32 v54, v58;
	v42 =	vmul.f32 v34, v47  }
0x54d: {  	[tilespmem:$0x12BD0] =	vst v10;
	v13 =	vadd.f32 v13, v60;
	v40 =	vmul.f32 v61, v59;
	v47 =	vld [tilespmem:$0x12D90];
	v54 =	vbroadcast v21, $0x9  }
0x54e: {  	[tilespmem:$0x12C00] =	vst v15;
	v34 =	vld [tilespmem:$0x12DE0];
	v39 =	vsub.f32 v48, v56;
	v30 =	vsub.f32 v52, v56;
	v10 =	vmul.f32 v42, v35  }
0x54f: {  	[tilespmem:$0x12BC0] =	vst v9;
	v48 =	vsub.f32 v57, v56;
	v9 =	vsub.f32 v37, v56;
	v52 =	vbroadcast v20, $0x9  }
0x550: {  	[tilespmem:$0x12C10] =	vst v16;
	v17 =	vadd.f32 v17, v36;
	v15 =	vmul.f32 v39, v38;
	v46 =	vmul.f32 v30, v38  }
0x551: {  	[tilespmem:$0x12C30] =	vst v13;
	v61 =	vld [tilespmem:$0x12DD0];
	v13 =	vmul.f32 v48, v38;
	v9 =	vmul.f32 v9, v38;
	v55 =	vsub.f32 v45, v52  }
0x552: {  	[tilespmem:$0x12C20] =	vst v12;
	v57 =	vsub.f32 v49, v52;
	v16 =	vsub.f32 v50, v52;
	v38 =	vbroadcast v21, $0xA  }
0x553: {  	[tilespmem:$0x12C60] =	vst v24;
	v56 =	vsub.f32 v47, v52;
	v52 =	vsub.f32 v34, v31;
	v34 =	vbroadcast v21, $0xC  }
0x554: {  	[tilespmem:$0x12C80] =	vst v23;
	v14 =	vadd.f32 v14, v60;
	v12 =	vmul.f32 v15, v63;
	v15 =	vmul.f32 v46, v58  }
0x555: {  	[tilespmem:$0x12C90] =	vst v2;
	v6 =	vadd.f32 v6, v60;
	v13 =	vmul.f32 v13, v59;
	v9 =	vmul.f32 v9, v35  }
0x556: {  	[tilespmem:$0x12C70] =	vst v14;
	v42 =	vsub.f32 v61, v31;
	v14 =	vmul.f32 v55, v54;
	v33 =	vmul.f32 v57, v54  }
0x557: {  	[tilespmem:$0x12CA0] =	vst v27;
	v7 =	vadd.f32 v7, v36;
	v39 =	vld [tilespmem:$0x12DF0];
	v37 =	vmul.f32 v16, v54;
	v11 =	vmul.f32 v11, v38  }
0x558: {  	[tilespmem:$0x12CD0] =	vst v1;
	v8 =	vadd.f32 v40, v18;
	v45 =	vld [tilespmem:$0x12E00];
	v32 =	vmul.f32 v56, v54;
	v49 =	vmul.f32 v42, v38  }
0x559: {  	[tilespmem:$0x12CE0] =	vst v3;
	v10 =	vadd.f32 v10, v60;
	v50 =	vld [tilespmem:$0x12E20];
	v3 =	vmul.f32 v52, v38;
	v56 =	vbroadcast v21, $0xB  }
0x55a: {  	[tilespmem:$0x12D00] =	vst v5;
	v52 =	vbroadcast v21, $0xD;
	v12 =	vadd.f32 v12, v19;
	v15 =	vadd.f32 v15, v36  }
0x55b: {  	[tilespmem:$0x12C50] =	vst v17;
	v47 =	vld [tilespmem:$0x12E10];
	v13 =	vadd.f32 v13, v18;
	v14 =	vmul.f32 v14, v63;
	v40 =	vmul.f32 v33, v59  }
0x55c: {  	[tilespmem:$0x12CC0] =	vst v4;
	v9 =	vadd.f32 v9, v60;
	v2 =	vmul.f32 v37, v35;
	v48 =	vmul.f32 v11, v63  }
0x55d: {  	[tilespmem:$0x12CB0] =	vst v0;
	v23 =	vmul.f32 v32, v58;
	v17 =	vsub.f32 v39, v31;
	v57 =	vsub.f32 v45, v53  }
0x55e: {  	[tilespmem:$0x12CF0] =	vst v6;
	v54 =	vld [tilespmem:$0x12E30];
	v55 =	vmul.f32 v49, v58;
	v29 =	vsub.f32 v50, v53;
	v46 =	vadd.f32 v14, v19  }
0x55f: {  	v27 =	vld [tilespmem:$0x12E40];
	[tilespmem:$0x12D10] =	vst v7;
	v3 =	vmul.f32 v3, v59;
	v0 =	vadd.f32 v40, v18;
	v2 =	vadd.f32 v2, v60  }
0x560: {  	v30 =	vld [tilespmem:$0x12E50];
	v1 =	vadd.f32 v48, v19;
	v26 =	vsub.f32 v47, v53;
	[tilespmem:$0x12D40] =	vst v12;
	v12 =	vbroadcast v20, $0xC  }
0x561: {  	[tilespmem:$0x12D20] =	vst v8;
	v33 =	vld [tilespmem:$0x12E60];
	v47 =	vbroadcast v20, $0xD;
	v14 =	vadd.f32 v23, v36;
	v6 =	vadd.f32 v55, v36  }
0x562: {  	[tilespmem:$0x12D30] =	vst v10;
	v61 =	vmul.f32 v17, v38;
	v28 =	vmul.f32 v57, v56;
	v3 =	vadd.f32 v3, v18  }
0x563: {  	[tilespmem:$0x12D60] =	vst v13;
	v13 =	vld [tilespmem:$0x12E70];
	v11 =	vmul.f32 v29, v56;
	v31 =	vmul.f32 v26, v56;
	v32 =	vsub.f32 v54, v53  }
0x564: {  	[tilespmem:$0x12D50] =	vst v15;
	v48 =	vld [tilespmem:$0x12EA0];
	v15 =	vsub.f32 v27, v12;
	v7 =	vmul.f32 v61, v35;
	v8 =	vmul.f32 v28, v63  }
0x565: {  	[tilespmem:$0x12D70] =	vst v9;
	v38 =	vld [tilespmem:$0x12E80];
	v37 =	vsub.f32 v30, v12;
	v11 =	vmul.f32 v11, v59;
	v10 =	vmul.f32 v31, v58  }
0x566: {  	v42 =	vld [tilespmem:$0x12E90];
	v40 =	vsub.f32 v33, v12;
	[tilespmem:$0x12D90] =	vst v14;
	v5 =	vmul.f32 v32, v56;
	v14 =	vmul.f32 v15, v34  }
0x567: {  	[tilespmem:$0x12D80] =	vst v46;
	v15 =	vmul.f32 v37, v34;
	v7 =	vadd.f32 v7, v60;
	v8 =	vadd.f32 v8, v19  }
0x568: {  	[tilespmem:$0x12DA0] =	vst v0;
	v11 =	vadd.f32 v11, v18;
	v46 =	vmul.f32 v40, v34;
	v12 =	vsub.f32 v13, v12  }
0x569: {  	[tilespmem:$0x12DB0] =	vst v2;
	v53 =	vld [tilespmem:$0x12EC0];
	v57 =	vsub.f32 v48, v47;
	v39 =	vadd.f32 v10, v36;
	v5 =	vmul.f32 v5, v35  }
0x56a: {  	[tilespmem:$0x12DC0] =	vst v1;
	v13 =	vld [tilespmem:$0x12EB0];
	v49 =	vmul.f32 v14, v63;
	v14 =	vmul.f32 v15, v58;
	v15 =	vsub.f32 v38, v47  }
0x56b: {  	v23 =	vld [tilespmem:$0x12EF0];
	[tilespmem:$0x12DD0] =	vst v6;
	v50 =	vmul.f32 v46, v59;
	v54 =	vmul.f32 v12, v34;
	v12 =	vsub.f32 v42, v47  }
0x56c: {  	[tilespmem:$0x12DE0] =	vst v3;
	v16 =	vmul.f32 v57, v52;
	v45 =	vadd.f32 v5, v60;
	v2 =	vadd.f32 v49, v19  }
0x56d: {  	[tilespmem:$0x12DF0] =	vst v7;
	v55 =	vadd.f32 v14, v36;
	v56 =	vmul.f32 v15, v52;
	v15 =	vbroadcast v20, $0xE  }
0x56e: {  	v14 =	vld [tilespmem:$0x12ED0];
	[tilespmem:$0x12E10] =	vst v39;
	v39 =	vbroadcast v21, $0xF;
	v1 =	vadd.f32 v50, v18;
	v6 =	vmul.f32 v54, v35  }
0x56f: {  	[tilespmem:$0x12E00] =	vst v8;
	v61 =	vmul.f32 v12, v52;
	v10 =	vsub.f32 v13, v47;
	v12 =	vsub.f32 v53, v15;
	v13 =	vld [tilespmem:$0x12EE0]  }
0x570: {  	[tilespmem:$0x12E20] =	vst v11;
	v24 =	vmul.f32 v16, v59;
	v3 =	vmul.f32 v56, v63;
	v37 =	vsub.f32 v23, v15  }
0x571: {  	[tilespmem:$0x12E30] =	vst v45;
	v6 =	vadd.f32 v6, v60;
	v5 =	vmul.f32 v10, v52;
	v25 =	vmul.f32 v12, v22;
	v12 =	vld [tilespmem:$0x12F00]  }
0x572: {  	v29 =	vld [tilespmem:$0x12F10];
	[tilespmem:$0x12E40] =	vst v2;
	v8 =	vmul.f32 v61, v58;
	v0 =	vadd.f32 v24, v18;
	v27 =	vadd.f32 v3, v19  }
0x573: {  	v31 =	vld [tilespmem:$0x12F20];
	[tilespmem:$0x12E50] =	vst v55;
	v45 =	vmul.f32 v37, v22;
	v26 =	vsub.f32 v14, v15;
	v5 =	vmul.f32 v5, v35  }
0x574: {  	[tilespmem:$0x12E60] =	vst v1;
	v14 =	vld [tilespmem:$0x12F30];
	v4 =	vmul.f32 v25, v63;
	v33 =	vsub.f32 v13, v15;
	v13 =	vbroadcast v20, $0xF  }
0x575: {  	v28 =	vadd.f32 v8, v36;
	[tilespmem:$0x12E70] =	vst v6;
	v50 =	vmul.f32 v45, v35;
	v32 =	vadd.f32 v5, v60  }
0x576: {  	[tilespmem:$0x12EA0] =	vst v0;
	v30 =	vmul.f32 v26, v22;
	v4 =	vadd.f32 v4, v19;
	v40 =	vsub.f32 v12, v13  }
0x577: {  	[tilespmem:$0x12E80] =	vst v27;
	v1 =	vadd.f32 v50, v60;
	v38 =	vmul.f32 v33, v22;
	v46 =	vsub.f32 v29, v13  }
0x578: {  	[tilespmem:$0x12E90] =	vst v28;
	v34 =	vmul.f32 v30, v58;
	v49 =	vsub.f32 v31, v13;
	v48 =	vmul.f32 v40, v39  }
0x579: {  	[tilespmem:$0x12EB0] =	vst v32;
	v53 =	vsub.f32 v14, v13;
	v47 =	vmul.f32 v38, v59;
	v52 =	vmul.f32 v46, v39  }
0x57a: {  	[tilespmem:$0x12EC0] =	vst v4;
	v42 =	vadd.f32 v34, v36;
	v54 =	vmul.f32 v49, v39;
	v2 =	vmul.f32 v48, v63  }
0x57b: {  	[tilespmem:$0x12EF0] =	vst v1;
	v5 =	vmul.f32 v53, v39;
	v0 =	vadd.f32 v47, v18;
	v55 =	vmul.f32 v52, v58  }
0x57c: {  	s18 =	sadd.s32 $0x1, s18;
	[tilespmem:$0x12ED0] =	vst v42;
	v57 =	vmul.f32 v54, v59;
	v56 =	vadd.f32 v2, v19  }
0x57d: {  	s9 =	smul.u32 $0x6400, s20;
	p0 =	sne.s32 s18, $0x20;
	v59 =	vmul.f32 v5, v35;
	[tilespmem:$0x12EE0] =	vst v0;
	v58 =	vadd.f32 v55, v36  }
.Ltmp6:
0x57e: {  	v61 =	vadd.f32 v57, v18;
	[tilespmem:$0x12F00] =	vst v56;
	(pc) =	sbr.rel @p0 .LBB2_2-.Ltmp6, $4  }
0x57f: {  	s9 =	sshrl.u32 s9, $0x3;
	v13 =	vmov v63;
	v63 =	vadd.f32 v59, v60;
	[tilespmem:$0x12F10] =	vst v58  }
0x580: {  	s9 =	sadd.s32 s4, s9;
	[tilespmem:$0x12F20] =	vst v61  }
0x581: {  	s9 =	sadd.s32 $0xC80, s9;
	[tilespmem:$0x12F30] =	vst v63  }
0x582: {  	[hbm4b:s9+s5] =	stream.linear.scatter [tilespmem:s3], [sflag:$0x3], $0x6400, $0x38;
	[tilespmem:$0x196E0] =	vst v63  }
0x583: {  	_ =	swait.ge [sflag:s13], $0x6400  }
0x584: {  	[sflag:s13] =	ssyncset.done $0x0  }
0x585: {  	s10 =	simm.s32 $0x3;
	[sflag:s13] =	ssyncadd.s32 $0xFFFF9C00  }
0x586: {  	_ =	swait.ge [sflag:s10], $0x6400  }
0x587: {  	s11 =	rddreg [dreg:$0x9]  }
0x588: {  	s9 =	rddreg [dreg:$0x8];
	s11 =	sadd.s32 $0x1, s11  }
0x589: {  	p0 =	sne.s32 s11, s9  }
.Ltmp7:
0x58a: {  	_ = 	snop;
	(pc) =	sbr.rel @p0 .LBB2_1-.Ltmp7, $3  }
0x58b: {  	_ =	sdelay $0x1  }
0x58c: {  	[sflag:s10] =	ssyncset.done $0x0  }
0x58d: {  	[sflag:s10] =	ssyncadd.s32 $0xFFFF9C00  }
0x58e: {  	_ =	sfence.sel $0x180000  }
0x58f: {  	[bflag:$0x0] =	sbarrier.arrive $0xFFFF  }
0x590: {  	_ =	strace $0x90000047  }
0x591: {  	s0 =	stileid.u32;
	[bflag:$0x2] =	sbarrier.arrive $0xFFFF  }
0x592: {  	p0 =	sne.s32 s0, $0x0;
	s0 =	rddreg [dreg:$0x4]  }
0x593: {  	s0 =	sadd.s32 @!p0 $0x100000, s0  }
0x594: {  	[sflag:s0] =	ssyncadd.tile.s32 @!p0 $0x1;
	_ =	shalt  }
.Lfunc_end2:
_tile_overlayer_lowered:
.L_overlay_start_2:
0x595: {  	(tag) =	ssettag $0x2  }
0x596: {  	s0 =	rddreg [dreg:$0x0];
	s2 =	stileid.u32  }
0x597: {  	s1 =	rddreg [dreg:$0x1];
	p0 =	sne.s32 s2, $0x0  }
0x598: {  	s3 =	rddreg [dreg:$0x2];
	[bflag:$0x3] =	sbarrier.arrive $0xFFFF;
	s2 =	simm.s32 @!p0 $0x1C06  }
0x599: {  	[timem:s3], [sflag:s2] =	dma.local @!p0 [hbm:s0], s1  }
0x59a: {  	s0 =	simm.s32 @!p0 $0x6  }
0x59b: {  	_ =	swait.ge @!p0 [sflag:s0], s1  }
0x59c: {  	s1 =	ssub.s32 @!p0 $0x0, s1;
	[sflag:s0] =	ssyncset.done @!p0 $0x0  }
0x59d: {  	[sflag:s0] =	ssyncadd.s32 @!p0 s1  }
0x59e: {  	[bflag:$0x3] =	sbarrier.arrive $0xFFFF  }
0x59f: {  	_ =	shalt  }

// kernel: sparse-core-data-format-call.cloned.1.call-start
scs
called_computation_lowered:
.L_overlay_start_0:
0x0: {  	s2 =	sld [smem:$0x3FD9]  }
0x1: {  	s3 =	sld [smem:$0x3FFE];
	_ =	sdelay $0x1  }
0x2: {  	s1 =	srdreg.scid  }
0x3: {  	s0 =	sand.u32 $0x1, s1  }
0x4: {  	s18 =	sshll.u32 s0, $0xA;
	s2 =	sadd.s32 s3, s2  }
0x5: {  	s2 =	sadd.s32 s2, s18  }
0x6: {  	[smem:$0x3FC3] =	sst s2  }
0x7: {  	_ = 	snop  }
0x8: {  	s2 =	sld [smem:$0x3FD0];
	(tm) =	ssettm $0x1  }
0x9: {  	s19 =	sld [smem:$0x3FFB];
	_ =	sdelay $0x3  }
0xa: {  	_ =	strace s19  }
0xb: {  	s3 =	sld [smem:$0x3FFC];
	_ =	sdelay $0x3  }
0xc: {  	_ =	strace s3  }
0xd: {  	s3 =	sld [smem:$0x3FFD];
	_ =	sdelay $0x3  }
0xe: {  	_ =	strace s3  }
0xf: {  	_ =	strace $0x8FFFFFFF  }
0x10: {  	s20 =	sld [smem:$0x3FDB];
	_ =	sdelay $0x1  }
0x11: {  	s4 =	simm.s32 $_scs_section_size  }
0x12: {  	s5 =	simm.s32 $_size__tile_overlayer_lowered;
	s6 =	simm.s32 $_tile_overlayer_lowered  }
0x13: {  	s23 =	simm.s32 $0x1BFF;
	s22 =	sshll.u32 s6, $0x1;
	s3 =	sadd.s32 s4, s20  }
0x14: {  	s7 =	simm.s32 $0x0;
	s21 =	sshll.u32 s5, $0x1;
	s5 =	sadd.s32 s22, s3  }
0x15: {  	[timem:s7], [sflag:s23] =	dma.local [hbm:s5], s21  }
0x16: {  	_ =	swait.ge [sflag:s23], s21  }
0x17: {  	s4 =	ssub.s32 $0x0, s21;
	[sflag:s23] =	ssyncset.done $0x0  }
0x18: {  	[sflag:s23] =	ssyncadd.s32 s4;
	_ =	sdelay $0x1  }
0x19: {  	s24 =	simm.s32 $0x1B8B  }
0x1a: {  	_ =	swait.ge [sflag:s24], $0x1  }
0x1b: {  	[sflag:s24] =	ssyncset.done $0x0  }
0x1c: {  	s26 =	simm.s32 $0x1B8E;
	s25 =	sld [smem:$0x3FFE];
	[sflag:s24] =	ssyncadd.s32 $0xFFFFFFFF  }
0x1d: {  	s27 =	simm.s32 $execute0_lowered;
	[smem:$0x3FD2] =	sst s26  }
0x1e: {  	s5 =	sshll.u32 s27, $0x1;
	_ =	strace $0x80000049;
	[dreg:$0x1] =	wrdreg $0xFFFFFFFF  }
0x1f: {  	s28 =	simm.s32 $_size_execute0_lowered;
	s3 =	sadd.s32 s3, s5;
	[dreg:$0x0] =	wrdreg $0x0  }
0x20: {  	s5 =	sshll.u32 s28, $0x1;
	[dreg:$0x2] =	wrdreg s3  }
0x21: {  	[dreg:$0x3] =	wrdreg s5  }
0x22: {  	[dreg:$0x4] =	wrdreg $0xC0  }
0x23: {  	_ =	task [dreg:s7], $0x5FFFF  }
0x24: {  	[dreg:$0x1] =	wrdreg $0xFFFFFFFF  }
0x25: {  	[dreg:$0x0] =	wrdreg $0x60  }
0x26: {  	[dreg:$0x2] =	wrdreg s25  }
0x27: {  	[dreg:$0x3] =	wrdreg s2  }
0x28: {  	[dreg:$0x4] =	wrdreg $0x9  }
0x29: {  	_ =	task.clear_ibuf [dreg:s7], $0x5FFFF;
	_ =	strace $0x90000049  }
0x2a: {  	s29 =	simm.s32 $0x9;
	_ =	strace $0x8000004B  }
0x2b: {  	_ =	swait.ge [sflag:s29], $0x1  }
0x2c: {  	[sflag:s29] =	ssyncadd.s32 $0xFFFFFFFF  }
0x2d: {  	_ =	strace $0x9000004B  }
0x2e: {  	_ =	sfence  }
0x2f: {  	s30 =	sld [smem:$0x0];
	_ =	sdelay $0x2  }
0x30: {  	s31 =	sshll.u32 s1, $0xD;
	s1 =	sshrl.u32 s1, $0x2  }
0x31: {  	s3 =	sand.u32 $0x4000, s31;
	s1 =	sadd.s32 s1, s30  }
0x32: {  	s0 =	sor.u32 s3, s0;
	s1 =	sshll.u32 s1, $0x11  }
0x33: {  	s0 =	sor.u32 s1, s0  }
0x34: {  	s0 =	sadd.s32 $0x8F2B, s0  }
0x35: {  	[sflag:s0] =	ssyncadd.remote.s32 $0x1  }
0x36: {  	_ =	sfence.sel $0xFFFF  }
0x37: {  	[dreg:$0x0] =	wrdreg $0xFFFFFFFF;
	(pc) =	sbr.abs _section_cstart, $3  }
0x38: {  	[dreg:$0x1] =	wrdreg $0xFFFFFFFF  }
0x39: {  	_ =	task.clear_ibuf [dreg:s7], $0x2FFFF;
	_ =	strace $0x9FFFFFFF  }
0x3a: {  	(tm) =	ssettm $0x7FFFFFFF  }
0x3b: {  	_ =	shalt  }
tec
execute0_lowered:
.L_overlay_start_1:
0x0: {  	(tag) =	ssettag $0x1  }
0x1: {  	s0 =	srdreg.scid  }
0x2: {  	s1 =	sshll.u32 s0, $0x4  }
0x3: {  	s0 =	stileid.u32;
	s1 =	sand.u32 $0x10, s1  }
0x4: {  	s1 =	sor.u32 s0, s1  }
0x5: {  	s6 =	rddreg [dreg:$0x0];
	s4 =	simm.s32 $0x1;
	s2 =	sshll.u32 s1, $0x7  }
0x6: {  	s7 =	simm.s32 $0x2;
	s12 =	simm.s32 $0x0;
	s1 =	ssub.s32 $0x1000, s2  }
0x7: {  	s8 =	simm.s32 $0x8000;
	s13 =	simm.s32 $0x0;
	s3 =	sand.u32 $0xF80, s1  }
0x8: {  	s9 =	simm.s32 $0x0;
	s5 =	sshrl.u32 s1, $0xC;
	p0 =	sne.s32 s3, $0x0  }
.Ltmp0:
0x9: {  	s1 =	rddreg [dreg:$0x2];
	s4 =	simm.s32 @!p0 $0x0;
	(pc) =	sbr.rel .LBB1_1-.Ltmp0, $4  }
0xa: {  	s11 =	simm.s32 $0x0;
	s3 =	rddreg [dreg:$0x1];
	s5 =	sadd.s32 s4, s5  }
0xb: {  	_ =	strace $0x8000004A;
	s4 =	simm.s32 $0x1;
	s5 =	smul.u32 $0xC8, s5  }
0xc: {  	s6 =	sadd.s32 $0xA00, s6;
	s10 =	smov.u32 s2;
	[sflag:s4] =	ssyncpa.u1 $0x0  }
0xd: {  	p0 =	por $0x0, $0x0;
	[sflag:s7] =	ssyncpa.u1 $0x0;
	s7 =	sor.u32 $0x1, s5  }
.LBB1_4:
0xe: {  	s16 =	sshll.u32 s13, $0x3;
	s17 =	sand.u32 $0x78, s13  }
0xf: {  	s30 =	sand.u32 $0x7E00, s13;
	s12 =	sshll.u32 s12, $0xF;
	s16 =	sand.u32 $0xC00, s16  }
0x10: {  	[tilespmem:s15+$0x810 ss:$0x81] =	vst.msk $0xffff, v2;
	s31 =	sand.u32 $0x7, s13;
	s16 =	sor.u32 s17, s16;
	s17 =	sadd.s32 s3, s30  }
0x11: {  	[tilespmem:s15+$0x1020 ss:$0x81] =	vst.msk $0xffff, v0;
	s13 =	sshll.u32 s31, $0x12;
	s12 =	sadd.s32 s12, s17;
	s16 =	sshrl.u32 s16, $0x3  }
0x12: {  	[tilespmem:s15+$0x0 ss:$0x81] =	vst.msk $0xffff, v1;
	s13 =	sor.u32 $0x400, s13;
	s12 =	sadd.s32 s16, s12  }
0x13: {  	[hbm4b:s12+s13] =	stream.strided.scatter [tilespmem:s14], [sflag:$0x2], $0x2000, s8, s13, $0x20;
	[tilespmem:$0x8080] =	vst v63  }
.LBB1_5:
0x14: {  	s14 =	sadd.s32 $0x1, s9  }
0x15: {  	s12 =	sadd.s32 $0x1000, s10;
	s16 =	smov.u32 s10;
	p2 =	sgt.s32 s14, $0xC7  }
0x16: {  	s16 =	smov.u32 @p2 s12  }
0x17: {  	s14 =	simm.s32 @p2 $0x0;
	p2 =	sgt.s32 s16, $0xFFF  }
0x18: {  	s16 =	smov.u32 @p2 s2;
	p2 =	sne.s32 s11, s7  }
.Ltmp1:
0x19: {  	p1 =	slt.u32 s11, $0x2;
	(pc) =	sbr.rel @!p2 .LBB1_6-.Ltmp1, $4  }
0x1a: {  	s15 =	simm.s32 @!p1 $0x2  }
0x1b: {  	s13 =	smov.u32 s10;
	p0 =	por !p0, !p0;
	_ =	swait.ge @!p1 [sflag:s15], $0x2000  }
0x1c: {  	s12 =	smov.u32 s9;
	[sflag:s15] =	ssyncset.done @!p1 $0x0;
	s9 =	smov.u32 s14  }
0x1d: {  	s11 =	sadd.s32 $0x1, s11;
	[sflag:s15] =	ssyncadd.s32 @!p1 $0xFFFFE000;
	s10 =	smov.u32 s16  }
.LBB1_1:
0x1e: {  	p1 =	sge.u32 s11, s5  }
0x1f: {  	s14 =	sand.u32 @!p1 $0x1FFFFFF, s9  }
0x20: {  	s15 =	smulhi.u32 @!p1 $0x147AE15, s14;
	_ =	sdelay $0x1  }
0x21: {  	s15 =	smul.u32 @!p1 $0xC8, s15  }
0x22: {  	s16 =	sxor.u32 @!p1 $0xFFFFFFFF, s11;
	s17 =	smul.u32 @!p1 $0xC80, s10  }
0x23: {  	s31 =	sadd.s32 $0xFFFFFFFF, s11;
	s16 =	sshll.u32 @!p1 s16, $0xD;
	s14 =	ssub.s32 @!p1 s14, s15  }
0x24: {  	s15 =	sand.u32 @!p1 $0x2000, s16;
	s16 =	sadd.s32 @!p1 s6, s17;
	s14 =	sshll.u32 @!p1 s14, $0x4  }
0x25: {  	s17 =	simm.s32 @!p1 $0x6400;
	s14 =	sadd.s32 @!p1 s14, s16;
	s16 =	simm.s32 @!p1 $0x40  }
0x26: {  	[tilespmem:s15], [sflag:$0x1] =	stream.strided.gather @!p1 [hbm4b:s14+s16], $0x2000, s17, s16, $0x38;
	[tilespmem:$0x8080] =	vst v63  }
0x27: {  	p1 =	sge.u32 s31, s5  }
.Ltmp2:
0x28: {  	_ = 	snop;
	(pc) =	sbr.rel @p1 .LBB1_5-.Ltmp2, $1  }
0x29: {  	_ =	sdelay $0x3  }
0x2a: {  	s14 =	simm.s32 $0x1  }
0x2b: {  	_ =	swait.ge [sflag:s4], $0x2000;
	s14 =	simm.s32 @!p0 $0x0  }
0x2c: {  	[sflag:s4] =	ssyncset.done $0x0;
	s15 =	sshll.u32 s14, $0xD  }
0x2d: {  	[sflag:s4] =	ssyncadd.s32 $0xFFFFE000;
	s18 =	sor.u32 $0x20, s15  }
0x2e: {  	s14 =	smul.u32 $0x8100, s14;
	v3 =	vld [tilespmem:s18+$0x10]  }
0x2f: {  	s30 =	sand.u32 $0x1, s11;
	v2 =	vld [tilespmem:s18+$0xFFFFFFF0]  }
0x30: {  	s15 =	smul.u32 $0x8100, s30;
	s14 =	sshrl.u32 s14, $0x2;
	v0 =	vld [tilespmem:s18+$0x0]  }
0x31: {  	v1 =	vld [tilespmem:s18+$0xFFFFFFE0];
	s16 =	sor.u32 $0x4000, s14  }
0x32: {  	s31 =	sshrl.u32 s15, $0x2;
	s15 =	sadd.s32 $0x0, s16  }
0x33: {  	s17 =	simm.s32 $0x4;
	s18 =	sadd.s32 $0x40, s18;
	s14 =	sor.u32 $0x4000, s31;
	[tilespmem:s15+$0x1830 ss:$0x81] =	vst.msk $0xffff, v3  }
.LBB1_3:
0x34: {  	v3 =	vld [tilespmem:s18+$0x10];
	p1 =	sne.s32 s17, $0x1FC;
	[tilespmem:s15+$0x810 ss:$0x81] =	vst.msk $0xffff, v2;
	s19 =	smov.u32 s17;
	s17 =	sadd.s32 $0x4, s17  }
.Ltmp3:
0x35: {  	v2 =	vld [tilespmem:s18+$0xFFFFFFF0];
	[tilespmem:s15+$0x1020 ss:$0x81] =	vst.msk $0xffff, v0;
	(pc) =	sbr.rel @p1 .LBB1_3-.Ltmp3, $4  }
0x36: {  	v0 =	vld [tilespmem:s18+$0x0];
	[tilespmem:s15+$0x0 ss:$0x81] =	vst.msk $0xffff, v1  }
0x37: {  	s15 =	sshra.s32 s19, $0x2;
	v1 =	vld [tilespmem:s18+$0xFFFFFFE0]  }
0x38: {  	s15 =	sadd.s32 s15, s16  }
0x39: {  	s18 =	sadd.s32 $0x40, s18;
	[tilespmem:s15+$0x1830 ss:$0x81] =	vst.msk $0xffff, v3  }
.Ltmp4:
0x3a: {  	_ = 	snop;
	(pc) =	sbr.rel .LBB1_4-.Ltmp4, $1  }
0x3b: {  	_ =	sdelay $0x3  }
.LBB1_6:
0x3c: {  	_ =	sfence.sel $0x180000  }
0x3d: {  	s2 =	simm.s32 $0x1;
	[bflag:$0x0] =	sbarrier.arrive $0xFFFF  }
0x3e: {  	s31 =	simm.s32 $0x2;
	[sflag:s2] =	ssyncpa.u1 $0x1  }
0x3f: {  	[sflag:s31] =	ssyncpa.u1 $0x1  }
0x40: {  	p0 =	sne.s32 s0, $0x0;
	_ =	strace $0x9000004A  }
0x41: {  	s0 =	sadd.s32 @!p0 $0x100000, s1;
	[bflag:$0x2] =	sbarrier.arrive $0xFFFF  }
0x42: {  	[sflag:s0] =	ssyncadd.tile.s32 @!p0 $0x1;
	_ =	shalt  }
.Lfunc_end1:
_tile_overlayer_lowered:
.L_overlay_start_2:
0x43: {  	(tag) =	ssettag $0x2  }
0x44: {  	s0 =	rddreg [dreg:$0x0];
	s2 =	stileid.u32  }
0x45: {  	s1 =	rddreg [dreg:$0x1];
	p0 =	sne.s32 s2, $0x0  }
0x46: {  	s3 =	rddreg [dreg:$0x2];
	[bflag:$0x3] =	sbarrier.arrive $0xFFFF;
	s2 =	simm.s32 @!p0 $0x1C01  }
0x47: {  	[timem:s3], [sflag:s2] =	dma.local @!p0 [hbm:s0], s1  }
0x48: {  	s0 =	simm.s32 @!p0 $0x1  }
0x49: {  	_ =	swait.ge @!p0 [sflag:s0], s1  }
0x4a: {  	s1 =	ssub.s32 @!p0 $0x0, s1;
	[sflag:s0] =	ssyncset.done @!p0 $0x0  }
0x4b: {  	[sflag:s0] =	ssyncadd.s32 @!p0 s1  }
0x4c: {  	[bflag:$0x3] =	sbarrier.arrive $0xFFFF  }
0x4d: {  	_ =	shalt  }

</sc_bundles>
